<compile_context>
chip_gen: v7x
topology: tpu7x:2x2x1
jax: 0.10.2.dev20260603
libtpu: 0.0.44.dev20260713+nightly
codegen_flags: <defaults>
</compile_context>

<pallas_src>
import jax
import jax.numpy as jnp
from jax import lax
from jax.experimental import pallas as pl
from jax.experimental.pallas import tpu as pltpu
from jax.experimental.pallas import tpu_sc as plsc

N = 10000
D = 128
E = 320000
ET = E + N
NC, NS, L = 2, 16, 16
NW = NC * NS
CH = 128
KCH = -(-ET // (NW * CH))
EPW = KCH * CH
ETP = NW * EPW
NPAD = 10112
RPT = NPAD // NS
NEG = -1e30

f32 = jnp.float32
i32 = jnp.int32



def _tc1_body(x_ref, w_ref, asw_ref, adw_ref, h_ref, as_ref, ad_ref, m_ref):
    h = jnp.dot(x_ref[...], w_ref[...], preferred_element_type=f32)
    h_ref[:N, :] = h
    h_ref[N:, :] = jnp.zeros((NPAD - N, D), f32)
    s = jnp.sum(h * asw_ref[...][None, :], axis=1)
    d = jnp.sum(h * adw_ref[...][None, :], axis=1)
    as_ref[:N] = s
    as_ref[N:] = jnp.full((NPAD - N,), NEG, f32)
    ad_ref[:N] = d
    ad_ref[N:] = jnp.full((NPAD - N,), NEG, f32)
    m = jnp.max(s) + jnp.max(d)
    m = jnp.maximum(m, 0.2 * m)
    m_ref[...] = jnp.full((L,), m, f32)


def _tc2_body(acc_ref, accd_ref, b1_ref, w2_ref, asw_ref, adw_ref,
              h2_ref, as_ref, ad_ref, m_ref):
    den = jnp.sum(accd_ref[:, :N], axis=0) + 1e-16
    num = acc_ref[0, :N, :] + acc_ref[1, :N, :]
    out1 = num / den[:, None] + b1_ref[...][None, :]
    out1 = jnp.maximum(out1, 0.0)
    h2 = jnp.dot(out1, w2_ref[...], preferred_element_type=f32)
    h2_ref[...] = h2
    s = jnp.sum(h2 * asw_ref[...][None, :], axis=1)
    d = jnp.sum(h2 * adw_ref[...][None, :], axis=1)
    as_ref[:N] = s
    as_ref[N:] = jnp.full((NPAD - N,), NEG, f32)
    ad_ref[:N] = d
    ad_ref[N:] = jnp.full((NPAD - N,), NEG, f32)
    m = jnp.max(s) + jnp.max(d)
    m = jnp.maximum(m, 0.2 * m)
    m_ref[...] = jnp.full((L,), m, f32)


def _tc3_body(accd_ref, inv_ref):
    den = jnp.sum(accd_ref[...], axis=0) + 1e-16
    inv_ref[...] = 1.0 / den


def _tc4_body(accw_ref, h2_ref, b2_ref, out_ref):
    w = jnp.sum(accw_ref[:, :N], axis=0)
    out = jnp.dot(w[None, :], h2_ref[...], preferred_element_type=f32)
    out_ref[...] = out[0] * (1.0 / N) + b2_ref[...]



def _mesh():
    return plsc.VectorSubcoreMesh(core_axis_name="c", subcore_axis_name="s",
                                  num_cores=NC, num_subcores=NS)


_CPARAMS = pltpu.CompilerParams(needs_layout_passes=False)


def _zero_vmem_2d(buf, nrows, ncols):
    z16 = jnp.zeros((L,), f32)

    @pl.loop(0, nrows)
    def _r(r):
        @pl.loop(0, ncols // L)
        def _c(g):
            buf[r, pl.ds(g * L, L)] = z16


def _zero_vmem_1d(buf, n):
    z16 = jnp.zeros((L,), f32)

    @pl.loop(0, n // L)
    def _i(i):
        buf[pl.ds(i * L, L)] = z16



def _scp_body(as_hbm, ad_hbm, m_hbm, src_hbm, dst_hbm,
              p_out, den_out,
              srcv, dstv, asv, adv, mv, pch, den):
    c = lax.axis_index("c")
    s = lax.axis_index("s")
    w = s * NC + c

    pltpu.sync_copy(src_hbm.at[w], srcv)
    pltpu.sync_copy(dst_hbm.at[w], dstv)
    pltpu.sync_copy(as_hbm, asv)
    pltpu.sync_copy(ad_hbm, adv)
    pltpu.sync_copy(m_hbm, mv)

    _zero_vmem_1d(den, NPAD)

    mvec = mv[...]
    lane = lax.iota(i32, L)
    masks = [lane == jnp.full((L,), l, i32) for l in range(L)]

    @pl.loop(0, KCH)
    def _chunk(j):
        @pl.loop(0, CH // L)
        def _grp(g):
            si = srcv[j, pl.ds(g * L, L)]
            di = dstv[j, pl.ds(g * L, L)]
            t = plsc.load_gather(asv, [si]) + plsc.load_gather(adv, [di])
            e = jnp.maximum(t, 0.2 * t)
            p = jnp.exp(e - mvec)
            pch[j, pl.ds(g * L, L)] = p
            for l in range(L):
                plsc.addupdate_scatter(den, [di], p, mask=masks[l])

    pltpu.sync_copy(pch, p_out.at[w])
    pltpu.sync_copy(den, den_out.at[w])



def _sch_body(h_hbm, p_hbm, src_hbm, dst_hbm,
              acc_out,
              srcv, dstv, pv, rows, acc, sem):
    c = lax.axis_index("c")
    s = lax.axis_index("s")
    w = s * NC + c
    base = s * RPT

    _zero_vmem_2d(rows, CH, D)
    nfull = RPT // CH

    @pl.loop(0, nfull)
    def _b(b):
        pltpu.sync_copy(rows, acc.at[pl.ds(base + b * CH, CH)])

    tail = RPT - nfull * CH
    if tail:
        pltpu.sync_copy(rows.at[pl.ds(0, tail)],
                        acc.at[pl.ds(base + nfull * CH, tail)])
    pl.delay(3000)
    plsc.subcore_barrier()

    pltpu.sync_copy(src_hbm.at[w], srcv)
    pltpu.sync_copy(dst_hbm.at[w], dstv)
    pltpu.sync_copy(p_hbm.at[w], pv)

    @pl.loop(0, KCH)
    def _chunk(j):
        pltpu.async_copy(h_hbm.at[srcv.at[j]], rows, sem).wait()

        @pl.loop(0, CH // L)
        def _grp(g):
            p = pv[j, pl.ds(g * L, L)]
            for r16 in range(L):
                ps = p[r16]
                r = g * L + r16
                for cg in range(D // L):
                    sl = pl.ds(cg * L, L)
                    rows[r, sl] = rows[r, sl] * ps

        pltpu.sync_copy(rows, acc.at[dstv.at[j]], add=True)

    plsc.subcore_barrier()
    pl.delay(3000)

    @pl.loop(0, nfull)
    def _d(b):
        sl = pl.ds(base + b * CH, CH)
        pltpu.sync_copy(acc.at[sl], rows)
        pltpu.sync_copy(rows, acc_out.at[c].at[sl])

    if tail:
        sl = pl.ds(base + nfull * CH, tail)
        pltpu.sync_copy(acc.at[sl], rows.at[pl.ds(0, tail)])
        pltpu.sync_copy(rows.at[pl.ds(0, tail)], acc_out.at[c].at[sl])



def _scw_body(p_hbm, inv_hbm, src_hbm, dst_hbm,
              w_out,
              srcv, dstv, invv, pch, wacc):
    c = lax.axis_index("c")
    s = lax.axis_index("s")
    w = s * NC + c

    pltpu.sync_copy(src_hbm.at[w], srcv)
    pltpu.sync_copy(dst_hbm.at[w], dstv)
    pltpu.sync_copy(inv_hbm, invv)
    pltpu.sync_copy(p_hbm.at[w], pch)

    _zero_vmem_1d(wacc, NPAD)

    lane = lax.iota(i32, L)
    masks = [lane == jnp.full((L,), l, i32) for l in range(L)]

    @pl.loop(0, KCH)
    def _chunk(j):
        @pl.loop(0, CH // L)
        def _grp(g):
            si = srcv[j, pl.ds(g * L, L)]
            di = dstv[j, pl.ds(g * L, L)]
            alpha = pch[j, pl.ds(g * L, L)] * plsc.load_gather(invv, [di])
            for l in range(L):
                plsc.addupdate_scatter(wacc, [si], alpha, mask=masks[l])

    pltpu.sync_copy(wacc, w_out.at[w])



def _sd(shape, dtype=f32):
    return jax.ShapeDtypeStruct(shape, dtype)


def _make_scp():
    return pl.kernel(
        _scp_body,
        out_type=[_sd((NW, KCH, CH)), _sd((NW, NPAD))],
        mesh=_mesh(),
        compiler_params=_CPARAMS,
        scratch_types=[
            pltpu.VMEM((KCH, CH), i32),
            pltpu.VMEM((KCH, CH), i32),
            pltpu.VMEM((NPAD,), f32),
            pltpu.VMEM((NPAD,), f32),
            pltpu.VMEM((L,), f32),
            pltpu.VMEM((KCH, CH), f32),
            pltpu.VMEM((NPAD,), f32),
        ],
    )


def kernel(x, edge_index, W1, att_src1, att_dst1, bias1,
           W2, att_src2, att_dst2, bias2):
    loop_idx = jnp.arange(N, dtype=i32)
    pad_idx = N + (jnp.arange(ETP - ET, dtype=i32) % L)
    src = jnp.concatenate([edge_index[0].astype(i32), loop_idx, pad_idx])
    dst = jnp.concatenate([edge_index[1].astype(i32), loop_idx, pad_idx])
    src = src.reshape(NW, KCH, CH)
    dst = dst.reshape(NW, KCH, CH)

    h1e, as1e, ad1e, m1 = pl.pallas_call(
        _tc1_body,
        out_shape=[_sd((NPAD, D)), _sd((NPAD,)), _sd((NPAD,)), _sd((L,))],
    )(x, W1, att_src1, att_dst1)

    p1, den1 = _make_scp()(as1e, ad1e, m1, src, dst)

    sch = pl.kernel(
        _sch_body,
        out_type=_sd((NC, NPAD, D)),
        mesh=_mesh(),
        compiler_params=_CPARAMS,
        scratch_types=[
            pltpu.VMEM((KCH, CH), i32),
            pltpu.VMEM((KCH, CH), i32),
            pltpu.VMEM((KCH, CH), f32),
            pltpu.VMEM((CH, D), f32),
            pltpu.VMEM_SHARED((NPAD, D), f32),
            pltpu.SemaphoreType.DMA,
        ],
    )
    acc1 = sch(h1e, p1, src, dst)

    h2, as2e, ad2e, m2 = pl.pallas_call(
        _tc2_body,
        out_shape=[_sd((N, D)), _sd((NPAD,)), _sd((NPAD,)), _sd((L,))],
    )(acc1, den1, bias1, W2, att_src2, att_dst2)

    p2, den2 = _make_scp()(as2e, ad2e, m2, src, dst)

    inv2 = pl.pallas_call(_tc3_body, out_shape=_sd((NPAD,)))(den2)

    scw = pl.kernel(
        _scw_body,
        out_type=_sd((NW, NPAD)),
        mesh=_mesh(),
        compiler_params=_CPARAMS,
        scratch_types=[
            pltpu.VMEM((KCH, CH), i32),
            pltpu.VMEM((KCH, CH), i32),
            pltpu.VMEM((NPAD,), f32),
            pltpu.VMEM((KCH, CH), f32),
            pltpu.VMEM((NPAD,), f32),
        ],
    )
    accw = scw(p2, inv2, src, dst)

    out = pl.pallas_call(_tc4_body, out_shape=_sd((D,)))(accw, h2, bias2)
    return out

# --- scband reference (transcript-rebuilt; emitter-appended) ---
"""Pipeline reference for scband-persona-gnn-29832842838181 (READ-ONLY COPY).

The authoritative reference and input builder live on the scoring server;
editing this copy changes nothing except your own understanding.
"""

import jax, jax.numpy as jnp
import numpy as np


def gat_conv(x, src, dst, W, att_src, att_dst, bias, num_nodes):
    # PyG-style single-head GATConv with self-loops already appended to (src, dst)
    h = x @ W  # [N, out_dim]
    alpha_src = (h * att_src).sum(axis=-1)  # [N]
    alpha_dst = (h * att_dst).sum(axis=-1)  # [N]
    e = alpha_src[src] + alpha_dst[dst]     # [E]
    e = jax.nn.leaky_relu(e, negative_slope=0.2)
    # softmax over incoming edges of each dst node
    e_max = jax.ops.segment_max(e, dst, num_segments=num_nodes)
    e_max = jax.lax.stop_gradient(e_max)
    e_exp = jnp.exp(e - e_max[dst])
    denom = jax.ops.segment_sum(e_exp, dst, num_segments=num_nodes)
    alpha = e_exp / (denom[dst] + 1e-16)
    msg = h[src] * alpha[:, None]
    out = jax.ops.segment_sum(msg, dst, num_segments=num_nodes)
    return out + bias


def setup_inputs(seed: int = 0) -> dict:
    key = jax.random.key(seed)
    ks = jax.random.split(key, 10)
    N, E = 10000, 320000
    in_dim, hid_dim, out_dim = 128, 128, 128
    x = jax.random.normal(ks[0], (N, in_dim), dtype=jnp.float32)
    edge_index = jax.random.randint(ks[1], (2, E), 0, N, dtype=jnp.int64)
    s1 = 1.0 / np.sqrt(in_dim)
    s2 = 1.0 / np.sqrt(hid_dim)
    return {
        "x": x,
        "edge_index": edge_index,
        "W1": jax.random.normal(ks[2], (in_dim, hid_dim), dtype=jnp.float32) * s1,
        "att_src1": jax.random.normal(ks[3], (hid_dim,), dtype=jnp.float32) * s2,
        "att_dst1": jax.random.normal(ks[4], (hid_dim,), dtype=jnp.float32) * s2,
        "bias1": jnp.zeros((hid_dim,), dtype=jnp.float32),
        "W2": jax.random.normal(ks[5], (hid_dim, out_dim), dtype=jnp.float32) * s2,
        "att_src2": jax.random.normal(ks[6], (out_dim,), dtype=jnp.float32) * (1.0 / np.sqrt(out_dim)),
        "att_dst2": jax.random.normal(ks[7], (out_dim,), dtype=jnp.float32) * (1.0 / np.sqrt(out_dim)),
        "bias2": jnp.zeros((out_dim,), dtype=jnp.float32),
    }


def reference(x, edge_index, W1, att_src1, att_dst1, bias1, W2, att_src2, att_dst2, bias2):
    num_nodes = x.shape[0]
    loop = jnp.arange(num_nodes, dtype=edge_index.dtype)
    src = jnp.concatenate([edge_index[0], loop])
    dst = jnp.concatenate([edge_index[1], loop])
    h = gat_conv(x, src, dst, W1, att_src1, att_dst1, bias1, num_nodes)
    h = jax.nn.relu(h)
    h = gat_conv(h, src, dst, W2, att_src2, att_dst2, bias2, num_nodes)
    return h.mean(axis=0)

if __name__ == "__main__":
    import jax
    _d = setup_inputs()
    print(jax.jit(kernel)(*tuple(_d.values())))

</pallas_src>

<mosaic_0001>
#map = affine_map<(d0, d1) -> (0)>
#map1 = affine_map<(d0, d1) -> (0, 0, 0)>
#map2 = affine_map<(d0, d1) -> (0, 0)>
module attributes {stable_mosaic.version = 14 : i64} {
  func.func @_scp_body(%arg0: i32, %arg1: i32, %arg2: memref<10112xf32, #tpu.memory_space<hbm>>, %arg3: memref<10112xf32, #tpu.memory_space<hbm>>, %arg4: memref<16xf32, #tpu.memory_space<hbm>>, %arg5: memref<32x81x128xi32, #tpu.memory_space<hbm>>, %arg6: memref<32x81x128xi32, #tpu.memory_space<hbm>>, %arg7: memref<32x81x128xf32, #tpu.memory_space<hbm>>, %arg8: memref<32x10112xf32, #tpu.memory_space<hbm>>, %arg9: memref<81x128xi32, #tpu.memory_space<vmem>>, %arg10: memref<81x128xi32, #tpu.memory_space<vmem>>, %arg11: memref<10112xf32, #tpu.memory_space<vmem>>, %arg12: memref<10112xf32, #tpu.memory_space<vmem>>, %arg13: memref<16xf32, #tpu.memory_space<vmem>>, %arg14: memref<81x128xf32, #tpu.memory_space<vmem>>, %arg15: memref<10112xf32, #tpu.memory_space<vmem>>) attributes {dimension_semantics = [#tpu.dimension_semantics<core_parallel>, #tpu.dimension_semantics<subcore_parallel>], iteration_bounds = array<i64: 2, 16>, scalar_prefetch = 0 : i64, scratch_operands = 7 : i64, tpu.core_type = #tpu.core_type<sc_vector_subcore>, window_params = [{transform_indices = #map}, {transform_indices = #map}, {transform_indices = #map}, {transform_indices = #map1}, {transform_indices = #map1}, {transform_indices = #map1}, {transform_indices = #map2}]} {
    %mul3A = arith.constant 2 : i32
    %mul3A_0 = arith.muli %arg1, %mul3A : i32
    %add3A = arith.addi %mul3A_0, %arg0 : i32
    "tpu.region"() ({
      %run_scoped3A = tpu.sem_alloc : memref<!tpu.dma_semaphore, #tpu.memory_space<semaphore_mem>>
      %dma_start3A = arith.constant 0 : i32
      %dma_start3A_59 = arith.constant 0 : i32
      %dma_start3A_60 = tpu.memref_slice %arg5[%add3A, %dma_start3A, %dma_start3A_59] : memref<32x81x128xi32, #tpu.memory_space<hbm>> -> memref<1x81x128xi32, #tpu.memory_space<hbm>>
      %dma_start3A_61 = tpu.memref_squeeze %dma_start3A_60 : memref<1x81x128xi32, #tpu.memory_space<hbm>> -> memref<81x128xi32, #tpu.memory_space<hbm>>
      %dma_start3A_62 = arith.constant 0 : i32
      %dma_start3A_63 = arith.constant 0 : i32
      %dma_start3A_64 = tpu.memref_slice %arg5[%add3A, %dma_start3A_62, %dma_start3A_63] : memref<32x81x128xi32, #tpu.memory_space<hbm>> -> memref<1x81x128xi32, #tpu.memory_space<hbm>>
      %dma_start3A_65 = tpu.memref_squeeze %dma_start3A_64 : memref<1x81x128xi32, #tpu.memory_space<hbm>> -> memref<81x128xi32, #tpu.memory_space<hbm>>
      tpu.enqueue_dma source(%dma_start3A_65 : memref<81x128xi32, #tpu.memory_space<hbm>>) target(%arg9 : memref<81x128xi32, #tpu.memory_space<vmem>>) target_semaphore(%run_scoped3A : memref<!tpu.dma_semaphore, #tpu.memory_space<semaphore_mem>>)
      %dma_wait3A = arith.constant 0 : i32
      %dma_wait3A_66 = arith.constant 0 : i32
      %dma_wait3A_67 = tpu.memref_slice %arg5[%add3A, %dma_wait3A, %dma_wait3A_66] : memref<32x81x128xi32, #tpu.memory_space<hbm>> -> memref<1x81x128xi32, #tpu.memory_space<hbm>>
      %dma_wait3A_68 = tpu.memref_squeeze %dma_wait3A_67 : memref<1x81x128xi32, #tpu.memory_space<hbm>> -> memref<81x128xi32, #tpu.memory_space<hbm>>
      %dma_wait3A_69 = arith.constant 0 : i32
      %dma_wait3A_70 = arith.constant 0 : i32
      %dma_wait3A_71 = tpu.memref_slice %arg5[%add3A, %dma_wait3A_69, %dma_wait3A_70] : memref<32x81x128xi32, #tpu.memory_space<hbm>> -> memref<1x81x128xi32, #tpu.memory_space<hbm>>
      %dma_wait3A_72 = tpu.memref_squeeze %dma_wait3A_71 : memref<1x81x128xi32, #tpu.memory_space<hbm>> -> memref<81x128xi32, #tpu.memory_space<hbm>>
      tpu.wait_dma2 semaphore(%run_scoped3A : memref<!tpu.dma_semaphore, #tpu.memory_space<semaphore_mem>>) src(%dma_wait3A_72 : memref<81x128xi32, #tpu.memory_space<hbm>>) dst(%arg9 : memref<81x128xi32, #tpu.memory_space<vmem>>)
      tpu.yield
    }) : () -> ()
    "tpu.region"() ({
      %run_scoped3A = tpu.sem_alloc : memref<!tpu.dma_semaphore, #tpu.memory_space<semaphore_mem>>
      %dma_start3A = arith.constant 0 : i32
      %dma_start3A_59 = arith.constant 0 : i32
      %dma_start3A_60 = tpu.memref_slice %arg6[%add3A, %dma_start3A, %dma_start3A_59] : memref<32x81x128xi32, #tpu.memory_space<hbm>> -> memref<1x81x128xi32, #tpu.memory_space<hbm>>
      %dma_start3A_61 = tpu.memref_squeeze %dma_start3A_60 : memref<1x81x128xi32, #tpu.memory_space<hbm>> -> memref<81x128xi32, #tpu.memory_space<hbm>>
      %dma_start3A_62 = arith.constant 0 : i32
      %dma_start3A_63 = arith.constant 0 : i32
      %dma_start3A_64 = tpu.memref_slice %arg6[%add3A, %dma_start3A_62, %dma_start3A_63] : memref<32x81x128xi32, #tpu.memory_space<hbm>> -> memref<1x81x128xi32, #tpu.memory_space<hbm>>
      %dma_start3A_65 = tpu.memref_squeeze %dma_start3A_64 : memref<1x81x128xi32, #tpu.memory_space<hbm>> -> memref<81x128xi32, #tpu.memory_space<hbm>>
      tpu.enqueue_dma source(%dma_start3A_65 : memref<81x128xi32, #tpu.memory_space<hbm>>) target(%arg10 : memref<81x128xi32, #tpu.memory_space<vmem>>) target_semaphore(%run_scoped3A : memref<!tpu.dma_semaphore, #tpu.memory_space<semaphore_mem>>)
      %dma_wait3A = arith.constant 0 : i32
      %dma_wait3A_66 = arith.constant 0 : i32
      %dma_wait3A_67 = tpu.memref_slice %arg6[%add3A, %dma_wait3A, %dma_wait3A_66] : memref<32x81x128xi32, #tpu.memory_space<hbm>> -> memref<1x81x128xi32, #tpu.memory_space<hbm>>
      %dma_wait3A_68 = tpu.memref_squeeze %dma_wait3A_67 : memref<1x81x128xi32, #tpu.memory_space<hbm>> -> memref<81x128xi32, #tpu.memory_space<hbm>>
      %dma_wait3A_69 = arith.constant 0 : i32
      %dma_wait3A_70 = arith.constant 0 : i32
      %dma_wait3A_71 = tpu.memref_slice %arg6[%add3A, %dma_wait3A_69, %dma_wait3A_70] : memref<32x81x128xi32, #tpu.memory_space<hbm>> -> memref<1x81x128xi32, #tpu.memory_space<hbm>>
      %dma_wait3A_72 = tpu.memref_squeeze %dma_wait3A_71 : memref<1x81x128xi32, #tpu.memory_space<hbm>> -> memref<81x128xi32, #tpu.memory_space<hbm>>
      tpu.wait_dma2 semaphore(%run_scoped3A : memref<!tpu.dma_semaphore, #tpu.memory_space<semaphore_mem>>) src(%dma_wait3A_72 : memref<81x128xi32, #tpu.memory_space<hbm>>) dst(%arg10 : memref<81x128xi32, #tpu.memory_space<vmem>>)
      tpu.yield
    }) : () -> ()
    "tpu.region"() ({
      %run_scoped3A = tpu.sem_alloc : memref<!tpu.dma_semaphore, #tpu.memory_space<semaphore_mem>>
      tpu.enqueue_dma source(%arg2 : memref<10112xf32, #tpu.memory_space<hbm>>) target(%arg11 : memref<10112xf32, #tpu.memory_space<vmem>>) target_semaphore(%run_scoped3A : memref<!tpu.dma_semaphore, #tpu.memory_space<semaphore_mem>>)
      tpu.wait_dma2 semaphore(%run_scoped3A : memref<!tpu.dma_semaphore, #tpu.memory_space<semaphore_mem>>) src(%arg2 : memref<10112xf32, #tpu.memory_space<hbm>>) dst(%arg11 : memref<10112xf32, #tpu.memory_space<vmem>>)
      tpu.yield
    }) : () -> ()
    "tpu.region"() ({
      %run_scoped3A = tpu.sem_alloc : memref<!tpu.dma_semaphore, #tpu.memory_space<semaphore_mem>>
      tpu.enqueue_dma source(%arg3 : memref<10112xf32, #tpu.memory_space<hbm>>) target(%arg12 : memref<10112xf32, #tpu.memory_space<vmem>>) target_semaphore(%run_scoped3A : memref<!tpu.dma_semaphore, #tpu.memory_space<semaphore_mem>>)
      tpu.wait_dma2 semaphore(%run_scoped3A : memref<!tpu.dma_semaphore, #tpu.memory_space<semaphore_mem>>) src(%arg3 : memref<10112xf32, #tpu.memory_space<hbm>>) dst(%arg12 : memref<10112xf32, #tpu.memory_space<vmem>>)
      tpu.yield
    }) : () -> ()
    "tpu.region"() ({
      %run_scoped3A = tpu.sem_alloc : memref<!tpu.dma_semaphore, #tpu.memory_space<semaphore_mem>>
      tpu.enqueue_dma source(%arg4 : memref<16xf32, #tpu.memory_space<hbm>>) target(%arg13 : memref<16xf32, #tpu.memory_space<vmem>>) target_semaphore(%run_scoped3A : memref<!tpu.dma_semaphore, #tpu.memory_space<semaphore_mem>>)
      tpu.wait_dma2 semaphore(%run_scoped3A : memref<!tpu.dma_semaphore, #tpu.memory_space<semaphore_mem>>) src(%arg4 : memref<16xf32, #tpu.memory_space<hbm>>) dst(%arg13 : memref<16xf32, #tpu.memory_space<vmem>>)
      tpu.yield
    }) : () -> ()
    %broadcast_in_dim3A = arith.constant 0.000000e+00 : f32
    %broadcast_in_dim3A_1 = vector.broadcast %broadcast_in_dim3A : f32 to vector<16xf32>
    %scan3A = arith.constant 0 : i32
    %scan3A_2 = arith.constant 632 : i32
    %scan3A_3 = arith.addi %scan3A, %scan3A_2 : i32
    %scan3A_4 = arith.constant 1 : i32
    scf.for %scan3A_59 = %scan3A to %scan3A_3 step %scan3A_4  : i32 {
      %mul3A_60 = arith.constant 1 : i32
      %mul3A_61 = arith.muli %scan3A_59, %mul3A_60 : i32
      %add3A_62 = arith.constant 0 : i32
      %add3A_63 = arith.addi %add3A_62, %mul3A_61 : i32
      %mul3A_64 = arith.constant 16 : i32
      %mul3A_65 = arith.muli %add3A_63, %mul3A_64 : i32
      %swap3A = arith.index_cast %mul3A_65 : i32 to index
      %swap3A_66 = tpu.vector_load %arg15[%swap3A] {strides = array<i32>} : memref<10112xf32, #tpu.memory_space<vmem>>, vector<16xf32>,
      tpu.vector_store %arg15[%swap3A], %broadcast_in_dim3A_1 {strides = array<i32>} : memref<10112xf32, #tpu.memory_space<vmem>>, vector<16xf32>,
    }
    %scan3A_5 = arith.constant 632 : i32
    %get3A = arith.constant 0 : index
    %get3A_6 = tpu.vector_load %arg13[%get3A] {strides = array<i32>} : memref<16xf32, #tpu.memory_space<vmem>>, vector<16xf32>,
    %iota3A = tpu.iota {dimensions = array<i32: 0>} : vector<16xi32>
    %broadcast_in_dim3A_7 = arith.constant 0 : i32
    %broadcast_in_dim3A_8 = vector.broadcast %broadcast_in_dim3A_7 : i32 to vector<16xi32>
    %eq3A = arith.cmpi eq, %iota3A, %broadcast_in_dim3A_8 : vector<16xi32>
    %broadcast_in_dim3A_9 = arith.constant 1 : i32
    %broadcast_in_dim3A_10 = vector.broadcast %broadcast_in_dim3A_9 : i32 to vector<16xi32>
    %eq3A_11 = arith.cmpi eq, %iota3A, %broadcast_in_dim3A_10 : vector<16xi32>
    %broadcast_in_dim3A_12 = arith.constant 2 : i32
    %broadcast_in_dim3A_13 = vector.broadcast %broadcast_in_dim3A_12 : i32 to vector<16xi32>
    %eq3A_14 = arith.cmpi eq, %iota3A, %broadcast_in_dim3A_13 : vector<16xi32>
    %broadcast_in_dim3A_15 = arith.constant 3 : i32
    %broadcast_in_dim3A_16 = vector.broadcast %broadcast_in_dim3A_15 : i32 to vector<16xi32>
    %eq3A_17 = arith.cmpi eq, %iota3A, %broadcast_in_dim3A_16 : vector<16xi32>
    %broadcast_in_dim3A_18 = arith.constant 4 : i32
    %broadcast_in_dim3A_19 = vector.broadcast %broadcast_in_dim3A_18 : i32 to vector<16xi32>
    %eq3A_20 = arith.cmpi eq, %iota3A, %broadcast_in_dim3A_19 : vector<16xi32>
    %broadcast_in_dim3A_21 = arith.constant 5 : i32
    %broadcast_in_dim3A_22 = vector.broadcast %broadcast_in_dim3A_21 : i32 to vector<16xi32>
    %eq3A_23 = arith.cmpi eq, %iota3A, %broadcast_in_dim3A_22 : vector<16xi32>
    %broadcast_in_dim3A_24 = arith.constant 6 : i32
    %broadcast_in_dim3A_25 = vector.broadcast %broadcast_in_dim3A_24 : i32 to vector<16xi32>
    %eq3A_26 = arith.cmpi eq, %iota3A, %broadcast_in_dim3A_25 : vector<16xi32>
    %broadcast_in_dim3A_27 = arith.constant 7 : i32
    %broadcast_in_dim3A_28 = vector.broadcast %broadcast_in_dim3A_27 : i32 to vector<16xi32>
    %eq3A_29 = arith.cmpi eq, %iota3A, %broadcast_in_dim3A_28 : vector<16xi32>
    %broadcast_in_dim3A_30 = arith.constant 8 : i32
    %broadcast_in_dim3A_31 = vector.broadcast %broadcast_in_dim3A_30 : i32 to vector<16xi32>
    %eq3A_32 = arith.cmpi eq, %iota3A, %broadcast_in_dim3A_31 : vector<16xi32>
    %broadcast_in_dim3A_33 = arith.constant 9 : i32
    %broadcast_in_dim3A_34 = vector.broadcast %broadcast_in_dim3A_33 : i32 to vector<16xi32>
    %eq3A_35 = arith.cmpi eq, %iota3A, %broadcast_in_dim3A_34 : vector<16xi32>
    %broadcast_in_dim3A_36 = arith.constant 10 : i32
    %broadcast_in_dim3A_37 = vector.broadcast %broadcast_in_dim3A_36 : i32 to vector<16xi32>
    %eq3A_38 = arith.cmpi eq, %iota3A, %broadcast_in_dim3A_37 : vector<16xi32>
    %broadcast_in_dim3A_39 = arith.constant 11 : i32
    %broadcast_in_dim3A_40 = vector.broadcast %broadcast_in_dim3A_39 : i32 to vector<16xi32>
    %eq3A_41 = arith.cmpi eq, %iota3A, %broadcast_in_dim3A_40 : vector<16xi32>
    %broadcast_in_dim3A_42 = arith.constant 12 : i32
    %broadcast_in_dim3A_43 = vector.broadcast %broadcast_in_dim3A_42 : i32 to vector<16xi32>
    %eq3A_44 = arith.cmpi eq, %iota3A, %broadcast_in_dim3A_43 : vector<16xi32>
    %broadcast_in_dim3A_45 = arith.constant 13 : i32
    %broadcast_in_dim3A_46 = vector.broadcast %broadcast_in_dim3A_45 : i32 to vector<16xi32>
    %eq3A_47 = arith.cmpi eq, %iota3A, %broadcast_in_dim3A_46 : vector<16xi32>
    %broadcast_in_dim3A_48 = arith.constant 14 : i32
    %broadcast_in_dim3A_49 = vector.broadcast %broadcast_in_dim3A_48 : i32 to vector<16xi32>
    %eq3A_50 = arith.cmpi eq, %iota3A, %broadcast_in_dim3A_49 : vector<16xi32>
    %broadcast_in_dim3A_51 = arith.constant 15 : i32
    %broadcast_in_dim3A_52 = vector.broadcast %broadcast_in_dim3A_51 : i32 to vector<16xi32>
    %eq3A_53 = arith.cmpi eq, %iota3A, %broadcast_in_dim3A_52 : vector<16xi32>
    %scan3A_54 = arith.constant 0 : i32
    %scan3A_55 = arith.constant 81 : i32
    %scan3A_56 = arith.addi %scan3A_54, %scan3A_55 : i32
    %scan3A_57 = arith.constant 1 : i32
    scf.for %scan3A_59 = %scan3A_54 to %scan3A_56 step %scan3A_57  : i32 {
      %mul3A_60 = arith.constant 1 : i32
      %mul3A_61 = arith.muli %scan3A_59, %mul3A_60 : i32
      %add3A_62 = arith.constant 0 : i32
      %add3A_63 = arith.addi %add3A_62, %mul3A_61 : i32
      %scan3A_64 = arith.constant 0 : i32
      %scan3A_65 = arith.constant 8 : i32
      %scan3A_66 = arith.addi %scan3A_64, %scan3A_65 : i32
      %scan3A_67 = arith.constant 1 : i32
      scf.for %scan3A_69 = %scan3A_64 to %scan3A_66 step %scan3A_67  : i32 {
        %mul3A_70 = arith.constant 1 : i32
        %mul3A_71 = arith.muli %scan3A_69, %mul3A_70 : i32
        %add3A_72 = arith.constant 0 : i32
        %add3A_73 = arith.addi %add3A_72, %mul3A_71 : i32
        %mul3A_74 = arith.constant 16 : i32
        %mul3A_75 = arith.muli %add3A_73, %mul3A_74 : i32
        %get3A_76 = arith.index_cast %add3A_63 : i32 to index
        %get3A_77 = arith.index_cast %mul3A_75 : i32 to index
        %get3A_78 = tpu.vector_load %arg9[%get3A_76, %get3A_77] {strides = array<i32>} : memref<81x128xi32, #tpu.memory_space<vmem>>, vector<16xi32>,
        %mul3A_79 = arith.constant 16 : i32
        %mul3A_80 = arith.muli %add3A_73, %mul3A_79 : i32
        %get3A_81 = arith.index_cast %add3A_63 : i32 to index
        %get3A_82 = arith.index_cast %mul3A_80 : i32 to index
        %get3A_83 = tpu.vector_load %arg10[%get3A_81, %get3A_82] {strides = array<i32>} : memref<81x128xi32, #tpu.memory_space<vmem>>, vector<16xi32>,
        %gather3A = tpu.vector_load_idx %arg11[%get3A_78] : memref<10112xf32, #tpu.memory_space<vmem>>[vector<16xi32>], vector<16xf32>,
        %gather3A_84 = tpu.vector_load_idx %arg12[%get3A_83] : memref<10112xf32, #tpu.memory_space<vmem>>[vector<16xi32>], vector<16xf32>,
        %add3A_85 = arith.addf %gather3A, %gather3A_84 : vector<16xf32>
        %mul3A_86 = arith.constant 2.000000e-01 : f32
        %mul3A_87 = vector.broadcast %mul3A_86 : f32 to vector<16xf32>
        %mul3A_88 = arith.mulf %mul3A_87, %add3A_85 : vector<16xf32>
        %max3A = arith.maximumf %add3A_85, %mul3A_88 : vector<16xf32>
        %sub3A = arith.subf %max3A, %get3A_6 : vector<16xf32>
        %exp3A = math.exp %sub3A : vector<16xf32>
        %mul3A_89 = arith.constant 16 : i32
        %mul3A_90 = arith.muli %add3A_73, %mul3A_89 : i32
        %swap3A = arith.index_cast %add3A_63 : i32 to index
        %swap3A_91 = arith.index_cast %mul3A_90 : i32 to index
        %swap3A_92 = tpu.vector_load %arg14[%swap3A, %swap3A_91] {strides = array<i32>} : memref<81x128xf32, #tpu.memory_space<vmem>>, vector<16xf32>,
        tpu.vector_store %arg14[%swap3A, %swap3A_91], %exp3A {strides = array<i32>} : memref<81x128xf32, #tpu.memory_space<vmem>>, vector<16xf32>,
        tpu.vector_store_idx %arg15[%get3A_83], %exp3A masked %eq3A {add = true} : memref<10112xf32, #tpu.memory_space<vmem>>[vector<16xi32>], vector<16xf32>, vector<16xi1>
        tpu.vector_store_idx %arg15[%get3A_83], %exp3A masked %eq3A_11 {add = true} : memref<10112xf32, #tpu.memory_space<vmem>>[vector<16xi32>], vector<16xf32>, vector<16xi1>
        tpu.vector_store_idx %arg15[%get3A_83], %exp3A masked %eq3A_14 {add = true} : memref<10112xf32, #tpu.memory_space<vmem>>[vector<16xi32>], vector<16xf32>, vector<16xi1>
        tpu.vector_store_idx %arg15[%get3A_83], %exp3A masked %eq3A_17 {add = true} : memref<10112xf32, #tpu.memory_space<vmem>>[vector<16xi32>], vector<16xf32>, vector<16xi1>
        tpu.vector_store_idx %arg15[%get3A_83], %exp3A masked %eq3A_20 {add = true} : memref<10112xf32, #tpu.memory_space<vmem>>[vector<16xi32>], vector<16xf32>, vector<16xi1>
        tpu.vector_store_idx %arg15[%get3A_83], %exp3A masked %eq3A_23 {add = true} : memref<10112xf32, #tpu.memory_space<vmem>>[vector<16xi32>], vector<16xf32>, vector<16xi1>
        tpu.vector_store_idx %arg15[%get3A_83], %exp3A masked %eq3A_26 {add = true} : memref<10112xf32, #tpu.memory_space<vmem>>[vector<16xi32>], vector<16xf32>, vector<16xi1>
        tpu.vector_store_idx %arg15[%get3A_83], %exp3A masked %eq3A_29 {add = true} : memref<10112xf32, #tpu.memory_space<vmem>>[vector<16xi32>], vector<16xf32>, vector<16xi1>
        tpu.vector_store_idx %arg15[%get3A_83], %exp3A masked %eq3A_32 {add = true} : memref<10112xf32, #tpu.memory_space<vmem>>[vector<16xi32>], vector<16xf32>, vector<16xi1>
        tpu.vector_store_idx %arg15[%get3A_83], %exp3A masked %eq3A_35 {add = true} : memref<10112xf32, #tpu.memory_space<vmem>>[vector<16xi32>], vector<16xf32>, vector<16xi1>
        tpu.vector_store_idx %arg15[%get3A_83], %exp3A masked %eq3A_38 {add = true} : memref<10112xf32, #tpu.memory_space<vmem>>[vector<16xi32>], vector<16xf32>, vector<16xi1>
        tpu.vector_store_idx %arg15[%get3A_83], %exp3A masked %eq3A_41 {add = true} : memref<10112xf32, #tpu.memory_space<vmem>>[vector<16xi32>], vector<16xf32>, vector<16xi1>
        tpu.vector_store_idx %arg15[%get3A_83], %exp3A masked %eq3A_44 {add = true} : memref<10112xf32, #tpu.memory_space<vmem>>[vector<16xi32>], vector<16xf32>, vector<16xi1>
        tpu.vector_store_idx %arg15[%get3A_83], %exp3A masked %eq3A_47 {add = true} : memref<10112xf32, #tpu.memory_space<vmem>>[vector<16xi32>], vector<16xf32>, vector<16xi1>
        tpu.vector_store_idx %arg15[%get3A_83], %exp3A masked %eq3A_50 {add = true} : memref<10112xf32, #tpu.memory_space<vmem>>[vector<16xi32>], vector<16xf32>, vector<16xi1>
        tpu.vector_store_idx %arg15[%get3A_83], %exp3A masked %eq3A_53 {add = true} : memref<10112xf32, #tpu.memory_space<vmem>>[vector<16xi32>], vector<16xf32>, vector<16xi1>
      }
      %scan3A_68 = arith.constant 8 : i32
    }
    %scan3A_58 = arith.constant 81 : i32
    "tpu.region"() ({
      %run_scoped3A = tpu.sem_alloc : memref<!tpu.dma_semaphore, #tpu.memory_space<semaphore_mem>>
      %dma_start3A = arith.constant 0 : i32
      %dma_start3A_59 = arith.constant 0 : i32
      %dma_start3A_60 = tpu.memref_slice %arg7[%add3A, %dma_start3A, %dma_start3A_59] : memref<32x81x128xf32, #tpu.memory_space<hbm>> -> memref<1x81x128xf32, #tpu.memory_space<hbm>>
      %dma_start3A_61 = tpu.memref_squeeze %dma_start3A_60 : memref<1x81x128xf32, #tpu.memory_space<hbm>> -> memref<81x128xf32, #tpu.memory_space<hbm>>
      %dma_start3A_62 = arith.constant 0 : i32
      %dma_start3A_63 = arith.constant 0 : i32
      %dma_start3A_64 = tpu.memref_slice %arg7[%add3A, %dma_start3A_62, %dma_start3A_63] : memref<32x81x128xf32, #tpu.memory_space<hbm>> -> memref<1x81x128xf32, #tpu.memory_space<hbm>>
      %dma_start3A_65 = tpu.memref_squeeze %dma_start3A_64 : memref<1x81x128xf32, #tpu.memory_space<hbm>> -> memref<81x128xf32, #tpu.memory_space<hbm>>
      tpu.enqueue_dma source(%arg14 : memref<81x128xf32, #tpu.memory_space<vmem>>) target(%dma_start3A_65 : memref<81x128xf32, #tpu.memory_space<hbm>>) target_semaphore(%run_scoped3A : memref<!tpu.dma_semaphore, #tpu.memory_space<semaphore_mem>>)
      %dma_wait3A = arith.constant 0 : i32
      %dma_wait3A_66 = arith.constant 0 : i32
      %dma_wait3A_67 = tpu.memref_slice %arg7[%add3A, %dma_wait3A, %dma_wait3A_66] : memref<32x81x128xf32, #tpu.memory_space<hbm>> -> memref<1x81x128xf32, #tpu.memory_space<hbm>>
      %dma_wait3A_68 = tpu.memref_squeeze %dma_wait3A_67 : memref<1x81x128xf32, #tpu.memory_space<hbm>> -> memref<81x128xf32, #tpu.memory_space<hbm>>
      %dma_wait3A_69 = arith.constant 0 : i32
      %dma_wait3A_70 = arith.constant 0 : i32
      %dma_wait3A_71 = tpu.memref_slice %arg7[%add3A, %dma_wait3A_69, %dma_wait3A_70] : memref<32x81x128xf32, #tpu.memory_space<hbm>> -> memref<1x81x128xf32, #tpu.memory_space<hbm>>
      %dma_wait3A_72 = tpu.memref_squeeze %dma_wait3A_71 : memref<1x81x128xf32, #tpu.memory_space<hbm>> -> memref<81x128xf32, #tpu.memory_space<hbm>>
      tpu.wait_dma2 semaphore(%run_scoped3A : memref<!tpu.dma_semaphore, #tpu.memory_space<semaphore_mem>>) src(%arg14 : memref<81x128xf32, #tpu.memory_space<vmem>>) dst(%dma_wait3A_72 : memref<81x128xf32, #tpu.memory_space<hbm>>)
      tpu.yield
    }) : () -> ()
    "tpu.region"() ({
      %run_scoped3A = tpu.sem_alloc : memref<!tpu.dma_semaphore, #tpu.memory_space<semaphore_mem>>
      %dma_start3A = arith.constant 0 : i32
      %dma_start3A_59 = tpu.memref_slice %arg8[%add3A, %dma_start3A] : memref<32x10112xf32, #tpu.memory_space<hbm>> -> memref<1x10112xf32, #tpu.memory_space<hbm>>
      %dma_start3A_60 = tpu.memref_squeeze %dma_start3A_59 : memref<1x10112xf32, #tpu.memory_space<hbm>> -> memref<10112xf32, #tpu.memory_space<hbm>>
      %dma_start3A_61 = arith.constant 0 : i32
      %dma_start3A_62 = tpu.memref_slice %arg8[%add3A, %dma_start3A_61] : memref<32x10112xf32, #tpu.memory_space<hbm>> -> memref<1x10112xf32, #tpu.memory_space<hbm>>
      %dma_start3A_63 = tpu.memref_squeeze %dma_start3A_62 : memref<1x10112xf32, #tpu.memory_space<hbm>> -> memref<10112xf32, #tpu.memory_space<hbm>>
      tpu.enqueue_dma source(%arg15 : memref<10112xf32, #tpu.memory_space<vmem>>) target(%dma_start3A_63 : memref<10112xf32, #tpu.memory_space<hbm>>) target_semaphore(%run_scoped3A : memref<!tpu.dma_semaphore, #tpu.memory_space<semaphore_mem>>)
      %dma_wait3A = arith.constant 0 : i32
      %dma_wait3A_64 = tpu.memref_slice %arg8[%add3A, %dma_wait3A] : memref<32x10112xf32, #tpu.memory_space<hbm>> -> memref<1x10112xf32, #tpu.memory_space<hbm>>
      %dma_wait3A_65 = tpu.memref_squeeze %dma_wait3A_64 : memref<1x10112xf32, #tpu.memory_space<hbm>> -> memref<10112xf32, #tpu.memory_space<hbm>>
      %dma_wait3A_66 = arith.constant 0 : i32
      %dma_wait3A_67 = tpu.memref_slice %arg8[%add3A, %dma_wait3A_66] : memref<32x10112xf32, #tpu.memory_space<hbm>> -> memref<1x10112xf32, #tpu.memory_space<hbm>>
      %dma_wait3A_68 = tpu.memref_squeeze %dma_wait3A_67 : memref<1x10112xf32, #tpu.memory_space<hbm>> -> memref<10112xf32, #tpu.memory_space<hbm>>
      tpu.wait_dma2 semaphore(%run_scoped3A : memref<!tpu.dma_semaphore, #tpu.memory_space<semaphore_mem>>) src(%arg15 : memref<10112xf32, #tpu.memory_space<vmem>>) dst(%dma_wait3A_68 : memref<10112xf32, #tpu.memory_space<hbm>>)
      tpu.yield
    }) : () -> ()
    return
  }
}

#map = affine_map<(d0, d1) -> (0)>
#map1 = affine_map<(d0, d1) -> (0, 0, 0)>
#map2 = affine_map<(d0, d1) -> (0, 0)>
module attributes {stable_mosaic.version = 14 : i64} {
  func.func @_scp_body(%arg0: i32, %arg1: i32, %arg2: memref<10112xf32, #tpu.memory_space<hbm>>, %arg3: memref<10112xf32, #tpu.memory_space<hbm>>, %arg4: memref<16xf32, #tpu.memory_space<hbm>>, %arg5: memref<32x81x128xi32, #tpu.memory_space<hbm>>, %arg6: memref<32x81x128xi32, #tpu.memory_space<hbm>>, %arg7: memref<32x81x128xf32, #tpu.memory_space<hbm>>, %arg8: memref<32x10112xf32, #tpu.memory_space<hbm>>, %arg9: memref<81x128xi32, #tpu.memory_space<vmem>>, %arg10: memref<81x128xi32, #tpu.memory_space<vmem>>, %arg11: memref<10112xf32, #tpu.memory_space<vmem>>, %arg12: memref<10112xf32, #tpu.memory_space<vmem>>, %arg13: memref<16xf32, #tpu.memory_space<vmem>>, %arg14: memref<81x128xf32, #tpu.memory_space<vmem>>, %arg15: memref<10112xf32, #tpu.memory_space<vmem>>) attributes {dimension_semantics = [#tpu.dimension_semantics<core_parallel>, #tpu.dimension_semantics<subcore_parallel>], iteration_bounds = array<i64: 2, 16>, scalar_prefetch = 0 : i64, scratch_operands = 7 : i64, tpu.core_type = #tpu.core_type<sc_vector_subcore>, window_params = [{transform_indices = #map}, {transform_indices = #map}, {transform_indices = #map}, {transform_indices = #map1}, {transform_indices = #map1}, {transform_indices = #map1}, {transform_indices = #map2}]} {
    %mul3A = arith.constant 2 : i32
    %mul3A_0 = arith.muli %arg1, %mul3A : i32
    %add3A = arith.addi %mul3A_0, %arg0 : i32
    "tpu.region"() ({
      %run_scoped3A = tpu.sem_alloc : memref<!tpu.dma_semaphore, #tpu.memory_space<semaphore_mem>>
      %dma_start3A = arith.constant 0 : i32
      %dma_start3A_59 = arith.constant 0 : i32
      %dma_start3A_60 = tpu.memref_slice %arg5[%add3A, %dma_start3A, %dma_start3A_59] : memref<32x81x128xi32, #tpu.memory_space<hbm>> -> memref<1x81x128xi32, #tpu.memory_space<hbm>>
      %dma_start3A_61 = tpu.memref_squeeze %dma_start3A_60 : memref<1x81x128xi32, #tpu.memory_space<hbm>> -> memref<81x128xi32, #tpu.memory_space<hbm>>
      %dma_start3A_62 = arith.constant 0 : i32
      %dma_start3A_63 = arith.constant 0 : i32
      %dma_start3A_64 = tpu.memref_slice %arg5[%add3A, %dma_start3A_62, %dma_start3A_63] : memref<32x81x128xi32, #tpu.memory_space<hbm>> -> memref<1x81x128xi32, #tpu.memory_space<hbm>>
      %dma_start3A_65 = tpu.memref_squeeze %dma_start3A_64 : memref<1x81x128xi32, #tpu.memory_space<hbm>> -> memref<81x128xi32, #tpu.memory_space<hbm>>
      tpu.enqueue_dma source(%dma_start3A_65 : memref<81x128xi32, #tpu.memory_space<hbm>>) target(%arg9 : memref<81x128xi32, #tpu.memory_space<vmem>>) target_semaphore(%run_scoped3A : memref<!tpu.dma_semaphore, #tpu.memory_space<semaphore_mem>>)
      %dma_wait3A = arith.constant 0 : i32
      %dma_wait3A_66 = arith.constant 0 : i32
      %dma_wait3A_67 = tpu.memref_slice %arg5[%add3A, %dma_wait3A, %dma_wait3A_66] : memref<32x81x128xi32, #tpu.memory_space<hbm>> -> memref<1x81x128xi32, #tpu.memory_space<hbm>>
      %dma_wait3A_68 = tpu.memref_squeeze %dma_wait3A_67 : memref<1x81x128xi32, #tpu.memory_space<hbm>> -> memref<81x128xi32, #tpu.memory_space<hbm>>
      %dma_wait3A_69 = arith.constant 0 : i32
      %dma_wait3A_70 = arith.constant 0 : i32
      %dma_wait3A_71 = tpu.memref_slice %arg5[%add3A, %dma_wait3A_69, %dma_wait3A_70] : memref<32x81x128xi32, #tpu.memory_space<hbm>> -> memref<1x81x128xi32, #tpu.memory_space<hbm>>
      %dma_wait3A_72 = tpu.memref_squeeze %dma_wait3A_71 : memref<1x81x128xi32, #tpu.memory_space<hbm>> -> memref<81x128xi32, #tpu.memory_space<hbm>>
      tpu.wait_dma2 semaphore(%run_scoped3A : memref<!tpu.dma_semaphore, #tpu.memory_space<semaphore_mem>>) src(%dma_wait3A_72 : memref<81x128xi32, #tpu.memory_space<hbm>>) dst(%arg9 : memref<81x128xi32, #tpu.memory_space<vmem>>)
      tpu.yield
    }) : () -> ()
    "tpu.region"() ({
      %run_scoped3A = tpu.sem_alloc : memref<!tpu.dma_semaphore, #tpu.memory_space<semaphore_mem>>
      %dma_start3A = arith.constant 0 : i32
      %dma_start3A_59 = arith.constant 0 : i32
      %dma_start3A_60 = tpu.memref_slice %arg6[%add3A, %dma_start3A, %dma_start3A_59] : memref<32x81x128xi32, #tpu.memory_space<hbm>> -> memref<1x81x128xi32, #tpu.memory_space<hbm>>
      %dma_start3A_61 = tpu.memref_squeeze %dma_start3A_60 : memref<1x81x128xi32, #tpu.memory_space<hbm>> -> memref<81x128xi32, #tpu.memory_space<hbm>>
      %dma_start3A_62 = arith.constant 0 : i32
      %dma_start3A_63 = arith.constant 0 : i32
      %dma_start3A_64 = tpu.memref_slice %arg6[%add3A, %dma_start3A_62, %dma_start3A_63] : memref<32x81x128xi32, #tpu.memory_space<hbm>> -> memref<1x81x128xi32, #tpu.memory_space<hbm>>
      %dma_start3A_65 = tpu.memref_squeeze %dma_start3A_64 : memref<1x81x128xi32, #tpu.memory_space<hbm>> -> memref<81x128xi32, #tpu.memory_space<hbm>>
      tpu.enqueue_dma source(%dma_start3A_65 : memref<81x128xi32, #tpu.memory_space<hbm>>) target(%arg10 : memref<81x128xi32, #tpu.memory_space<vmem>>) target_semaphore(%run_scoped3A : memref<!tpu.dma_semaphore, #tpu.memory_space<semaphore_mem>>)
      %dma_wait3A = arith.constant 0 : i32
      %dma_wait3A_66 = arith.constant 0 : i32
      %dma_wait3A_67 = tpu.memref_slice %arg6[%add3A, %dma_wait3A, %dma_wait3A_66] : memref<32x81x128xi32, #tpu.memory_space<hbm>> -> memref<1x81x128xi32, #tpu.memory_space<hbm>>
      %dma_wait3A_68 = tpu.memref_squeeze %dma_wait3A_67 : memref<1x81x128xi32, #tpu.memory_space<hbm>> -> memref<81x128xi32, #tpu.memory_space<hbm>>
      %dma_wait3A_69 = arith.constant 0 : i32
      %dma_wait3A_70 = arith.constant 0 : i32
      %dma_wait3A_71 = tpu.memref_slice %arg6[%add3A, %dma_wait3A_69, %dma_wait3A_70] : memref<32x81x128xi32, #tpu.memory_space<hbm>> -> memref<1x81x128xi32, #tpu.memory_space<hbm>>
      %dma_wait3A_72 = tpu.memref_squeeze %dma_wait3A_71 : memref<1x81x128xi32, #tpu.memory_space<hbm>> -> memref<81x128xi32, #tpu.memory_space<hbm>>
      tpu.wait_dma2 semaphore(%run_scoped3A : memref<!tpu.dma_semaphore, #tpu.memory_space<semaphore_mem>>) src(%dma_wait3A_72 : memref<81x128xi32, #tpu.memory_space<hbm>>) dst(%arg10 : memref<81x128xi32, #tpu.memory_space<vmem>>)
      tpu.yield
    }) : () -> ()
    "tpu.region"() ({
      %run_scoped3A = tpu.sem_alloc : memref<!tpu.dma_semaphore, #tpu.memory_space<semaphore_mem>>
      tpu.enqueue_dma source(%arg2 : memref<10112xf32, #tpu.memory_space<hbm>>) target(%arg11 : memref<10112xf32, #tpu.memory_space<vmem>>) target_semaphore(%run_scoped3A : memref<!tpu.dma_semaphore, #tpu.memory_space<semaphore_mem>>)
      tpu.wait_dma2 semaphore(%run_scoped3A : memref<!tpu.dma_semaphore, #tpu.memory_space<semaphore_mem>>) src(%arg2 : memref<10112xf32, #tpu.memory_space<hbm>>) dst(%arg11 : memref<10112xf32, #tpu.memory_space<vmem>>)
      tpu.yield
    }) : () -> ()
    "tpu.region"() ({
      %run_scoped3A = tpu.sem_alloc : memref<!tpu.dma_semaphore, #tpu.memory_space<semaphore_mem>>
      tpu.enqueue_dma source(%arg3 : memref<10112xf32, #tpu.memory_space<hbm>>) target(%arg12 : memref<10112xf32, #tpu.memory_space<vmem>>) target_semaphore(%run_scoped3A : memref<!tpu.dma_semaphore, #tpu.memory_space<semaphore_mem>>)
      tpu.wait_dma2 semaphore(%run_scoped3A : memref<!tpu.dma_semaphore, #tpu.memory_space<semaphore_mem>>) src(%arg3 : memref<10112xf32, #tpu.memory_space<hbm>>) dst(%arg12 : memref<10112xf32, #tpu.memory_space<vmem>>)
      tpu.yield
    }) : () -> ()
    "tpu.region"() ({
      %run_scoped3A = tpu.sem_alloc : memref<!tpu.dma_semaphore, #tpu.memory_space<semaphore_mem>>
      tpu.enqueue_dma source(%arg4 : memref<16xf32, #tpu.memory_space<hbm>>) target(%arg13 : memref<16xf32, #tpu.memory_space<vmem>>) target_semaphore(%run_scoped3A : memref<!tpu.dma_semaphore, #tpu.memory_space<semaphore_mem>>)
      tpu.wait_dma2 semaphore(%run_scoped3A : memref<!tpu.dma_semaphore, #tpu.memory_space<semaphore_mem>>) src(%arg4 : memref<16xf32, #tpu.memory_space<hbm>>) dst(%arg13 : memref<16xf32, #tpu.memory_space<vmem>>)
      tpu.yield
    }) : () -> ()
    %broadcast_in_dim3A = arith.constant 0.000000e+00 : f32
    %broadcast_in_dim3A_1 = vector.broadcast %broadcast_in_dim3A : f32 to vector<16xf32>
    %scan3A = arith.constant 0 : i32
    %scan3A_2 = arith.constant 632 : i32
    %scan3A_3 = arith.addi %scan3A, %scan3A_2 : i32
    %scan3A_4 = arith.constant 1 : i32
    scf.for %scan3A_59 = %scan3A to %scan3A_3 step %scan3A_4  : i32 {
      %mul3A_60 = arith.constant 1 : i32
      %mul3A_61 = arith.muli %scan3A_59, %mul3A_60 : i32
      %add3A_62 = arith.constant 0 : i32
      %add3A_63 = arith.addi %add3A_62, %mul3A_61 : i32
      %mul3A_64 = arith.constant 16 : i32
      %mul3A_65 = arith.muli %add3A_63, %mul3A_64 : i32
      %swap3A = arith.index_cast %mul3A_65 : i32 to index
      %swap3A_66 = tpu.vector_load %arg15[%swap3A] {strides = array<i32>} : memref<10112xf32, #tpu.memory_space<vmem>>, vector<16xf32>,
      tpu.vector_store %arg15[%swap3A], %broadcast_in_dim3A_1 {strides = array<i32>} : memref<10112xf32, #tpu.memory_space<vmem>>, vector<16xf32>,
    }
    %scan3A_5 = arith.constant 632 : i32
    %get3A = arith.constant 0 : index
    %get3A_6 = tpu.vector_load %arg13[%get3A] {strides = array<i32>} : memref<16xf32, #tpu.memory_space<vmem>>, vector<16xf32>,
    %iota3A = tpu.iota {dimensions = array<i32: 0>} : vector<16xi32>
    %broadcast_in_dim3A_7 = arith.constant 0 : i32
    %broadcast_in_dim3A_8 = vector.broadcast %broadcast_in_dim3A_7 : i32 to vector<16xi32>
    %eq3A = arith.cmpi eq, %iota3A, %broadcast_in_dim3A_8 : vector<16xi32>
    %broadcast_in_dim3A_9 = arith.constant 1 : i32
    %broadcast_in_dim3A_10 = vector.broadcast %broadcast_in_dim3A_9 : i32 to vector<16xi32>
    %eq3A_11 = arith.cmpi eq, %iota3A, %broadcast_in_dim3A_10 : vector<16xi32>
    %broadcast_in_dim3A_12 = arith.constant 2 : i32
    %broadcast_in_dim3A_13 = vector.broadcast %broadcast_in_dim3A_12 : i32 to vector<16xi32>
    %eq3A_14 = arith.cmpi eq, %iota3A, %broadcast_in_dim3A_13 : vector<16xi32>
    %broadcast_in_dim3A_15 = arith.constant 3 : i32
    %broadcast_in_dim3A_16 = vector.broadcast %broadcast_in_dim3A_15 : i32 to vector<16xi32>
    %eq3A_17 = arith.cmpi eq, %iota3A, %broadcast_in_dim3A_16 : vector<16xi32>
    %broadcast_in_dim3A_18 = arith.constant 4 : i32
    %broadcast_in_dim3A_19 = vector.broadcast %broadcast_in_dim3A_18 : i32 to vector<16xi32>
    %eq3A_20 = arith.cmpi eq, %iota3A, %broadcast_in_dim3A_19 : vector<16xi32>
    %broadcast_in_dim3A_21 = arith.constant 5 : i32
    %broadcast_in_dim3A_22 = vector.broadcast %broadcast_in_dim3A_21 : i32 to vector<16xi32>
    %eq3A_23 = arith.cmpi eq, %iota3A, %broadcast_in_dim3A_22 : vector<16xi32>
    %broadcast_in_dim3A_24 = arith.constant 6 : i32
    %broadcast_in_dim3A_25 = vector.broadcast %broadcast_in_dim3A_24 : i32 to vector<16xi32>
    %eq3A_26 = arith.cmpi eq, %iota3A, %broadcast_in_dim3A_25 : vector<16xi32>
    %broadcast_in_dim3A_27 = arith.constant 7 : i32
    %broadcast_in_dim3A_28 = vector.broadcast %broadcast_in_dim3A_27 : i32 to vector<16xi32>
    %eq3A_29 = arith.cmpi eq, %iota3A, %broadcast_in_dim3A_28 : vector<16xi32>
    %broadcast_in_dim3A_30 = arith.constant 8 : i32
    %broadcast_in_dim3A_31 = vector.broadcast %broadcast_in_dim3A_30 : i32 to vector<16xi32>
    %eq3A_32 = arith.cmpi eq, %iota3A, %broadcast_in_dim3A_31 : vector<16xi32>
    %broadcast_in_dim3A_33 = arith.constant 9 : i32
    %broadcast_in_dim3A_34 = vector.broadcast %broadcast_in_dim3A_33 : i32 to vector<16xi32>
    %eq3A_35 = arith.cmpi eq, %iota3A, %broadcast_in_dim3A_34 : vector<16xi32>
    %broadcast_in_dim3A_36 = arith.constant 10 : i32
    %broadcast_in_dim3A_37 = vector.broadcast %broadcast_in_dim3A_36 : i32 to vector<16xi32>
    %eq3A_38 = arith.cmpi eq, %iota3A, %broadcast_in_dim3A_37 : vector<16xi32>
    %broadcast_in_dim3A_39 = arith.constant 11 : i32
    %broadcast_in_dim3A_40 = vector.broadcast %broadcast_in_dim3A_39 : i32 to vector<16xi32>
    %eq3A_41 = arith.cmpi eq, %iota3A, %broadcast_in_dim3A_40 : vector<16xi32>
    %broadcast_in_dim3A_42 = arith.constant 12 : i32
    %broadcast_in_dim3A_43 = vector.broadcast %broadcast_in_dim3A_42 : i32 to vector<16xi32>
    %eq3A_44 = arith.cmpi eq, %iota3A, %broadcast_in_dim3A_43 : vector<16xi32>
    %broadcast_in_dim3A_45 = arith.constant 13 : i32
    %broadcast_in_dim3A_46 = vector.broadcast %broadcast_in_dim3A_45 : i32 to vector<16xi32>
    %eq3A_47 = arith.cmpi eq, %iota3A, %broadcast_in_dim3A_46 : vector<16xi32>
    %broadcast_in_dim3A_48 = arith.constant 14 : i32
    %broadcast_in_dim3A_49 = vector.broadcast %broadcast_in_dim3A_48 : i32 to vector<16xi32>
    %eq3A_50 = arith.cmpi eq, %iota3A, %broadcast_in_dim3A_49 : vector<16xi32>
    %broadcast_in_dim3A_51 = arith.constant 15 : i32
    %broadcast_in_dim3A_52 = vector.broadcast %broadcast_in_dim3A_51 : i32 to vector<16xi32>
    %eq3A_53 = arith.cmpi eq, %iota3A, %broadcast_in_dim3A_52 : vector<16xi32>
    %scan3A_54 = arith.constant 0 : i32
    %scan3A_55 = arith.constant 81 : i32
    %scan3A_56 = arith.addi %scan3A_54, %scan3A_55 : i32
    %scan3A_57 = arith.constant 1 : i32
    scf.for %scan3A_59 = %scan3A_54 to %scan3A_56 step %scan3A_57  : i32 {
      %mul3A_60 = arith.constant 1 : i32
      %mul3A_61 = arith.muli %scan3A_59, %mul3A_60 : i32
      %add3A_62 = arith.constant 0 : i32
      %add3A_63 = arith.addi %add3A_62, %mul3A_61 : i32
      %scan3A_64 = arith.constant 0 : i32
      %scan3A_65 = arith.constant 8 : i32
      %scan3A_66 = arith.addi %scan3A_64, %scan3A_65 : i32
      %scan3A_67 = arith.constant 1 : i32
      scf.for %scan3A_69 = %scan3A_64 to %scan3A_66 step %scan3A_67  : i32 {
        %mul3A_70 = arith.constant 1 : i32
        %mul3A_71 = arith.muli %scan3A_69, %mul3A_70 : i32
        %add3A_72 = arith.constant 0 : i32
        %add3A_73 = arith.addi %add3A_72, %mul3A_71 : i32
        %mul3A_74 = arith.constant 16 : i32
        %mul3A_75 = arith.muli %add3A_73, %mul3A_74 : i32
        %get3A_76 = arith.index_cast %add3A_63 : i32 to index
        %get3A_77 = arith.index_cast %mul3A_75 : i32 to index
        %get3A_78 = tpu.vector_load %arg9[%get3A_76, %get3A_77] {strides = array<i32>} : memref<81x128xi32, #tpu.memory_space<vmem>>, vector<16xi32>,
        %mul3A_79 = arith.constant 16 : i32
        %mul3A_80 = arith.muli %add3A_73, %mul3A_79 : i32
        %get3A_81 = arith.index_cast %add3A_63 : i32 to index
        %get3A_82 = arith.index_cast %mul3A_80 : i32 to index
        %get3A_83 = tpu.vector_load %arg10[%get3A_81, %get3A_82] {strides = array<i32>} : memref<81x128xi32, #tpu.memory_space<vmem>>, vector<16xi32>,
        %gather3A = tpu.vector_load_idx %arg11[%get3A_78] : memref<10112xf32, #tpu.memory_space<vmem>>[vector<16xi32>], vector<16xf32>,
        %gather3A_84 = tpu.vector_load_idx %arg12[%get3A_83] : memref<10112xf32, #tpu.memory_space<vmem>>[vector<16xi32>], vector<16xf32>,
        %add3A_85 = arith.addf %gather3A, %gather3A_84 : vector<16xf32>
        %mul3A_86 = arith.constant 2.000000e-01 : f32
        %mul3A_87 = vector.broadcast %mul3A_86 : f32 to vector<16xf32>
        %mul3A_88 = arith.mulf %mul3A_87, %add3A_85 : vector<16xf32>
        %max3A = arith.maximumf %add3A_85, %mul3A_88 : vector<16xf32>
        %sub3A = arith.subf %max3A, %get3A_6 : vector<16xf32>
        %exp3A = math.exp %sub3A : vector<16xf32>
        %mul3A_89 = arith.constant 16 : i32
        %mul3A_90 = arith.muli %add3A_73, %mul3A_89 : i32
        %swap3A = arith.index_cast %add3A_63 : i32 to index
        %swap3A_91 = arith.index_cast %mul3A_90 : i32 to index
        %swap3A_92 = tpu.vector_load %arg14[%swap3A, %swap3A_91] {strides = array<i32>} : memref<81x128xf32, #tpu.memory_space<vmem>>, vector<16xf32>,
        tpu.vector_store %arg14[%swap3A, %swap3A_91], %exp3A {strides = array<i32>} : memref<81x128xf32, #tpu.memory_space<vmem>>, vector<16xf32>,
        tpu.vector_store_idx %arg15[%get3A_83], %exp3A masked %eq3A {add = true} : memref<10112xf32, #tpu.memory_space<vmem>>[vector<16xi32>], vector<16xf32>, vector<16xi1>
        tpu.vector_store_idx %arg15[%get3A_83], %exp3A masked %eq3A_11 {add = true} : memref<10112xf32, #tpu.memory_space<vmem>>[vector<16xi32>], vector<16xf32>, vector<16xi1>
        tpu.vector_store_idx %arg15[%get3A_83], %exp3A masked %eq3A_14 {add = true} : memref<10112xf32, #tpu.memory_space<vmem>>[vector<16xi32>], vector<16xf32>, vector<16xi1>
        tpu.vector_store_idx %arg15[%get3A_83], %exp3A masked %eq3A_17 {add = true} : memref<10112xf32, #tpu.memory_space<vmem>>[vector<16xi32>], vector<16xf32>, vector<16xi1>
        tpu.vector_store_idx %arg15[%get3A_83], %exp3A masked %eq3A_20 {add = true} : memref<10112xf32, #tpu.memory_space<vmem>>[vector<16xi32>], vector<16xf32>, vector<16xi1>
        tpu.vector_store_idx %arg15[%get3A_83], %exp3A masked %eq3A_23 {add = true} : memref<10112xf32, #tpu.memory_space<vmem>>[vector<16xi32>], vector<16xf32>, vector<16xi1>
        tpu.vector_store_idx %arg15[%get3A_83], %exp3A masked %eq3A_26 {add = true} : memref<10112xf32, #tpu.memory_space<vmem>>[vector<16xi32>], vector<16xf32>, vector<16xi1>
        tpu.vector_store_idx %arg15[%get3A_83], %exp3A masked %eq3A_29 {add = true} : memref<10112xf32, #tpu.memory_space<vmem>>[vector<16xi32>], vector<16xf32>, vector<16xi1>
        tpu.vector_store_idx %arg15[%get3A_83], %exp3A masked %eq3A_32 {add = true} : memref<10112xf32, #tpu.memory_space<vmem>>[vector<16xi32>], vector<16xf32>, vector<16xi1>
        tpu.vector_store_idx %arg15[%get3A_83], %exp3A masked %eq3A_35 {add = true} : memref<10112xf32, #tpu.memory_space<vmem>>[vector<16xi32>], vector<16xf32>, vector<16xi1>
        tpu.vector_store_idx %arg15[%get3A_83], %exp3A masked %eq3A_38 {add = true} : memref<10112xf32, #tpu.memory_space<vmem>>[vector<16xi32>], vector<16xf32>, vector<16xi1>
        tpu.vector_store_idx %arg15[%get3A_83], %exp3A masked %eq3A_41 {add = true} : memref<10112xf32, #tpu.memory_space<vmem>>[vector<16xi32>], vector<16xf32>, vector<16xi1>
        tpu.vector_store_idx %arg15[%get3A_83], %exp3A masked %eq3A_44 {add = true} : memref<10112xf32, #tpu.memory_space<vmem>>[vector<16xi32>], vector<16xf32>, vector<16xi1>
        tpu.vector_store_idx %arg15[%get3A_83], %exp3A masked %eq3A_47 {add = true} : memref<10112xf32, #tpu.memory_space<vmem>>[vector<16xi32>], vector<16xf32>, vector<16xi1>
        tpu.vector_store_idx %arg15[%get3A_83], %exp3A masked %eq3A_50 {add = true} : memref<10112xf32, #tpu.memory_space<vmem>>[vector<16xi32>], vector<16xf32>, vector<16xi1>
        tpu.vector_store_idx %arg15[%get3A_83], %exp3A masked %eq3A_53 {add = true} : memref<10112xf32, #tpu.memory_space<vmem>>[vector<16xi32>], vector<16xf32>, vector<16xi1>
      }
      %scan3A_68 = arith.constant 8 : i32
    }
    %scan3A_58 = arith.constant 81 : i32
    "tpu.region"() ({
      %run_scoped3A = tpu.sem_alloc : memref<!tpu.dma_semaphore, #tpu.memory_space<semaphore_mem>>
      %dma_start3A = arith.constant 0 : i32
      %dma_start3A_59 = arith.constant 0 : i32
      %dma_start3A_60 = tpu.memref_slice %arg7[%add3A, %dma_start3A, %dma_start3A_59] : memref<32x81x128xf32, #tpu.memory_space<hbm>> -> memref<1x81x128xf32, #tpu.memory_space<hbm>>
      %dma_start3A_61 = tpu.memref_squeeze %dma_start3A_60 : memref<1x81x128xf32, #tpu.memory_space<hbm>> -> memref<81x128xf32, #tpu.memory_space<hbm>>
      %dma_start3A_62 = arith.constant 0 : i32
      %dma_start3A_63 = arith.constant 0 : i32
      %dma_start3A_64 = tpu.memref_slice %arg7[%add3A, %dma_start3A_62, %dma_start3A_63] : memref<32x81x128xf32, #tpu.memory_space<hbm>> -> memref<1x81x128xf32, #tpu.memory_space<hbm>>
      %dma_start3A_65 = tpu.memref_squeeze %dma_start3A_64 : memref<1x81x128xf32, #tpu.memory_space<hbm>> -> memref<81x128xf32, #tpu.memory_space<hbm>>
      tpu.enqueue_dma source(%arg14 : memref<81x128xf32, #tpu.memory_space<vmem>>) target(%dma_start3A_65 : memref<81x128xf32, #tpu.memory_space<hbm>>) target_semaphore(%run_scoped3A : memref<!tpu.dma_semaphore, #tpu.memory_space<semaphore_mem>>)
      %dma_wait3A = arith.constant 0 : i32
      %dma_wait3A_66 = arith.constant 0 : i32
      %dma_wait3A_67 = tpu.memref_slice %arg7[%add3A, %dma_wait3A, %dma_wait3A_66] : memref<32x81x128xf32, #tpu.memory_space<hbm>> -> memref<1x81x128xf32, #tpu.memory_space<hbm>>
      %dma_wait3A_68 = tpu.memref_squeeze %dma_wait3A_67 : memref<1x81x128xf32, #tpu.memory_space<hbm>> -> memref<81x128xf32, #tpu.memory_space<hbm>>
      %dma_wait3A_69 = arith.constant 0 : i32
      %dma_wait3A_70 = arith.constant 0 : i32
      %dma_wait3A_71 = tpu.memref_slice %arg7[%add3A, %dma_wait3A_69, %dma_wait3A_70] : memref<32x81x128xf32, #tpu.memory_space<hbm>> -> memref<1x81x128xf32, #tpu.memory_space<hbm>>
      %dma_wait3A_72 = tpu.memref_squeeze %dma_wait3A_71 : memref<1x81x128xf32, #tpu.memory_space<hbm>> -> memref<81x128xf32, #tpu.memory_space<hbm>>
      tpu.wait_dma2 semaphore(%run_scoped3A : memref<!tpu.dma_semaphore, #tpu.memory_space<semaphore_mem>>) src(%arg14 : memref<81x128xf32, #tpu.memory_space<vmem>>) dst(%dma_wait3A_72 : memref<81x128xf32, #tpu.memory_space<hbm>>)
      tpu.yield
    }) : () -> ()
    "tpu.region"() ({
      %run_scoped3A = tpu.sem_alloc : memref<!tpu.dma_semaphore, #tpu.memory_space<semaphore_mem>>
      %dma_start3A = arith.constant 0 : i32
      %dma_start3A_59 = tpu.memref_slice %arg8[%add3A, %dma_start3A] : memref<32x10112xf32, #tpu.memory_space<hbm>> -> memref<1x10112xf32, #tpu.memory_space<hbm>>
      %dma_start3A_60 = tpu.memref_squeeze %dma_start3A_59 : memref<1x10112xf32, #tpu.memory_space<hbm>> -> memref<10112xf32, #tpu.memory_space<hbm>>
      %dma_start3A_61 = arith.constant 0 : i32
      %dma_start3A_62 = tpu.memref_slice %arg8[%add3A, %dma_start3A_61] : memref<32x10112xf32, #tpu.memory_space<hbm>> -> memref<1x10112xf32, #tpu.memory_space<hbm>>
      %dma_start3A_63 = tpu.memref_squeeze %dma_start3A_62 : memref<1x10112xf32, #tpu.memory_space<hbm>> -> memref<10112xf32, #tpu.memory_space<hbm>>
      tpu.enqueue_dma source(%arg15 : memref<10112xf32, #tpu.memory_space<vmem>>) target(%dma_start3A_63 : memref<10112xf32, #tpu.memory_space<hbm>>) target_semaphore(%run_scoped3A : memref<!tpu.dma_semaphore, #tpu.memory_space<semaphore_mem>>)
      %dma_wait3A = arith.constant 0 : i32
      %dma_wait3A_64 = tpu.memref_slice %arg8[%add3A, %dma_wait3A] : memref<32x10112xf32, #tpu.memory_space<hbm>> -> memref<1x10112xf32, #tpu.memory_space<hbm>>
      %dma_wait3A_65 = tpu.memref_squeeze %dma_wait3A_64 : memref<1x10112xf32, #tpu.memory_space<hbm>> -> memref<10112xf32, #tpu.memory_space<hbm>>
      %dma_wait3A_66 = arith.constant 0 : i32
      %dma_wait3A_67 = tpu.memref_slice %arg8[%add3A, %dma_wait3A_66] : memref<32x10112xf32, #tpu.memory_space<hbm>> -> memref<1x10112xf32, #tpu.memory_space<hbm>>
      %dma_wait3A_68 = tpu.memref_squeeze %dma_wait3A_67 : memref<1x10112xf32, #tpu.memory_space<hbm>> -> memref<10112xf32, #tpu.memory_space<hbm>>
      tpu.wait_dma2 semaphore(%run_scoped3A : memref<!tpu.dma_semaphore, #tpu.memory_space<semaphore_mem>>) src(%arg15 : memref<10112xf32, #tpu.memory_space<vmem>>) dst(%dma_wait3A_68 : memref<10112xf32, #tpu.memory_space<hbm>>)
      tpu.yield
    }) : () -> ()
    return
  }
}

#map = affine_map<(d0, d1) -> (0, 0, 0)>
#map1 = affine_map<(d0, d1) -> (0)>
#map2 = affine_map<(d0, d1) -> (0, 0)>
module attributes {stable_mosaic.version = 14 : i64} {
  func.func @_scw_body(%arg0: i32, %arg1: i32, %arg2: memref<32x81x128xf32, #tpu.memory_space<hbm>>, %arg3: memref<10112xf32, #tpu.memory_space<hbm>>, %arg4: memref<32x81x128xi32, #tpu.memory_space<hbm>>, %arg5: memref<32x81x128xi32, #tpu.memory_space<hbm>>, %arg6: memref<32x10112xf32, #tpu.memory_space<hbm>>, %arg7: memref<81x128xi32, #tpu.memory_space<vmem>>, %arg8: memref<81x128xi32, #tpu.memory_space<vmem>>, %arg9: memref<10112xf32, #tpu.memory_space<vmem>>, %arg10: memref<81x128xf32, #tpu.memory_space<vmem>>, %arg11: memref<10112xf32, #tpu.memory_space<vmem>>) attributes {dimension_semantics = [#tpu.dimension_semantics<core_parallel>, #tpu.dimension_semantics<subcore_parallel>], iteration_bounds = array<i64: 2, 16>, scalar_prefetch = 0 : i64, scratch_operands = 5 : i64, tpu.core_type = #tpu.core_type<sc_vector_subcore>, window_params = [{transform_indices = #map}, {transform_indices = #map1}, {transform_indices = #map}, {transform_indices = #map}, {transform_indices = #map2}]} {
    %mul3A = arith.constant 2 : i32
    %mul3A_0 = arith.muli %arg1, %mul3A : i32
    %add3A = arith.addi %mul3A_0, %arg0 : i32
    "tpu.region"() ({
      %run_scoped3A = tpu.sem_alloc : memref<!tpu.dma_semaphore, #tpu.memory_space<semaphore_mem>>
      %dma_start3A = arith.constant 0 : i32
      %dma_start3A_58 = arith.constant 0 : i32
      %dma_start3A_59 = tpu.memref_slice %arg4[%add3A, %dma_start3A, %dma_start3A_58] : memref<32x81x128xi32, #tpu.memory_space<hbm>> -> memref<1x81x128xi32, #tpu.memory_space<hbm>>
      %dma_start3A_60 = tpu.memref_squeeze %dma_start3A_59 : memref<1x81x128xi32, #tpu.memory_space<hbm>> -> memref<81x128xi32, #tpu.memory_space<hbm>>
      %dma_start3A_61 = arith.constant 0 : i32
      %dma_start3A_62 = arith.constant 0 : i32
      %dma_start3A_63 = tpu.memref_slice %arg4[%add3A, %dma_start3A_61, %dma_start3A_62] : memref<32x81x128xi32, #tpu.memory_space<hbm>> -> memref<1x81x128xi32, #tpu.memory_space<hbm>>
      %dma_start3A_64 = tpu.memref_squeeze %dma_start3A_63 : memref<1x81x128xi32, #tpu.memory_space<hbm>> -> memref<81x128xi32, #tpu.memory_space<hbm>>
      tpu.enqueue_dma source(%dma_start3A_64 : memref<81x128xi32, #tpu.memory_space<hbm>>) target(%arg7 : memref<81x128xi32, #tpu.memory_space<vmem>>) target_semaphore(%run_scoped3A : memref<!tpu.dma_semaphore, #tpu.memory_space<semaphore_mem>>)
      %dma_wait3A = arith.constant 0 : i32
      %dma_wait3A_65 = arith.constant 0 : i32
      %dma_wait3A_66 = tpu.memref_slice %arg4[%add3A, %dma_wait3A, %dma_wait3A_65] : memref<32x81x128xi32, #tpu.memory_space<hbm>> -> memref<1x81x128xi32, #tpu.memory_space<hbm>>
      %dma_wait3A_67 = tpu.memref_squeeze %dma_wait3A_66 : memref<1x81x128xi32, #tpu.memory_space<hbm>> -> memref<81x128xi32, #tpu.memory_space<hbm>>
      %dma_wait3A_68 = arith.constant 0 : i32
      %dma_wait3A_69 = arith.constant 0 : i32
      %dma_wait3A_70 = tpu.memref_slice %arg4[%add3A, %dma_wait3A_68, %dma_wait3A_69] : memref<32x81x128xi32, #tpu.memory_space<hbm>> -> memref<1x81x128xi32, #tpu.memory_space<hbm>>
      %dma_wait3A_71 = tpu.memref_squeeze %dma_wait3A_70 : memref<1x81x128xi32, #tpu.memory_space<hbm>> -> memref<81x128xi32, #tpu.memory_space<hbm>>
      tpu.wait_dma2 semaphore(%run_scoped3A : memref<!tpu.dma_semaphore, #tpu.memory_space<semaphore_mem>>) src(%dma_wait3A_71 : memref<81x128xi32, #tpu.memory_space<hbm>>) dst(%arg7 : memref<81x128xi32, #tpu.memory_space<vmem>>)
      tpu.yield
    }) : () -> ()
    "tpu.region"() ({
      %run_scoped3A = tpu.sem_alloc : memref<!tpu.dma_semaphore, #tpu.memory_space<semaphore_mem>>
      %dma_start3A = arith.constant 0 : i32
      %dma_start3A_58 = arith.constant 0 : i32
      %dma_start3A_59 = tpu.memref_slice %arg5[%add3A, %dma_start3A, %dma_start3A_58] : memref<32x81x128xi32, #tpu.memory_space<hbm>> -> memref<1x81x128xi32, #tpu.memory_space<hbm>>
      %dma_start3A_60 = tpu.memref_squeeze %dma_start3A_59 : memref<1x81x128xi32, #tpu.memory_space<hbm>> -> memref<81x128xi32, #tpu.memory_space<hbm>>
      %dma_start3A_61 = arith.constant 0 : i32
      %dma_start3A_62 = arith.constant 0 : i32
      %dma_start3A_63 = tpu.memref_slice %arg5[%add3A, %dma_start3A_61, %dma_start3A_62] : memref<32x81x128xi32, #tpu.memory_space<hbm>> -> memref<1x81x128xi32, #tpu.memory_space<hbm>>
      %dma_start3A_64 = tpu.memref_squeeze %dma_start3A_63 : memref<1x81x128xi32, #tpu.memory_space<hbm>> -> memref<81x128xi32, #tpu.memory_space<hbm>>
      tpu.enqueue_dma source(%dma_start3A_64 : memref<81x128xi32, #tpu.memory_space<hbm>>) target(%arg8 : memref<81x128xi32, #tpu.memory_space<vmem>>) target_semaphore(%run_scoped3A : memref<!tpu.dma_semaphore, #tpu.memory_space<semaphore_mem>>)
      %dma_wait3A = arith.constant 0 : i32
      %dma_wait3A_65 = arith.constant 0 : i32
      %dma_wait3A_66 = tpu.memref_slice %arg5[%add3A, %dma_wait3A, %dma_wait3A_65] : memref<32x81x128xi32, #tpu.memory_space<hbm>> -> memref<1x81x128xi32, #tpu.memory_space<hbm>>
      %dma_wait3A_67 = tpu.memref_squeeze %dma_wait3A_66 : memref<1x81x128xi32, #tpu.memory_space<hbm>> -> memref<81x128xi32, #tpu.memory_space<hbm>>
      %dma_wait3A_68 = arith.constant 0 : i32
      %dma_wait3A_69 = arith.constant 0 : i32
      %dma_wait3A_70 = tpu.memref_slice %arg5[%add3A, %dma_wait3A_68, %dma_wait3A_69] : memref<32x81x128xi32, #tpu.memory_space<hbm>> -> memref<1x81x128xi32, #tpu.memory_space<hbm>>
      %dma_wait3A_71 = tpu.memref_squeeze %dma_wait3A_70 : memref<1x81x128xi32, #tpu.memory_space<hbm>> -> memref<81x128xi32, #tpu.memory_space<hbm>>
      tpu.wait_dma2 semaphore(%run_scoped3A : memref<!tpu.dma_semaphore, #tpu.memory_space<semaphore_mem>>) src(%dma_wait3A_71 : memref<81x128xi32, #tpu.memory_space<hbm>>) dst(%arg8 : memref<81x128xi32, #tpu.memory_space<vmem>>)
      tpu.yield
    }) : () -> ()
    "tpu.region"() ({
      %run_scoped3A = tpu.sem_alloc : memref<!tpu.dma_semaphore, #tpu.memory_space<semaphore_mem>>
      tpu.enqueue_dma source(%arg3 : memref<10112xf32, #tpu.memory_space<hbm>>) target(%arg9 : memref<10112xf32, #tpu.memory_space<vmem>>) target_semaphore(%run_scoped3A : memref<!tpu.dma_semaphore, #tpu.memory_space<semaphore_mem>>)
      tpu.wait_dma2 semaphore(%run_scoped3A : memref<!tpu.dma_semaphore, #tpu.memory_space<semaphore_mem>>) src(%arg3 : memref<10112xf32, #tpu.memory_space<hbm>>) dst(%arg9 : memref<10112xf32, #tpu.memory_space<vmem>>)
      tpu.yield
    }) : () -> ()
    "tpu.region"() ({
      %run_scoped3A = tpu.sem_alloc : memref<!tpu.dma_semaphore, #tpu.memory_space<semaphore_mem>>
      %dma_start3A = arith.constant 0 : i32
      %dma_start3A_58 = arith.constant 0 : i32
      %dma_start3A_59 = tpu.memref_slice %arg2[%add3A, %dma_start3A, %dma_start3A_58] : memref<32x81x128xf32, #tpu.memory_space<hbm>> -> memref<1x81x128xf32, #tpu.memory_space<hbm>>
      %dma_start3A_60 = tpu.memref_squeeze %dma_start3A_59 : memref<1x81x128xf32, #tpu.memory_space<hbm>> -> memref<81x128xf32, #tpu.memory_space<hbm>>
      %dma_start3A_61 = arith.constant 0 : i32
      %dma_start3A_62 = arith.constant 0 : i32
      %dma_start3A_63 = tpu.memref_slice %arg2[%add3A, %dma_start3A_61, %dma_start3A_62] : memref<32x81x128xf32, #tpu.memory_space<hbm>> -> memref<1x81x128xf32, #tpu.memory_space<hbm>>
      %dma_start3A_64 = tpu.memref_squeeze %dma_start3A_63 : memref<1x81x128xf32, #tpu.memory_space<hbm>> -> memref<81x128xf32, #tpu.memory_space<hbm>>
      tpu.enqueue_dma source(%dma_start3A_64 : memref<81x128xf32, #tpu.memory_space<hbm>>) target(%arg10 : memref<81x128xf32, #tpu.memory_space<vmem>>) target_semaphore(%run_scoped3A : memref<!tpu.dma_semaphore, #tpu.memory_space<semaphore_mem>>)
      %dma_wait3A = arith.constant 0 : i32
      %dma_wait3A_65 = arith.constant 0 : i32
      %dma_wait3A_66 = tpu.memref_slice %arg2[%add3A, %dma_wait3A, %dma_wait3A_65] : memref<32x81x128xf32, #tpu.memory_space<hbm>> -> memref<1x81x128xf32, #tpu.memory_space<hbm>>
      %dma_wait3A_67 = tpu.memref_squeeze %dma_wait3A_66 : memref<1x81x128xf32, #tpu.memory_space<hbm>> -> memref<81x128xf32, #tpu.memory_space<hbm>>
      %dma_wait3A_68 = arith.constant 0 : i32
      %dma_wait3A_69 = arith.constant 0 : i32
      %dma_wait3A_70 = tpu.memref_slice %arg2[%add3A, %dma_wait3A_68, %dma_wait3A_69] : memref<32x81x128xf32, #tpu.memory_space<hbm>> -> memref<1x81x128xf32, #tpu.memory_space<hbm>>
      %dma_wait3A_71 = tpu.memref_squeeze %dma_wait3A_70 : memref<1x81x128xf32, #tpu.memory_space<hbm>> -> memref<81x128xf32, #tpu.memory_space<hbm>>
      tpu.wait_dma2 semaphore(%run_scoped3A : memref<!tpu.dma_semaphore, #tpu.memory_space<semaphore_mem>>) src(%dma_wait3A_71 : memref<81x128xf32, #tpu.memory_space<hbm>>) dst(%arg10 : memref<81x128xf32, #tpu.memory_space<vmem>>)
      tpu.yield
    }) : () -> ()
    %broadcast_in_dim3A = arith.constant 0.000000e+00 : f32
    %broadcast_in_dim3A_1 = vector.broadcast %broadcast_in_dim3A : f32 to vector<16xf32>
    %scan3A = arith.constant 0 : i32
    %scan3A_2 = arith.constant 632 : i32
    %scan3A_3 = arith.addi %scan3A, %scan3A_2 : i32
    %scan3A_4 = arith.constant 1 : i32
    scf.for %scan3A_58 = %scan3A to %scan3A_3 step %scan3A_4  : i32 {
      %mul3A_59 = arith.constant 1 : i32
      %mul3A_60 = arith.muli %scan3A_58, %mul3A_59 : i32
      %add3A_61 = arith.constant 0 : i32
      %add3A_62 = arith.addi %add3A_61, %mul3A_60 : i32
      %mul3A_63 = arith.constant 16 : i32
      %mul3A_64 = arith.muli %add3A_62, %mul3A_63 : i32
      %swap3A = arith.index_cast %mul3A_64 : i32 to index
      %swap3A_65 = tpu.vector_load %arg11[%swap3A] {strides = array<i32>} : memref<10112xf32, #tpu.memory_space<vmem>>, vector<16xf32>,
      tpu.vector_store %arg11[%swap3A], %broadcast_in_dim3A_1 {strides = array<i32>} : memref<10112xf32, #tpu.memory_space<vmem>>, vector<16xf32>,
    }
    %scan3A_5 = arith.constant 632 : i32
    %iota3A = tpu.iota {dimensions = array<i32: 0>} : vector<16xi32>
    %broadcast_in_dim3A_6 = arith.constant 0 : i32
    %broadcast_in_dim3A_7 = vector.broadcast %broadcast_in_dim3A_6 : i32 to vector<16xi32>
    %eq3A = arith.cmpi eq, %iota3A, %broadcast_in_dim3A_7 : vector<16xi32>
    %broadcast_in_dim3A_8 = arith.constant 1 : i32
    %broadcast_in_dim3A_9 = vector.broadcast %broadcast_in_dim3A_8 : i32 to vector<16xi32>
    %eq3A_10 = arith.cmpi eq, %iota3A, %broadcast_in_dim3A_9 : vector<16xi32>
    %broadcast_in_dim3A_11 = arith.constant 2 : i32
    %broadcast_in_dim3A_12 = vector.broadcast %broadcast_in_dim3A_11 : i32 to vector<16xi32>
    %eq3A_13 = arith.cmpi eq, %iota3A, %broadcast_in_dim3A_12 : vector<16xi32>
    %broadcast_in_dim3A_14 = arith.constant 3 : i32
    %broadcast_in_dim3A_15 = vector.broadcast %broadcast_in_dim3A_14 : i32 to vector<16xi32>
    %eq3A_16 = arith.cmpi eq, %iota3A, %broadcast_in_dim3A_15 : vector<16xi32>
    %broadcast_in_dim3A_17 = arith.constant 4 : i32
    %broadcast_in_dim3A_18 = vector.broadcast %broadcast_in_dim3A_17 : i32 to vector<16xi32>
    %eq3A_19 = arith.cmpi eq, %iota3A, %broadcast_in_dim3A_18 : vector<16xi32>
    %broadcast_in_dim3A_20 = arith.constant 5 : i32
    %broadcast_in_dim3A_21 = vector.broadcast %broadcast_in_dim3A_20 : i32 to vector<16xi32>
    %eq3A_22 = arith.cmpi eq, %iota3A, %broadcast_in_dim3A_21 : vector<16xi32>
    %broadcast_in_dim3A_23 = arith.constant 6 : i32
    %broadcast_in_dim3A_24 = vector.broadcast %broadcast_in_dim3A_23 : i32 to vector<16xi32>
    %eq3A_25 = arith.cmpi eq, %iota3A, %broadcast_in_dim3A_24 : vector<16xi32>
    %broadcast_in_dim3A_26 = arith.constant 7 : i32
    %broadcast_in_dim3A_27 = vector.broadcast %broadcast_in_dim3A_26 : i32 to vector<16xi32>
    %eq3A_28 = arith.cmpi eq, %iota3A, %broadcast_in_dim3A_27 : vector<16xi32>
    %broadcast_in_dim3A_29 = arith.constant 8 : i32
    %broadcast_in_dim3A_30 = vector.broadcast %broadcast_in_dim3A_29 : i32 to vector<16xi32>
    %eq3A_31 = arith.cmpi eq, %iota3A, %broadcast_in_dim3A_30 : vector<16xi32>
    %broadcast_in_dim3A_32 = arith.constant 9 : i32
    %broadcast_in_dim3A_33 = vector.broadcast %broadcast_in_dim3A_32 : i32 to vector<16xi32>
    %eq3A_34 = arith.cmpi eq, %iota3A, %broadcast_in_dim3A_33 : vector<16xi32>
    %broadcast_in_dim3A_35 = arith.constant 10 : i32
    %broadcast_in_dim3A_36 = vector.broadcast %broadcast_in_dim3A_35 : i32 to vector<16xi32>
    %eq3A_37 = arith.cmpi eq, %iota3A, %broadcast_in_dim3A_36 : vector<16xi32>
    %broadcast_in_dim3A_38 = arith.constant 11 : i32
    %broadcast_in_dim3A_39 = vector.broadcast %broadcast_in_dim3A_38 : i32 to vector<16xi32>
    %eq3A_40 = arith.cmpi eq, %iota3A, %broadcast_in_dim3A_39 : vector<16xi32>
    %broadcast_in_dim3A_41 = arith.constant 12 : i32
    %broadcast_in_dim3A_42 = vector.broadcast %broadcast_in_dim3A_41 : i32 to vector<16xi32>
    %eq3A_43 = arith.cmpi eq, %iota3A, %broadcast_in_dim3A_42 : vector<16xi32>
    %broadcast_in_dim3A_44 = arith.constant 13 : i32
    %broadcast_in_dim3A_45 = vector.broadcast %broadcast_in_dim3A_44 : i32 to vector<16xi32>
    %eq3A_46 = arith.cmpi eq, %iota3A, %broadcast_in_dim3A_45 : vector<16xi32>
    %broadcast_in_dim3A_47 = arith.constant 14 : i32
    %broadcast_in_dim3A_48 = vector.broadcast %broadcast_in_dim3A_47 : i32 to vector<16xi32>
    %eq3A_49 = arith.cmpi eq, %iota3A, %broadcast_in_dim3A_48 : vector<16xi32>
    %broadcast_in_dim3A_50 = arith.constant 15 : i32
    %broadcast_in_dim3A_51 = vector.broadcast %broadcast_in_dim3A_50 : i32 to vector<16xi32>
    %eq3A_52 = arith.cmpi eq, %iota3A, %broadcast_in_dim3A_51 : vector<16xi32>
    %scan3A_53 = arith.constant 0 : i32
    %scan3A_54 = arith.constant 81 : i32
    %scan3A_55 = arith.addi %scan3A_53, %scan3A_54 : i32
    %scan3A_56 = arith.constant 1 : i32
    scf.for %scan3A_58 = %scan3A_53 to %scan3A_55 step %scan3A_56  : i32 {
      %mul3A_59 = arith.constant 1 : i32
      %mul3A_60 = arith.muli %scan3A_58, %mul3A_59 : i32
      %add3A_61 = arith.constant 0 : i32
      %add3A_62 = arith.addi %add3A_61, %mul3A_60 : i32
      %scan3A_63 = arith.constant 0 : i32
      %scan3A_64 = arith.constant 8 : i32
      %scan3A_65 = arith.addi %scan3A_63, %scan3A_64 : i32
      %scan3A_66 = arith.constant 1 : i32
      scf.for %scan3A_68 = %scan3A_63 to %scan3A_65 step %scan3A_66  : i32 {
        %mul3A_69 = arith.constant 1 : i32
        %mul3A_70 = arith.muli %scan3A_68, %mul3A_69 : i32
        %add3A_71 = arith.constant 0 : i32
        %add3A_72 = arith.addi %add3A_71, %mul3A_70 : i32
        %mul3A_73 = arith.constant 16 : i32
        %mul3A_74 = arith.muli %add3A_72, %mul3A_73 : i32
        %get3A = arith.index_cast %add3A_62 : i32 to index
        %get3A_75 = arith.index_cast %mul3A_74 : i32 to index
        %get3A_76 = tpu.vector_load %arg7[%get3A, %get3A_75] {strides = array<i32>} : memref<81x128xi32, #tpu.memory_space<vmem>>, vector<16xi32>,
        %mul3A_77 = arith.constant 16 : i32
        %mul3A_78 = arith.muli %add3A_72, %mul3A_77 : i32
        %get3A_79 = arith.index_cast %add3A_62 : i32 to index
        %get3A_80 = arith.index_cast %mul3A_78 : i32 to index
        %get3A_81 = tpu.vector_load %arg8[%get3A_79, %get3A_80] {strides = array<i32>} : memref<81x128xi32, #tpu.memory_space<vmem>>, vector<16xi32>,
        %mul3A_82 = arith.constant 16 : i32
        %mul3A_83 = arith.muli %add3A_72, %mul3A_82 : i32
        %get3A_84 = arith.index_cast %add3A_62 : i32 to index
        %get3A_85 = arith.index_cast %mul3A_83 : i32 to index
        %get3A_86 = tpu.vector_load %arg10[%get3A_84, %get3A_85] {strides = array<i32>} : memref<81x128xf32, #tpu.memory_space<vmem>>, vector<16xf32>,
        %gather3A = tpu.vector_load_idx %arg9[%get3A_81] : memref<10112xf32, #tpu.memory_space<vmem>>[vector<16xi32>], vector<16xf32>,
        %mul3A_87 = arith.mulf %get3A_86, %gather3A : vector<16xf32>
        tpu.vector_store_idx %arg11[%get3A_76], %mul3A_87 masked %eq3A {add = true} : memref<10112xf32, #tpu.memory_space<vmem>>[vector<16xi32>], vector<16xf32>, vector<16xi1>
        tpu.vector_store_idx %arg11[%get3A_76], %mul3A_87 masked %eq3A_10 {add = true} : memref<10112xf32, #tpu.memory_space<vmem>>[vector<16xi32>], vector<16xf32>, vector<16xi1>
        tpu.vector_store_idx %arg11[%get3A_76], %mul3A_87 masked %eq3A_13 {add = true} : memref<10112xf32, #tpu.memory_space<vmem>>[vector<16xi32>], vector<16xf32>, vector<16xi1>
        tpu.vector_store_idx %arg11[%get3A_76], %mul3A_87 masked %eq3A_16 {add = true} : memref<10112xf32, #tpu.memory_space<vmem>>[vector<16xi32>], vector<16xf32>, vector<16xi1>
        tpu.vector_store_idx %arg11[%get3A_76], %mul3A_87 masked %eq3A_19 {add = true} : memref<10112xf32, #tpu.memory_space<vmem>>[vector<16xi32>], vector<16xf32>, vector<16xi1>
        tpu.vector_store_idx %arg11[%get3A_76], %mul3A_87 masked %eq3A_22 {add = true} : memref<10112xf32, #tpu.memory_space<vmem>>[vector<16xi32>], vector<16xf32>, vector<16xi1>
        tpu.vector_store_idx %arg11[%get3A_76], %mul3A_87 masked %eq3A_25 {add = true} : memref<10112xf32, #tpu.memory_space<vmem>>[vector<16xi32>], vector<16xf32>, vector<16xi1>
        tpu.vector_store_idx %arg11[%get3A_76], %mul3A_87 masked %eq3A_28 {add = true} : memref<10112xf32, #tpu.memory_space<vmem>>[vector<16xi32>], vector<16xf32>, vector<16xi1>
        tpu.vector_store_idx %arg11[%get3A_76], %mul3A_87 masked %eq3A_31 {add = true} : memref<10112xf32, #tpu.memory_space<vmem>>[vector<16xi32>], vector<16xf32>, vector<16xi1>
        tpu.vector_store_idx %arg11[%get3A_76], %mul3A_87 masked %eq3A_34 {add = true} : memref<10112xf32, #tpu.memory_space<vmem>>[vector<16xi32>], vector<16xf32>, vector<16xi1>
        tpu.vector_store_idx %arg11[%get3A_76], %mul3A_87 masked %eq3A_37 {add = true} : memref<10112xf32, #tpu.memory_space<vmem>>[vector<16xi32>], vector<16xf32>, vector<16xi1>
        tpu.vector_store_idx %arg11[%get3A_76], %mul3A_87 masked %eq3A_40 {add = true} : memref<10112xf32, #tpu.memory_space<vmem>>[vector<16xi32>], vector<16xf32>, vector<16xi1>
        tpu.vector_store_idx %arg11[%get3A_76], %mul3A_87 masked %eq3A_43 {add = true} : memref<10112xf32, #tpu.memory_space<vmem>>[vector<16xi32>], vector<16xf32>, vector<16xi1>
        tpu.vector_store_idx %arg11[%get3A_76], %mul3A_87 masked %eq3A_46 {add = true} : memref<10112xf32, #tpu.memory_space<vmem>>[vector<16xi32>], vector<16xf32>, vector<16xi1>
        tpu.vector_store_idx %arg11[%get3A_76], %mul3A_87 masked %eq3A_49 {add = true} : memref<10112xf32, #tpu.memory_space<vmem>>[vector<16xi32>], vector<16xf32>, vector<16xi1>
        tpu.vector_store_idx %arg11[%get3A_76], %mul3A_87 masked %eq3A_52 {add = true} : memref<10112xf32, #tpu.memory_space<vmem>>[vector<16xi32>], vector<16xf32>, vector<16xi1>
      }
      %scan3A_67 = arith.constant 8 : i32
    }
    %scan3A_57 = arith.constant 81 : i32
    "tpu.region"() ({
      %run_scoped3A = tpu.sem_alloc : memref<!tpu.dma_semaphore, #tpu.memory_space<semaphore_mem>>
      %dma_start3A = arith.constant 0 : i32
      %dma_start3A_58 = tpu.memref_slice %arg6[%add3A, %dma_start3A] : memref<32x10112xf32, #tpu.memory_space<hbm>> -> memref<1x10112xf32, #tpu.memory_space<hbm>>
      %dma_start3A_59 = tpu.memref_squeeze %dma_start3A_58 : memref<1x10112xf32, #tpu.memory_space<hbm>> -> memref<10112xf32, #tpu.memory_space<hbm>>
      %dma_start3A_60 = arith.constant 0 : i32
      %dma_start3A_61 = tpu.memref_slice %arg6[%add3A, %dma_start3A_60] : memref<32x10112xf32, #tpu.memory_space<hbm>> -> memref<1x10112xf32, #tpu.memory_space<hbm>>
      %dma_start3A_62 = tpu.memref_squeeze %dma_start3A_61 : memref<1x10112xf32, #tpu.memory_space<hbm>> -> memref<10112xf32, #tpu.memory_space<hbm>>
      tpu.enqueue_dma source(%arg11 : memref<10112xf32, #tpu.memory_space<vmem>>) target(%dma_start3A_62 : memref<10112xf32, #tpu.memory_space<hbm>>) target_semaphore(%run_scoped3A : memref<!tpu.dma_semaphore, #tpu.memory_space<semaphore_mem>>)
      %dma_wait3A = arith.constant 0 : i32
      %dma_wait3A_63 = tpu.memref_slice %arg6[%add3A, %dma_wait3A] : memref<32x10112xf32, #tpu.memory_space<hbm>> -> memref<1x10112xf32, #tpu.memory_space<hbm>>
      %dma_wait3A_64 = tpu.memref_squeeze %dma_wait3A_63 : memref<1x10112xf32, #tpu.memory_space<hbm>> -> memref<10112xf32, #tpu.memory_space<hbm>>
      %dma_wait3A_65 = arith.constant 0 : i32
      %dma_wait3A_66 = tpu.memref_slice %arg6[%add3A, %dma_wait3A_65] : memref<32x10112xf32, #tpu.memory_space<hbm>> -> memref<1x10112xf32, #tpu.memory_space<hbm>>
      %dma_wait3A_67 = tpu.memref_squeeze %dma_wait3A_66 : memref<1x10112xf32, #tpu.memory_space<hbm>> -> memref<10112xf32, #tpu.memory_space<hbm>>
      tpu.wait_dma2 semaphore(%run_scoped3A : memref<!tpu.dma_semaphore, #tpu.memory_space<semaphore_mem>>) src(%arg11 : memref<10112xf32, #tpu.memory_space<vmem>>) dst(%dma_wait3A_67 : memref<10112xf32, #tpu.memory_space<hbm>>)
      tpu.yield
    }) : () -> ()
    return
  }
}

#map = affine_map<(d0, d1) -> (0, 0)>
#map1 = affine_map<(d0, d1) -> (0, 0, 0)>
module attributes {stable_mosaic.version = 14 : i64} {
  func.func @_sch_body(%arg0: i32, %arg1: i32, %arg2: memref<10112x128xf32, #tpu.memory_space<hbm>>, %arg3: memref<32x81x128xf32, #tpu.memory_space<hbm>>, %arg4: memref<32x81x128xi32, #tpu.memory_space<hbm>>, %arg5: memref<32x81x128xi32, #tpu.memory_space<hbm>>, %arg6: memref<2x10112x128xf32, #tpu.memory_space<hbm>>, %arg7: memref<81x128xi32, #tpu.memory_space<vmem>>, %arg8: memref<81x128xi32, #tpu.memory_space<vmem>>, %arg9: memref<81x128xf32, #tpu.memory_space<vmem>>, %arg10: memref<128x128xf32, #tpu.memory_space<vmem>>, %arg11: memref<10112x128xf32, #tpu.memory_space<vmem_shared>>, %arg12: memref<!tpu.dma_semaphore, #tpu.memory_space<semaphore_mem>>) attributes {dimension_semantics = [#tpu.dimension_semantics<core_parallel>, #tpu.dimension_semantics<subcore_parallel>], iteration_bounds = array<i64: 2, 16>, scalar_prefetch = 0 : i64, scratch_operands = 6 : i64, tpu.core_type = #tpu.core_type<sc_vector_subcore>, window_params = [{transform_indices = #map}, {transform_indices = #map1}, {transform_indices = #map1}, {transform_indices = #map1}, {transform_indices = #map1}]} {
    %mul3A = arith.constant 2 : i32
    %mul3A_0 = arith.muli %arg1, %mul3A : i32
    %add3A = arith.addi %mul3A_0, %arg0 : i32
    %mul3A_1 = arith.constant 632 : i32
    %mul3A_2 = arith.muli %arg1, %mul3A_1 : i32
    %broadcast_in_dim3A = arith.constant 0.000000e+00 : f32
    %broadcast_in_dim3A_3 = vector.broadcast %broadcast_in_dim3A : f32 to vector<16xf32>
    %scan3A = arith.constant 0 : i32
    %scan3A_4 = arith.constant 128 : i32
    %scan3A_5 = arith.addi %scan3A, %scan3A_4 : i32
    %scan3A_6 = arith.constant 1 : i32
    scf.for %scan3A_29 = %scan3A to %scan3A_5 step %scan3A_6  : i32 {
      %mul3A_30 = arith.constant 1 : i32
      %mul3A_31 = arith.muli %scan3A_29, %mul3A_30 : i32
      %add3A_32 = arith.constant 0 : i32
      %add3A_33 = arith.addi %add3A_32, %mul3A_31 : i32
      %scan3A_34 = arith.constant 0 : i32
      %scan3A_35 = arith.constant 8 : i32
      %scan3A_36 = arith.addi %scan3A_34, %scan3A_35 : i32
      %scan3A_37 = arith.constant 1 : i32
      scf.for %scan3A_39 = %scan3A_34 to %scan3A_36 step %scan3A_37  : i32 {
        %mul3A_40 = arith.constant 1 : i32
        %mul3A_41 = arith.muli %scan3A_39, %mul3A_40 : i32
        %add3A_42 = arith.constant 0 : i32
        %add3A_43 = arith.addi %add3A_42, %mul3A_41 : i32
        %mul3A_44 = arith.constant 16 : i32
        %mul3A_45 = arith.muli %add3A_43, %mul3A_44 : i32
        %swap3A = arith.index_cast %add3A_33 : i32 to index
        %swap3A_46 = arith.index_cast %mul3A_45 : i32 to index
        %swap3A_47 = tpu.vector_load %arg10[%swap3A, %swap3A_46] {strides = array<i32>} : memref<128x128xf32, #tpu.memory_space<vmem>>, vector<16xf32>,
        tpu.vector_store %arg10[%swap3A, %swap3A_46], %broadcast_in_dim3A_3 {strides = array<i32>} : memref<128x128xf32, #tpu.memory_space<vmem>>, vector<16xf32>,
      }
      %scan3A_38 = arith.constant 8 : i32
    }
    %scan3A_7 = arith.constant 128 : i32
    %scan3A_8 = arith.constant 0 : i32
    %scan3A_9 = arith.constant 4 : i32
    %scan3A_10 = arith.addi %scan3A_8, %scan3A_9 : i32
    %scan3A_11 = arith.constant 1 : i32
    scf.for %scan3A_29 = %scan3A_8 to %scan3A_10 step %scan3A_11  : i32 {
      %mul3A_30 = arith.constant 1 : i32
      %mul3A_31 = arith.muli %scan3A_29, %mul3A_30 : i32
      %add3A_32 = arith.constant 0 : i32
      %add3A_33 = arith.addi %add3A_32, %mul3A_31 : i32
      %mul3A_34 = arith.constant 128 : i32
      %mul3A_35 = arith.muli %add3A_33, %mul3A_34 : i32
      %add3A_36 = arith.addi %mul3A_2, %mul3A_35 : i32
      "tpu.region"() ({
        %run_scoped3A = tpu.sem_alloc : memref<!tpu.dma_semaphore, #tpu.memory_space<semaphore_mem>>
        %dma_start3A = arith.constant 0 : i32
        %dma_start3A_37 = tpu.memref_slice %arg11[%add3A_36, %dma_start3A] : memref<10112x128xf32, #tpu.memory_space<vmem_shared>> -> memref<128x128xf32, #tpu.memory_space<vmem_shared>>
        %dma_start3A_38 = arith.constant 0 : i32
        %dma_start3A_39 = tpu.memref_slice %arg11[%add3A_36, %dma_start3A_38] : memref<10112x128xf32, #tpu.memory_space<vmem_shared>> -> memref<128x128xf32, #tpu.memory_space<vmem_shared>>
        tpu.enqueue_dma source(%arg10 : memref<128x128xf32, #tpu.memory_space<vmem>>) target(%dma_start3A_39 : memref<128x128xf32, #tpu.memory_space<vmem_shared>>) target_semaphore(%run_scoped3A : memref<!tpu.dma_semaphore, #tpu.memory_space<semaphore_mem>>)
        %dma_wait3A = arith.constant 0 : i32
        %dma_wait3A_40 = tpu.memref_slice %arg11[%add3A_36, %dma_wait3A] : memref<10112x128xf32, #tpu.memory_space<vmem_shared>> -> memref<128x128xf32, #tpu.memory_space<vmem_shared>>
        %dma_wait3A_41 = arith.constant 0 : i32
        %dma_wait3A_42 = tpu.memref_slice %arg11[%add3A_36, %dma_wait3A_41] : memref<10112x128xf32, #tpu.memory_space<vmem_shared>> -> memref<128x128xf32, #tpu.memory_space<vmem_shared>>
        tpu.wait_dma2 semaphore(%run_scoped3A : memref<!tpu.dma_semaphore, #tpu.memory_space<semaphore_mem>>) src(%arg10 : memref<128x128xf32, #tpu.memory_space<vmem>>) dst(%dma_wait3A_42 : memref<128x128xf32, #tpu.memory_space<vmem_shared>>)
        tpu.yield
      }) : () -> ()
    }
    %scan3A_12 = arith.constant 4 : i32
    %add3A_13 = arith.constant 512 : i32
    %add3A_14 = arith.addi %mul3A_2, %add3A_13 : i32
    "tpu.region"() ({
      %run_scoped3A = tpu.sem_alloc : memref<!tpu.dma_semaphore, #tpu.memory_space<semaphore_mem>>
      %dma_start3A = arith.constant 0 : i32
      %dma_start3A_29 = arith.constant 0 : i32
      %dma_start3A_30 = tpu.memref_slice %arg10[%dma_start3A, %dma_start3A_29] : memref<128x128xf32, #tpu.memory_space<vmem>> -> memref<120x128xf32, #tpu.memory_space<vmem>>
      %dma_start3A_31 = arith.constant 0 : i32
      %dma_start3A_32 = tpu.memref_slice %arg11[%add3A_14, %dma_start3A_31] : memref<10112x128xf32, #tpu.memory_space<vmem_shared>> -> memref<120x128xf32, #tpu.memory_space<vmem_shared>>
      %dma_start3A_33 = arith.constant 0 : i32
      %dma_start3A_34 = tpu.memref_slice %arg11[%add3A_14, %dma_start3A_33] : memref<10112x128xf32, #tpu.memory_space<vmem_shared>> -> memref<120x128xf32, #tpu.memory_space<vmem_shared>>
      %dma_start3A_35 = arith.constant 0 : i32
      %dma_start3A_36 = arith.constant 0 : i32
      %dma_start3A_37 = tpu.memref_slice %arg10[%dma_start3A_35, %dma_start3A_36] : memref<128x128xf32, #tpu.memory_space<vmem>> -> memref<120x128xf32, #tpu.memory_space<vmem>>
      tpu.enqueue_dma source(%dma_start3A_37 : memref<120x128xf32, #tpu.memory_space<vmem>>) target(%dma_start3A_34 : memref<120x128xf32, #tpu.memory_space<vmem_shared>>) target_semaphore(%run_scoped3A : memref<!tpu.dma_semaphore, #tpu.memory_space<semaphore_mem>>)
      %dma_wait3A = arith.constant 0 : i32
      %dma_wait3A_38 = arith.constant 0 : i32
      %dma_wait3A_39 = tpu.memref_slice %arg10[%dma_wait3A, %dma_wait3A_38] : memref<128x128xf32, #tpu.memory_space<vmem>> -> memref<120x128xf32, #tpu.memory_space<vmem>>
      %dma_wait3A_40 = arith.constant 0 : i32
      %dma_wait3A_41 = tpu.memref_slice %arg11[%add3A_14, %dma_wait3A_40] : memref<10112x128xf32, #tpu.memory_space<vmem_shared>> -> memref<120x128xf32, #tpu.memory_space<vmem_shared>>
      %dma_wait3A_42 = arith.constant 0 : i32
      %dma_wait3A_43 = tpu.memref_slice %arg11[%add3A_14, %dma_wait3A_42] : memref<10112x128xf32, #tpu.memory_space<vmem_shared>> -> memref<120x128xf32, #tpu.memory_space<vmem_shared>>
      %dma_wait3A_44 = arith.constant 0 : i32
      %dma_wait3A_45 = arith.constant 0 : i32
      %dma_wait3A_46 = tpu.memref_slice %arg10[%dma_wait3A_44, %dma_wait3A_45] : memref<128x128xf32, #tpu.memory_space<vmem>> -> memref<120x128xf32, #tpu.memory_space<vmem>>
      tpu.wait_dma2 semaphore(%run_scoped3A : memref<!tpu.dma_semaphore, #tpu.memory_space<semaphore_mem>>) src(%dma_wait3A_46 : memref<120x128xf32, #tpu.memory_space<vmem>>) dst(%dma_wait3A_43 : memref<120x128xf32, #tpu.memory_space<vmem_shared>>)
      tpu.yield
    }) : () -> ()
    %delay3A = arith.constant 3000 : i32
    tpu.delay %delay3A
    %barrier3A = arith.constant 0 : index
    tpu.barrier barrier_id(%barrier3A)
    "tpu.region"() ({
      %run_scoped3A = tpu.sem_alloc : memref<!tpu.dma_semaphore, #tpu.memory_space<semaphore_mem>>
      %dma_start3A = arith.constant 0 : i32
      %dma_start3A_29 = arith.constant 0 : i32
      %dma_start3A_30 = tpu.memref_slice %arg4[%add3A, %dma_start3A, %dma_start3A_29] : memref<32x81x128xi32, #tpu.memory_space<hbm>> -> memref<1x81x128xi32, #tpu.memory_space<hbm>>
      %dma_start3A_31 = tpu.memref_squeeze %dma_start3A_30 : memref<1x81x128xi32, #tpu.memory_space<hbm>> -> memref<81x128xi32, #tpu.memory_space<hbm>>
      %dma_start3A_32 = arith.constant 0 : i32
      %dma_start3A_33 = arith.constant 0 : i32
      %dma_start3A_34 = tpu.memref_slice %arg4[%add3A, %dma_start3A_32, %dma_start3A_33] : memref<32x81x128xi32, #tpu.memory_space<hbm>> -> memref<1x81x128xi32, #tpu.memory_space<hbm>>
      %dma_start3A_35 = tpu.memref_squeeze %dma_start3A_34 : memref<1x81x128xi32, #tpu.memory_space<hbm>> -> memref<81x128xi32, #tpu.memory_space<hbm>>
      tpu.enqueue_dma source(%dma_start3A_35 : memref<81x128xi32, #tpu.memory_space<hbm>>) target(%arg7 : memref<81x128xi32, #tpu.memory_space<vmem>>) target_semaphore(%run_scoped3A : memref<!tpu.dma_semaphore, #tpu.memory_space<semaphore_mem>>)
      %dma_wait3A = arith.constant 0 : i32
      %dma_wait3A_36 = arith.constant 0 : i32
      %dma_wait3A_37 = tpu.memref_slice %arg4[%add3A, %dma_wait3A, %dma_wait3A_36] : memref<32x81x128xi32, #tpu.memory_space<hbm>> -> memref<1x81x128xi32, #tpu.memory_space<hbm>>
      %dma_wait3A_38 = tpu.memref_squeeze %dma_wait3A_37 : memref<1x81x128xi32, #tpu.memory_space<hbm>> -> memref<81x128xi32, #tpu.memory_space<hbm>>
      %dma_wait3A_39 = arith.constant 0 : i32
      %dma_wait3A_40 = arith.constant 0 : i32
      %dma_wait3A_41 = tpu.memref_slice %arg4[%add3A, %dma_wait3A_39, %dma_wait3A_40] : memref<32x81x128xi32, #tpu.memory_space<hbm>> -> memref<1x81x128xi32, #tpu.memory_space<hbm>>
      %dma_wait3A_42 = tpu.memref_squeeze %dma_wait3A_41 : memref<1x81x128xi32, #tpu.memory_space<hbm>> -> memref<81x128xi32, #tpu.memory_space<hbm>>
      tpu.wait_dma2 semaphore(%run_scoped3A : memref<!tpu.dma_semaphore, #tpu.memory_space<semaphore_mem>>) src(%dma_wait3A_42 : memref<81x128xi32, #tpu.memory_space<hbm>>) dst(%arg7 : memref<81x128xi32, #tpu.memory_space<vmem>>)
      tpu.yield
    }) : () -> ()
    "tpu.region"() ({
      %run_scoped3A = tpu.sem_alloc : memref<!tpu.dma_semaphore, #tpu.memory_space<semaphore_mem>>
      %dma_start3A = arith.constant 0 : i32
      %dma_start3A_29 = arith.constant 0 : i32
      %dma_start3A_30 = tpu.memref_slice %arg5[%add3A, %dma_start3A, %dma_start3A_29] : memref<32x81x128xi32, #tpu.memory_space<hbm>> -> memref<1x81x128xi32, #tpu.memory_space<hbm>>
      %dma_start3A_31 = tpu.memref_squeeze %dma_start3A_30 : memref<1x81x128xi32, #tpu.memory_space<hbm>> -> memref<81x128xi32, #tpu.memory_space<hbm>>
      %dma_start3A_32 = arith.constant 0 : i32
      %dma_start3A_33 = arith.constant 0 : i32
      %dma_start3A_34 = tpu.memref_slice %arg5[%add3A, %dma_start3A_32, %dma_start3A_33] : memref<32x81x128xi32, #tpu.memory_space<hbm>> -> memref<1x81x128xi32, #tpu.memory_space<hbm>>
      %dma_start3A_35 = tpu.memref_squeeze %dma_start3A_34 : memref<1x81x128xi32, #tpu.memory_space<hbm>> -> memref<81x128xi32, #tpu.memory_space<hbm>>
      tpu.enqueue_dma source(%dma_start3A_35 : memref<81x128xi32, #tpu.memory_space<hbm>>) target(%arg8 : memref<81x128xi32, #tpu.memory_space<vmem>>) target_semaphore(%run_scoped3A : memref<!tpu.dma_semaphore, #tpu.memory_space<semaphore_mem>>)
      %dma_wait3A = arith.constant 0 : i32
      %dma_wait3A_36 = arith.constant 0 : i32
      %dma_wait3A_37 = tpu.memref_slice %arg5[%add3A, %dma_wait3A, %dma_wait3A_36] : memref<32x81x128xi32, #tpu.memory_space<hbm>> -> memref<1x81x128xi32, #tpu.memory_space<hbm>>
      %dma_wait3A_38 = tpu.memref_squeeze %dma_wait3A_37 : memref<1x81x128xi32, #tpu.memory_space<hbm>> -> memref<81x128xi32, #tpu.memory_space<hbm>>
      %dma_wait3A_39 = arith.constant 0 : i32
      %dma_wait3A_40 = arith.constant 0 : i32
      %dma_wait3A_41 = tpu.memref_slice %arg5[%add3A, %dma_wait3A_39, %dma_wait3A_40] : memref<32x81x128xi32, #tpu.memory_space<hbm>> -> memref<1x81x128xi32, #tpu.memory_space<hbm>>
      %dma_wait3A_42 = tpu.memref_squeeze %dma_wait3A_41 : memref<1x81x128xi32, #tpu.memory_space<hbm>> -> memref<81x128xi32, #tpu.memory_space<hbm>>
      tpu.wait_dma2 semaphore(%run_scoped3A : memref<!tpu.dma_semaphore, #tpu.memory_space<semaphore_mem>>) src(%dma_wait3A_42 : memref<81x128xi32, #tpu.memory_space<hbm>>) dst(%arg8 : memref<81x128xi32, #tpu.memory_space<vmem>>)
      tpu.yield
    }) : () -> ()
    "tpu.region"() ({
      %run_scoped3A = tpu.sem_alloc : memref<!tpu.dma_semaphore, #tpu.memory_space<semaphore_mem>>
      %dma_start3A = arith.constant 0 : i32
      %dma_start3A_29 = arith.constant 0 : i32
      %dma_start3A_30 = tpu.memref_slice %arg3[%add3A, %dma_start3A, %dma_start3A_29] : memref<32x81x128xf32, #tpu.memory_space<hbm>> -> memref<1x81x128xf32, #tpu.memory_space<hbm>>
      %dma_start3A_31 = tpu.memref_squeeze %dma_start3A_30 : memref<1x81x128xf32, #tpu.memory_space<hbm>> -> memref<81x128xf32, #tpu.memory_space<hbm>>
      %dma_start3A_32 = arith.constant 0 : i32
      %dma_start3A_33 = arith.constant 0 : i32
      %dma_start3A_34 = tpu.memref_slice %arg3[%add3A, %dma_start3A_32, %dma_start3A_33] : memref<32x81x128xf32, #tpu.memory_space<hbm>> -> memref<1x81x128xf32, #tpu.memory_space<hbm>>
      %dma_start3A_35 = tpu.memref_squeeze %dma_start3A_34 : memref<1x81x128xf32, #tpu.memory_space<hbm>> -> memref<81x128xf32, #tpu.memory_space<hbm>>
      tpu.enqueue_dma source(%dma_start3A_35 : memref<81x128xf32, #tpu.memory_space<hbm>>) target(%arg9 : memref<81x128xf32, #tpu.memory_space<vmem>>) target_semaphore(%run_scoped3A : memref<!tpu.dma_semaphore, #tpu.memory_space<semaphore_mem>>)
      %dma_wait3A = arith.constant 0 : i32
      %dma_wait3A_36 = arith.constant 0 : i32
      %dma_wait3A_37 = tpu.memref_slice %arg3[%add3A, %dma_wait3A, %dma_wait3A_36] : memref<32x81x128xf32, #tpu.memory_space<hbm>> -> memref<1x81x128xf32, #tpu.memory_space<hbm>>
      %dma_wait3A_38 = tpu.memref_squeeze %dma_wait3A_37 : memref<1x81x128xf32, #tpu.memory_space<hbm>> -> memref<81x128xf32, #tpu.memory_space<hbm>>
      %dma_wait3A_39 = arith.constant 0 : i32
      %dma_wait3A_40 = arith.constant 0 : i32
      %dma_wait3A_41 = tpu.memref_slice %arg3[%add3A, %dma_wait3A_39, %dma_wait3A_40] : memref<32x81x128xf32, #tpu.memory_space<hbm>> -> memref<1x81x128xf32, #tpu.memory_space<hbm>>
      %dma_wait3A_42 = tpu.memref_squeeze %dma_wait3A_41 : memref<1x81x128xf32, #tpu.memory_space<hbm>> -> memref<81x128xf32, #tpu.memory_space<hbm>>
      tpu.wait_dma2 semaphore(%run_scoped3A : memref<!tpu.dma_semaphore, #tpu.memory_space<semaphore_mem>>) src(%dma_wait3A_42 : memref<81x128xf32, #tpu.memory_space<hbm>>) dst(%arg9 : memref<81x128xf32, #tpu.memory_space<vmem>>)
      tpu.yield
    }) : () -> ()
    %scan3A_15 = arith.constant 0 : i32
    %scan3A_16 = arith.constant 81 : i32
    %scan3A_17 = arith.addi %scan3A_15, %scan3A_16 : i32
    %scan3A_18 = arith.constant 1 : i32
    scf.for %scan3A_29 = %scan3A_15 to %scan3A_17 step %scan3A_18  : i32 {
      %mul3A_30 = arith.constant 1 : i32
      %mul3A_31 = arith.muli %scan3A_29, %mul3A_30 : i32
      %add3A_32 = arith.constant 0 : i32
      %add3A_33 = arith.addi %add3A_32, %mul3A_31 : i32
      %dma_start3A = arith.constant 0 : i32
      %dma_start3A_34 = tpu.memref_slice %arg7[%add3A_33, %dma_start3A] : memref<81x128xi32, #tpu.memory_space<vmem>> -> memref<1x128xi32, #tpu.memory_space<vmem>>
      %dma_start3A_35 = tpu.memref_squeeze %dma_start3A_34 : memref<1x128xi32, #tpu.memory_space<vmem>> -> memref<128xi32, #tpu.memory_space<vmem>>
      %dma_start3A_36 = arith.constant 0 : i32
      %dma_start3A_37 = arith.constant 0 : i32
      %dma_start3A_38 = tpu.memref_slice %arg2[%dma_start3A_36, %dma_start3A_37] : memref<10112x128xf32, #tpu.memory_space<hbm>> -> memref<10112x128xf32, #tpu.memory_space<hbm>>
      tpu.enqueue_indirect_dma source(%dma_start3A_38 : memref<10112x128xf32, #tpu.memory_space<hbm>>) target(%arg10 : memref<128x128xf32, #tpu.memory_space<vmem>>) offsets(%dma_start3A_35 : memref<128xi32, #tpu.memory_space<vmem>>) semaphore(%arg12 : memref<!tpu.dma_semaphore, #tpu.memory_space<semaphore_mem>>)
      %dma_wait3A = arith.constant 0 : i32
      %dma_wait3A_39 = tpu.memref_slice %arg7[%add3A_33, %dma_wait3A] : memref<81x128xi32, #tpu.memory_space<vmem>> -> memref<1x128xi32, #tpu.memory_space<vmem>>
      %dma_wait3A_40 = tpu.memref_squeeze %dma_wait3A_39 : memref<1x128xi32, #tpu.memory_space<vmem>> -> memref<128xi32, #tpu.memory_space<vmem>>
      %dma_wait3A_41 = arith.constant 0 : i32
      %dma_wait3A_42 = arith.constant 0 : i32
      %dma_wait3A_43 = tpu.memref_slice %arg2[%dma_wait3A_41, %dma_wait3A_42] : memref<10112x128xf32, #tpu.memory_space<hbm>> -> memref<10112x128xf32, #tpu.memory_space<hbm>>
      tpu.wait_indirect_dma semaphore(%arg12 : memref<!tpu.dma_semaphore, #tpu.memory_space<semaphore_mem>>) src(%dma_wait3A_43 : memref<10112x128xf32, #tpu.memory_space<hbm>>) dst(%arg10 : memref<128x128xf32, #tpu.memory_space<vmem>>)
      %scan3A_44 = arith.constant 0 : i32
      %scan3A_45 = arith.constant 8 : i32
      %scan3A_46 = arith.addi %scan3A_44, %scan3A_45 : i32
      %scan3A_47 = arith.constant 1 : i32
      scf.for %scan3A_49 = %scan3A_44 to %scan3A_46 step %scan3A_47  : i32 {
        %mul3A_50 = arith.constant 1 : i32
        %mul3A_51 = arith.muli %scan3A_49, %mul3A_50 : i32
        %add3A_52 = arith.constant 0 : i32
        %add3A_53 = arith.addi %add3A_52, %mul3A_51 : i32
        %mul3A_54 = arith.constant 16 : i32
        %mul3A_55 = arith.muli %add3A_53, %mul3A_54 : i32
        %get3A = arith.index_cast %add3A_33 : i32 to index
        %get3A_56 = arith.index_cast %mul3A_55 : i32 to index
        %get3A_57 = tpu.vector_load %arg9[%get3A, %get3A_56] {strides = array<i32>} : memref<81x128xf32, #tpu.memory_space<vmem>>, vector<16xf32>,
        %slice3A = vector.extract_strided_slice %get3A_57 {offsets = [0], sizes = [1], strides = [1]} : vector<16xf32> to vector<1xf32>
        %squeeze3A = vector.extract %slice3A[0] : f32 from vector<1xf32>
        %mul3A_58 = arith.constant 16 : i32
        %mul3A_59 = arith.muli %add3A_53, %mul3A_58 : i32
        %add3A_60 = arith.constant 0 : i32
        %add3A_61 = arith.addi %mul3A_59, %add3A_60 : i32
        %get3A_62 = arith.index_cast %add3A_61 : i32 to index
        %get3A_63 = arith.constant 0 : index
        %get3A_64 = tpu.vector_load %arg10[%get3A_62, %get3A_63] {strides = array<i32>} : memref<128x128xf32, #tpu.memory_space<vmem>>, vector<16xf32>,
        %mul3A_65 = vector.broadcast %squeeze3A : f32 to vector<16xf32>
        %mul3A_66 = arith.mulf %get3A_64, %mul3A_65 : vector<16xf32>
        %swap3A = arith.index_cast %add3A_61 : i32 to index
        %swap3A_67 = arith.constant 0 : index
        %swap3A_68 = tpu.vector_load %arg10[%swap3A, %swap3A_67] {strides = array<i32>} : memref<128x128xf32, #tpu.memory_space<vmem>>, vector<16xf32>,
        tpu.vector_store %arg10[%swap3A, %swap3A_67], %mul3A_66 {strides = array<i32>} : memref<128x128xf32, #tpu.memory_space<vmem>>, vector<16xf32>,
        %get3A_69 = arith.index_cast %add3A_61 : i32 to index
        %get3A_70 = arith.constant 16 : index
        %get3A_71 = tpu.vector_load %arg10[%get3A_69, %get3A_70] {strides = array<i32>} : memref<128x128xf32, #tpu.memory_space<vmem>>, vector<16xf32>,
        %mul3A_72 = vector.broadcast %squeeze3A : f32 to vector<16xf32>
        %mul3A_73 = arith.mulf %get3A_71, %mul3A_72 : vector<16xf32>
        %swap3A_74 = arith.index_cast %add3A_61 : i32 to index
        %swap3A_75 = arith.constant 16 : index
        %swap3A_76 = tpu.vector_load %arg10[%swap3A_74, %swap3A_75] {strides = array<i32>} : memref<128x128xf32, #tpu.memory_space<vmem>>, vector<16xf32>,
        tpu.vector_store %arg10[%swap3A_74, %swap3A_75], %mul3A_73 {strides = array<i32>} : memref<128x128xf32, #tpu.memory_space<vmem>>, vector<16xf32>,
        %get3A_77 = arith.index_cast %add3A_61 : i32 to index
        %get3A_78 = arith.constant 32 : index
        %get3A_79 = tpu.vector_load %arg10[%get3A_77, %get3A_78] {strides = array<i32>} : memref<128x128xf32, #tpu.memory_space<vmem>>, vector<16xf32>,
        %mul3A_80 = vector.broadcast %squeeze3A : f32 to vector<16xf32>
        %mul3A_81 = arith.mulf %get3A_79, %mul3A_80 : vector<16xf32>
        %swap3A_82 = arith.index_cast %add3A_61 : i32 to index
        %swap3A_83 = arith.constant 32 : index
        %swap3A_84 = tpu.vector_load %arg10[%swap3A_82, %swap3A_83] {strides = array<i32>} : memref<128x128xf32, #tpu.memory_space<vmem>>, vector<16xf32>,
        tpu.vector_store %arg10[%swap3A_82, %swap3A_83], %mul3A_81 {strides = array<i32>} : memref<128x128xf32, #tpu.memory_space<vmem>>, vector<16xf32>,
        %get3A_85 = arith.index_cast %add3A_61 : i32 to index
        %get3A_86 = arith.constant 48 : index
        %get3A_87 = tpu.vector_load %arg10[%get3A_85, %get3A_86] {strides = array<i32>} : memref<128x128xf32, #tpu.memory_space<vmem>>, vector<16xf32>,
        %mul3A_88 = vector.broadcast %squeeze3A : f32 to vector<16xf32>
        %mul3A_89 = arith.mulf %get3A_87, %mul3A_88 : vector<16xf32>
        %swap3A_90 = arith.index_cast %add3A_61 : i32 to index
        %swap3A_91 = arith.constant 48 : index
        %swap3A_92 = tpu.vector_load %arg10[%swap3A_90, %swap3A_91] {strides = array<i32>} : memref<128x128xf32, #tpu.memory_space<vmem>>, vector<16xf32>,
        tpu.vector_store %arg10[%swap3A_90, %swap3A_91], %mul3A_89 {strides = array<i32>} : memref<128x128xf32, #tpu.memory_space<vmem>>, vector<16xf32>,
        %get3A_93 = arith.index_cast %add3A_61 : i32 to index
        %get3A_94 = arith.constant 64 : index
        %get3A_95 = tpu.vector_load %arg10[%get3A_93, %get3A_94] {strides = array<i32>} : memref<128x128xf32, #tpu.memory_space<vmem>>, vector<16xf32>,
        %mul3A_96 = vector.broadcast %squeeze3A : f32 to vector<16xf32>
        %mul3A_97 = arith.mulf %get3A_95, %mul3A_96 : vector<16xf32>
        %swap3A_98 = arith.index_cast %add3A_61 : i32 to index
        %swap3A_99 = arith.constant 64 : index
        %swap3A_100 = tpu.vector_load %arg10[%swap3A_98, %swap3A_99] {strides = array<i32>} : memref<128x128xf32, #tpu.memory_space<vmem>>, vector<16xf32>,
        tpu.vector_store %arg10[%swap3A_98, %swap3A_99], %mul3A_97 {strides = array<i32>} : memref<128x128xf32, #tpu.memory_space<vmem>>, vector<16xf32>,
        %get3A_101 = arith.index_cast %add3A_61 : i32 to index
        %get3A_102 = arith.constant 80 : index
        %get3A_103 = tpu.vector_load %arg10[%get3A_101, %get3A_102] {strides = array<i32>} : memref<128x128xf32, #tpu.memory_space<vmem>>, vector<16xf32>,
        %mul3A_104 = vector.broadcast %squeeze3A : f32 to vector<16xf32>
        %mul3A_105 = arith.mulf %get3A_103, %mul3A_104 : vector<16xf32>
        %swap3A_106 = arith.index_cast %add3A_61 : i32 to index
        %swap3A_107 = arith.constant 80 : index
        %swap3A_108 = tpu.vector_load %arg10[%swap3A_106, %swap3A_107] {strides = array<i32>} : memref<128x128xf32, #tpu.memory_space<vmem>>, vector<16xf32>,
        tpu.vector_store %arg10[%swap3A_106, %swap3A_107], %mul3A_105 {strides = array<i32>} : memref<128x128xf32, #tpu.memory_space<vmem>>, vector<16xf32>,
        %get3A_109 = arith.index_cast %add3A_61 : i32 to index
        %get3A_110 = arith.constant 96 : index
        %get3A_111 = tpu.vector_load %arg10[%get3A_109, %get3A_110] {strides = array<i32>} : memref<128x128xf32, #tpu.memory_space<vmem>>, vector<16xf32>,
        %mul3A_112 = vector.broadcast %squeeze3A : f32 to vector<16xf32>
        %mul3A_113 = arith.mulf %get3A_111, %mul3A_112 : vector<16xf32>
        %swap3A_114 = arith.index_cast %add3A_61 : i32 to index
        %swap3A_115 = arith.constant 96 : index
        %swap3A_116 = tpu.vector_load %arg10[%swap3A_114, %swap3A_115] {strides = array<i32>} : memref<128x128xf32, #tpu.memory_space<vmem>>, vector<16xf32>,
        tpu.vector_store %arg10[%swap3A_114, %swap3A_115], %mul3A_113 {strides = array<i32>} : memref<128x128xf32, #tpu.memory_space<vmem>>, vector<16xf32>,
        %get3A_117 = arith.index_cast %add3A_61 : i32 to index
        %get3A_118 = arith.constant 112 : index
        %get3A_119 = tpu.vector_load %arg10[%get3A_117, %get3A_118] {strides = array<i32>} : memref<128x128xf32, #tpu.memory_space<vmem>>, vector<16xf32>,
        %mul3A_120 = vector.broadcast %squeeze3A : f32 to vector<16xf32>
        %mul3A_121 = arith.mulf %get3A_119, %mul3A_120 : vector<16xf32>
        %swap3A_122 = arith.index_cast %add3A_61 : i32 to index
        %swap3A_123 = arith.constant 112 : index
        %swap3A_124 = tpu.vector_load %arg10[%swap3A_122, %swap3A_123] {strides = array<i32>} : memref<128x128xf32, #tpu.memory_space<vmem>>, vector<16xf32>,
        tpu.vector_store %arg10[%swap3A_122, %swap3A_123], %mul3A_121 {strides = array<i32>} : memref<128x128xf32, #tpu.memory_space<vmem>>, vector<16xf32>,
        %slice3A_125 = vector.extract_strided_slice %get3A_57 {offsets = [1], sizes = [1], strides = [1]} : vector<16xf32> to vector<1xf32>
        %squeeze3A_126 = vector.extract %slice3A_125[0] : f32 from vector<1xf32>
        %mul3A_127 = arith.constant 16 : i32
        %mul3A_128 = arith.muli %add3A_53, %mul3A_127 : i32
        %add3A_129 = arith.constant 1 : i32
        %add3A_130 = arith.addi %mul3A_128, %add3A_129 : i32
        %get3A_131 = arith.index_cast %add3A_130 : i32 to index
        %get3A_132 = arith.constant 0 : index
        %get3A_133 = tpu.vector_load %arg10[%get3A_131, %get3A_132] {strides = array<i32>} : memref<128x128xf32, #tpu.memory_space<vmem>>, vector<16xf32>,
        %mul3A_134 = vector.broadcast %squeeze3A_126 : f32 to vector<16xf32>
        %mul3A_135 = arith.mulf %get3A_133, %mul3A_134 : vector<16xf32>
        %swap3A_136 = arith.index_cast %add3A_130 : i32 to index
        %swap3A_137 = arith.constant 0 : index
        %swap3A_138 = tpu.vector_load %arg10[%swap3A_136, %swap3A_137] {strides = array<i32>} : memref<128x128xf32, #tpu.memory_space<vmem>>, vector<16xf32>,
        tpu.vector_store %arg10[%swap3A_136, %swap3A_137], %mul3A_135 {strides = array<i32>} : memref<128x128xf32, #tpu.memory_space<vmem>>, vector<16xf32>,
        %get3A_139 = arith.index_cast %add3A_130 : i32 to index
        %get3A_140 = arith.constant 16 : index
        %get3A_141 = tpu.vector_load %arg10[%get3A_139, %get3A_140] {strides = array<i32>} : memref<128x128xf32, #tpu.memory_space<vmem>>, vector<16xf32>,
        %mul3A_142 = vector.broadcast %squeeze3A_126 : f32 to vector<16xf32>
        %mul3A_143 = arith.mulf %get3A_141, %mul3A_142 : vector<16xf32>
        %swap3A_144 = arith.index_cast %add3A_130 : i32 to index
        %swap3A_145 = arith.constant 16 : index
        %swap3A_146 = tpu.vector_load %arg10[%swap3A_144, %swap3A_145] {strides = array<i32>} : memref<128x128xf32, #tpu.memory_space<vmem>>, vector<16xf32>,
        tpu.vector_store %arg10[%swap3A_144, %swap3A_145], %mul3A_143 {strides = array<i32>} : memref<128x128xf32, #tpu.memory_space<vmem>>, vector<16xf32>,
        %get3A_147 = arith.index_cast %add3A_130 : i32 to index
        %get3A_148 = arith.constant 32 : index
        %get3A_149 = tpu.vector_load %arg10[%get3A_147, %get3A_148] {strides = array<i32>} : memref<128x128xf32, #tpu.memory_space<vmem>>, vector<16xf32>,
        %mul3A_150 = vector.broadcast %squeeze3A_126 : f32 to vector<16xf32>
        %mul3A_151 = arith.mulf %get3A_149, %mul3A_150 : vector<16xf32>
        %swap3A_152 = arith.index_cast %add3A_130 : i32 to index
        %swap3A_153 = arith.constant 32 : index
        %swap3A_154 = tpu.vector_load %arg10[%swap3A_152, %swap3A_153] {strides = array<i32>} : memref<128x128xf32, #tpu.memory_space<vmem>>, vector<16xf32>,
        tpu.vector_store %arg10[%swap3A_152, %swap3A_153], %mul3A_151 {strides = array<i32>} : memref<128x128xf32, #tpu.memory_space<vmem>>, vector<16xf32>,
        %get3A_155 = arith.index_cast %add3A_130 : i32 to index
        %get3A_156 = arith.constant 48 : index
        %get3A_157 = tpu.vector_load %arg10[%get3A_155, %get3A_156] {strides = array<i32>} : memref<128x128xf32, #tpu.memory_space<vmem>>, vector<16xf32>,
        %mul3A_158 = vector.broadcast %squeeze3A_126 : f32 to vector<16xf32>
        %mul3A_159 = arith.mulf %get3A_157, %mul3A_158 : vector<16xf32>
        %swap3A_160 = arith.index_cast %add3A_130 : i32 to index
        %swap3A_161 = arith.constant 48 : index
        %swap3A_162 = tpu.vector_load %arg10[%swap3A_160, %swap3A_161] {strides = array<i32>} : memref<128x128xf32, #tpu.memory_space<vmem>>, vector<16xf32>,
        tpu.vector_store %arg10[%swap3A_160, %swap3A_161], %mul3A_159 {strides = array<i32>} : memref<128x128xf32, #tpu.memory_space<vmem>>, vector<16xf32>,
        %get3A_163 = arith.index_cast %add3A_130 : i32 to index
        %get3A_164 = arith.constant 64 : index
        %get3A_165 = tpu.vector_load %arg10[%get3A_163, %get3A_164] {strides = array<i32>} : memref<128x128xf32, #tpu.memory_space<vmem>>, vector<16xf32>,
        %mul3A_166 = vector.broadcast %squeeze3A_126 : f32 to vector<16xf32>
        %mul3A_167 = arith.mulf %get3A_165, %mul3A_166 : vector<16xf32>
        %swap3A_168 = arith.index_cast %add3A_130 : i32 to index
        %swap3A_169 = arith.constant 64 : index
        %swap3A_170 = tpu.vector_load %arg10[%swap3A_168, %swap3A_169] {strides = array<i32>} : memref<128x128xf32, #tpu.memory_space<vmem>>, vector<16xf32>,
        tpu.vector_store %arg10[%swap3A_168, %swap3A_169], %mul3A_167 {strides = array<i32>} : memref<128x128xf32, #tpu.memory_space<vmem>>, vector<16xf32>,
        %get3A_171 = arith.index_cast %add3A_130 : i32 to index
        %get3A_172 = arith.constant 80 : index
        %get3A_173 = tpu.vector_load %arg10[%get3A_171, %get3A_172] {strides = array<i32>} : memref<128x128xf32, #tpu.memory_space<vmem>>, vector<16xf32>,
        %mul3A_174 = vector.broadcast %squeeze3A_126 : f32 to vector<16xf32>
        %mul3A_175 = arith.mulf %get3A_173, %mul3A_174 : vector<16xf32>
        %swap3A_176 = arith.index_cast %add3A_130 : i32 to index
        %swap3A_177 = arith.constant 80 : index
        %swap3A_178 = tpu.vector_load %arg10[%swap3A_176, %swap3A_177] {strides = array<i32>} : memref<128x128xf32, #tpu.memory_space<vmem>>, vector<16xf32>,
        tpu.vector_store %arg10[%swap3A_176, %swap3A_177], %mul3A_175 {strides = array<i32>} : memref<128x128xf32, #tpu.memory_space<vmem>>, vector<16xf32>,
        %get3A_179 = arith.index_cast %add3A_130 : i32 to index
        %get3A_180 = arith.constant 96 : index
        %get3A_181 = tpu.vector_load %arg10[%get3A_179, %get3A_180] {strides = array<i32>} : memref<128x128xf32, #tpu.memory_space<vmem>>, vector<16xf32>,
        %mul3A_182 = vector.broadcast %squeeze3A_126 : f32 to vector<16xf32>
        %mul3A_183 = arith.mulf %get3A_181, %mul3A_182 : vector<16xf32>
        %swap3A_184 = arith.index_cast %add3A_130 : i32 to index
        %swap3A_185 = arith.constant 96 : index
        %swap3A_186 = tpu.vector_load %arg10[%swap3A_184, %swap3A_185] {strides = array<i32>} : memref<128x128xf32, #tpu.memory_space<vmem>>, vector<16xf32>,
        tpu.vector_store %arg10[%swap3A_184, %swap3A_185], %mul3A_183 {strides = array<i32>} : memref<128x128xf32, #tpu.memory_space<vmem>>, vector<16xf32>,
        %get3A_187 = arith.index_cast %add3A_130 : i32 to index
        %get3A_188 = arith.constant 112 : index
        %get3A_189 = tpu.vector_load %arg10[%get3A_187, %get3A_188] {strides = array<i32>} : memref<128x128xf32, #tpu.memory_space<vmem>>, vector<16xf32>,
        %mul3A_190 = vector.broadcast %squeeze3A_126 : f32 to vector<16xf32>
        %mul3A_191 = arith.mulf %get3A_189, %mul3A_190 : vector<16xf32>
        %swap3A_192 = arith.index_cast %add3A_130 : i32 to index
        %swap3A_193 = arith.constant 112 : index
        %swap3A_194 = tpu.vector_load %arg10[%swap3A_192, %swap3A_193] {strides = array<i32>} : memref<128x128xf32, #tpu.memory_space<vmem>>, vector<16xf32>,
        tpu.vector_store %arg10[%swap3A_192, %swap3A_193], %mul3A_191 {strides = array<i32>} : memref<128x128xf32, #tpu.memory_space<vmem>>, vector<16xf32>,
        %slice3A_195 = vector.extract_strided_slice %get3A_57 {offsets = [2], sizes = [1], strides = [1]} : vector<16xf32> to vector<1xf32>
        %squeeze3A_196 = vector.extract %slice3A_195[0] : f32 from vector<1xf32>
        %mul3A_197 = arith.constant 16 : i32
        %mul3A_198 = arith.muli %add3A_53, %mul3A_197 : i32
        %add3A_199 = arith.constant 2 : i32
        %add3A_200 = arith.addi %mul3A_198, %add3A_199 : i32
        %get3A_201 = arith.index_cast %add3A_200 : i32 to index
        %get3A_202 = arith.constant 0 : index
        %get3A_203 = tpu.vector_load %arg10[%get3A_201, %get3A_202] {strides = array<i32>} : memref<128x128xf32, #tpu.memory_space<vmem>>, vector<16xf32>,
        %mul3A_204 = vector.broadcast %squeeze3A_196 : f32 to vector<16xf32>
        %mul3A_205 = arith.mulf %get3A_203, %mul3A_204 : vector<16xf32>
        %swap3A_206 = arith.index_cast %add3A_200 : i32 to index
        %swap3A_207 = arith.constant 0 : index
        %swap3A_208 = tpu.vector_load %arg10[%swap3A_206, %swap3A_207] {strides = array<i32>} : memref<128x128xf32, #tpu.memory_space<vmem>>, vector<16xf32>,
        tpu.vector_store %arg10[%swap3A_206, %swap3A_207], %mul3A_205 {strides = array<i32>} : memref<128x128xf32, #tpu.memory_space<vmem>>, vector<16xf32>,
        %get3A_209 = arith.index_cast %add3A_200 : i32 to index
        %get3A_210 = arith.constant 16 : index
        %get3A_211 = tpu.vector_load %arg10[%get3A_209, %get3A_210] {strides = array<i32>} : memref<128x128xf32, #tpu.memory_space<vmem>>, vector<16xf32>,
        %mul3A_212 = vector.broadcast %squeeze3A_196 : f32 to vector<16xf32>
        %mul3A_213 = arith.mulf %get3A_211, %mul3A_212 : vector<16xf32>
        %swap3A_214 = arith.index_cast %add3A_200 : i32 to index
        %swap3A_215 = arith.constant 16 : index
        %swap3A_216 = tpu.vector_load %arg10[%swap3A_214, %swap3A_215] {strides = array<i32>} : memref<128x128xf32, #tpu.memory_space<vmem>>, vector<16xf32>,
        tpu.vector_store %arg10[%swap3A_214, %swap3A_215], %mul3A_213 {strides = array<i32>} : memref<128x128xf32, #tpu.memory_space<vmem>>, vector<16xf32>,
        %get3A_217 = arith.index_cast %add3A_200 : i32 to index
        %get3A_218 = arith.constant 32 : index
        %get3A_219 = tpu.vector_load %arg10[%get3A_217, %get3A_218] {strides = array<i32>} : memref<128x128xf32, #tpu.memory_space<vmem>>, vector<16xf32>,
        %mul3A_220 = vector.broadcast %squeeze3A_196 : f32 to vector<16xf32>
        %mul3A_221 = arith.mulf %get3A_219, %mul3A_220 : vector<16xf32>
        %swap3A_222 = arith.index_cast %add3A_200 : i32 to index
        %swap3A_223 = arith.constant 32 : index
        %swap3A_224 = tpu.vector_load %arg10[%swap3A_222, %swap3A_223] {strides = array<i32>} : memref<128x128xf32, #tpu.memory_space<vmem>>, vector<16xf32>,
        tpu.vector_store %arg10[%swap3A_222, %swap3A_223], %mul3A_221 {strides = array<i32>} : memref<128x128xf32, #tpu.memory_space<vmem>>, vector<16xf32>,
        %get3A_225 = arith.index_cast %add3A_200 : i32 to index
        %get3A_226 = arith.constant 48 : index
        %get3A_227 = tpu.vector_load %arg10[%get3A_225, %get3A_226] {strides = array<i32>} : memref<128x128xf32, #tpu.memory_space<vmem>>, vector<16xf32>,
        %mul3A_228 = vector.broadcast %squeeze3A_196 : f32 to vector<16xf32>
        %mul3A_229 = arith.mulf %get3A_227, %mul3A_228 : vector<16xf32>
        %swap3A_230 = arith.index_cast %add3A_200 : i32 to index
        %swap3A_231 = arith.constant 48 : index
        %swap3A_232 = tpu.vector_load %arg10[%swap3A_230, %swap3A_231] {strides = array<i32>} : memref<128x128xf32, #tpu.memory_space<vmem>>, vector<16xf32>,
        tpu.vector_store %arg10[%swap3A_230, %swap3A_231], %mul3A_229 {strides = array<i32>} : memref<128x128xf32, #tpu.memory_space<vmem>>, vector<16xf32>,
        %get3A_233 = arith.index_cast %add3A_200 : i32 to index
        %get3A_234 = arith.constant 64 : index
        %get3A_235 = tpu.vector_load %arg10[%get3A_233, %get3A_234] {strides = array<i32>} : memref<128x128xf32, #tpu.memory_space<vmem>>, vector<16xf32>,
        %mul3A_236 = vector.broadcast %squeeze3A_196 : f32 to vector<16xf32>
        %mul3A_237 = arith.mulf %get3A_235, %mul3A_236 : vector<16xf32>
        %swap3A_238 = arith.index_cast %add3A_200 : i32 to index
        %swap3A_239 = arith.constant 64 : index
        %swap3A_240 = tpu.vector_load %arg10[%swap3A_238, %swap3A_239] {strides = array<i32>} : memref<128x128xf32, #tpu.memory_space<vmem>>, vector<16xf32>,
        tpu.vector_store %arg10[%swap3A_238, %swap3A_239], %mul3A_237 {strides = array<i32>} : memref<128x128xf32, #tpu.memory_space<vmem>>, vector<16xf32>,
        %get3A_241 = arith.index_cast %add3A_200 : i32 to index
        %get3A_242 = arith.constant 80 : index
        %get3A_243 = tpu.vector_load %arg10[%get3A_241, %get3A_242] {strides = array<i32>} : memref<128x128xf32, #tpu.memory_space<vmem>>, vector<16xf32>,
        %mul3A_244 = vector.broadcast %squeeze3A_196 : f32 to vector<16xf32>
        %mul3A_245 = arith.mulf %get3A_243, %mul3A_244 : vector<16xf32>
        %swap3A_246 = arith.index_cast %add3A_200 : i32 to index
        %swap3A_247 = arith.constant 80 : index
        %swap3A_248 = tpu.vector_load %arg10[%swap3A_246, %swap3A_247] {strides = array<i32>} : memref<128x128xf32, #tpu.memory_space<vmem>>, vector<16xf32>,
        tpu.vector_store %arg10[%swap3A_246, %swap3A_247], %mul3A_245 {strides = array<i32>} : memref<128x128xf32, #tpu.memory_space<vmem>>, vector<16xf32>,
        %get3A_249 = arith.index_cast %add3A_200 : i32 to index
        %get3A_250 = arith.constant 96 : index
        %get3A_251 = tpu.vector_load %arg10[%get3A_249, %get3A_250] {strides = array<i32>} : memref<128x128xf32, #tpu.memory_space<vmem>>, vector<16xf32>,
        %mul3A_252 = vector.broadcast %squeeze3A_196 : f32 to vector<16xf32>
        %mul3A_253 = arith.mulf %get3A_251, %mul3A_252 : vector<16xf32>
        %swap3A_254 = arith.index_cast %add3A_200 : i32 to index
        %swap3A_255 = arith.constant 96 : index
        %swap3A_256 = tpu.vector_load %arg10[%swap3A_254, %swap3A_255] {strides = array<i32>} : memref<128x128xf32, #tpu.memory_space<vmem>>, vector<16xf32>,
        tpu.vector_store %arg10[%swap3A_254, %swap3A_255], %mul3A_253 {strides = array<i32>} : memref<128x128xf32, #tpu.memory_space<vmem>>, vector<16xf32>,
        %get3A_257 = arith.index_cast %add3A_200 : i32 to index
        %get3A_258 = arith.constant 112 : index
        %get3A_259 = tpu.vector_load %arg10[%get3A_257, %get3A_258] {strides = array<i32>} : memref<128x128xf32, #tpu.memory_space<vmem>>, vector<16xf32>,
        %mul3A_260 = vector.broadcast %squeeze3A_196 : f32 to vector<16xf32>
        %mul3A_261 = arith.mulf %get3A_259, %mul3A_260 : vector<16xf32>
        %swap3A_262 = arith.index_cast %add3A_200 : i32 to index
        %swap3A_263 = arith.constant 112 : index
        %swap3A_264 = tpu.vector_load %arg10[%swap3A_262, %swap3A_263] {strides = array<i32>} : memref<128x128xf32, #tpu.memory_space<vmem>>, vector<16xf32>,
        tpu.vector_store %arg10[%swap3A_262, %swap3A_263], %mul3A_261 {strides = array<i32>} : memref<128x128xf32, #tpu.memory_space<vmem>>, vector<16xf32>,
        %slice3A_265 = vector.extract_strided_slice %get3A_57 {offsets = [3], sizes = [1], strides = [1]} : vector<16xf32> to vector<1xf32>
        %squeeze3A_266 = vector.extract %slice3A_265[0] : f32 from vector<1xf32>
        %mul3A_267 = arith.constant 16 : i32
        %mul3A_268 = arith.muli %add3A_53, %mul3A_267 : i32
        %add3A_269 = arith.constant 3 : i32
        %add3A_270 = arith.addi %mul3A_268, %add3A_269 : i32
        %get3A_271 = arith.index_cast %add3A_270 : i32 to index
        %get3A_272 = arith.constant 0 : index
        %get3A_273 = tpu.vector_load %arg10[%get3A_271, %get3A_272] {strides = array<i32>} : memref<128x128xf32, #tpu.memory_space<vmem>>, vector<16xf32>,
        %mul3A_274 = vector.broadcast %squeeze3A_266 : f32 to vector<16xf32>
        %mul3A_275 = arith.mulf %get3A_273, %mul3A_274 : vector<16xf32>
        %swap3A_276 = arith.index_cast %add3A_270 : i32 to index
        %swap3A_277 = arith.constant 0 : index
        %swap3A_278 = tpu.vector_load %arg10[%swap3A_276, %swap3A_277] {strides = array<i32>} : memref<128x128xf32, #tpu.memory_space<vmem>>, vector<16xf32>,
        tpu.vector_store %arg10[%swap3A_276, %swap3A_277], %mul3A_275 {strides = array<i32>} : memref<128x128xf32, #tpu.memory_space<vmem>>, vector<16xf32>,
        %get3A_279 = arith.index_cast %add3A_270 : i32 to index
        %get3A_280 = arith.constant 16 : index
        %get3A_281 = tpu.vector_load %arg10[%get3A_279, %get3A_280] {strides = array<i32>} : memref<128x128xf32, #tpu.memory_space<vmem>>, vector<16xf32>,
        %mul3A_282 = vector.broadcast %squeeze3A_266 : f32 to vector<16xf32>
        %mul3A_283 = arith.mulf %get3A_281, %mul3A_282 : vector<16xf32>
        %swap3A_284 = arith.index_cast %add3A_270 : i32 to index
        %swap3A_285 = arith.constant 16 : index
        %swap3A_286 = tpu.vector_load %arg10[%swap3A_284, %swap3A_285] {strides = array<i32>} : memref<128x128xf32, #tpu.memory_space<vmem>>, vector<16xf32>,
        tpu.vector_store %arg10[%swap3A_284, %swap3A_285], %mul3A_283 {strides = array<i32>} : memref<128x128xf32, #tpu.memory_space<vmem>>, vector<16xf32>,
        %get3A_287 = arith.index_cast %add3A_270 : i32 to index
        %get3A_288 = arith.constant 32 : index
        %get3A_289 = tpu.vector_load %arg10[%get3A_287, %get3A_288] {strides = array<i32>} : memref<128x128xf32, #tpu.memory_space<vmem>>, vector<16xf32>,
        %mul3A_290 = vector.broadcast %squeeze3A_266 : f32 to vector<16xf32>
        %mul3A_291 = arith.mulf %get3A_289, %mul3A_290 : vector<16xf32>
        %swap3A_292 = arith.index_cast %add3A_270 : i32 to index
        %swap3A_293 = arith.constant 32 : index
        %swap3A_294 = tpu.vector_load %arg10[%swap3A_292, %swap3A_293] {strides = array<i32>} : memref<128x128xf32, #tpu.memory_space<vmem>>, vector<16xf32>,
        tpu.vector_store %arg10[%swap3A_292, %swap3A_293], %mul3A_291 {strides = array<i32>} : memref<128x128xf32, #tpu.memory_space<vmem>>, vector<16xf32>,
        %get3A_295 = arith.index_cast %add3A_270 : i32 to index
        %get3A_296 = arith.constant 48 : index
        %get3A_297 = tpu.vector_load %arg10[%get3A_295, %get3A_296] {strides = array<i32>} : memref<128x128xf32, #tpu.memory_space<vmem>>, vector<16xf32>,
        %mul3A_298 = vector.broadcast %squeeze3A_266 : f32 to vector<16xf32>
        %mul3A_299 = arith.mulf %get3A_297, %mul3A_298 : vector<16xf32>
        %swap3A_300 = arith.index_cast %add3A_270 : i32 to index
        %swap3A_301 = arith.constant 48 : index
        %swap3A_302 = tpu.vector_load %arg10[%swap3A_300, %swap3A_301] {strides = array<i32>} : memref<128x128xf32, #tpu.memory_space<vmem>>, vector<16xf32>,
        tpu.vector_store %arg10[%swap3A_300, %swap3A_301], %mul3A_299 {strides = array<i32>} : memref<128x128xf32, #tpu.memory_space<vmem>>, vector<16xf32>,
        %get3A_303 = arith.index_cast %add3A_270 : i32 to index
        %get3A_304 = arith.constant 64 : index
        %get3A_305 = tpu.vector_load %arg10[%get3A_303, %get3A_304] {strides = array<i32>} : memref<128x128xf32, #tpu.memory_space<vmem>>, vector<16xf32>,
        %mul3A_306 = vector.broadcast %squeeze3A_266 : f32 to vector<16xf32>
        %mul3A_307 = arith.mulf %get3A_305, %mul3A_306 : vector<16xf32>
        %swap3A_308 = arith.index_cast %add3A_270 : i32 to index
        %swap3A_309 = arith.constant 64 : index
        %swap3A_310 = tpu.vector_load %arg10[%swap3A_308, %swap3A_309] {strides = array<i32>} : memref<128x128xf32, #tpu.memory_space<vmem>>, vector<16xf32>,
        tpu.vector_store %arg10[%swap3A_308, %swap3A_309], %mul3A_307 {strides = array<i32>} : memref<128x128xf32, #tpu.memory_space<vmem>>, vector<16xf32>,
        %get3A_311 = arith.index_cast %add3A_270 : i32 to index
        %get3A_312 = arith.constant 80 : index
        %get3A_313 = tpu.vector_load %arg10[%get3A_311, %get3A_312] {strides = array<i32>} : memref<128x128xf32, #tpu.memory_space<vmem>>, vector<16xf32>,
        %mul3A_314 = vector.broadcast %squeeze3A_266 : f32 to vector<16xf32>
        %mul3A_315 = arith.mulf %get3A_313, %mul3A_314 : vector<16xf32>
        %swap3A_316 = arith.index_cast %add3A_270 : i32 to index
        %swap3A_317 = arith.constant 80 : index
        %swap3A_318 = tpu.vector_load %arg10[%swap3A_316, %swap3A_317] {strides = array<i32>} : memref<128x128xf32, #tpu.memory_space<vmem>>, vector<16xf32>,
        tpu.vector_store %arg10[%swap3A_316, %swap3A_317], %mul3A_315 {strides = array<i32>} : memref<128x128xf32, #tpu.memory_space<vmem>>, vector<16xf32>,
        %get3A_319 = arith.index_cast %add3A_270 : i32 to index
        %get3A_320 = arith.constant 96 : index
        %get3A_321 = tpu.vector_load %arg10[%get3A_319, %get3A_320] {strides = array<i32>} : memref<128x128xf32, #tpu.memory_space<vmem>>, vector<16xf32>,
        %mul3A_322 = vector.broadcast %squeeze3A_266 : f32 to vector<16xf32>
        %mul3A_323 = arith.mulf %get3A_321, %mul3A_322 : vector<16xf32>
        %swap3A_324 = arith.index_cast %add3A_270 : i32 to index
        %swap3A_325 = arith.constant 96 : index
        %swap3A_326 = tpu.vector_load %arg10[%swap3A_324, %swap3A_325] {strides = array<i32>} : memref<128x128xf32, #tpu.memory_space<vmem>>, vector<16xf32>,
        tpu.vector_store %arg10[%swap3A_324, %swap3A_325], %mul3A_323 {strides = array<i32>} : memref<128x128xf32, #tpu.memory_space<vmem>>, vector<16xf32>,
        %get3A_327 = arith.index_cast %add3A_270 : i32 to index
        %get3A_328 = arith.constant 112 : index
        %get3A_329 = tpu.vector_load %arg10[%get3A_327, %get3A_328] {strides = array<i32>} : memref<128x128xf32, #tpu.memory_space<vmem>>, vector<16xf32>,
        %mul3A_330 = vector.broadcast %squeeze3A_266 : f32 to vector<16xf32>
        %mul3A_331 = arith.mulf %get3A_329, %mul3A_330 : vector<16xf32>
        %swap3A_332 = arith.index_cast %add3A_270 : i32 to index
        %swap3A_333 = arith.constant 112 : index
        %swap3A_334 = tpu.vector_load %arg10[%swap3A_332, %swap3A_333] {strides = array<i32>} : memref<128x128xf32, #tpu.memory_space<vmem>>, vector<16xf32>,
        tpu.vector_store %arg10[%swap3A_332, %swap3A_333], %mul3A_331 {strides = array<i32>} : memref<128x128xf32, #tpu.memory_space<vmem>>, vector<16xf32>,
        %slice3A_335 = vector.extract_strided_slice %get3A_57 {offsets = [4], sizes = [1], strides = [1]} : vector<16xf32> to vector<1xf32>
        %squeeze3A_336 = vector.extract %slice3A_335[0] : f32 from vector<1xf32>
        %mul3A_337 = arith.constant 16 : i32
        %mul3A_338 = arith.muli %add3A_53, %mul3A_337 : i32
        %add3A_339 = arith.constant 4 : i32
        %add3A_340 = arith.addi %mul3A_338, %add3A_339 : i32
        %get3A_341 = arith.index_cast %add3A_340 : i32 to index
        %get3A_342 = arith.constant 0 : index
        %get3A_343 = tpu.vector_load %arg10[%get3A_341, %get3A_342] {strides = array<i32>} : memref<128x128xf32, #tpu.memory_space<vmem>>, vector<16xf32>,
        %mul3A_344 = vector.broadcast %squeeze3A_336 : f32 to vector<16xf32>
        %mul3A_345 = arith.mulf %get3A_343, %mul3A_344 : vector<16xf32>
        %swap3A_346 = arith.index_cast %add3A_340 : i32 to index
        %swap3A_347 = arith.constant 0 : index
        %swap3A_348 = tpu.vector_load %arg10[%swap3A_346, %swap3A_347] {strides = array<i32>} : memref<128x128xf32, #tpu.memory_space<vmem>>, vector<16xf32>,
        tpu.vector_store %arg10[%swap3A_346, %swap3A_347], %mul3A_345 {strides = array<i32>} : memref<128x128xf32, #tpu.memory_space<vmem>>, vector<16xf32>,
        %get3A_349 = arith.index_cast %add3A_340 : i32 to index
        %get3A_350 = arith.constant 16 : index
        %get3A_351 = tpu.vector_load %arg10[%get3A_349, %get3A_350] {strides = array<i32>} : memref<128x128xf32, #tpu.memory_space<vmem>>, vector<16xf32>,
        %mul3A_352 = vector.broadcast %squeeze3A_336 : f32 to vector<16xf32>
        %mul3A_353 = arith.mulf %get3A_351, %mul3A_352 : vector<16xf32>
        %swap3A_354 = arith.index_cast %add3A_340 : i32 to index
        %swap3A_355 = arith.constant 16 : index
        %swap3A_356 = tpu.vector_load %arg10[%swap3A_354, %swap3A_355] {strides = array<i32>} : memref<128x128xf32, #tpu.memory_space<vmem>>, vector<16xf32>,
        tpu.vector_store %arg10[%swap3A_354, %swap3A_355], %mul3A_353 {strides = array<i32>} : memref<128x128xf32, #tpu.memory_space<vmem>>, vector<16xf32>,
        %get3A_357 = arith.index_cast %add3A_340 : i32 to index
        %get3A_358 = arith.constant 32 : index
        %get3A_359 = tpu.vector_load %arg10[%get3A_357, %get3A_358] {strides = array<i32>} : memref<128x128xf32, #tpu.memory_space<vmem>>, vector<16xf32>,
        %mul3A_360 = vector.broadcast %squeeze3A_336 : f32 to vector<16xf32>
        %mul3A_361 = arith.mulf %get3A_359, %mul3A_360 : vector<16xf32>
        %swap3A_362 = arith.index_cast %add3A_340 : i32 to index
        %swap3A_363 = arith.constant 32 : index
        %swap3A_364 = tpu.vector_load %arg10[%swap3A_362, %swap3A_363] {strides = array<i32>} : memref<128x128xf32, #tpu.memory_space<vmem>>, vector<16xf32>,
        tpu.vector_store %arg10[%swap3A_362, %swap3A_363], %mul3A_361 {strides = array<i32>} : memref<128x128xf32, #tpu.memory_space<vmem>>, vector<16xf32>,
        %get3A_365 = arith.index_cast %add3A_340 : i32 to index
        %get3A_366 = arith.constant 48 : index
        %get3A_367 = tpu.vector_load %arg10[%get3A_365, %get3A_366] {strides = array<i32>} : memref<128x128xf32, #tpu.memory_space<vmem>>, vector<16xf32>,
        %mul3A_368 = vector.broadcast %squeeze3A_336 : f32 to vector<16xf32>
        %mul3A_369 = arith.mulf %get3A_367, %mul3A_368 : vector<16xf32>
        %swap3A_370 = arith.index_cast %add3A_340 : i32 to index
        %swap3A_371 = arith.constant 48 : index
        %swap3A_372 = tpu.vector_load %arg10[%swap3A_370, %swap3A_371] {strides = array<i32>} : memref<128x128xf32, #tpu.memory_space<vmem>>, vector<16xf32>,
        tpu.vector_store %arg10[%swap3A_370, %swap3A_371], %mul3A_369 {strides = array<i32>} : memref<128x128xf32, #tpu.memory_space<vmem>>, vector<16xf32>,
        %get3A_373 = arith.index_cast %add3A_340 : i32 to index
        %get3A_374 = arith.constant 64 : index
        %get3A_375 = tpu.vector_load %arg10[%get3A_373, %get3A_374] {strides = array<i32>} : memref<128x128xf32, #tpu.memory_space<vmem>>, vector<16xf32>,
        %mul3A_376 = vector.broadcast %squeeze3A_336 : f32 to vector<16xf32>
        %mul3A_377 = arith.mulf %get3A_375, %mul3A_376 : vector<16xf32>
        %swap3A_378 = arith.index_cast %add3A_340 : i32 to index
        %swap3A_379 = arith.constant 64 : index
        %swap3A_380 = tpu.vector_load %arg10[%swap3A_378, %swap3A_379] {strides = array<i32>} : memref<128x128xf32, #tpu.memory_space<vmem>>, vector<16xf32>,
        tpu.vector_store %arg10[%swap3A_378, %swap3A_379], %mul3A_377 {strides = array<i32>} : memref<128x128xf32, #tpu.memory_space<vmem>>, vector<16xf32>,
        %get3A_381 = arith.index_cast %add3A_340 : i32 to index
        %get3A_382 = arith.constant 80 : index
        %get3A_383 = tpu.vector_load %arg10[%get3A_381, %get3A_382] {strides = array<i32>} : memref<128x128xf32, #tpu.memory_space<vmem>>, vector<16xf32>,
        %mul3A_384 = vector.broadcast %squeeze3A_336 : f32 to vector<16xf32>
        %mul3A_385 = arith.mulf %get3A_383, %mul3A_384 : vector<16xf32>
        %swap3A_386 = arith.index_cast %add3A_340 : i32 to index
        %swap3A_387 = arith.constant 80 : index
        %swap3A_388 = tpu.vector_load %arg10[%swap3A_386, %swap3A_387] {strides = array<i32>} : memref<128x128xf32, #tpu.memory_space<vmem>>, vector<16xf32>,
        tpu.vector_store %arg10[%swap3A_386, %swap3A_387], %mul3A_385 {strides = array<i32>} : memref<128x128xf32, #tpu.memory_space<vmem>>, vector<16xf32>,
        %get3A_389 = arith.index_cast %add3A_340 : i32 to index
        %get3A_390 = arith.constant 96 : index
        %get3A_391 = tpu.vector_load %arg10[%get3A_389, %get3A_390] {strides = array<i32>} : memref<128x128xf32, #tpu.memory_space<vmem>>, vector<16xf32>,
        %mul3A_392 = vector.broadcast %squeeze3A_336 : f32 to vector<16xf32>
        %mul3A_393 = arith.mulf %get3A_391, %mul3A_392 : vector<16xf32>
        %swap3A_394 = arith.index_cast %add3A_340 : i32 to index
        %swap3A_395 = arith.constant 96 : index
        %swap3A_396 = tpu.vector_load %arg10[%swap3A_394, %swap3A_395] {strides = array<i32>} : memref<128x128xf32, #tpu.memory_space<vmem>>, vector<16xf32>,
        tpu.vector_store %arg10[%swap3A_394, %swap3A_395], %mul3A_393 {strides = array<i32>} : memref<128x128xf32, #tpu.memory_space<vmem>>, vector<16xf32>,
        %get3A_397 = arith.index_cast %add3A_340 : i32 to index
        %get3A_398 = arith.constant 112 : index
        %get3A_399 = tpu.vector_load %arg10[%get3A_397, %get3A_398] {strides = array<i32>} : memref<128x128xf32, #tpu.memory_space<vmem>>, vector<16xf32>,
        %mul3A_400 = vector.broadcast %squeeze3A_336 : f32 to vector<16xf32>
        %mul3A_401 = arith.mulf %get3A_399, %mul3A_400 : vector<16xf32>
        %swap3A_402 = arith.index_cast %add3A_340 : i32 to index
        %swap3A_403 = arith.constant 112 : index
        %swap3A_404 = tpu.vector_load %arg10[%swap3A_402, %swap3A_403] {strides = array<i32>} : memref<128x128xf32, #tpu.memory_space<vmem>>, vector<16xf32>,
        tpu.vector_store %arg10[%swap3A_402, %swap3A_403], %mul3A_401 {strides = array<i32>} : memref<128x128xf32, #tpu.memory_space<vmem>>, vector<16xf32>,
        %slice3A_405 = vector.extract_strided_slice %get3A_57 {offsets = [5], sizes = [1], strides = [1]} : vector<16xf32> to vector<1xf32>
        %squeeze3A_406 = vector.extract %slice3A_405[0] : f32 from vector<1xf32>
        %mul3A_407 = arith.constant 16 : i32
        %mul3A_408 = arith.muli %add3A_53, %mul3A_407 : i32
        %add3A_409 = arith.constant 5 : i32
        %add3A_410 = arith.addi %mul3A_408, %add3A_409 : i32
        %get3A_411 = arith.index_cast %add3A_410 : i32 to index
        %get3A_412 = arith.constant 0 : index
        %get3A_413 = tpu.vector_load %arg10[%get3A_411, %get3A_412] {strides = array<i32>} : memref<128x128xf32, #tpu.memory_space<vmem>>, vector<16xf32>,
        %mul3A_414 = vector.broadcast %squeeze3A_406 : f32 to vector<16xf32>
        %mul3A_415 = arith.mulf %get3A_413, %mul3A_414 : vector<16xf32>
        %swap3A_416 = arith.index_cast %add3A_410 : i32 to index
        %swap3A_417 = arith.constant 0 : index
        %swap3A_418 = tpu.vector_load %arg10[%swap3A_416, %swap3A_417] {strides = array<i32>} : memref<128x128xf32, #tpu.memory_space<vmem>>, vector<16xf32>,
        tpu.vector_store %arg10[%swap3A_416, %swap3A_417], %mul3A_415 {strides = array<i32>} : memref<128x128xf32, #tpu.memory_space<vmem>>, vector<16xf32>,
        %get3A_419 = arith.index_cast %add3A_410 : i32 to index
        %get3A_420 = arith.constant 16 : index
        %get3A_421 = tpu.vector_load %arg10[%get3A_419, %get3A_420] {strides = array<i32>} : memref<128x128xf32, #tpu.memory_space<vmem>>, vector<16xf32>,
        %mul3A_422 = vector.broadcast %squeeze3A_406 : f32 to vector<16xf32>
        %mul3A_423 = arith.mulf %get3A_421, %mul3A_422 : vector<16xf32>
        %swap3A_424 = arith.index_cast %add3A_410 : i32 to index
        %swap3A_425 = arith.constant 16 : index
        %swap3A_426 = tpu.vector_load %arg10[%swap3A_424, %swap3A_425] {strides = array<i32>} : memref<128x128xf32, #tpu.memory_space<vmem>>, vector<16xf32>,
        tpu.vector_store %arg10[%swap3A_424, %swap3A_425], %mul3A_423 {strides = array<i32>} : memref<128x128xf32, #tpu.memory_space<vmem>>, vector<16xf32>,
        %get3A_427 = arith.index_cast %add3A_410 : i32 to index
        %get3A_428 = arith.constant 32 : index
        %get3A_429 = tpu.vector_load %arg10[%get3A_427, %get3A_428] {strides = array<i32>} : memref<128x128xf32, #tpu.memory_space<vmem>>, vector<16xf32>,
        %mul3A_430 = vector.broadcast %squeeze3A_406 : f32 to vector<16xf32>
        %mul3A_431 = arith.mulf %get3A_429, %mul3A_430 : vector<16xf32>
        %swap3A_432 = arith.index_cast %add3A_410 : i32 to index
        %swap3A_433 = arith.constant 32 : index
        %swap3A_434 = tpu.vector_load %arg10[%swap3A_432, %swap3A_433] {strides = array<i32>} : memref<128x128xf32, #tpu.memory_space<vmem>>, vector<16xf32>,
        tpu.vector_store %arg10[%swap3A_432, %swap3A_433], %mul3A_431 {strides = array<i32>} : memref<128x128xf32, #tpu.memory_space<vmem>>, vector<16xf32>,
        %get3A_435 = arith.index_cast %add3A_410 : i32 to index
        %get3A_436 = arith.constant 48 : index
        %get3A_437 = tpu.vector_load %arg10[%get3A_435, %get3A_436] {strides = array<i32>} : memref<128x128xf32, #tpu.memory_space<vmem>>, vector<16xf32>,
        %mul3A_438 = vector.broadcast %squeeze3A_406 : f32 to vector<16xf32>
        %mul3A_439 = arith.mulf %get3A_437, %mul3A_438 : vector<16xf32>
        %swap3A_440 = arith.index_cast %add3A_410 : i32 to index
        %swap3A_441 = arith.constant 48 : index
        %swap3A_442 = tpu.vector_load %arg10[%swap3A_440, %swap3A_441] {strides = array<i32>} : memref<128x128xf32, #tpu.memory_space<vmem>>, vector<16xf32>,
        tpu.vector_store %arg10[%swap3A_440, %swap3A_441], %mul3A_439 {strides = array<i32>} : memref<128x128xf32, #tpu.memory_space<vmem>>, vector<16xf32>,
        %get3A_443 = arith.index_cast %add3A_410 : i32 to index
        %get3A_444 = arith.constant 64 : index
        %get3A_445 = tpu.vector_load %arg10[%get3A_443, %get3A_444] {strides = array<i32>} : memref<128x128xf32, #tpu.memory_space<vmem>>, vector<16xf32>,
        %mul3A_446 = vector.broadcast %squeeze3A_406 : f32 to vector<16xf32>
        %mul3A_447 = arith.mulf %get3A_445, %mul3A_446 : vector<16xf32>
        %swap3A_448 = arith.index_cast %add3A_410 : i32 to index
        %swap3A_449 = arith.constant 64 : index
        %swap3A_450 = tpu.vector_load %arg10[%swap3A_448, %swap3A_449] {strides = array<i32>} : memref<128x128xf32, #tpu.memory_space<vmem>>, vector<16xf32>,
        tpu.vector_store %arg10[%swap3A_448, %swap3A_449], %mul3A_447 {strides = array<i32>} : memref<128x128xf32, #tpu.memory_space<vmem>>, vector<16xf32>,
        %get3A_451 = arith.index_cast %add3A_410 : i32 to index
        %get3A_452 = arith.constant 80 : index
        %get3A_453 = tpu.vector_load %arg10[%get3A_451, %get3A_452] {strides = array<i32>} : memref<128x128xf32, #tpu.memory_space<vmem>>, vector<16xf32>,
        %mul3A_454 = vector.broadcast %squeeze3A_406 : f32 to vector<16xf32>
        %mul3A_455 = arith.mulf %get3A_453, %mul3A_454 : vector<16xf32>
        %swap3A_456 = arith.index_cast %add3A_410 : i32 to index
        %swap3A_457 = arith.constant 80 : index
        %swap3A_458 = tpu.vector_load %arg10[%swap3A_456, %swap3A_457] {strides = array<i32>} : memref<128x128xf32, #tpu.memory_space<vmem>>, vector<16xf32>,
        tpu.vector_store %arg10[%swap3A_456, %swap3A_457], %mul3A_455 {strides = array<i32>} : memref<128x128xf32, #tpu.memory_space<vmem>>, vector<16xf32>,
        %get3A_459 = arith.index_cast %add3A_410 : i32 to index
        %get3A_460 = arith.constant 96 : index
        %get3A_461 = tpu.vector_load %arg10[%get3A_459, %get3A_460] {strides = array<i32>} : memref<128x128xf32, #tpu.memory_space<vmem>>, vector<16xf32>,
        %mul3A_462 = vector.broadcast %squeeze3A_406 : f32 to vector<16xf32>
        %mul3A_463 = arith.mulf %get3A_461, %mul3A_462 : vector<16xf32>
        %swap3A_464 = arith.index_cast %add3A_410 : i32 to index
        %swap3A_465 = arith.constant 96 : index
        %swap3A_466 = tpu.vector_load %arg10[%swap3A_464, %swap3A_465] {strides = array<i32>} : memref<128x128xf32, #tpu.memory_space<vmem>>, vector<16xf32>,
        tpu.vector_store %arg10[%swap3A_464, %swap3A_465], %mul3A_463 {strides = array<i32>} : memref<128x128xf32, #tpu.memory_space<vmem>>, vector<16xf32>,
        %get3A_467 = arith.index_cast %add3A_410 : i32 to index
        %get3A_468 = arith.constant 112 : index
        %get3A_469 = tpu.vector_load %arg10[%get3A_467, %get3A_468] {strides = array<i32>} : memref<128x128xf32, #tpu.memory_space<vmem>>, vector<16xf32>,
        %mul3A_470 = vector.broadcast %squeeze3A_406 : f32 to vector<16xf32>
        %mul3A_471 = arith.mulf %get3A_469, %mul3A_470 : vector<16xf32>
        %swap3A_472 = arith.index_cast %add3A_410 : i32 to index
        %swap3A_473 = arith.constant 112 : index
        %swap3A_474 = tpu.vector_load %arg10[%swap3A_472, %swap3A_473] {strides = array<i32>} : memref<128x128xf32, #tpu.memory_space<vmem>>, vector<16xf32>,
        tpu.vector_store %arg10[%swap3A_472, %swap3A_473], %mul3A_471 {strides = array<i32>} : memref<128x128xf32, #tpu.memory_space<vmem>>, vector<16xf32>,
        %slice3A_475 = vector.extract_strided_slice %get3A_57 {offsets = [6], sizes = [1], strides = [1]} : vector<16xf32> to vector<1xf32>
        %squeeze3A_476 = vector.extract %slice3A_475[0] : f32 from vector<1xf32>
        %mul3A_477 = arith.constant 16 : i32
        %mul3A_478 = arith.muli %add3A_53, %mul3A_477 : i32
        %add3A_479 = arith.constant 6 : i32
        %add3A_480 = arith.addi %mul3A_478, %add3A_479 : i32
        %get3A_481 = arith.index_cast %add3A_480 : i32 to index
        %get3A_482 = arith.constant 0 : index
        %get3A_483 = tpu.vector_load %arg10[%get3A_481, %get3A_482] {strides = array<i32>} : memref<128x128xf32, #tpu.memory_space<vmem>>, vector<16xf32>,
        %mul3A_484 = vector.broadcast %squeeze3A_476 : f32 to vector<16xf32>
        %mul3A_485 = arith.mulf %get3A_483, %mul3A_484 : vector<16xf32>
        %swap3A_486 = arith.index_cast %add3A_480 : i32 to index
        %swap3A_487 = arith.constant 0 : index
        %swap3A_488 = tpu.vector_load %arg10[%swap3A_486, %swap3A_487] {strides = array<i32>} : memref<128x128xf32, #tpu.memory_space<vmem>>, vector<16xf32>,
        tpu.vector_store %arg10[%swap3A_486, %swap3A_487], %mul3A_485 {strides = array<i32>} : memref<128x128xf32, #tpu.memory_space<vmem>>, vector<16xf32>,
        %get3A_489 = arith.index_cast %add3A_480 : i32 to index
        %get3A_490 = arith.constant 16 : index
        %get3A_491 = tpu.vector_load %arg10[%get3A_489, %get3A_490] {strides = array<i32>} : memref<128x128xf32, #tpu.memory_space<vmem>>, vector<16xf32>,
        %mul3A_492 = vector.broadcast %squeeze3A_476 : f32 to vector<16xf32>
        %mul3A_493 = arith.mulf %get3A_491, %mul3A_492 : vector<16xf32>
        %swap3A_494 = arith.index_cast %add3A_480 : i32 to index
        %swap3A_495 = arith.constant 16 : index
        %swap3A_496 = tpu.vector_load %arg10[%swap3A_494, %swap3A_495] {strides = array<i32>} : memref<128x128xf32, #tpu.memory_space<vmem>>, vector<16xf32>,
        tpu.vector_store %arg10[%swap3A_494, %swap3A_495], %mul3A_493 {strides = array<i32>} : memref<128x128xf32, #tpu.memory_space<vmem>>, vector<16xf32>,
        %get3A_497 = arith.index_cast %add3A_480 : i32 to index
        %get3A_498 = arith.constant 32 : index
        %get3A_499 = tpu.vector_load %arg10[%get3A_497, %get3A_498] {strides = array<i32>} : memref<128x128xf32, #tpu.memory_space<vmem>>, vector<16xf32>,
        %mul3A_500 = vector.broadcast %squeeze3A_476 : f32 to vector<16xf32>
        %mul3A_501 = arith.mulf %get3A_499, %mul3A_500 : vector<16xf32>
        %swap3A_502 = arith.index_cast %add3A_480 : i32 to index
        %swap3A_503 = arith.constant 32 : index
        %swap3A_504 = tpu.vector_load %arg10[%swap3A_502, %swap3A_503] {strides = array<i32>} : memref<128x128xf32, #tpu.memory_space<vmem>>, vector<16xf32>,
        tpu.vector_store %arg10[%swap3A_502, %swap3A_503], %mul3A_501 {strides = array<i32>} : memref<128x128xf32, #tpu.memory_space<vmem>>, vector<16xf32>,
        %get3A_505 = arith.index_cast %add3A_480 : i32 to index
        %get3A_506 = arith.constant 48 : index
        %get3A_507 = tpu.vector_load %arg10[%get3A_505, %get3A_506] {strides = array<i32>} : memref<128x128xf32, #tpu.memory_space<vmem>>, vector<16xf32>,
        %mul3A_508 = vector.broadcast %squeeze3A_476 : f32 to vector<16xf32>
        %mul3A_509 = arith.mulf %get3A_507, %mul3A_508 : vector<16xf32>
        %swap3A_510 = arith.index_cast %add3A_480 : i32 to index
        %swap3A_511 = arith.constant 48 : index
        %swap3A_512 = tpu.vector_load %arg10[%swap3A_510, %swap3A_511] {strides = array<i32>} : memref<128x128xf32, #tpu.memory_space<vmem>>, vector<16xf32>,
        tpu.vector_store %arg10[%swap3A_510, %swap3A_511], %mul3A_509 {strides = array<i32>} : memref<128x128xf32, #tpu.memory_space<vmem>>, vector<16xf32>,
        %get3A_513 = arith.index_cast %add3A_480 : i32 to index
        %get3A_514 = arith.constant 64 : index
        %get3A_515 = tpu.vector_load %arg10[%get3A_513, %get3A_514] {strides = array<i32>} : memref<128x128xf32, #tpu.memory_space<vmem>>, vector<16xf32>,
        %mul3A_516 = vector.broadcast %squeeze3A_476 : f32 to vector<16xf32>
        %mul3A_517 = arith.mulf %get3A_515, %mul3A_516 : vector<16xf32>
        %swap3A_518 = arith.index_cast %add3A_480 : i32 to index
        %swap3A_519 = arith.constant 64 : index
        %swap3A_520 = tpu.vector_load %arg10[%swap3A_518, %swap3A_519] {strides = array<i32>} : memref<128x128xf32, #tpu.memory_space<vmem>>, vector<16xf32>,
        tpu.vector_store %arg10[%swap3A_518, %swap3A_519], %mul3A_517 {strides = array<i32>} : memref<128x128xf32, #tpu.memory_space<vmem>>, vector<16xf32>,
        %get3A_521 = arith.index_cast %add3A_480 : i32 to index
        %get3A_522 = arith.constant 80 : index
        %get3A_523 = tpu.vector_load %arg10[%get3A_521, %get3A_522] {strides = array<i32>} : memref<128x128xf32, #tpu.memory_space<vmem>>, vector<16xf32>,
        %mul3A_524 = vector.broadcast %squeeze3A_476 : f32 to vector<16xf32>
        %mul3A_525 = arith.mulf %get3A_523, %mul3A_524 : vector<16xf32>
        %swap3A_526 = arith.index_cast %add3A_480 : i32 to index
        %swap3A_527 = arith.constant 80 : index
        %swap3A_528 = tpu.vector_load %arg10[%swap3A_526, %swap3A_527] {strides = array<i32>} : memref<128x128xf32, #tpu.memory_space<vmem>>, vector<16xf32>,
        tpu.vector_store %arg10[%swap3A_526, %swap3A_527], %mul3A_525 {strides = array<i32>} : memref<128x128xf32, #tpu.memory_space<vmem>>, vector<16xf32>,
        %get3A_529 = arith.index_cast %add3A_480 : i32 to index
        %get3A_530 = arith.constant 96 : index
        %get3A_531 = tpu.vector_load %arg10[%get3A_529, %get3A_530] {strides = array<i32>} : memref<128x128xf32, #tpu.memory_space<vmem>>, vector<16xf32>,
        %mul3A_532 = vector.broadcast %squeeze3A_476 : f32 to vector<16xf32>
        %mul3A_533 = arith.mulf %get3A_531, %mul3A_532 : vector<16xf32>
        %swap3A_534 = arith.index_cast %add3A_480 : i32 to index
        %swap3A_535 = arith.constant 96 : index
        %swap3A_536 = tpu.vector_load %arg10[%swap3A_534, %swap3A_535] {strides = array<i32>} : memref<128x128xf32, #tpu.memory_space<vmem>>, vector<16xf32>,
        tpu.vector_store %arg10[%swap3A_534, %swap3A_535], %mul3A_533 {strides = array<i32>} : memref<128x128xf32, #tpu.memory_space<vmem>>, vector<16xf32>,
        %get3A_537 = arith.index_cast %add3A_480 : i32 to index
        %get3A_538 = arith.constant 112 : index
        %get3A_539 = tpu.vector_load %arg10[%get3A_537, %get3A_538] {strides = array<i32>} : memref<128x128xf32, #tpu.memory_space<vmem>>, vector<16xf32>,
        %mul3A_540 = vector.broadcast %squeeze3A_476 : f32 to vector<16xf32>
        %mul3A_541 = arith.mulf %get3A_539, %mul3A_540 : vector<16xf32>
        %swap3A_542 = arith.index_cast %add3A_480 : i32 to index
        %swap3A_543 = arith.constant 112 : index
        %swap3A_544 = tpu.vector_load %arg10[%swap3A_542, %swap3A_543] {strides = array<i32>} : memref<128x128xf32, #tpu.memory_space<vmem>>, vector<16xf32>,
        tpu.vector_store %arg10[%swap3A_542, %swap3A_543], %mul3A_541 {strides = array<i32>} : memref<128x128xf32, #tpu.memory_space<vmem>>, vector<16xf32>,
        %slice3A_545 = vector.extract_strided_slice %get3A_57 {offsets = [7], sizes = [1], strides = [1]} : vector<16xf32> to vector<1xf32>
        %squeeze3A_546 = vector.extract %slice3A_545[0] : f32 from vector<1xf32>
        %mul3A_547 = arith.constant 16 : i32
        %mul3A_548 = arith.muli %add3A_53, %mul3A_547 : i32
        %add3A_549 = arith.constant 7 : i32
        %add3A_550 = arith.addi %mul3A_548, %add3A_549 : i32
        %get3A_551 = arith.index_cast %add3A_550 : i32 to index
        %get3A_552 = arith.constant 0 : index
        %get3A_553 = tpu.vector_load %arg10[%get3A_551, %get3A_552] {strides = array<i32>} : memref<128x128xf32, #tpu.memory_space<vmem>>, vector<16xf32>,
        %mul3A_554 = vector.broadcast %squeeze3A_546 : f32 to vector<16xf32>
        %mul3A_555 = arith.mulf %get3A_553, %mul3A_554 : vector<16xf32>
        %swap3A_556 = arith.index_cast %add3A_550 : i32 to index
        %swap3A_557 = arith.constant 0 : index
        %swap3A_558 = tpu.vector_load %arg10[%swap3A_556, %swap3A_557] {strides = array<i32>} : memref<128x128xf32, #tpu.memory_space<vmem>>, vector<16xf32>,
        tpu.vector_store %arg10[%swap3A_556, %swap3A_557], %mul3A_555 {strides = array<i32>} : memref<128x128xf32, #tpu.memory_space<vmem>>, vector<16xf32>,
        %get3A_559 = arith.index_cast %add3A_550 : i32 to index
        %get3A_560 = arith.constant 16 : index
        %get3A_561 = tpu.vector_load %arg10[%get3A_559, %get3A_560] {strides = array<i32>} : memref<128x128xf32, #tpu.memory_space<vmem>>, vector<16xf32>,
        %mul3A_562 = vector.broadcast %squeeze3A_546 : f32 to vector<16xf32>
        %mul3A_563 = arith.mulf %get3A_561, %mul3A_562 : vector<16xf32>
        %swap3A_564 = arith.index_cast %add3A_550 : i32 to index
        %swap3A_565 = arith.constant 16 : index
        %swap3A_566 = tpu.vector_load %arg10[%swap3A_564, %swap3A_565] {strides = array<i32>} : memref<128x128xf32, #tpu.memory_space<vmem>>, vector<16xf32>,
        tpu.vector_store %arg10[%swap3A_564, %swap3A_565], %mul3A_563 {strides = array<i32>} : memref<128x128xf32, #tpu.memory_space<vmem>>, vector<16xf32>,
        %get3A_567 = arith.index_cast %add3A_550 : i32 to index
        %get3A_568 = arith.constant 32 : index
        %get3A_569 = tpu.vector_load %arg10[%get3A_567, %get3A_568] {strides = array<i32>} : memref<128x128xf32, #tpu.memory_space<vmem>>, vector<16xf32>,
        %mul3A_570 = vector.broadcast %squeeze3A_546 : f32 to vector<16xf32>
        %mul3A_571 = arith.mulf %get3A_569, %mul3A_570 : vector<16xf32>
        %swap3A_572 = arith.index_cast %add3A_550 : i32 to index
        %swap3A_573 = arith.constant 32 : index
        %swap3A_574 = tpu.vector_load %arg10[%swap3A_572, %swap3A_573] {strides = array<i32>} : memref<128x128xf32, #tpu.memory_space<vmem>>, vector<16xf32>,
        tpu.vector_store %arg10[%swap3A_572, %swap3A_573], %mul3A_571 {strides = array<i32>} : memref<128x128xf32, #tpu.memory_space<vmem>>, vector<16xf32>,
        %get3A_575 = arith.index_cast %add3A_550 : i32 to index
        %get3A_576 = arith.constant 48 : index
        %get3A_577 = tpu.vector_load %arg10[%get3A_575, %get3A_576] {strides = array<i32>} : memref<128x128xf32, #tpu.memory_space<vmem>>, vector<16xf32>,
        %mul3A_578 = vector.broadcast %squeeze3A_546 : f32 to vector<16xf32>
        %mul3A_579 = arith.mulf %get3A_577, %mul3A_578 : vector<16xf32>
        %swap3A_580 = arith.index_cast %add3A_550 : i32 to index
        %swap3A_581 = arith.constant 48 : index
        %swap3A_582 = tpu.vector_load %arg10[%swap3A_580, %swap3A_581] {strides = array<i32>} : memref<128x128xf32, #tpu.memory_space<vmem>>, vector<16xf32>,
        tpu.vector_store %arg10[%swap3A_580, %swap3A_581], %mul3A_579 {strides = array<i32>} : memref<128x128xf32, #tpu.memory_space<vmem>>, vector<16xf32>,
        %get3A_583 = arith.index_cast %add3A_550 : i32 to index
        %get3A_584 = arith.constant 64 : index
        %get3A_585 = tpu.vector_load %arg10[%get3A_583, %get3A_584] {strides = array<i32>} : memref<128x128xf32, #tpu.memory_space<vmem>>, vector<16xf32>,
        %mul3A_586 = vector.broadcast %squeeze3A_546 : f32 to vector<16xf32>
        %mul3A_587 = arith.mulf %get3A_585, %mul3A_586 : vector<16xf32>
        %swap3A_588 = arith.index_cast %add3A_550 : i32 to index
        %swap3A_589 = arith.constant 64 : index
        %swap3A_590 = tpu.vector_load %arg10[%swap3A_588, %swap3A_589] {strides = array<i32>} : memref<128x128xf32, #tpu.memory_space<vmem>>, vector<16xf32>,
        tpu.vector_store %arg10[%swap3A_588, %swap3A_589], %mul3A_587 {strides = array<i32>} : memref<128x128xf32, #tpu.memory_space<vmem>>, vector<16xf32>,
        %get3A_591 = arith.index_cast %add3A_550 : i32 to index
        %get3A_592 = arith.constant 80 : index
        %get3A_593 = tpu.vector_load %arg10[%get3A_591, %get3A_592] {strides = array<i32>} : memref<128x128xf32, #tpu.memory_space<vmem>>, vector<16xf32>,
        %mul3A_594 = vector.broadcast %squeeze3A_546 : f32 to vector<16xf32>
        %mul3A_595 = arith.mulf %get3A_593, %mul3A_594 : vector<16xf32>
        %swap3A_596 = arith.index_cast %add3A_550 : i32 to index
        %swap3A_597 = arith.constant 80 : index
        %swap3A_598 = tpu.vector_load %arg10[%swap3A_596, %swap3A_597] {strides = array<i32>} : memref<128x128xf32, #tpu.memory_space<vmem>>, vector<16xf32>,
        tpu.vector_store %arg10[%swap3A_596, %swap3A_597], %mul3A_595 {strides = array<i32>} : memref<128x128xf32, #tpu.memory_space<vmem>>, vector<16xf32>,
        %get3A_599 = arith.index_cast %add3A_550 : i32 to index
        %get3A_600 = arith.constant 96 : index
        %get3A_601 = tpu.vector_load %arg10[%get3A_599, %get3A_600] {strides = array<i32>} : memref<128x128xf32, #tpu.memory_space<vmem>>, vector<16xf32>,
        %mul3A_602 = vector.broadcast %squeeze3A_546 : f32 to vector<16xf32>
        %mul3A_603 = arith.mulf %get3A_601, %mul3A_602 : vector<16xf32>
        %swap3A_604 = arith.index_cast %add3A_550 : i32 to index
        %swap3A_605 = arith.constant 96 : index
        %swap3A_606 = tpu.vector_load %arg10[%swap3A_604, %swap3A_605] {strides = array<i32>} : memref<128x128xf32, #tpu.memory_space<vmem>>, vector<16xf32>,
        tpu.vector_store %arg10[%swap3A_604, %swap3A_605], %mul3A_603 {strides = array<i32>} : memref<128x128xf32, #tpu.memory_space<vmem>>, vector<16xf32>,
        %get3A_607 = arith.index_cast %add3A_550 : i32 to index
        %get3A_608 = arith.constant 112 : index
        %get3A_609 = tpu.vector_load %arg10[%get3A_607, %get3A_608] {strides = array<i32>} : memref<128x128xf32, #tpu.memory_space<vmem>>, vector<16xf32>,
        %mul3A_610 = vector.broadcast %squeeze3A_546 : f32 to vector<16xf32>
        %mul3A_611 = arith.mulf %get3A_609, %mul3A_610 : vector<16xf32>
        %swap3A_612 = arith.index_cast %add3A_550 : i32 to index
        %swap3A_613 = arith.constant 112 : index
        %swap3A_614 = tpu.vector_load %arg10[%swap3A_612, %swap3A_613] {strides = array<i32>} : memref<128x128xf32, #tpu.memory_space<vmem>>, vector<16xf32>,
        tpu.vector_store %arg10[%swap3A_612, %swap3A_613], %mul3A_611 {strides = array<i32>} : memref<128x128xf32, #tpu.memory_space<vmem>>, vector<16xf32>,
        %slice3A_615 = vector.extract_strided_slice %get3A_57 {offsets = [8], sizes = [1], strides = [1]} : vector<16xf32> to vector<1xf32>
        %squeeze3A_616 = vector.extract %slice3A_615[0] : f32 from vector<1xf32>
        %mul3A_617 = arith.constant 16 : i32
        %mul3A_618 = arith.muli %add3A_53, %mul3A_617 : i32
        %add3A_619 = arith.constant 8 : i32
        %add3A_620 = arith.addi %mul3A_618, %add3A_619 : i32
        %get3A_621 = arith.index_cast %add3A_620 : i32 to index
        %get3A_622 = arith.constant 0 : index
        %get3A_623 = tpu.vector_load %arg10[%get3A_621, %get3A_622] {strides = array<i32>} : memref<128x128xf32, #tpu.memory_space<vmem>>, vector<16xf32>,
        %mul3A_624 = vector.broadcast %squeeze3A_616 : f32 to vector<16xf32>
        %mul3A_625 = arith.mulf %get3A_623, %mul3A_624 : vector<16xf32>
        %swap3A_626 = arith.index_cast %add3A_620 : i32 to index
        %swap3A_627 = arith.constant 0 : index
        %swap3A_628 = tpu.vector_load %arg10[%swap3A_626, %swap3A_627] {strides = array<i32>} : memref<128x128xf32, #tpu.memory_space<vmem>>, vector<16xf32>,
        tpu.vector_store %arg10[%swap3A_626, %swap3A_627], %mul3A_625 {strides = array<i32>} : memref<128x128xf32, #tpu.memory_space<vmem>>, vector<16xf32>,
        %get3A_629 = arith.index_cast %add3A_620 : i32 to index
        %get3A_630 = arith.constant 16 : index
        %get3A_631 = tpu.vector_load %arg10[%get3A_629, %get3A_630] {strides = array<i32>} : memref<128x128xf32, #tpu.memory_space<vmem>>, vector<16xf32>,
        %mul3A_632 = vector.broadcast %squeeze3A_616 : f32 to vector<16xf32>
        %mul3A_633 = arith.mulf %get3A_631, %mul3A_632 : vector<16xf32>
        %swap3A_634 = arith.index_cast %add3A_620 : i32 to index
        %swap3A_635 = arith.constant 16 : index
        %swap3A_636 = tpu.vector_load %arg10[%swap3A_634, %swap3A_635] {strides = array<i32>} : memref<128x128xf32, #tpu.memory_space<vmem>>, vector<16xf32>,
        tpu.vector_store %arg10[%swap3A_634, %swap3A_635], %mul3A_633 {strides = array<i32>} : memref<128x128xf32, #tpu.memory_space<vmem>>, vector<16xf32>,
        %get3A_637 = arith.index_cast %add3A_620 : i32 to index
        %get3A_638 = arith.constant 32 : index
        %get3A_639 = tpu.vector_load %arg10[%get3A_637, %get3A_638] {strides = array<i32>} : memref<128x128xf32, #tpu.memory_space<vmem>>, vector<16xf32>,
        %mul3A_640 = vector.broadcast %squeeze3A_616 : f32 to vector<16xf32>
        %mul3A_641 = arith.mulf %get3A_639, %mul3A_640 : vector<16xf32>
        %swap3A_642 = arith.index_cast %add3A_620 : i32 to index
        %swap3A_643 = arith.constant 32 : index
        %swap3A_644 = tpu.vector_load %arg10[%swap3A_642, %swap3A_643] {strides = array<i32>} : memref<128x128xf32, #tpu.memory_space<vmem>>, vector<16xf32>,
        tpu.vector_store %arg10[%swap3A_642, %swap3A_643], %mul3A_641 {strides = array<i32>} : memref<128x128xf32, #tpu.memory_space<vmem>>, vector<16xf32>,
        %get3A_645 = arith.index_cast %add3A_620 : i32 to index
        %get3A_646 = arith.constant 48 : index
        %get3A_647 = tpu.vector_load %arg10[%get3A_645, %get3A_646] {strides = array<i32>} : memref<128x128xf32, #tpu.memory_space<vmem>>, vector<16xf32>,
        %mul3A_648 = vector.broadcast %squeeze3A_616 : f32 to vector<16xf32>
        %mul3A_649 = arith.mulf %get3A_647, %mul3A_648 : vector<16xf32>
        %swap3A_650 = arith.index_cast %add3A_620 : i32 to index
        %swap3A_651 = arith.constant 48 : index
        %swap3A_652 = tpu.vector_load %arg10[%swap3A_650, %swap3A_651] {strides = array<i32>} : memref<128x128xf32, #tpu.memory_space<vmem>>, vector<16xf32>,
        tpu.vector_store %arg10[%swap3A_650, %swap3A_651], %mul3A_649 {strides = array<i32>} : memref<128x128xf32, #tpu.memory_space<vmem>>, vector<16xf32>,
        %get3A_653 = arith.index_cast %add3A_620 : i32 to index
        %get3A_654 = arith.constant 64 : index
        %get3A_655 = tpu.vector_load %arg10[%get3A_653, %get3A_654] {strides = array<i32>} : memref<128x128xf32, #tpu.memory_space<vmem>>, vector<16xf32>,
        %mul3A_656 = vector.broadcast %squeeze3A_616 : f32 to vector<16xf32>
        %mul3A_657 = arith.mulf %get3A_655, %mul3A_656 : vector<16xf32>
        %swap3A_658 = arith.index_cast %add3A_620 : i32 to index
        %swap3A_659 = arith.constant 64 : index
        %swap3A_660 = tpu.vector_load %arg10[%swap3A_658, %swap3A_659] {strides = array<i32>} : memref<128x128xf32, #tpu.memory_space<vmem>>, vector<16xf32>,
        tpu.vector_store %arg10[%swap3A_658, %swap3A_659], %mul3A_657 {strides = array<i32>} : memref<128x128xf32, #tpu.memory_space<vmem>>, vector<16xf32>,
        %get3A_661 = arith.index_cast %add3A_620 : i32 to index
        %get3A_662 = arith.constant 80 : index
        %get3A_663 = tpu.vector_load %arg10[%get3A_661, %get3A_662] {strides = array<i32>} : memref<128x128xf32, #tpu.memory_space<vmem>>, vector<16xf32>,
        %mul3A_664 = vector.broadcast %squeeze3A_616 : f32 to vector<16xf32>
        %mul3A_665 = arith.mulf %get3A_663, %mul3A_664 : vector<16xf32>
        %swap3A_666 = arith.index_cast %add3A_620 : i32 to index
        %swap3A_667 = arith.constant 80 : index
        %swap3A_668 = tpu.vector_load %arg10[%swap3A_666, %swap3A_667] {strides = array<i32>} : memref<128x128xf32, #tpu.memory_space<vmem>>, vector<16xf32>,
        tpu.vector_store %arg10[%swap3A_666, %swap3A_667], %mul3A_665 {strides = array<i32>} : memref<128x128xf32, #tpu.memory_space<vmem>>, vector<16xf32>,
        %get3A_669 = arith.index_cast %add3A_620 : i32 to index
        %get3A_670 = arith.constant 96 : index
        %get3A_671 = tpu.vector_load %arg10[%get3A_669, %get3A_670] {strides = array<i32>} : memref<128x128xf32, #tpu.memory_space<vmem>>, vector<16xf32>,
        %mul3A_672 = vector.broadcast %squeeze3A_616 : f32 to vector<16xf32>
        %mul3A_673 = arith.mulf %get3A_671, %mul3A_672 : vector<16xf32>
        %swap3A_674 = arith.index_cast %add3A_620 : i32 to index
        %swap3A_675 = arith.constant 96 : index
        %swap3A_676 = tpu.vector_load %arg10[%swap3A_674, %swap3A_675] {strides = array<i32>} : memref<128x128xf32, #tpu.memory_space<vmem>>, vector<16xf32>,
        tpu.vector_store %arg10[%swap3A_674, %swap3A_675], %mul3A_673 {strides = array<i32>} : memref<128x128xf32, #tpu.memory_space<vmem>>, vector<16xf32>,
        %get3A_677 = arith.index_cast %add3A_620 : i32 to index
        %get3A_678 = arith.constant 112 : index
        %get3A_679 = tpu.vector_load %arg10[%get3A_677, %get3A_678] {strides = array<i32>} : memref<128x128xf32, #tpu.memory_space<vmem>>, vector<16xf32>,
        %mul3A_680 = vector.broadcast %squeeze3A_616 : f32 to vector<16xf32>
        %mul3A_681 = arith.mulf %get3A_679, %mul3A_680 : vector<16xf32>
        %swap3A_682 = arith.index_cast %add3A_620 : i32 to index
        %swap3A_683 = arith.constant 112 : index
        %swap3A_684 = tpu.vector_load %arg10[%swap3A_682, %swap3A_683] {strides = array<i32>} : memref<128x128xf32, #tpu.memory_space<vmem>>, vector<16xf32>,
        tpu.vector_store %arg10[%swap3A_682, %swap3A_683], %mul3A_681 {strides = array<i32>} : memref<128x128xf32, #tpu.memory_space<vmem>>, vector<16xf32>,
        %slice3A_685 = vector.extract_strided_slice %get3A_57 {offsets = [9], sizes = [1], strides = [1]} : vector<16xf32> to vector<1xf32>
        %squeeze3A_686 = vector.extract %slice3A_685[0] : f32 from vector<1xf32>
        %mul3A_687 = arith.constant 16 : i32
        %mul3A_688 = arith.muli %add3A_53, %mul3A_687 : i32
        %add3A_689 = arith.constant 9 : i32
        %add3A_690 = arith.addi %mul3A_688, %add3A_689 : i32
        %get3A_691 = arith.index_cast %add3A_690 : i32 to index
        %get3A_692 = arith.constant 0 : index
        %get3A_693 = tpu.vector_load %arg10[%get3A_691, %get3A_692] {strides = array<i32>} : memref<128x128xf32, #tpu.memory_space<vmem>>, vector<16xf32>,
        %mul3A_694 = vector.broadcast %squeeze3A_686 : f32 to vector<16xf32>
        %mul3A_695 = arith.mulf %get3A_693, %mul3A_694 : vector<16xf32>
        %swap3A_696 = arith.index_cast %add3A_690 : i32 to index
        %swap3A_697 = arith.constant 0 : index
        %swap3A_698 = tpu.vector_load %arg10[%swap3A_696, %swap3A_697] {strides = array<i32>} : memref<128x128xf32, #tpu.memory_space<vmem>>, vector<16xf32>,
        tpu.vector_store %arg10[%swap3A_696, %swap3A_697], %mul3A_695 {strides = array<i32>} : memref<128x128xf32, #tpu.memory_space<vmem>>, vector<16xf32>,
        %get3A_699 = arith.index_cast %add3A_690 : i32 to index
        %get3A_700 = arith.constant 16 : index
        %get3A_701 = tpu.vector_load %arg10[%get3A_699, %get3A_700] {strides = array<i32>} : memref<128x128xf32, #tpu.memory_space<vmem>>, vector<16xf32>,
        %mul3A_702 = vector.broadcast %squeeze3A_686 : f32 to vector<16xf32>
        %mul3A_703 = arith.mulf %get3A_701, %mul3A_702 : vector<16xf32>
        %swap3A_704 = arith.index_cast %add3A_690 : i32 to index
        %swap3A_705 = arith.constant 16 : index
        %swap3A_706 = tpu.vector_load %arg10[%swap3A_704, %swap3A_705] {strides = array<i32>} : memref<128x128xf32, #tpu.memory_space<vmem>>, vector<16xf32>,
        tpu.vector_store %arg10[%swap3A_704, %swap3A_705], %mul3A_703 {strides = array<i32>} : memref<128x128xf32, #tpu.memory_space<vmem>>, vector<16xf32>,
        %get3A_707 = arith.index_cast %add3A_690 : i32 to index
        %get3A_708 = arith.constant 32 : index
        %get3A_709 = tpu.vector_load %arg10[%get3A_707, %get3A_708] {strides = array<i32>} : memref<128x128xf32, #tpu.memory_space<vmem>>, vector<16xf32>,
        %mul3A_710 = vector.broadcast %squeeze3A_686 : f32 to vector<16xf32>
        %mul3A_711 = arith.mulf %get3A_709, %mul3A_710 : vector<16xf32>
        %swap3A_712 = arith.index_cast %add3A_690 : i32 to index
        %swap3A_713 = arith.constant 32 : index
        %swap3A_714 = tpu.vector_load %arg10[%swap3A_712, %swap3A_713] {strides = array<i32>} : memref<128x128xf32, #tpu.memory_space<vmem>>, vector<16xf32>,
        tpu.vector_store %arg10[%swap3A_712, %swap3A_713], %mul3A_711 {strides = array<i32>} : memref<128x128xf32, #tpu.memory_space<vmem>>, vector<16xf32>,
        %get3A_715 = arith.index_cast %add3A_690 : i32 to index
        %get3A_716 = arith.constant 48 : index
        %get3A_717 = tpu.vector_load %arg10[%get3A_715, %get3A_716] {strides = array<i32>} : memref<128x128xf32, #tpu.memory_space<vmem>>, vector<16xf32>,
        %mul3A_718 = vector.broadcast %squeeze3A_686 : f32 to vector<16xf32>
        %mul3A_719 = arith.mulf %get3A_717, %mul3A_718 : vector<16xf32>
        %swap3A_720 = arith.index_cast %add3A_690 : i32 to index
        %swap3A_721 = arith.constant 48 : index
        %swap3A_722 = tpu.vector_load %arg10[%swap3A_720, %swap3A_721] {strides = array<i32>} : memref<128x128xf32, #tpu.memory_space<vmem>>, vector<16xf32>,
        tpu.vector_store %arg10[%swap3A_720, %swap3A_721], %mul3A_719 {strides = array<i32>} : memref<128x128xf32, #tpu.memory_space<vmem>>, vector<16xf32>,
        %get3A_723 = arith.index_cast %add3A_690 : i32 to index
        %get3A_724 = arith.constant 64 : index
        %get3A_725 = tpu.vector_load %arg10[%get3A_723, %get3A_724] {strides = array<i32>} : memref<128x128xf32, #tpu.memory_space<vmem>>, vector<16xf32>,
        %mul3A_726 = vector.broadcast %squeeze3A_686 : f32 to vector<16xf32>
        %mul3A_727 = arith.mulf %get3A_725, %mul3A_726 : vector<16xf32>
        %swap3A_728 = arith.index_cast %add3A_690 : i32 to index
        %swap3A_729 = arith.constant 64 : index
        %swap3A_730 = tpu.vector_load %arg10[%swap3A_728, %swap3A_729] {strides = array<i32>} : memref<128x128xf32, #tpu.memory_space<vmem>>, vector<16xf32>,
        tpu.vector_store %arg10[%swap3A_728, %swap3A_729], %mul3A_727 {strides = array<i32>} : memref<128x128xf32, #tpu.memory_space<vmem>>, vector<16xf32>,
        %get3A_731 = arith.index_cast %add3A_690 : i32 to index
        %get3A_732 = arith.constant 80 : index
        %get3A_733 = tpu.vector_load %arg10[%get3A_731, %get3A_732] {strides = array<i32>} : memref<128x128xf32, #tpu.memory_space<vmem>>, vector<16xf32>,
        %mul3A_734 = vector.broadcast %squeeze3A_686 : f32 to vector<16xf32>
        %mul3A_735 = arith.mulf %get3A_733, %mul3A_734 : vector<16xf32>
        %swap3A_736 = arith.index_cast %add3A_690 : i32 to index
        %swap3A_737 = arith.constant 80 : index
        %swap3A_738 = tpu.vector_load %arg10[%swap3A_736, %swap3A_737] {strides = array<i32>} : memref<128x128xf32, #tpu.memory_space<vmem>>, vector<16xf32>,
        tpu.vector_store %arg10[%swap3A_736, %swap3A_737], %mul3A_735 {strides = array<i32>} : memref<128x128xf32, #tpu.memory_space<vmem>>, vector<16xf32>,
        %get3A_739 = arith.index_cast %add3A_690 : i32 to index
        %get3A_740 = arith.constant 96 : index
        %get3A_741 = tpu.vector_load %arg10[%get3A_739, %get3A_740] {strides = array<i32>} : memref<128x128xf32, #tpu.memory_space<vmem>>, vector<16xf32>,
        %mul3A_742 = vector.broadcast %squeeze3A_686 : f32 to vector<16xf32>
        %mul3A_743 = arith.mulf %get3A_741, %mul3A_742 : vector<16xf32>
        %swap3A_744 = arith.index_cast %add3A_690 : i32 to index
        %swap3A_745 = arith.constant 96 : index
        %swap3A_746 = tpu.vector_load %arg10[%swap3A_744, %swap3A_745] {strides = array<i32>} : memref<128x128xf32, #tpu.memory_space<vmem>>, vector<16xf32>,
        tpu.vector_store %arg10[%swap3A_744, %swap3A_745], %mul3A_743 {strides = array<i32>} : memref<128x128xf32, #tpu.memory_space<vmem>>, vector<16xf32>,
        %get3A_747 = arith.index_cast %add3A_690 : i32 to index
        %get3A_748 = arith.constant 112 : index
        %get3A_749 = tpu.vector_load %arg10[%get3A_747, %get3A_748] {strides = array<i32>} : memref<128x128xf32, #tpu.memory_space<vmem>>, vector<16xf32>,
        %mul3A_750 = vector.broadcast %squeeze3A_686 : f32 to vector<16xf32>
        %mul3A_751 = arith.mulf %get3A_749, %mul3A_750 : vector<16xf32>
        %swap3A_752 = arith.index_cast %add3A_690 : i32 to index
        %swap3A_753 = arith.constant 112 : index
        %swap3A_754 = tpu.vector_load %arg10[%swap3A_752, %swap3A_753] {strides = array<i32>} : memref<128x128xf32, #tpu.memory_space<vmem>>, vector<16xf32>,
        tpu.vector_store %arg10[%swap3A_752, %swap3A_753], %mul3A_751 {strides = array<i32>} : memref<128x128xf32, #tpu.memory_space<vmem>>, vector<16xf32>,
        %slice3A_755 = vector.extract_strided_slice %get3A_57 {offsets = [10], sizes = [1], strides = [1]} : vector<16xf32> to vector<1xf32>
        %squeeze3A_756 = vector.extract %slice3A_755[0] : f32 from vector<1xf32>
        %mul3A_757 = arith.constant 16 : i32
        %mul3A_758 = arith.muli %add3A_53, %mul3A_757 : i32
        %add3A_759 = arith.constant 10 : i32
        %add3A_760 = arith.addi %mul3A_758, %add3A_759 : i32
        %get3A_761 = arith.index_cast %add3A_760 : i32 to index
        %get3A_762 = arith.constant 0 : index
        %get3A_763 = tpu.vector_load %arg10[%get3A_761, %get3A_762] {strides = array<i32>} : memref<128x128xf32, #tpu.memory_space<vmem>>, vector<16xf32>,
        %mul3A_764 = vector.broadcast %squeeze3A_756 : f32 to vector<16xf32>
        %mul3A_765 = arith.mulf %get3A_763, %mul3A_764 : vector<16xf32>
        %swap3A_766 = arith.index_cast %add3A_760 : i32 to index
        %swap3A_767 = arith.constant 0 : index
        %swap3A_768 = tpu.vector_load %arg10[%swap3A_766, %swap3A_767] {strides = array<i32>} : memref<128x128xf32, #tpu.memory_space<vmem>>, vector<16xf32>,
        tpu.vector_store %arg10[%swap3A_766, %swap3A_767], %mul3A_765 {strides = array<i32>} : memref<128x128xf32, #tpu.memory_space<vmem>>, vector<16xf32>,
        %get3A_769 = arith.index_cast %add3A_760 : i32 to index
        %get3A_770 = arith.constant 16 : index
        %get3A_771 = tpu.vector_load %arg10[%get3A_769, %get3A_770] {strides = array<i32>} : memref<128x128xf32, #tpu.memory_space<vmem>>, vector<16xf32>,
        %mul3A_772 = vector.broadcast %squeeze3A_756 : f32 to vector<16xf32>
        %mul3A_773 = arith.mulf %get3A_771, %mul3A_772 : vector<16xf32>
        %swap3A_774 = arith.index_cast %add3A_760 : i32 to index
        %swap3A_775 = arith.constant 16 : index
        %swap3A_776 = tpu.vector_load %arg10[%swap3A_774, %swap3A_775] {strides = array<i32>} : memref<128x128xf32, #tpu.memory_space<vmem>>, vector<16xf32>,
        tpu.vector_store %arg10[%swap3A_774, %swap3A_775], %mul3A_773 {strides = array<i32>} : memref<128x128xf32, #tpu.memory_space<vmem>>, vector<16xf32>,
        %get3A_777 = arith.index_cast %add3A_760 : i32 to index
        %get3A_778 = arith.constant 32 : index
        %get3A_779 = tpu.vector_load %arg10[%get3A_777, %get3A_778] {strides = array<i32>} : memref<128x128xf32, #tpu.memory_space<vmem>>, vector<16xf32>,
        %mul3A_780 = vector.broadcast %squeeze3A_756 : f32 to vector<16xf32>
        %mul3A_781 = arith.mulf %get3A_779, %mul3A_780 : vector<16xf32>
        %swap3A_782 = arith.index_cast %add3A_760 : i32 to index
        %swap3A_783 = arith.constant 32 : index
        %swap3A_784 = tpu.vector_load %arg10[%swap3A_782, %swap3A_783] {strides = array<i32>} : memref<128x128xf32, #tpu.memory_space<vmem>>, vector<16xf32>,
        tpu.vector_store %arg10[%swap3A_782, %swap3A_783], %mul3A_781 {strides = array<i32>} : memref<128x128xf32, #tpu.memory_space<vmem>>, vector<16xf32>,
        %get3A_785 = arith.index_cast %add3A_760 : i32 to index
        %get3A_786 = arith.constant 48 : index
        %get3A_787 = tpu.vector_load %arg10[%get3A_785, %get3A_786] {strides = array<i32>} : memref<128x128xf32, #tpu.memory_space<vmem>>, vector<16xf32>,
        %mul3A_788 = vector.broadcast %squeeze3A_756 : f32 to vector<16xf32>
        %mul3A_789 = arith.mulf %get3A_787, %mul3A_788 : vector<16xf32>
        %swap3A_790 = arith.index_cast %add3A_760 : i32 to index
        %swap3A_791 = arith.constant 48 : index
        %swap3A_792 = tpu.vector_load %arg10[%swap3A_790, %swap3A_791] {strides = array<i32>} : memref<128x128xf32, #tpu.memory_space<vmem>>, vector<16xf32>,
        tpu.vector_store %arg10[%swap3A_790, %swap3A_791], %mul3A_789 {strides = array<i32>} : memref<128x128xf32, #tpu.memory_space<vmem>>, vector<16xf32>,
        %get3A_793 = arith.index_cast %add3A_760 : i32 to index
        %get3A_794 = arith.constant 64 : index
        %get3A_795 = tpu.vector_load %arg10[%get3A_793, %get3A_794] {strides = array<i32>} : memref<128x128xf32, #tpu.memory_space<vmem>>, vector<16xf32>,
        %mul3A_796 = vector.broadcast %squeeze3A_756 : f32 to vector<16xf32>
        %mul3A_797 = arith.mulf %get3A_795, %mul3A_796 : vector<16xf32>
        %swap3A_798 = arith.index_cast %add3A_760 : i32 to index
        %swap3A_799 = arith.constant 64 : index
        %swap3A_800 = tpu.vector_load %arg10[%swap3A_798, %swap3A_799] {strides = array<i32>} : memref<128x128xf32, #tpu.memory_space<vmem>>, vector<16xf32>,
        tpu.vector_store %arg10[%swap3A_798, %swap3A_799], %mul3A_797 {strides = array<i32>} : memref<128x128xf32, #tpu.memory_space<vmem>>, vector<16xf32>,
        %get3A_801 = arith.index_cast %add3A_760 : i32 to index
        %get3A_802 = arith.constant 80 : index
        %get3A_803 = tpu.vector_load %arg10[%get3A_801, %get3A_802] {strides = array<i32>} : memref<128x128xf32, #tpu.memory_space<vmem>>, vector<16xf32>,
        %mul3A_804 = vector.broadcast %squeeze3A_756 : f32 to vector<16xf32>
        %mul3A_805 = arith.mulf %get3A_803, %mul3A_804 : vector<16xf32>
        %swap3A_806 = arith.index_cast %add3A_760 : i32 to index
        %swap3A_807 = arith.constant 80 : index
        %swap3A_808 = tpu.vector_load %arg10[%swap3A_806, %swap3A_807] {strides = array<i32>} : memref<128x128xf32, #tpu.memory_space<vmem>>, vector<16xf32>,
        tpu.vector_store %arg10[%swap3A_806, %swap3A_807], %mul3A_805 {strides = array<i32>} : memref<128x128xf32, #tpu.memory_space<vmem>>, vector<16xf32>,
        %get3A_809 = arith.index_cast %add3A_760 : i32 to index
        %get3A_810 = arith.constant 96 : index
        %get3A_811 = tpu.vector_load %arg10[%get3A_809, %get3A_810] {strides = array<i32>} : memref<128x128xf32, #tpu.memory_space<vmem>>, vector<16xf32>,
        %mul3A_812 = vector.broadcast %squeeze3A_756 : f32 to vector<16xf32>
        %mul3A_813 = arith.mulf %get3A_811, %mul3A_812 : vector<16xf32>
        %swap3A_814 = arith.index_cast %add3A_760 : i32 to index
        %swap3A_815 = arith.constant 96 : index
        %swap3A_816 = tpu.vector_load %arg10[%swap3A_814, %swap3A_815] {strides = array<i32>} : memref<128x128xf32, #tpu.memory_space<vmem>>, vector<16xf32>,
        tpu.vector_store %arg10[%swap3A_814, %swap3A_815], %mul3A_813 {strides = array<i32>} : memref<128x128xf32, #tpu.memory_space<vmem>>, vector<16xf32>,
        %get3A_817 = arith.index_cast %add3A_760 : i32 to index
        %get3A_818 = arith.constant 112 : index
        %get3A_819 = tpu.vector_load %arg10[%get3A_817, %get3A_818] {strides = array<i32>} : memref<128x128xf32, #tpu.memory_space<vmem>>, vector<16xf32>,
        %mul3A_820 = vector.broadcast %squeeze3A_756 : f32 to vector<16xf32>
        %mul3A_821 = arith.mulf %get3A_819, %mul3A_820 : vector<16xf32>
        %swap3A_822 = arith.index_cast %add3A_760 : i32 to index
        %swap3A_823 = arith.constant 112 : index
        %swap3A_824 = tpu.vector_load %arg10[%swap3A_822, %swap3A_823] {strides = array<i32>} : memref<128x128xf32, #tpu.memory_space<vmem>>, vector<16xf32>,
        tpu.vector_store %arg10[%swap3A_822, %swap3A_823], %mul3A_821 {strides = array<i32>} : memref<128x128xf32, #tpu.memory_space<vmem>>, vector<16xf32>,
        %slice3A_825 = vector.extract_strided_slice %get3A_57 {offsets = [11], sizes = [1], strides = [1]} : vector<16xf32> to vector<1xf32>
        %squeeze3A_826 = vector.extract %slice3A_825[0] : f32 from vector<1xf32>
        %mul3A_827 = arith.constant 16 : i32
        %mul3A_828 = arith.muli %add3A_53, %mul3A_827 : i32
        %add3A_829 = arith.constant 11 : i32
        %add3A_830 = arith.addi %mul3A_828, %add3A_829 : i32
        %get3A_831 = arith.index_cast %add3A_830 : i32 to index
        %get3A_832 = arith.constant 0 : index
        %get3A_833 = tpu.vector_load %arg10[%get3A_831, %get3A_832] {strides = array<i32>} : memref<128x128xf32, #tpu.memory_space<vmem>>, vector<16xf32>,
        %mul3A_834 = vector.broadcast %squeeze3A_826 : f32 to vector<16xf32>
        %mul3A_835 = arith.mulf %get3A_833, %mul3A_834 : vector<16xf32>
        %swap3A_836 = arith.index_cast %add3A_830 : i32 to index
        %swap3A_837 = arith.constant 0 : index
        %swap3A_838 = tpu.vector_load %arg10[%swap3A_836, %swap3A_837] {strides = array<i32>} : memref<128x128xf32, #tpu.memory_space<vmem>>, vector<16xf32>,
        tpu.vector_store %arg10[%swap3A_836, %swap3A_837], %mul3A_835 {strides = array<i32>} : memref<128x128xf32, #tpu.memory_space<vmem>>, vector<16xf32>,
        %get3A_839 = arith.index_cast %add3A_830 : i32 to index
        %get3A_840 = arith.constant 16 : index
        %get3A_841 = tpu.vector_load %arg10[%get3A_839, %get3A_840] {strides = array<i32>} : memref<128x128xf32, #tpu.memory_space<vmem>>, vector<16xf32>,
        %mul3A_842 = vector.broadcast %squeeze3A_826 : f32 to vector<16xf32>
        %mul3A_843 = arith.mulf %get3A_841, %mul3A_842 : vector<16xf32>
        %swap3A_844 = arith.index_cast %add3A_830 : i32 to index
        %swap3A_845 = arith.constant 16 : index
        %swap3A_846 = tpu.vector_load %arg10[%swap3A_844, %swap3A_845] {strides = array<i32>} : memref<128x128xf32, #tpu.memory_space<vmem>>, vector<16xf32>,
        tpu.vector_store %arg10[%swap3A_844, %swap3A_845], %mul3A_843 {strides = array<i32>} : memref<128x128xf32, #tpu.memory_space<vmem>>, vector<16xf32>,
        %get3A_847 = arith.index_cast %add3A_830 : i32 to index
        %get3A_848 = arith.constant 32 : index
        %get3A_849 = tpu.vector_load %arg10[%get3A_847, %get3A_848] {strides = array<i32>} : memref<128x128xf32, #tpu.memory_space<vmem>>, vector<16xf32>,
        %mul3A_850 = vector.broadcast %squeeze3A_826 : f32 to vector<16xf32>
        %mul3A_851 = arith.mulf %get3A_849, %mul3A_850 : vector<16xf32>
        %swap3A_852 = arith.index_cast %add3A_830 : i32 to index
        %swap3A_853 = arith.constant 32 : index
        %swap3A_854 = tpu.vector_load %arg10[%swap3A_852, %swap3A_853] {strides = array<i32>} : memref<128x128xf32, #tpu.memory_space<vmem>>, vector<16xf32>,
        tpu.vector_store %arg10[%swap3A_852, %swap3A_853], %mul3A_851 {strides = array<i32>} : memref<128x128xf32, #tpu.memory_space<vmem>>, vector<16xf32>,
        %get3A_855 = arith.index_cast %add3A_830 : i32 to index
        %get3A_856 = arith.constant 48 : index
        %get3A_857 = tpu.vector_load %arg10[%get3A_855, %get3A_856] {strides = array<i32>} : memref<128x128xf32, #tpu.memory_space<vmem>>, vector<16xf32>,
        %mul3A_858 = vector.broadcast %squeeze3A_826 : f32 to vector<16xf32>
        %mul3A_859 = arith.mulf %get3A_857, %mul3A_858 : vector<16xf32>
        %swap3A_860 = arith.index_cast %add3A_830 : i32 to index
        %swap3A_861 = arith.constant 48 : index
        %swap3A_862 = tpu.vector_load %arg10[%swap3A_860, %swap3A_861] {strides = array<i32>} : memref<128x128xf32, #tpu.memory_space<vmem>>, vector<16xf32>,
        tpu.vector_store %arg10[%swap3A_860, %swap3A_861], %mul3A_859 {strides = array<i32>} : memref<128x128xf32, #tpu.memory_space<vmem>>, vector<16xf32>,
        %get3A_863 = arith.index_cast %add3A_830 : i32 to index
        %get3A_864 = arith.constant 64 : index
        %get3A_865 = tpu.vector_load %arg10[%get3A_863, %get3A_864] {strides = array<i32>} : memref<128x128xf32, #tpu.memory_space<vmem>>, vector<16xf32>,
        %mul3A_866 = vector.broadcast %squeeze3A_826 : f32 to vector<16xf32>
        %mul3A_867 = arith.mulf %get3A_865, %mul3A_866 : vector<16xf32>
        %swap3A_868 = arith.index_cast %add3A_830 : i32 to index
        %swap3A_869 = arith.constant 64 : index
        %swap3A_870 = tpu.vector_load %arg10[%swap3A_868, %swap3A_869] {strides = array<i32>} : memref<128x128xf32, #tpu.memory_space<vmem>>, vector<16xf32>,
        tpu.vector_store %arg10[%swap3A_868, %swap3A_869], %mul3A_867 {strides = array<i32>} : memref<128x128xf32, #tpu.memory_space<vmem>>, vector<16xf32>,
        %get3A_871 = arith.index_cast %add3A_830 : i32 to index
        %get3A_872 = arith.constant 80 : index
        %get3A_873 = tpu.vector_load %arg10[%get3A_871, %get3A_872] {strides = array<i32>} : memref<128x128xf32, #tpu.memory_space<vmem>>, vector<16xf32>,
        %mul3A_874 = vector.broadcast %squeeze3A_826 : f32 to vector<16xf32>
        %mul3A_875 = arith.mulf %get3A_873, %mul3A_874 : vector<16xf32>
        %swap3A_876 = arith.index_cast %add3A_830 : i32 to index
        %swap3A_877 = arith.constant 80 : index
        %swap3A_878 = tpu.vector_load %arg10[%swap3A_876, %swap3A_877] {strides = array<i32>} : memref<128x128xf32, #tpu.memory_space<vmem>>, vector<16xf32>,
        tpu.vector_store %arg10[%swap3A_876, %swap3A_877], %mul3A_875 {strides = array<i32>} : memref<128x128xf32, #tpu.memory_space<vmem>>, vector<16xf32>,
        %get3A_879 = arith.index_cast %add3A_830 : i32 to index
        %get3A_880 = arith.constant 96 : index
        %get3A_881 = tpu.vector_load %arg10[%get3A_879, %get3A_880] {strides = array<i32>} : memref<128x128xf32, #tpu.memory_space<vmem>>, vector<16xf32>,
        %mul3A_882 = vector.broadcast %squeeze3A_826 : f32 to vector<16xf32>
        %mul3A_883 = arith.mulf %get3A_881, %mul3A_882 : vector<16xf32>
        %swap3A_884 = arith.index_cast %add3A_830 : i32 to index
        %swap3A_885 = arith.constant 96 : index
        %swap3A_886 = tpu.vector_load %arg10[%swap3A_884, %swap3A_885] {strides = array<i32>} : memref<128x128xf32, #tpu.memory_space<vmem>>, vector<16xf32>,
        tpu.vector_store %arg10[%swap3A_884, %swap3A_885], %mul3A_883 {strides = array<i32>} : memref<128x128xf32, #tpu.memory_space<vmem>>, vector<16xf32>,
        %get3A_887 = arith.index_cast %add3A_830 : i32 to index
        %get3A_888 = arith.constant 112 : index
        %get3A_889 = tpu.vector_load %arg10[%get3A_887, %get3A_888] {strides = array<i32>} : memref<128x128xf32, #tpu.memory_space<vmem>>, vector<16xf32>,
        %mul3A_890 = vector.broadcast %squeeze3A_826 : f32 to vector<16xf32>
        %mul3A_891 = arith.mulf %get3A_889, %mul3A_890 : vector<16xf32>
        %swap3A_892 = arith.index_cast %add3A_830 : i32 to index
        %swap3A_893 = arith.constant 112 : index
        %swap3A_894 = tpu.vector_load %arg10[%swap3A_892, %swap3A_893] {strides = array<i32>} : memref<128x128xf32, #tpu.memory_space<vmem>>, vector<16xf32>,
        tpu.vector_store %arg10[%swap3A_892, %swap3A_893], %mul3A_891 {strides = array<i32>} : memref<128x128xf32, #tpu.memory_space<vmem>>, vector<16xf32>,
        %slice3A_895 = vector.extract_strided_slice %get3A_57 {offsets = [12], sizes = [1], strides = [1]} : vector<16xf32> to vector<1xf32>
        %squeeze3A_896 = vector.extract %slice3A_895[0] : f32 from vector<1xf32>
        %mul3A_897 = arith.constant 16 : i32
        %mul3A_898 = arith.muli %add3A_53, %mul3A_897 : i32
        %add3A_899 = arith.constant 12 : i32
        %add3A_900 = arith.addi %mul3A_898, %add3A_899 : i32
        %get3A_901 = arith.index_cast %add3A_900 : i32 to index
        %get3A_902 = arith.constant 0 : index
        %get3A_903 = tpu.vector_load %arg10[%get3A_901, %get3A_902] {strides = array<i32>} : memref<128x128xf32, #tpu.memory_space<vmem>>, vector<16xf32>,
        %mul3A_904 = vector.broadcast %squeeze3A_896 : f32 to vector<16xf32>
        %mul3A_905 = arith.mulf %get3A_903, %mul3A_904 : vector<16xf32>
        %swap3A_906 = arith.index_cast %add3A_900 : i32 to index
        %swap3A_907 = arith.constant 0 : index
        %swap3A_908 = tpu.vector_load %arg10[%swap3A_906, %swap3A_907] {strides = array<i32>} : memref<128x128xf32, #tpu.memory_space<vmem>>, vector<16xf32>,
        tpu.vector_store %arg10[%swap3A_906, %swap3A_907], %mul3A_905 {strides = array<i32>} : memref<128x128xf32, #tpu.memory_space<vmem>>, vector<16xf32>,
        %get3A_909 = arith.index_cast %add3A_900 : i32 to index
        %get3A_910 = arith.constant 16 : index
        %get3A_911 = tpu.vector_load %arg10[%get3A_909, %get3A_910] {strides = array<i32>} : memref<128x128xf32, #tpu.memory_space<vmem>>, vector<16xf32>,
        %mul3A_912 = vector.broadcast %squeeze3A_896 : f32 to vector<16xf32>
        %mul3A_913 = arith.mulf %get3A_911, %mul3A_912 : vector<16xf32>
        %swap3A_914 = arith.index_cast %add3A_900 : i32 to index
        %swap3A_915 = arith.constant 16 : index
        %swap3A_916 = tpu.vector_load %arg10[%swap3A_914, %swap3A_915] {strides = array<i32>} : memref<128x128xf32, #tpu.memory_space<vmem>>, vector<16xf32>,
        tpu.vector_store %arg10[%swap3A_914, %swap3A_915], %mul3A_913 {strides = array<i32>} : memref<128x128xf32, #tpu.memory_space<vmem>>, vector<16xf32>,
        %get3A_917 = arith.index_cast %add3A_900 : i32 to index
        %get3A_918 = arith.constant 32 : index
        %get3A_919 = tpu.vector_load %arg10[%get3A_917, %get3A_918] {strides = array<i32>} : memref<128x128xf32, #tpu.memory_space<vmem>>, vector<16xf32>,
        %mul3A_920 = vector.broadcast %squeeze3A_896 : f32 to vector<16xf32>
        %mul3A_921 = arith.mulf %get3A_919, %mul3A_920 : vector<16xf32>
        %swap3A_922 = arith.index_cast %add3A_900 : i32 to index
        %swap3A_923 = arith.constant 32 : index
        %swap3A_924 = tpu.vector_load %arg10[%swap3A_922, %swap3A_923] {strides = array<i32>} : memref<128x128xf32, #tpu.memory_space<vmem>>, vector<16xf32>,
        tpu.vector_store %arg10[%swap3A_922, %swap3A_923], %mul3A_921 {strides = array<i32>} : memref<128x128xf32, #tpu.memory_space<vmem>>, vector<16xf32>,
        %get3A_925 = arith.index_cast %add3A_900 : i32 to index
        %get3A_926 = arith.constant 48 : index
        %get3A_927 = tpu.vector_load %arg10[%get3A_925, %get3A_926] {strides = array<i32>} : memref<128x128xf32, #tpu.memory_space<vmem>>, vector<16xf32>,
        %mul3A_928 = vector.broadcast %squeeze3A_896 : f32 to vector<16xf32>
        %mul3A_929 = arith.mulf %get3A_927, %mul3A_928 : vector<16xf32>
        %swap3A_930 = arith.index_cast %add3A_900 : i32 to index
        %swap3A_931 = arith.constant 48 : index
        %swap3A_932 = tpu.vector_load %arg10[%swap3A_930, %swap3A_931] {strides = array<i32>} : memref<128x128xf32, #tpu.memory_space<vmem>>, vector<16xf32>,
        tpu.vector_store %arg10[%swap3A_930, %swap3A_931], %mul3A_929 {strides = array<i32>} : memref<128x128xf32, #tpu.memory_space<vmem>>, vector<16xf32>,
        %get3A_933 = arith.index_cast %add3A_900 : i32 to index
        %get3A_934 = arith.constant 64 : index
        %get3A_935 = tpu.vector_load %arg10[%get3A_933, %get3A_934] {strides = array<i32>} : memref<128x128xf32, #tpu.memory_space<vmem>>, vector<16xf32>,
        %mul3A_936 = vector.broadcast %squeeze3A_896 : f32 to vector<16xf32>
        %mul3A_937 = arith.mulf %get3A_935, %mul3A_936 : vector<16xf32>
        %swap3A_938 = arith.index_cast %add3A_900 : i32 to index
        %swap3A_939 = arith.constant 64 : index
        %swap3A_940 = tpu.vector_load %arg10[%swap3A_938, %swap3A_939] {strides = array<i32>} : memref<128x128xf32, #tpu.memory_space<vmem>>, vector<16xf32>,
        tpu.vector_store %arg10[%swap3A_938, %swap3A_939], %mul3A_937 {strides = array<i32>} : memref<128x128xf32, #tpu.memory_space<vmem>>, vector<16xf32>,
        %get3A_941 = arith.index_cast %add3A_900 : i32 to index
        %get3A_942 = arith.constant 80 : index
        %get3A_943 = tpu.vector_load %arg10[%get3A_941, %get3A_942] {strides = array<i32>} : memref<128x128xf32, #tpu.memory_space<vmem>>, vector<16xf32>,
        %mul3A_944 = vector.broadcast %squeeze3A_896 : f32 to vector<16xf32>
        %mul3A_945 = arith.mulf %get3A_943, %mul3A_944 : vector<16xf32>
        %swap3A_946 = arith.index_cast %add3A_900 : i32 to index
        %swap3A_947 = arith.constant 80 : index
        %swap3A_948 = tpu.vector_load %arg10[%swap3A_946, %swap3A_947] {strides = array<i32>} : memref<128x128xf32, #tpu.memory_space<vmem>>, vector<16xf32>,
        tpu.vector_store %arg10[%swap3A_946, %swap3A_947], %mul3A_945 {strides = array<i32>} : memref<128x128xf32, #tpu.memory_space<vmem>>, vector<16xf32>,
        %get3A_949 = arith.index_cast %add3A_900 : i32 to index
        %get3A_950 = arith.constant 96 : index
        %get3A_951 = tpu.vector_load %arg10[%get3A_949, %get3A_950] {strides = array<i32>} : memref<128x128xf32, #tpu.memory_space<vmem>>, vector<16xf32>,
        %mul3A_952 = vector.broadcast %squeeze3A_896 : f32 to vector<16xf32>
        %mul3A_953 = arith.mulf %get3A_951, %mul3A_952 : vector<16xf32>
        %swap3A_954 = arith.index_cast %add3A_900 : i32 to index
        %swap3A_955 = arith.constant 96 : index
        %swap3A_956 = tpu.vector_load %arg10[%swap3A_954, %swap3A_955] {strides = array<i32>} : memref<128x128xf32, #tpu.memory_space<vmem>>, vector<16xf32>,
        tpu.vector_store %arg10[%swap3A_954, %swap3A_955], %mul3A_953 {strides = array<i32>} : memref<128x128xf32, #tpu.memory_space<vmem>>, vector<16xf32>,
        %get3A_957 = arith.index_cast %add3A_900 : i32 to index
        %get3A_958 = arith.constant 112 : index
        %get3A_959 = tpu.vector_load %arg10[%get3A_957, %get3A_958] {strides = array<i32>} : memref<128x128xf32, #tpu.memory_space<vmem>>, vector<16xf32>,
        %mul3A_960 = vector.broadcast %squeeze3A_896 : f32 to vector<16xf32>
        %mul3A_961 = arith.mulf %get3A_959, %mul3A_960 : vector<16xf32>
        %swap3A_962 = arith.index_cast %add3A_900 : i32 to index
        %swap3A_963 = arith.constant 112 : index
        %swap3A_964 = tpu.vector_load %arg10[%swap3A_962, %swap3A_963] {strides = array<i32>} : memref<128x128xf32, #tpu.memory_space<vmem>>, vector<16xf32>,
        tpu.vector_store %arg10[%swap3A_962, %swap3A_963], %mul3A_961 {strides = array<i32>} : memref<128x128xf32, #tpu.memory_space<vmem>>, vector<16xf32>,
        %slice3A_965 = vector.extract_strided_slice %get3A_57 {offsets = [13], sizes = [1], strides = [1]} : vector<16xf32> to vector<1xf32>
        %squeeze3A_966 = vector.extract %slice3A_965[0] : f32 from vector<1xf32>
        %mul3A_967 = arith.constant 16 : i32
        %mul3A_968 = arith.muli %add3A_53, %mul3A_967 : i32
        %add3A_969 = arith.constant 13 : i32
        %add3A_970 = arith.addi %mul3A_968, %add3A_969 : i32
        %get3A_971 = arith.index_cast %add3A_970 : i32 to index
        %get3A_972 = arith.constant 0 : index
        %get3A_973 = tpu.vector_load %arg10[%get3A_971, %get3A_972] {strides = array<i32>} : memref<128x128xf32, #tpu.memory_space<vmem>>, vector<16xf32>,
        %mul3A_974 = vector.broadcast %squeeze3A_966 : f32 to vector<16xf32>
        %mul3A_975 = arith.mulf %get3A_973, %mul3A_974 : vector<16xf32>
        %swap3A_976 = arith.index_cast %add3A_970 : i32 to index
        %swap3A_977 = arith.constant 0 : index
        %swap3A_978 = tpu.vector_load %arg10[%swap3A_976, %swap3A_977] {strides = array<i32>} : memref<128x128xf32, #tpu.memory_space<vmem>>, vector<16xf32>,
        tpu.vector_store %arg10[%swap3A_976, %swap3A_977], %mul3A_975 {strides = array<i32>} : memref<128x128xf32, #tpu.memory_space<vmem>>, vector<16xf32>,
        %get3A_979 = arith.index_cast %add3A_970 : i32 to index
        %get3A_980 = arith.constant 16 : index
        %get3A_981 = tpu.vector_load %arg10[%get3A_979, %get3A_980] {strides = array<i32>} : memref<128x128xf32, #tpu.memory_space<vmem>>, vector<16xf32>,
        %mul3A_982 = vector.broadcast %squeeze3A_966 : f32 to vector<16xf32>
        %mul3A_983 = arith.mulf %get3A_981, %mul3A_982 : vector<16xf32>
        %swap3A_984 = arith.index_cast %add3A_970 : i32 to index
        %swap3A_985 = arith.constant 16 : index
        %swap3A_986 = tpu.vector_load %arg10[%swap3A_984, %swap3A_985] {strides = array<i32>} : memref<128x128xf32, #tpu.memory_space<vmem>>, vector<16xf32>,
        tpu.vector_store %arg10[%swap3A_984, %swap3A_985], %mul3A_983 {strides = array<i32>} : memref<128x128xf32, #tpu.memory_space<vmem>>, vector<16xf32>,
        %get3A_987 = arith.index_cast %add3A_970 : i32 to index
        %get3A_988 = arith.constant 32 : index
        %get3A_989 = tpu.vector_load %arg10[%get3A_987, %get3A_988] {strides = array<i32>} : memref<128x128xf32, #tpu.memory_space<vmem>>, vector<16xf32>,
        %mul3A_990 = vector.broadcast %squeeze3A_966 : f32 to vector<16xf32>
        %mul3A_991 = arith.mulf %get3A_989, %mul3A_990 : vector<16xf32>
        %swap3A_992 = arith.index_cast %add3A_970 : i32 to index
        %swap3A_993 = arith.constant 32 : index
        %swap3A_994 = tpu.vector_load %arg10[%swap3A_992, %swap3A_993] {strides = array<i32>} : memref<128x128xf32, #tpu.memory_space<vmem>>, vector<16xf32>,
        tpu.vector_store %arg10[%swap3A_992, %swap3A_993], %mul3A_991 {strides = array<i32>} : memref<128x128xf32, #tpu.memory_space<vmem>>, vector<16xf32>,
        %get3A_995 = arith.index_cast %add3A_970 : i32 to index
        %get3A_996 = arith.constant 48 : index
        %get3A_997 = tpu.vector_load %arg10[%get3A_995, %get3A_996] {strides = array<i32>} : memref<128x128xf32, #tpu.memory_space<vmem>>, vector<16xf32>,
        %mul3A_998 = vector.broadcast %squeeze3A_966 : f32 to vector<16xf32>
        %mul3A_999 = arith.mulf %get3A_997, %mul3A_998 : vector<16xf32>
        %swap3A_1000 = arith.index_cast %add3A_970 : i32 to index
        %swap3A_1001 = arith.constant 48 : index
        %swap3A_1002 = tpu.vector_load %arg10[%swap3A_1000, %swap3A_1001] {strides = array<i32>} : memref<128x128xf32, #tpu.memory_space<vmem>>, vector<16xf32>,
        tpu.vector_store %arg10[%swap3A_1000, %swap3A_1001], %mul3A_999 {strides = array<i32>} : memref<128x128xf32, #tpu.memory_space<vmem>>, vector<16xf32>,
        %get3A_1003 = arith.index_cast %add3A_970 : i32 to index
        %get3A_1004 = arith.constant 64 : index
        %get3A_1005 = tpu.vector_load %arg10[%get3A_1003, %get3A_1004] {strides = array<i32>} : memref<128x128xf32, #tpu.memory_space<vmem>>, vector<16xf32>,
        %mul3A_1006 = vector.broadcast %squeeze3A_966 : f32 to vector<16xf32>
        %mul3A_1007 = arith.mulf %get3A_1005, %mul3A_1006 : vector<16xf32>
        %swap3A_1008 = arith.index_cast %add3A_970 : i32 to index
        %swap3A_1009 = arith.constant 64 : index
        %swap3A_1010 = tpu.vector_load %arg10[%swap3A_1008, %swap3A_1009] {strides = array<i32>} : memref<128x128xf32, #tpu.memory_space<vmem>>, vector<16xf32>,
        tpu.vector_store %arg10[%swap3A_1008, %swap3A_1009], %mul3A_1007 {strides = array<i32>} : memref<128x128xf32, #tpu.memory_space<vmem>>, vector<16xf32>,
        %get3A_1011 = arith.index_cast %add3A_970 : i32 to index
        %get3A_1012 = arith.constant 80 : index
        %get3A_1013 = tpu.vector_load %arg10[%get3A_1011, %get3A_1012] {strides = array<i32>} : memref<128x128xf32, #tpu.memory_space<vmem>>, vector<16xf32>,
        %mul3A_1014 = vector.broadcast %squeeze3A_966 : f32 to vector<16xf32>
        %mul3A_1015 = arith.mulf %get3A_1013, %mul3A_1014 : vector<16xf32>
        %swap3A_1016 = arith.index_cast %add3A_970 : i32 to index
        %swap3A_1017 = arith.constant 80 : index
        %swap3A_1018 = tpu.vector_load %arg10[%swap3A_1016, %swap3A_1017] {strides = array<i32>} : memref<128x128xf32, #tpu.memory_space<vmem>>, vector<16xf32>,
        tpu.vector_store %arg10[%swap3A_1016, %swap3A_1017], %mul3A_1015 {strides = array<i32>} : memref<128x128xf32, #tpu.memory_space<vmem>>, vector<16xf32>,
        %get3A_1019 = arith.index_cast %add3A_970 : i32 to index
        %get3A_1020 = arith.constant 96 : index
        %get3A_1021 = tpu.vector_load %arg10[%get3A_1019, %get3A_1020] {strides = array<i32>} : memref<128x128xf32, #tpu.memory_space<vmem>>, vector<16xf32>,
        %mul3A_1022 = vector.broadcast %squeeze3A_966 : f32 to vector<16xf32>
        %mul3A_1023 = arith.mulf %get3A_1021, %mul3A_1022 : vector<16xf32>
        %swap3A_1024 = arith.index_cast %add3A_970 : i32 to index
        %swap3A_1025 = arith.constant 96 : index
        %swap3A_1026 = tpu.vector_load %arg10[%swap3A_1024, %swap3A_1025] {strides = array<i32>} : memref<128x128xf32, #tpu.memory_space<vmem>>, vector<16xf32>,
        tpu.vector_store %arg10[%swap3A_1024, %swap3A_1025], %mul3A_1023 {strides = array<i32>} : memref<128x128xf32, #tpu.memory_space<vmem>>, vector<16xf32>,
        %get3A_1027 = arith.index_cast %add3A_970 : i32 to index
        %get3A_1028 = arith.constant 112 : index
        %get3A_1029 = tpu.vector_load %arg10[%get3A_1027, %get3A_1028] {strides = array<i32>} : memref<128x128xf32, #tpu.memory_space<vmem>>, vector<16xf32>,
        %mul3A_1030 = vector.broadcast %squeeze3A_966 : f32 to vector<16xf32>
        %mul3A_1031 = arith.mulf %get3A_1029, %mul3A_1030 : vector<16xf32>
        %swap3A_1032 = arith.index_cast %add3A_970 : i32 to index
        %swap3A_1033 = arith.constant 112 : index
        %swap3A_1034 = tpu.vector_load %arg10[%swap3A_1032, %swap3A_1033] {strides = array<i32>} : memref<128x128xf32, #tpu.memory_space<vmem>>, vector<16xf32>,
        tpu.vector_store %arg10[%swap3A_1032, %swap3A_1033], %mul3A_1031 {strides = array<i32>} : memref<128x128xf32, #tpu.memory_space<vmem>>, vector<16xf32>,
        %slice3A_1035 = vector.extract_strided_slice %get3A_57 {offsets = [14], sizes = [1], strides = [1]} : vector<16xf32> to vector<1xf32>
        %squeeze3A_1036 = vector.extract %slice3A_1035[0] : f32 from vector<1xf32>
        %mul3A_1037 = arith.constant 16 : i32
        %mul3A_1038 = arith.muli %add3A_53, %mul3A_1037 : i32
        %add3A_1039 = arith.constant 14 : i32
        %add3A_1040 = arith.addi %mul3A_1038, %add3A_1039 : i32
        %get3A_1041 = arith.index_cast %add3A_1040 : i32 to index
        %get3A_1042 = arith.constant 0 : index
        %get3A_1043 = tpu.vector_load %arg10[%get3A_1041, %get3A_1042] {strides = array<i32>} : memref<128x128xf32, #tpu.memory_space<vmem>>, vector<16xf32>,
        %mul3A_1044 = vector.broadcast %squeeze3A_1036 : f32 to vector<16xf32>
        %mul3A_1045 = arith.mulf %get3A_1043, %mul3A_1044 : vector<16xf32>
        %swap3A_1046 = arith.index_cast %add3A_1040 : i32 to index
        %swap3A_1047 = arith.constant 0 : index
        %swap3A_1048 = tpu.vector_load %arg10[%swap3A_1046, %swap3A_1047] {strides = array<i32>} : memref<128x128xf32, #tpu.memory_space<vmem>>, vector<16xf32>,
        tpu.vector_store %arg10[%swap3A_1046, %swap3A_1047], %mul3A_1045 {strides = array<i32>} : memref<128x128xf32, #tpu.memory_space<vmem>>, vector<16xf32>,
        %get3A_1049 = arith.index_cast %add3A_1040 : i32 to index
        %get3A_1050 = arith.constant 16 : index
        %get3A_1051 = tpu.vector_load %arg10[%get3A_1049, %get3A_1050] {strides = array<i32>} : memref<128x128xf32, #tpu.memory_space<vmem>>, vector<16xf32>,
        %mul3A_1052 = vector.broadcast %squeeze3A_1036 : f32 to vector<16xf32>
        %mul3A_1053 = arith.mulf %get3A_1051, %mul3A_1052 : vector<16xf32>
        %swap3A_1054 = arith.index_cast %add3A_1040 : i32 to index
        %swap3A_1055 = arith.constant 16 : index
        %swap3A_1056 = tpu.vector_load %arg10[%swap3A_1054, %swap3A_1055] {strides = array<i32>} : memref<128x128xf32, #tpu.memory_space<vmem>>, vector<16xf32>,
        tpu.vector_store %arg10[%swap3A_1054, %swap3A_1055], %mul3A_1053 {strides = array<i32>} : memref<128x128xf32, #tpu.memory_space<vmem>>, vector<16xf32>,
        %get3A_1057 = arith.index_cast %add3A_1040 : i32 to index
        %get3A_1058 = arith.constant 32 : index
        %get3A_1059 = tpu.vector_load %arg10[%get3A_1057, %get3A_1058] {strides = array<i32>} : memref<128x128xf32, #tpu.memory_space<vmem>>, vector<16xf32>,
        %mul3A_1060 = vector.broadcast %squeeze3A_1036 : f32 to vector<16xf32>
        %mul3A_1061 = arith.mulf %get3A_1059, %mul3A_1060 : vector<16xf32>
        %swap3A_1062 = arith.index_cast %add3A_1040 : i32 to index
        %swap3A_1063 = arith.constant 32 : index
        %swap3A_1064 = tpu.vector_load %arg10[%swap3A_1062, %swap3A_1063] {strides = array<i32>} : memref<128x128xf32, #tpu.memory_space<vmem>>, vector<16xf32>,
        tpu.vector_store %arg10[%swap3A_1062, %swap3A_1063], %mul3A_1061 {strides = array<i32>} : memref<128x128xf32, #tpu.memory_space<vmem>>, vector<16xf32>,
        %get3A_1065 = arith.index_cast %add3A_1040 : i32 to index
        %get3A_1066 = arith.constant 48 : index
        %get3A_1067 = tpu.vector_load %arg10[%get3A_1065, %get3A_1066] {strides = array<i32>} : memref<128x128xf32, #tpu.memory_space<vmem>>, vector<16xf32>,
        %mul3A_1068 = vector.broadcast %squeeze3A_1036 : f32 to vector<16xf32>
        %mul3A_1069 = arith.mulf %get3A_1067, %mul3A_1068 : vector<16xf32>
        %swap3A_1070 = arith.index_cast %add3A_1040 : i32 to index
        %swap3A_1071 = arith.constant 48 : index
        %swap3A_1072 = tpu.vector_load %arg10[%swap3A_1070, %swap3A_1071] {strides = array<i32>} : memref<128x128xf32, #tpu.memory_space<vmem>>, vector<16xf32>,
        tpu.vector_store %arg10[%swap3A_1070, %swap3A_1071], %mul3A_1069 {strides = array<i32>} : memref<128x128xf32, #tpu.memory_space<vmem>>, vector<16xf32>,
        %get3A_1073 = arith.index_cast %add3A_1040 : i32 to index
        %get3A_1074 = arith.constant 64 : index
        %get3A_1075 = tpu.vector_load %arg10[%get3A_1073, %get3A_1074] {strides = array<i32>} : memref<128x128xf32, #tpu.memory_space<vmem>>, vector<16xf32>,
        %mul3A_1076 = vector.broadcast %squeeze3A_1036 : f32 to vector<16xf32>
        %mul3A_1077 = arith.mulf %get3A_1075, %mul3A_1076 : vector<16xf32>
        %swap3A_1078 = arith.index_cast %add3A_1040 : i32 to index
        %swap3A_1079 = arith.constant 64 : index
        %swap3A_1080 = tpu.vector_load %arg10[%swap3A_1078, %swap3A_1079] {strides = array<i32>} : memref<128x128xf32, #tpu.memory_space<vmem>>, vector<16xf32>,
        tpu.vector_store %arg10[%swap3A_1078, %swap3A_1079], %mul3A_1077 {strides = array<i32>} : memref<128x128xf32, #tpu.memory_space<vmem>>, vector<16xf32>,
        %get3A_1081 = arith.index_cast %add3A_1040 : i32 to index
        %get3A_1082 = arith.constant 80 : index
        %get3A_1083 = tpu.vector_load %arg10[%get3A_1081, %get3A_1082] {strides = array<i32>} : memref<128x128xf32, #tpu.memory_space<vmem>>, vector<16xf32>,
        %mul3A_1084 = vector.broadcast %squeeze3A_1036 : f32 to vector<16xf32>
        %mul3A_1085 = arith.mulf %get3A_1083, %mul3A_1084 : vector<16xf32>
        %swap3A_1086 = arith.index_cast %add3A_1040 : i32 to index
        %swap3A_1087 = arith.constant 80 : index
        %swap3A_1088 = tpu.vector_load %arg10[%swap3A_1086, %swap3A_1087] {strides = array<i32>} : memref<128x128xf32, #tpu.memory_space<vmem>>, vector<16xf32>,
        tpu.vector_store %arg10[%swap3A_1086, %swap3A_1087], %mul3A_1085 {strides = array<i32>} : memref<128x128xf32, #tpu.memory_space<vmem>>, vector<16xf32>,
        %get3A_1089 = arith.index_cast %add3A_1040 : i32 to index
        %get3A_1090 = arith.constant 96 : index
        %get3A_1091 = tpu.vector_load %arg10[%get3A_1089, %get3A_1090] {strides = array<i32>} : memref<128x128xf32, #tpu.memory_space<vmem>>, vector<16xf32>,
        %mul3A_1092 = vector.broadcast %squeeze3A_1036 : f32 to vector<16xf32>
        %mul3A_1093 = arith.mulf %get3A_1091, %mul3A_1092 : vector<16xf32>
        %swap3A_1094 = arith.index_cast %add3A_1040 : i32 to index
        %swap3A_1095 = arith.constant 96 : index
        %swap3A_1096 = tpu.vector_load %arg10[%swap3A_1094, %swap3A_1095] {strides = array<i32>} : memref<128x128xf32, #tpu.memory_space<vmem>>, vector<16xf32>,
        tpu.vector_store %arg10[%swap3A_1094, %swap3A_1095], %mul3A_1093 {strides = array<i32>} : memref<128x128xf32, #tpu.memory_space<vmem>>, vector<16xf32>,
        %get3A_1097 = arith.index_cast %add3A_1040 : i32 to index
        %get3A_1098 = arith.constant 112 : index
        %get3A_1099 = tpu.vector_load %arg10[%get3A_1097, %get3A_1098] {strides = array<i32>} : memref<128x128xf32, #tpu.memory_space<vmem>>, vector<16xf32>,
        %mul3A_1100 = vector.broadcast %squeeze3A_1036 : f32 to vector<16xf32>
        %mul3A_1101 = arith.mulf %get3A_1099, %mul3A_1100 : vector<16xf32>
        %swap3A_1102 = arith.index_cast %add3A_1040 : i32 to index
        %swap3A_1103 = arith.constant 112 : index
        %swap3A_1104 = tpu.vector_load %arg10[%swap3A_1102, %swap3A_1103] {strides = array<i32>} : memref<128x128xf32, #tpu.memory_space<vmem>>, vector<16xf32>,
        tpu.vector_store %arg10[%swap3A_1102, %swap3A_1103], %mul3A_1101 {strides = array<i32>} : memref<128x128xf32, #tpu.memory_space<vmem>>, vector<16xf32>,
        %slice3A_1105 = vector.extract_strided_slice %get3A_57 {offsets = [15], sizes = [1], strides = [1]} : vector<16xf32> to vector<1xf32>
        %squeeze3A_1106 = vector.extract %slice3A_1105[0] : f32 from vector<1xf32>
        %mul3A_1107 = arith.constant 16 : i32
        %mul3A_1108 = arith.muli %add3A_53, %mul3A_1107 : i32
        %add3A_1109 = arith.constant 15 : i32
        %add3A_1110 = arith.addi %mul3A_1108, %add3A_1109 : i32
        %get3A_1111 = arith.index_cast %add3A_1110 : i32 to index
        %get3A_1112 = arith.constant 0 : index
        %get3A_1113 = tpu.vector_load %arg10[%get3A_1111, %get3A_1112] {strides = array<i32>} : memref<128x128xf32, #tpu.memory_space<vmem>>, vector<16xf32>,
        %mul3A_1114 = vector.broadcast %squeeze3A_1106 : f32 to vector<16xf32>
        %mul3A_1115 = arith.mulf %get3A_1113, %mul3A_1114 : vector<16xf32>
        %swap3A_1116 = arith.index_cast %add3A_1110 : i32 to index
        %swap3A_1117 = arith.constant 0 : index
        %swap3A_1118 = tpu.vector_load %arg10[%swap3A_1116, %swap3A_1117] {strides = array<i32>} : memref<128x128xf32, #tpu.memory_space<vmem>>, vector<16xf32>,
        tpu.vector_store %arg10[%swap3A_1116, %swap3A_1117], %mul3A_1115 {strides = array<i32>} : memref<128x128xf32, #tpu.memory_space<vmem>>, vector<16xf32>,
        %get3A_1119 = arith.index_cast %add3A_1110 : i32 to index
        %get3A_1120 = arith.constant 16 : index
        %get3A_1121 = tpu.vector_load %arg10[%get3A_1119, %get3A_1120] {strides = array<i32>} : memref<128x128xf32, #tpu.memory_space<vmem>>, vector<16xf32>,
        %mul3A_1122 = vector.broadcast %squeeze3A_1106 : f32 to vector<16xf32>
        %mul3A_1123 = arith.mulf %get3A_1121, %mul3A_1122 : vector<16xf32>
        %swap3A_1124 = arith.index_cast %add3A_1110 : i32 to index
        %swap3A_1125 = arith.constant 16 : index
        %swap3A_1126 = tpu.vector_load %arg10[%swap3A_1124, %swap3A_1125] {strides = array<i32>} : memref<128x128xf32, #tpu.memory_space<vmem>>, vector<16xf32>,
        tpu.vector_store %arg10[%swap3A_1124, %swap3A_1125], %mul3A_1123 {strides = array<i32>} : memref<128x128xf32, #tpu.memory_space<vmem>>, vector<16xf32>,
        %get3A_1127 = arith.index_cast %add3A_1110 : i32 to index
        %get3A_1128 = arith.constant 32 : index
        %get3A_1129 = tpu.vector_load %arg10[%get3A_1127, %get3A_1128] {strides = array<i32>} : memref<128x128xf32, #tpu.memory_space<vmem>>, vector<16xf32>,
        %mul3A_1130 = vector.broadcast %squeeze3A_1106 : f32 to vector<16xf32>
        %mul3A_1131 = arith.mulf %get3A_1129, %mul3A_1130 : vector<16xf32>
        %swap3A_1132 = arith.index_cast %add3A_1110 : i32 to index
        %swap3A_1133 = arith.constant 32 : index
        %swap3A_1134 = tpu.vector_load %arg10[%swap3A_1132, %swap3A_1133] {strides = array<i32>} : memref<128x128xf32, #tpu.memory_space<vmem>>, vector<16xf32>,
        tpu.vector_store %arg10[%swap3A_1132, %swap3A_1133], %mul3A_1131 {strides = array<i32>} : memref<128x128xf32, #tpu.memory_space<vmem>>, vector<16xf32>,
        %get3A_1135 = arith.index_cast %add3A_1110 : i32 to index
        %get3A_1136 = arith.constant 48 : index
        %get3A_1137 = tpu.vector_load %arg10[%get3A_1135, %get3A_1136] {strides = array<i32>} : memref<128x128xf32, #tpu.memory_space<vmem>>, vector<16xf32>,
        %mul3A_1138 = vector.broadcast %squeeze3A_1106 : f32 to vector<16xf32>
        %mul3A_1139 = arith.mulf %get3A_1137, %mul3A_1138 : vector<16xf32>
        %swap3A_1140 = arith.index_cast %add3A_1110 : i32 to index
        %swap3A_1141 = arith.constant 48 : index
        %swap3A_1142 = tpu.vector_load %arg10[%swap3A_1140, %swap3A_1141] {strides = array<i32>} : memref<128x128xf32, #tpu.memory_space<vmem>>, vector<16xf32>,
        tpu.vector_store %arg10[%swap3A_1140, %swap3A_1141], %mul3A_1139 {strides = array<i32>} : memref<128x128xf32, #tpu.memory_space<vmem>>, vector<16xf32>,
        %get3A_1143 = arith.index_cast %add3A_1110 : i32 to index
        %get3A_1144 = arith.constant 64 : index
        %get3A_1145 = tpu.vector_load %arg10[%get3A_1143, %get3A_1144] {strides = array<i32>} : memref<128x128xf32, #tpu.memory_space<vmem>>, vector<16xf32>,
        %mul3A_1146 = vector.broadcast %squeeze3A_1106 : f32 to vector<16xf32>
        %mul3A_1147 = arith.mulf %get3A_1145, %mul3A_1146 : vector<16xf32>
        %swap3A_1148 = arith.index_cast %add3A_1110 : i32 to index
        %swap3A_1149 = arith.constant 64 : index
        %swap3A_1150 = tpu.vector_load %arg10[%swap3A_1148, %swap3A_1149] {strides = array<i32>} : memref<128x128xf32, #tpu.memory_space<vmem>>, vector<16xf32>,
        tpu.vector_store %arg10[%swap3A_1148, %swap3A_1149], %mul3A_1147 {strides = array<i32>} : memref<128x128xf32, #tpu.memory_space<vmem>>, vector<16xf32>,
        %get3A_1151 = arith.index_cast %add3A_1110 : i32 to index
        %get3A_1152 = arith.constant 80 : index
        %get3A_1153 = tpu.vector_load %arg10[%get3A_1151, %get3A_1152] {strides = array<i32>} : memref<128x128xf32, #tpu.memory_space<vmem>>, vector<16xf32>,
        %mul3A_1154 = vector.broadcast %squeeze3A_1106 : f32 to vector<16xf32>
        %mul3A_1155 = arith.mulf %get3A_1153, %mul3A_1154 : vector<16xf32>
        %swap3A_1156 = arith.index_cast %add3A_1110 : i32 to index
        %swap3A_1157 = arith.constant 80 : index
        %swap3A_1158 = tpu.vector_load %arg10[%swap3A_1156, %swap3A_1157] {strides = array<i32>} : memref<128x128xf32, #tpu.memory_space<vmem>>, vector<16xf32>,
        tpu.vector_store %arg10[%swap3A_1156, %swap3A_1157], %mul3A_1155 {strides = array<i32>} : memref<128x128xf32, #tpu.memory_space<vmem>>, vector<16xf32>,
        %get3A_1159 = arith.index_cast %add3A_1110 : i32 to index
        %get3A_1160 = arith.constant 96 : index
        %get3A_1161 = tpu.vector_load %arg10[%get3A_1159, %get3A_1160] {strides = array<i32>} : memref<128x128xf32, #tpu.memory_space<vmem>>, vector<16xf32>,
        %mul3A_1162 = vector.broadcast %squeeze3A_1106 : f32 to vector<16xf32>
        %mul3A_1163 = arith.mulf %get3A_1161, %mul3A_1162 : vector<16xf32>
        %swap3A_1164 = arith.index_cast %add3A_1110 : i32 to index
        %swap3A_1165 = arith.constant 96 : index
        %swap3A_1166 = tpu.vector_load %arg10[%swap3A_1164, %swap3A_1165] {strides = array<i32>} : memref<128x128xf32, #tpu.memory_space<vmem>>, vector<16xf32>,
        tpu.vector_store %arg10[%swap3A_1164, %swap3A_1165], %mul3A_1163 {strides = array<i32>} : memref<128x128xf32, #tpu.memory_space<vmem>>, vector<16xf32>,
        %get3A_1167 = arith.index_cast %add3A_1110 : i32 to index
        %get3A_1168 = arith.constant 112 : index
        %get3A_1169 = tpu.vector_load %arg10[%get3A_1167, %get3A_1168] {strides = array<i32>} : memref<128x128xf32, #tpu.memory_space<vmem>>, vector<16xf32>,
        %mul3A_1170 = vector.broadcast %squeeze3A_1106 : f32 to vector<16xf32>
        %mul3A_1171 = arith.mulf %get3A_1169, %mul3A_1170 : vector<16xf32>
        %swap3A_1172 = arith.index_cast %add3A_1110 : i32 to index
        %swap3A_1173 = arith.constant 112 : index
        %swap3A_1174 = tpu.vector_load %arg10[%swap3A_1172, %swap3A_1173] {strides = array<i32>} : memref<128x128xf32, #tpu.memory_space<vmem>>, vector<16xf32>,
        tpu.vector_store %arg10[%swap3A_1172, %swap3A_1173], %mul3A_1171 {strides = array<i32>} : memref<128x128xf32, #tpu.memory_space<vmem>>, vector<16xf32>,
      }
      %scan3A_48 = arith.constant 8 : i32
      "tpu.region"() ({
        %run_scoped3A = tpu.sem_alloc : memref<!tpu.dma_semaphore, #tpu.memory_space<semaphore_mem>>
        %dma_start3A_49 = arith.constant 0 : i32
        %dma_start3A_50 = tpu.memref_slice %arg8[%add3A_33, %dma_start3A_49] : memref<81x128xi32, #tpu.memory_space<vmem>> -> memref<1x128xi32, #tpu.memory_space<vmem>>
        %dma_start3A_51 = tpu.memref_squeeze %dma_start3A_50 : memref<1x128xi32, #tpu.memory_space<vmem>> -> memref<128xi32, #tpu.memory_space<vmem>>
        %dma_start3A_52 = arith.constant 0 : i32
        %dma_start3A_53 = arith.constant 0 : i32
        %dma_start3A_54 = tpu.memref_slice %arg11[%dma_start3A_52, %dma_start3A_53] : memref<10112x128xf32, #tpu.memory_space<vmem_shared>> -> memref<10112x128xf32, #tpu.memory_space<vmem_shared>>
        tpu.enqueue_indirect_dma source(%arg10 : memref<128x128xf32, #tpu.memory_space<vmem>>) target(%dma_start3A_54 : memref<10112x128xf32, #tpu.memory_space<vmem_shared>>) offsets(%dma_start3A_51 : memref<128xi32, #tpu.memory_space<vmem>>) semaphore(%run_scoped3A : memref<!tpu.dma_semaphore, #tpu.memory_space<semaphore_mem>>) {add = true}
        %dma_wait3A_55 = arith.constant 0 : i32
        %dma_wait3A_56 = tpu.memref_slice %arg8[%add3A_33, %dma_wait3A_55] : memref<81x128xi32, #tpu.memory_space<vmem>> -> memref<1x128xi32, #tpu.memory_space<vmem>>
        %dma_wait3A_57 = tpu.memref_squeeze %dma_wait3A_56 : memref<1x128xi32, #tpu.memory_space<vmem>> -> memref<128xi32, #tpu.memory_space<vmem>>
        %dma_wait3A_58 = arith.constant 0 : i32
        %dma_wait3A_59 = arith.constant 0 : i32
        %dma_wait3A_60 = tpu.memref_slice %arg11[%dma_wait3A_58, %dma_wait3A_59] : memref<10112x128xf32, #tpu.memory_space<vmem_shared>> -> memref<10112x128xf32, #tpu.memory_space<vmem_shared>>
        tpu.wait_indirect_dma semaphore(%run_scoped3A : memref<!tpu.dma_semaphore, #tpu.memory_space<semaphore_mem>>) src(%arg10 : memref<128x128xf32, #tpu.memory_space<vmem>>) dst(%dma_wait3A_60 : memref<10112x128xf32, #tpu.memory_space<vmem_shared>>)
        tpu.yield
      }) : () -> ()
    }
    %scan3A_19 = arith.constant 81 : i32
    %barrier3A_20 = arith.constant 0 : index
    tpu.barrier barrier_id(%barrier3A_20)
    %delay3A_21 = arith.constant 3000 : i32
    tpu.delay %delay3A_21
    %scan3A_22 = arith.constant 0 : i32
    %scan3A_23 = arith.constant 4 : i32
    %scan3A_24 = arith.addi %scan3A_22, %scan3A_23 : i32
    %scan3A_25 = arith.constant 1 : i32
    scf.for %scan3A_29 = %scan3A_22 to %scan3A_24 step %scan3A_25  : i32 {
      %mul3A_30 = arith.constant 1 : i32
      %mul3A_31 = arith.muli %scan3A_29, %mul3A_30 : i32
      %add3A_32 = arith.constant 0 : i32
      %add3A_33 = arith.addi %add3A_32, %mul3A_31 : i32
      %mul3A_34 = arith.constant 128 : i32
      %mul3A_35 = arith.muli %add3A_33, %mul3A_34 : i32
      %add3A_36 = arith.addi %mul3A_2, %mul3A_35 : i32
      "tpu.region"() ({
        %run_scoped3A = tpu.sem_alloc : memref<!tpu.dma_semaphore, #tpu.memory_space<semaphore_mem>>
        %dma_start3A = arith.constant 0 : i32
        %dma_start3A_37 = tpu.memref_slice %arg11[%add3A_36, %dma_start3A] : memref<10112x128xf32, #tpu.memory_space<vmem_shared>> -> memref<128x128xf32, #tpu.memory_space<vmem_shared>>
        %dma_start3A_38 = arith.constant 0 : i32
        %dma_start3A_39 = tpu.memref_slice %arg11[%add3A_36, %dma_start3A_38] : memref<10112x128xf32, #tpu.memory_space<vmem_shared>> -> memref<128x128xf32, #tpu.memory_space<vmem_shared>>
        tpu.enqueue_dma source(%dma_start3A_39 : memref<128x128xf32, #tpu.memory_space<vmem_shared>>) target(%arg10 : memref<128x128xf32, #tpu.memory_space<vmem>>) target_semaphore(%run_scoped3A : memref<!tpu.dma_semaphore, #tpu.memory_space<semaphore_mem>>)
        %dma_wait3A = arith.constant 0 : i32
        %dma_wait3A_40 = tpu.memref_slice %arg11[%add3A_36, %dma_wait3A] : memref<10112x128xf32, #tpu.memory_space<vmem_shared>> -> memref<128x128xf32, #tpu.memory_space<vmem_shared>>
        %dma_wait3A_41 = arith.constant 0 : i32
        %dma_wait3A_42 = tpu.memref_slice %arg11[%add3A_36, %dma_wait3A_41] : memref<10112x128xf32, #tpu.memory_space<vmem_shared>> -> memref<128x128xf32, #tpu.memory_space<vmem_shared>>
        tpu.wait_dma2 semaphore(%run_scoped3A : memref<!tpu.dma_semaphore, #tpu.memory_space<semaphore_mem>>) src(%dma_wait3A_42 : memref<128x128xf32, #tpu.memory_space<vmem_shared>>) dst(%arg10 : memref<128x128xf32, #tpu.memory_space<vmem>>)
        tpu.yield
      }) : () -> ()
      "tpu.region"() ({
        %run_scoped3A = tpu.sem_alloc : memref<!tpu.dma_semaphore, #tpu.memory_space<semaphore_mem>>
        %dma_start3A = arith.constant 0 : i32
        %dma_start3A_37 = arith.constant 0 : i32
        %dma_start3A_38 = tpu.memref_slice %arg6[%arg0, %dma_start3A, %dma_start3A_37] : memref<2x10112x128xf32, #tpu.memory_space<hbm>> -> memref<1x10112x128xf32, #tpu.memory_space<hbm>>
        %dma_start3A_39 = tpu.memref_squeeze %dma_start3A_38 : memref<1x10112x128xf32, #tpu.memory_space<hbm>> -> memref<10112x128xf32, #tpu.memory_space<hbm>>
        %dma_start3A_40 = arith.constant 0 : i32
        %dma_start3A_41 = tpu.memref_slice %dma_start3A_39[%add3A_36, %dma_start3A_40] : memref<10112x128xf32, #tpu.memory_space<hbm>> -> memref<128x128xf32, #tpu.memory_space<hbm>>
        %dma_start3A_42 = arith.constant 0 : i32
        %dma_start3A_43 = arith.constant 0 : i32
        %dma_start3A_44 = tpu.memref_slice %arg6[%arg0, %dma_start3A_42, %dma_start3A_43] : memref<2x10112x128xf32, #tpu.memory_space<hbm>> -> memref<1x10112x128xf32, #tpu.memory_space<hbm>>
        %dma_start3A_45 = tpu.memref_squeeze %dma_start3A_44 : memref<1x10112x128xf32, #tpu.memory_space<hbm>> -> memref<10112x128xf32, #tpu.memory_space<hbm>>
        %dma_start3A_46 = arith.constant 0 : i32
        %dma_start3A_47 = tpu.memref_slice %dma_start3A_45[%add3A_36, %dma_start3A_46] : memref<10112x128xf32, #tpu.memory_space<hbm>> -> memref<128x128xf32, #tpu.memory_space<hbm>>
        tpu.enqueue_dma source(%arg10 : memref<128x128xf32, #tpu.memory_space<vmem>>) target(%dma_start3A_47 : memref<128x128xf32, #tpu.memory_space<hbm>>) target_semaphore(%run_scoped3A : memref<!tpu.dma_semaphore, #tpu.memory_space<semaphore_mem>>)
        %dma_wait3A = arith.constant 0 : i32
        %dma_wait3A_48 = arith.constant 0 : i32
        %dma_wait3A_49 = tpu.memref_slice %arg6[%arg0, %dma_wait3A, %dma_wait3A_48] : memref<2x10112x128xf32, #tpu.memory_space<hbm>> -> memref<1x10112x128xf32, #tpu.memory_space<hbm>>
        %dma_wait3A_50 = tpu.memref_squeeze %dma_wait3A_49 : memref<1x10112x128xf32, #tpu.memory_space<hbm>> -> memref<10112x128xf32, #tpu.memory_space<hbm>>
        %dma_wait3A_51 = arith.constant 0 : i32
        %dma_wait3A_52 = tpu.memref_slice %dma_wait3A_50[%add3A_36, %dma_wait3A_51] : memref<10112x128xf32, #tpu.memory_space<hbm>> -> memref<128x128xf32, #tpu.memory_space<hbm>>
        %dma_wait3A_53 = arith.constant 0 : i32
        %dma_wait3A_54 = arith.constant 0 : i32
        %dma_wait3A_55 = tpu.memref_slice %arg6[%arg0, %dma_wait3A_53, %dma_wait3A_54] : memref<2x10112x128xf32, #tpu.memory_space<hbm>> -> memref<1x10112x128xf32, #tpu.memory_space<hbm>>
        %dma_wait3A_56 = tpu.memref_squeeze %dma_wait3A_55 : memref<1x10112x128xf32, #tpu.memory_space<hbm>> -> memref<10112x128xf32, #tpu.memory_space<hbm>>
        %dma_wait3A_57 = arith.constant 0 : i32
        %dma_wait3A_58 = tpu.memref_slice %dma_wait3A_56[%add3A_36, %dma_wait3A_57] : memref<10112x128xf32, #tpu.memory_space<hbm>> -> memref<128x128xf32, #tpu.memory_space<hbm>>
        tpu.wait_dma2 semaphore(%run_scoped3A : memref<!tpu.dma_semaphore, #tpu.memory_space<semaphore_mem>>) src(%arg10 : memref<128x128xf32, #tpu.memory_space<vmem>>) dst(%dma_wait3A_58 : memref<128x128xf32, #tpu.memory_space<hbm>>)
        tpu.yield
      }) : () -> ()
    }
    %scan3A_26 = arith.constant 4 : i32
    %add3A_27 = arith.constant 512 : i32
    %add3A_28 = arith.addi %mul3A_2, %add3A_27 : i32
    "tpu.region"() ({
      %run_scoped3A = tpu.sem_alloc : memref<!tpu.dma_semaphore, #tpu.memory_space<semaphore_mem>>
      %dma_start3A = arith.constant 0 : i32
      %dma_start3A_29 = arith.constant 0 : i32
      %dma_start3A_30 = tpu.memref_slice %arg10[%dma_start3A, %dma_start3A_29] : memref<128x128xf32, #tpu.memory_space<vmem>> -> memref<120x128xf32, #tpu.memory_space<vmem>>
      %dma_start3A_31 = arith.constant 0 : i32
      %dma_start3A_32 = tpu.memref_slice %arg11[%add3A_28, %dma_start3A_31] : memref<10112x128xf32, #tpu.memory_space<vmem_shared>> -> memref<120x128xf32, #tpu.memory_space<vmem_shared>>
      %dma_start3A_33 = arith.constant 0 : i32
      %dma_start3A_34 = arith.constant 0 : i32
      %dma_start3A_35 = tpu.memref_slice %arg10[%dma_start3A_33, %dma_start3A_34] : memref<128x128xf32, #tpu.memory_space<vmem>> -> memref<120x128xf32, #tpu.memory_space<vmem>>
      %dma_start3A_36 = arith.constant 0 : i32
      %dma_start3A_37 = tpu.memref_slice %arg11[%add3A_28, %dma_start3A_36] : memref<10112x128xf32, #tpu.memory_space<vmem_shared>> -> memref<120x128xf32, #tpu.memory_space<vmem_shared>>
      tpu.enqueue_dma source(%dma_start3A_37 : memref<120x128xf32, #tpu.memory_space<vmem_shared>>) target(%dma_start3A_35 : memref<120x128xf32, #tpu.memory_space<vmem>>) target_semaphore(%run_scoped3A : memref<!tpu.dma_semaphore, #tpu.memory_space<semaphore_mem>>)
      %dma_wait3A = arith.constant 0 : i32
      %dma_wait3A_38 = arith.constant 0 : i32
      %dma_wait3A_39 = tpu.memref_slice %arg10[%dma_wait3A, %dma_wait3A_38] : memref<128x128xf32, #tpu.memory_space<vmem>> -> memref<120x128xf32, #tpu.memory_space<vmem>>
      %dma_wait3A_40 = arith.constant 0 : i32
      %dma_wait3A_41 = tpu.memref_slice %arg11[%add3A_28, %dma_wait3A_40] : memref<10112x128xf32, #tpu.memory_space<vmem_shared>> -> memref<120x128xf32, #tpu.memory_space<vmem_shared>>
      %dma_wait3A_42 = arith.constant 0 : i32
      %dma_wait3A_43 = arith.constant 0 : i32
      %dma_wait3A_44 = tpu.memref_slice %arg10[%dma_wait3A_42, %dma_wait3A_43] : memref<128x128xf32, #tpu.memory_space<vmem>> -> memref<120x128xf32, #tpu.memory_space<vmem>>
      %dma_wait3A_45 = arith.constant 0 : i32
      %dma_wait3A_46 = tpu.memref_slice %arg11[%add3A_28, %dma_wait3A_45] : memref<10112x128xf32, #tpu.memory_space<vmem_shared>> -> memref<120x128xf32, #tpu.memory_space<vmem_shared>>
      tpu.wait_dma2 semaphore(%run_scoped3A : memref<!tpu.dma_semaphore, #tpu.memory_space<semaphore_mem>>) src(%dma_wait3A_46 : memref<120x128xf32, #tpu.memory_space<vmem_shared>>) dst(%dma_wait3A_44 : memref<120x128xf32, #tpu.memory_space<vmem>>)
      tpu.yield
    }) : () -> ()
    "tpu.region"() ({
      %run_scoped3A = tpu.sem_alloc : memref<!tpu.dma_semaphore, #tpu.memory_space<semaphore_mem>>
      %dma_start3A = arith.constant 0 : i32
      %dma_start3A_29 = arith.constant 0 : i32
      %dma_start3A_30 = tpu.memref_slice %arg10[%dma_start3A, %dma_start3A_29] : memref<128x128xf32, #tpu.memory_space<vmem>> -> memref<120x128xf32, #tpu.memory_space<vmem>>
      %dma_start3A_31 = arith.constant 0 : i32
      %dma_start3A_32 = arith.constant 0 : i32
      %dma_start3A_33 = tpu.memref_slice %arg6[%arg0, %dma_start3A_31, %dma_start3A_32] : memref<2x10112x128xf32, #tpu.memory_space<hbm>> -> memref<1x10112x128xf32, #tpu.memory_space<hbm>>
      %dma_start3A_34 = tpu.memref_squeeze %dma_start3A_33 : memref<1x10112x128xf32, #tpu.memory_space<hbm>> -> memref<10112x128xf32, #tpu.memory_space<hbm>>
      %dma_start3A_35 = arith.constant 0 : i32
      %dma_start3A_36 = tpu.memref_slice %dma_start3A_34[%add3A_28, %dma_start3A_35] : memref<10112x128xf32, #tpu.memory_space<hbm>> -> memref<120x128xf32, #tpu.memory_space<hbm>>
      %dma_start3A_37 = arith.constant 0 : i32
      %dma_start3A_38 = arith.constant 0 : i32
      %dma_start3A_39 = tpu.memref_slice %arg6[%arg0, %dma_start3A_37, %dma_start3A_38] : memref<2x10112x128xf32, #tpu.memory_space<hbm>> -> memref<1x10112x128xf32, #tpu.memory_space<hbm>>
      %dma_start3A_40 = tpu.memref_squeeze %dma_start3A_39 : memref<1x10112x128xf32, #tpu.memory_space<hbm>> -> memref<10112x128xf32, #tpu.memory_space<hbm>>
      %dma_start3A_41 = arith.constant 0 : i32
      %dma_start3A_42 = tpu.memref_slice %dma_start3A_40[%add3A_28, %dma_start3A_41] : memref<10112x128xf32, #tpu.memory_space<hbm>> -> memref<120x128xf32, #tpu.memory_space<hbm>>
      %dma_start3A_43 = arith.constant 0 : i32
      %dma_start3A_44 = arith.constant 0 : i32
      %dma_start3A_45 = tpu.memref_slice %arg10[%dma_start3A_43, %dma_start3A_44] : memref<128x128xf32, #tpu.memory_space<vmem>> -> memref<120x128xf32, #tpu.memory_space<vmem>>
      tpu.enqueue_dma source(%dma_start3A_45 : memref<120x128xf32, #tpu.memory_space<vmem>>) target(%dma_start3A_42 : memref<120x128xf32, #tpu.memory_space<hbm>>) target_semaphore(%run_scoped3A : memref<!tpu.dma_semaphore, #tpu.memory_space<semaphore_mem>>)
      %dma_wait3A = arith.constant 0 : i32
      %dma_wait3A_46 = arith.constant 0 : i32
      %dma_wait3A_47 = tpu.memref_slice %arg10[%dma_wait3A, %dma_wait3A_46] : memref<128x128xf32, #tpu.memory_space<vmem>> -> memref<120x128xf32, #tpu.memory_space<vmem>>
      %dma_wait3A_48 = arith.constant 0 : i32
      %dma_wait3A_49 = arith.constant 0 : i32
      %dma_wait3A_50 = tpu.memref_slice %arg6[%arg0, %dma_wait3A_48, %dma_wait3A_49] : memref<2x10112x128xf32, #tpu.memory_space<hbm>> -> memref<1x10112x128xf32, #tpu.memory_space<hbm>>
      %dma_wait3A_51 = tpu.memref_squeeze %dma_wait3A_50 : memref<1x10112x128xf32, #tpu.memory_space<hbm>> -> memref<10112x128xf32, #tpu.memory_space<hbm>>
      %dma_wait3A_52 = arith.constant 0 : i32
      %dma_wait3A_53 = tpu.memref_slice %dma_wait3A_51[%add3A_28, %dma_wait3A_52] : memref<10112x128xf32, #tpu.memory_space<hbm>> -> memref<120x128xf32, #tpu.memory_space<hbm>>
      %dma_wait3A_54 = arith.constant 0 : i32
      %dma_wait3A_55 = arith.constant 0 : i32
      %dma_wait3A_56 = tpu.memref_slice %arg6[%arg0, %dma_wait3A_54, %dma_wait3A_55] : memref<2x10112x128xf32, #tpu.memory_space<hbm>> -> memref<1x10112x128xf32, #tpu.memory_space<hbm>>
      %dma_wait3A_57 = tpu.memref_squeeze %dma_wait3A_56 : memref<1x10112x128xf32, #tpu.memory_space<hbm>> -> memref<10112x128xf32, #tpu.memory_space<hbm>>
      %dma_wait3A_58 = arith.constant 0 : i32
      %dma_wait3A_59 = tpu.memref_slice %dma_wait3A_57[%add3A_28, %dma_wait3A_58] : memref<10112x128xf32, #tpu.memory_space<hbm>> -> memref<120x128xf32, #tpu.memory_space<hbm>>
      %dma_wait3A_60 = arith.constant 0 : i32
      %dma_wait3A_61 = arith.constant 0 : i32
      %dma_wait3A_62 = tpu.memref_slice %arg10[%dma_wait3A_60, %dma_wait3A_61] : memref<128x128xf32, #tpu.memory_space<vmem>> -> memref<120x128xf32, #tpu.memory_space<vmem>>
      tpu.wait_dma2 semaphore(%run_scoped3A : memref<!tpu.dma_semaphore, #tpu.memory_space<semaphore_mem>>) src(%dma_wait3A_62 : memref<120x128xf32, #tpu.memory_space<vmem>>) dst(%dma_wait3A_59 : memref<120x128xf32, #tpu.memory_space<hbm>>)
      tpu.yield
    }) : () -> ()
    return
  }
}

module attributes {stable_mosaic.version = 14 : i64} {
  func.func @_tc2_body(%arg0: memref<2x10112x128xf32, #tpu.memory_space<vmem>>, %arg1: memref<32x10112xf32, #tpu.memory_space<vmem>>, %arg2: memref<128xf32, #tpu.memory_space<vmem>>, %arg3: memref<128x128xf32, #tpu.memory_space<vmem>>, %arg4: memref<128xf32, #tpu.memory_space<vmem>>, %arg5: memref<128xf32, #tpu.memory_space<vmem>>, %arg6: memref<10000x128xf32, #tpu.memory_space<vmem>>, %arg7: memref<10112xf32, #tpu.memory_space<vmem>>, %arg8: memref<10112xf32, #tpu.memory_space<vmem>>, %arg9: memref<16xf32, #tpu.memory_space<vmem>>) attributes {dimension_semantics = [], scalar_prefetch = 0 : i64, scratch_operands = 0 : i64, tpu.core_type = #tpu.core_type<tc>} {
    %get3A = arith.constant 0 : index
    %get3A_0 = arith.constant 0 : index
    %get3A_1 = vector.load %arg1[%get3A, %get3A_0] : memref<32x10112xf32, #tpu.memory_space<vmem>>, vector<32x10000xf32>
    %reduce_sum3A = arith.constant dense<0.000000e+00> : vector<10000xf32>
    %reduce_sum3A_2 = vector.multi_reduction <add>, %get3A_1, %reduce_sum3A [0] : vector<32x10000xf32> to vector<10000xf32>
    %add3A = arith.constant 1.000000e-16 : f32
    %add3A_3 = vector.broadcast %add3A : f32 to vector<10000xf32>
    %add3A_4 = arith.addf %reduce_sum3A_2, %add3A_3 : vector<10000xf32>
    %get3A_5 = arith.constant 0 : index
    %get3A_6 = arith.constant 0 : index
    %get3A_7 = arith.constant 0 : index
    %get3A_8 = vector.load %arg0[%get3A_5, %get3A_6, %get3A_7] : memref<2x10112x128xf32, #tpu.memory_space<vmem>>, vector<1x10000x128xf32>
    %get3A_9 = vector.shape_cast %get3A_8 : vector<1x10000x128xf32> to vector<10000x128xf32>
    %get3A_10 = arith.constant 1 : index
    %get3A_11 = arith.constant 0 : index
    %get3A_12 = arith.constant 0 : index
    %get3A_13 = vector.load %arg0[%get3A_10, %get3A_11, %get3A_12] : memref<2x10112x128xf32, #tpu.memory_space<vmem>>, vector<1x10000x128xf32>
    %get3A_14 = vector.shape_cast %get3A_13 : vector<1x10000x128xf32> to vector<10000x128xf32>
    %add3A_15 = arith.addf %get3A_9, %get3A_14 : vector<10000x128xf32>
    %broadcast_in_dim3A = vector.shape_cast %add3A_4 : vector<10000xf32> to vector<10000x1xf32>
    %div3A = vector.broadcast %broadcast_in_dim3A : vector<10000x1xf32> to vector<10000x128xf32>
    %div3A_16 = arith.divf %add3A_15, %div3A : vector<10000x128xf32>
    %get3A_17 = arith.constant 0 : index
    %get3A_18 = vector.load %arg2[%get3A_17] : memref<128xf32, #tpu.memory_space<vmem>>, vector<128xf32>
    %broadcast_in_dim3A_19 = vector.shape_cast %get3A_18 : vector<128xf32> to vector<1x128xf32>
    %add3A_20 = vector.broadcast %broadcast_in_dim3A_19 : vector<1x128xf32> to vector<10000x128xf32>
    %add3A_21 = arith.addf %div3A_16, %add3A_20 : vector<10000x128xf32>
    %max3A = arith.constant 0.000000e+00 : f32
    %max3A_22 = vector.broadcast %max3A : f32 to vector<10000x128xf32>
    %max3A_23 = arith.maximumf %add3A_21, %max3A_22 : vector<10000x128xf32>
    %get3A_24 = arith.constant 0 : index
    %get3A_25 = arith.constant 0 : index
    %get3A_26 = vector.load %arg3[%get3A_24, %get3A_25] : memref<128x128xf32, #tpu.memory_space<vmem>>, vector<128x128xf32>
    %dot_general3A = arith.constant dense<0.000000e+00> : vector<10000x128xf32>
    %dot_general3A_27 = tpu.matmul %max3A_23, %get3A_26, %dot_general3A {dimension_numbers = #tpu.dot_dimension_numbers<[1], [0], [0], [1], [0, 0, 1, 1], [], []>, transpose_lhs_hint = false} : vector<10000x128xf32>, vector<128x128xf32>, vector<10000x128xf32> -> vector<10000x128xf32>
    %swap3A = arith.constant 0 : index
    %swap3A_28 = arith.constant 0 : index
    %swap3A_29 = vector.load %arg6[%swap3A, %swap3A_28] : memref<10000x128xf32, #tpu.memory_space<vmem>>, vector<10000x128xf32>
    tpu.vector_store %arg6[%swap3A, %swap3A_28], %dot_general3A_27 {strides = array<i32>} : memref<10000x128xf32, #tpu.memory_space<vmem>>, vector<10000x128xf32>,
    %get3A_30 = arith.constant 0 : index
    %get3A_31 = vector.load %arg4[%get3A_30] : memref<128xf32, #tpu.memory_space<vmem>>, vector<128xf32>
    %broadcast_in_dim3A_32 = vector.shape_cast %get3A_31 : vector<128xf32> to vector<1x128xf32>
    %mul3A = vector.broadcast %broadcast_in_dim3A_32 : vector<1x128xf32> to vector<10000x128xf32>
    %mul3A_33 = arith.mulf %dot_general3A_27, %mul3A : vector<10000x128xf32>
    %reduce_sum3A_34 = arith.constant dense<0.000000e+00> : vector<10000xf32>
    %reduce_sum3A_35 = vector.multi_reduction <add>, %mul3A_33, %reduce_sum3A_34 [1] : vector<10000x128xf32> to vector<10000xf32>
    %get3A_36 = arith.constant 0 : index
    %get3A_37 = vector.load %arg5[%get3A_36] : memref<128xf32, #tpu.memory_space<vmem>>, vector<128xf32>
    %broadcast_in_dim3A_38 = vector.shape_cast %get3A_37 : vector<128xf32> to vector<1x128xf32>
    %mul3A_39 = vector.broadcast %broadcast_in_dim3A_38 : vector<1x128xf32> to vector<10000x128xf32>
    %mul3A_40 = arith.mulf %dot_general3A_27, %mul3A_39 : vector<10000x128xf32>
    %reduce_sum3A_41 = arith.constant dense<0.000000e+00> : vector<10000xf32>
    %reduce_sum3A_42 = vector.multi_reduction <add>, %mul3A_40, %reduce_sum3A_41 [1] : vector<10000x128xf32> to vector<10000xf32>
    %swap3A_43 = arith.constant 0 : index
    %swap3A_44 = vector.load %arg7[%swap3A_43] : memref<10112xf32, #tpu.memory_space<vmem>>, vector<10000xf32>
    tpu.vector_store %arg7[%swap3A_43], %reduce_sum3A_35 {strides = array<i32>} : memref<10112xf32, #tpu.memory_space<vmem>>, vector<10000xf32>,
    %broadcast_in_dim3A_45 = arith.constant -1.000000e+30 : f32
    %broadcast_in_dim3A_46 = vector.broadcast %broadcast_in_dim3A_45 : f32 to vector<112xf32>
    %swap3A_47 = arith.constant 10000 : index
    %swap3A_48 = vector.load %arg7[%swap3A_47] : memref<10112xf32, #tpu.memory_space<vmem>>, vector<112xf32>
    tpu.vector_store %arg7[%swap3A_47], %broadcast_in_dim3A_46 {strides = array<i32>} : memref<10112xf32, #tpu.memory_space<vmem>>, vector<112xf32>,
    %swap3A_49 = arith.constant 0 : index
    %swap3A_50 = vector.load %arg8[%swap3A_49] : memref<10112xf32, #tpu.memory_space<vmem>>, vector<10000xf32>
    tpu.vector_store %arg8[%swap3A_49], %reduce_sum3A_42 {strides = array<i32>} : memref<10112xf32, #tpu.memory_space<vmem>>, vector<10000xf32>,
    %broadcast_in_dim3A_51 = arith.constant -1.000000e+30 : f32
    %broadcast_in_dim3A_52 = vector.broadcast %broadcast_in_dim3A_51 : f32 to vector<112xf32>
    %swap3A_53 = arith.constant 10000 : index
    %swap3A_54 = vector.load %arg8[%swap3A_53] : memref<10112xf32, #tpu.memory_space<vmem>>, vector<112xf32>
    tpu.vector_store %arg8[%swap3A_53], %broadcast_in_dim3A_52 {strides = array<i32>} : memref<10112xf32, #tpu.memory_space<vmem>>, vector<112xf32>,
    %reduce_max3A = vector.shape_cast %reduce_sum3A_35 : vector<10000xf32> to vector<1x10000xf32>
    %reduce_max3A_55 = arith.constant dense<0xFF800000> : vector<1xf32>
    %reduce_max3A_56 = vector.multi_reduction <maximumf>, %reduce_max3A, %reduce_max3A_55 [1] : vector<1x10000xf32> to vector<1xf32>
    %reduce_max3A_57 = vector.shape_cast %reduce_max3A_56 : vector<1xf32> to vector<1x1xf32>
    %reduce_max3A_58 = vector.extract %reduce_max3A_57[0, 0] : f32 from vector<1x1xf32>
    %reduce_max3A_59 = vector.shape_cast %reduce_sum3A_42 : vector<10000xf32> to vector<1x10000xf32>
    %reduce_max3A_60 = arith.constant dense<0xFF800000> : vector<1xf32>
    %reduce_max3A_61 = vector.multi_reduction <maximumf>, %reduce_max3A_59, %reduce_max3A_60 [1] : vector<1x10000xf32> to vector<1xf32>
    %reduce_max3A_62 = vector.shape_cast %reduce_max3A_61 : vector<1xf32> to vector<1x1xf32>
    %reduce_max3A_63 = vector.extract %reduce_max3A_62[0, 0] : f32 from vector<1x1xf32>
    %add3A_64 = arith.addf %reduce_max3A_58, %reduce_max3A_63 : f32
    %mul3A_65 = arith.constant 2.000000e-01 : f32
    %mul3A_66 = arith.mulf %mul3A_65, %add3A_64 : f32
    %max3A_67 = arith.maximumf %add3A_64, %mul3A_66 : f32
    %broadcast_in_dim3A_68 = vector.broadcast %max3A_67 : f32 to vector<16xf32>
    %swap3A_69 = arith.constant 0 : index
    %swap3A_70 = vector.load %arg9[%swap3A_69] : memref<16xf32, #tpu.memory_space<vmem>>, vector<16xf32>
    tpu.vector_store %arg9[%swap3A_69], %broadcast_in_dim3A_68 {strides = array<i32>} : memref<16xf32, #tpu.memory_space<vmem>>, vector<16xf32>,
    return
  }
}

module attributes {stable_mosaic.version = 14 : i64} {
  func.func @_tc1_body(%arg0: memref<10000x128xf32, #tpu.memory_space<vmem>>, %arg1: memref<128x128xf32, #tpu.memory_space<vmem>>, %arg2: memref<128xf32, #tpu.memory_space<vmem>>, %arg3: memref<128xf32, #tpu.memory_space<vmem>>, %arg4: memref<10112x128xf32, #tpu.memory_space<vmem>>, %arg5: memref<10112xf32, #tpu.memory_space<vmem>>, %arg6: memref<10112xf32, #tpu.memory_space<vmem>>, %arg7: memref<16xf32, #tpu.memory_space<vmem>>) attributes {dimension_semantics = [], scalar_prefetch = 0 : i64, scratch_operands = 0 : i64, tpu.core_type = #tpu.core_type<tc>} {
    %get3A = arith.constant 0 : index
    %get3A_0 = arith.constant 0 : index
    %get3A_1 = vector.load %arg0[%get3A, %get3A_0] : memref<10000x128xf32, #tpu.memory_space<vmem>>, vector<10000x128xf32>
    %get3A_2 = arith.constant 0 : index
    %get3A_3 = arith.constant 0 : index
    %get3A_4 = vector.load %arg1[%get3A_2, %get3A_3] : memref<128x128xf32, #tpu.memory_space<vmem>>, vector<128x128xf32>
    %dot_general3A = arith.constant dense<0.000000e+00> : vector<10000x128xf32>
    %dot_general3A_5 = tpu.matmul %get3A_1, %get3A_4, %dot_general3A {dimension_numbers = #tpu.dot_dimension_numbers<[1], [0], [0], [1], [0, 0, 1, 1], [], []>, transpose_lhs_hint = false} : vector<10000x128xf32>, vector<128x128xf32>, vector<10000x128xf32> -> vector<10000x128xf32>
    %swap3A = arith.constant 0 : index
    %swap3A_6 = arith.constant 0 : index
    %swap3A_7 = vector.load %arg4[%swap3A, %swap3A_6] : memref<10112x128xf32, #tpu.memory_space<vmem>>, vector<10000x128xf32>
    tpu.vector_store %arg4[%swap3A, %swap3A_6], %dot_general3A_5 {strides = array<i32>} : memref<10112x128xf32, #tpu.memory_space<vmem>>, vector<10000x128xf32>,
    %broadcast_in_dim3A = arith.constant 0.000000e+00 : f32
    %broadcast_in_dim3A_8 = vector.broadcast %broadcast_in_dim3A : f32 to vector<112x128xf32>
    %swap3A_9 = arith.constant 10000 : index
    %swap3A_10 = arith.constant 0 : index
    %swap3A_11 = vector.load %arg4[%swap3A_9, %swap3A_10] : memref<10112x128xf32, #tpu.memory_space<vmem>>, vector<112x128xf32>
    tpu.vector_store %arg4[%swap3A_9, %swap3A_10], %broadcast_in_dim3A_8 {strides = array<i32>} : memref<10112x128xf32, #tpu.memory_space<vmem>>, vector<112x128xf32>,
    %get3A_12 = arith.constant 0 : index
    %get3A_13 = vector.load %arg2[%get3A_12] : memref<128xf32, #tpu.memory_space<vmem>>, vector<128xf32>
    %broadcast_in_dim3A_14 = vector.shape_cast %get3A_13 : vector<128xf32> to vector<1x128xf32>
    %mul3A = vector.broadcast %broadcast_in_dim3A_14 : vector<1x128xf32> to vector<10000x128xf32>
    %mul3A_15 = arith.mulf %dot_general3A_5, %mul3A : vector<10000x128xf32>
    %reduce_sum3A = arith.constant dense<0.000000e+00> : vector<10000xf32>
    %reduce_sum3A_16 = vector.multi_reduction <add>, %mul3A_15, %reduce_sum3A [1] : vector<10000x128xf32> to vector<10000xf32>
    %get3A_17 = arith.constant 0 : index
    %get3A_18 = vector.load %arg3[%get3A_17] : memref<128xf32, #tpu.memory_space<vmem>>, vector<128xf32>
    %broadcast_in_dim3A_19 = vector.shape_cast %get3A_18 : vector<128xf32> to vector<1x128xf32>
    %mul3A_20 = vector.broadcast %broadcast_in_dim3A_19 : vector<1x128xf32> to vector<10000x128xf32>
    %mul3A_21 = arith.mulf %dot_general3A_5, %mul3A_20 : vector<10000x128xf32>
    %reduce_sum3A_22 = arith.constant dense<0.000000e+00> : vector<10000xf32>
    %reduce_sum3A_23 = vector.multi_reduction <add>, %mul3A_21, %reduce_sum3A_22 [1] : vector<10000x128xf32> to vector<10000xf32>
    %swap3A_24 = arith.constant 0 : index
    %swap3A_25 = vector.load %arg5[%swap3A_24] : memref<10112xf32, #tpu.memory_space<vmem>>, vector<10000xf32>
    tpu.vector_store %arg5[%swap3A_24], %reduce_sum3A_16 {strides = array<i32>} : memref<10112xf32, #tpu.memory_space<vmem>>, vector<10000xf32>,
    %broadcast_in_dim3A_26 = arith.constant -1.000000e+30 : f32
    %broadcast_in_dim3A_27 = vector.broadcast %broadcast_in_dim3A_26 : f32 to vector<112xf32>
    %swap3A_28 = arith.constant 10000 : index
    %swap3A_29 = vector.load %arg5[%swap3A_28] : memref<10112xf32, #tpu.memory_space<vmem>>, vector<112xf32>
    tpu.vector_store %arg5[%swap3A_28], %broadcast_in_dim3A_27 {strides = array<i32>} : memref<10112xf32, #tpu.memory_space<vmem>>, vector<112xf32>,
    %swap3A_30 = arith.constant 0 : index
    %swap3A_31 = vector.load %arg6[%swap3A_30] : memref<10112xf32, #tpu.memory_space<vmem>>, vector<10000xf32>
    tpu.vector_store %arg6[%swap3A_30], %reduce_sum3A_23 {strides = array<i32>} : memref<10112xf32, #tpu.memory_space<vmem>>, vector<10000xf32>,
    %broadcast_in_dim3A_32 = arith.constant -1.000000e+30 : f32
    %broadcast_in_dim3A_33 = vector.broadcast %broadcast_in_dim3A_32 : f32 to vector<112xf32>
    %swap3A_34 = arith.constant 10000 : index
    %swap3A_35 = vector.load %arg6[%swap3A_34] : memref<10112xf32, #tpu.memory_space<vmem>>, vector<112xf32>
    tpu.vector_store %arg6[%swap3A_34], %broadcast_in_dim3A_33 {strides = array<i32>} : memref<10112xf32, #tpu.memory_space<vmem>>, vector<112xf32>,
    %reduce_max3A = vector.shape_cast %reduce_sum3A_16 : vector<10000xf32> to vector<1x10000xf32>
    %reduce_max3A_36 = arith.constant dense<0xFF800000> : vector<1xf32>
    %reduce_max3A_37 = vector.multi_reduction <maximumf>, %reduce_max3A, %reduce_max3A_36 [1] : vector<1x10000xf32> to vector<1xf32>
    %reduce_max3A_38 = vector.shape_cast %reduce_max3A_37 : vector<1xf32> to vector<1x1xf32>
    %reduce_max3A_39 = vector.extract %reduce_max3A_38[0, 0] : f32 from vector<1x1xf32>
    %reduce_max3A_40 = vector.shape_cast %reduce_sum3A_23 : vector<10000xf32> to vector<1x10000xf32>
    %reduce_max3A_41 = arith.constant dense<0xFF800000> : vector<1xf32>
    %reduce_max3A_42 = vector.multi_reduction <maximumf>, %reduce_max3A_40, %reduce_max3A_41 [1] : vector<1x10000xf32> to vector<1xf32>
    %reduce_max3A_43 = vector.shape_cast %reduce_max3A_42 : vector<1xf32> to vector<1x1xf32>
    %reduce_max3A_44 = vector.extract %reduce_max3A_43[0, 0] : f32 from vector<1x1xf32>
    %add3A = arith.addf %reduce_max3A_39, %reduce_max3A_44 : f32
    %mul3A_45 = arith.constant 2.000000e-01 : f32
    %mul3A_46 = arith.mulf %mul3A_45, %add3A : f32
    %max3A = arith.maximumf %add3A, %mul3A_46 : f32
    %broadcast_in_dim3A_47 = vector.broadcast %max3A : f32 to vector<16xf32>
    %swap3A_48 = arith.constant 0 : index
    %swap3A_49 = vector.load %arg7[%swap3A_48] : memref<16xf32, #tpu.memory_space<vmem>>, vector<16xf32>
    tpu.vector_store %arg7[%swap3A_48], %broadcast_in_dim3A_47 {strides = array<i32>} : memref<16xf32, #tpu.memory_space<vmem>>, vector<16xf32>,
    return
  }
}

module attributes {stable_mosaic.version = 14 : i64} {
  func.func @_tc3_body(%arg0: memref<32x10112xf32, #tpu.memory_space<vmem>>, %arg1: memref<10112xf32, #tpu.memory_space<vmem>>) attributes {dimension_semantics = [], scalar_prefetch = 0 : i64, scratch_operands = 0 : i64, tpu.core_type = #tpu.core_type<tc>} {
    %get3A = arith.constant 0 : index
    %get3A_0 = arith.constant 0 : index
    %get3A_1 = vector.load %arg0[%get3A, %get3A_0] : memref<32x10112xf32, #tpu.memory_space<vmem>>, vector<32x10112xf32>
    %reduce_sum3A = arith.constant dense<0.000000e+00> : vector<10112xf32>
    %reduce_sum3A_2 = vector.multi_reduction <add>, %get3A_1, %reduce_sum3A [0] : vector<32x10112xf32> to vector<10112xf32>
    %add3A = arith.constant 1.000000e-16 : f32
    %add3A_3 = vector.broadcast %add3A : f32 to vector<10112xf32>
    %add3A_4 = arith.addf %reduce_sum3A_2, %add3A_3 : vector<10112xf32>
    %div3A = arith.constant 1.000000e+00 : f32
    %div3A_5 = vector.broadcast %div3A : f32 to vector<10112xf32>
    %div3A_6 = arith.divf %div3A_5, %add3A_4 : vector<10112xf32>
    %swap3A = arith.constant 0 : index
    %swap3A_7 = vector.load %arg1[%swap3A] : memref<10112xf32, #tpu.memory_space<vmem>>, vector<10112xf32>
    tpu.vector_store %arg1[%swap3A], %div3A_6 {strides = array<i32>} : memref<10112xf32, #tpu.memory_space<vmem>>, vector<10112xf32>,
    return
  }
}

module attributes {stable_mosaic.version = 14 : i64} {
  func.func @_tc4_body(%arg0: memref<32x10112xf32, #tpu.memory_space<vmem>>, %arg1: memref<10000x128xf32, #tpu.memory_space<vmem>>, %arg2: memref<128xf32, #tpu.memory_space<vmem>>, %arg3: memref<128xf32, #tpu.memory_space<vmem>>) attributes {dimension_semantics = [], scalar_prefetch = 0 : i64, scratch_operands = 0 : i64, tpu.core_type = #tpu.core_type<tc>} {
    %get3A = arith.constant 0 : index
    %get3A_0 = arith.constant 0 : index
    %get3A_1 = vector.load %arg0[%get3A, %get3A_0] : memref<32x10112xf32, #tpu.memory_space<vmem>>, vector<32x10000xf32>
    %reduce_sum3A = arith.constant dense<0.000000e+00> : vector<10000xf32>
    %reduce_sum3A_2 = vector.multi_reduction <add>, %get3A_1, %reduce_sum3A [0] : vector<32x10000xf32> to vector<10000xf32>
    %broadcast_in_dim3A = vector.shape_cast %reduce_sum3A_2 : vector<10000xf32> to vector<1x10000xf32>
    %get3A_3 = arith.constant 0 : index
    %get3A_4 = arith.constant 0 : index
    %get3A_5 = vector.load %arg1[%get3A_3, %get3A_4] : memref<10000x128xf32, #tpu.memory_space<vmem>>, vector<10000x128xf32>
    %dot_general3A = arith.constant dense<0.000000e+00> : vector<1x128xf32>
    %dot_general3A_6 = tpu.matmul %broadcast_in_dim3A, %get3A_5, %dot_general3A {dimension_numbers = #tpu.dot_dimension_numbers<[1], [0], [0], [1], [0, 0, 1, 1], [], []>, transpose_lhs_hint = false} : vector<1x10000xf32>, vector<10000x128xf32>, vector<1x128xf32> -> vector<1x128xf32>
    %squeeze3A = vector.shape_cast %dot_general3A_6 : vector<1x128xf32> to vector<128xf32>
    %mul3A = arith.constant 9.99999974E-5 : f32
    %mul3A_7 = vector.broadcast %mul3A : f32 to vector<128xf32>
    %mul3A_8 = arith.mulf %squeeze3A, %mul3A_7 : vector<128xf32>
    %get3A_9 = arith.constant 0 : index
    %get3A_10 = vector.load %arg2[%get3A_9] : memref<128xf32, #tpu.memory_space<vmem>>, vector<128xf32>
    %add3A = arith.addf %mul3A_8, %get3A_10 : vector<128xf32>
    %swap3A = arith.constant 0 : index
    %swap3A_11 = vector.load %arg3[%swap3A] : memref<128xf32, #tpu.memory_space<vmem>>, vector<128xf32>
    tpu.vector_store %arg3[%swap3A], %add3A {strides = array<i32>} : memref<128xf32, #tpu.memory_space<vmem>>, vector<128xf32>,
    return
  }
}

</mosaic_0001>

<sc_bundles>
// kernel: kernel.10.cloned.1.call-start
scs
__scs_entry_jumppad:
0x0: {  	(pc) =	sbr.rel $0x88, $3  }
0x1: {  	(tag) =	ssettag $0x0;
	lr =	simm.s32 $0x1  }
0x2: {  	[smem:$0x3F97] =	sst lr;
	_ =	strace $0xD0000000  }
0x3: {  	_ = 	snop  }
0x4: {  	_ = 	snop  }
0x5: {  	_ = 	snop  }
0x6: {  	_ = 	snop  }
0x7: {  	_ = 	snop  }
__scs_overlays_trampoline_lowered:
0x8: {  	[smem:$0x3FA6] =	sst s0  }
0x9: {  	[smem:$0x3FA7] =	sst s1  }
0xa: {  	[smem:$0x3FA8] =	sst s2  }
0xb: {  	[smem:$0x3FA9] =	sst s3  }
0xc: {  	[smem:$0x3FAA] =	sst s4  }
0xd: {  	[smem:$0x3FAB] =	sst s5  }
0xe: {  	[smem:$0x3FAC] =	sst s6  }
0xf: {  	[smem:$0x3FAD] =	sst s7  }
0x10: {  	[smem:$0x3FAE] =	sst s8  }
0x11: {  	[smem:$0x3FAF] =	sst s9;
	s0 =	simm.s32 @!p0 $0x0  }
0x12: {  	s1 =	sld [smem:$0x3F95];
	s0 =	simm.s32 @p0 $0x1  }
0x13: {  	[smem:$0x3FB0] =	sst s0;
	s0 =	simm.s32 @!p1 $0x0  }
0x14: {  	s2 =	sld [smem:$0x3F94];
	s0 =	simm.s32 @p1 $0x1  }
0x15: {  	[smem:$0x3FB1] =	sst s0;
	s0 =	simm.s32 @!p2 $0x0  }
0x16: {  	s3 =	sld [smem:$0x3FDB];
	s0 =	simm.s32 @p2 $0x1  }
0x17: {  	s4 =	simm.s32 $0x1BF5;
	[smem:$0x3FB3] =	sst s0  }
0x18: {  	s0 =	sld [smem:$0x3F96];
	_ =	swait.ge [sflag:s4], $0x0  }
0x19: {  	s7 =	sld [smem:$0x3F97]  }
0x1a: {  	s8 =	sadd.s32 $0xFFFFE003, lr  }
0x1b: {  	s9 =	sadd.s32 $0xFFFFFEF7, lr;
	s5 =	simm.s32 $0xFFFFFFFF;
	p2 =	slt.u32 s8, $0xFFFFF086  }
0x1c: {  	p1 =	slt.u32 s9, $0xF7A;
	s5 =	simm.s32 @!p2 $0x0  }
0x1d: {  	s5 =	simm.s32 @p1 $0x1;
	p0 =	seq.s32 s7, s2  }
0x1e: {  	s7 =	smul.u32 @!p0 $0xF7A, s2;
	p2 =	seq.s32 @!p0 s5, $0x0  }
0x1f: {  	s9 =	smul.u32 $0xF7A, s1;
	s8 =	simm.s32 @!p0 $0x1BF5;
	p2 =	por !p2, p0  }
0x20: {  	[sflag:s8] =	ssyncset.s32 @!p0 $0xFFFFF086;
	s6 =	sadd.s32 @!p0 s3, s7;
	s7 =	simm.s32 @!p0 $0x108  }
0x21: {  	s3 =	sadd.s32 s3, s9;
	s6 =	sadd.s32 @!p0 $0x88, s6;
	s7 =	simm.s32 @p2 $0x1082  }
0x22: {  	[simem:s7], [sflag:s8] =	dma.local @!p0 [hbm:s6], $0xF7A  }
0x23: {  	s9 =	sor.u32 $0xD0000000, s2;
	s6 =	simm.s32 $0x108;
	_ =	swait.ge @!p0 [sflag:s8], $0x0  }
0x24: {  	s3 =	sadd.s32 $0x88, s3;
	s6 =	simm.s32 @!p1 $0x1082;
	[sflag:s4] =	ssyncset.s32 $0xFFFFF086  }
0x25: {  	[simem:s6], [sflag:s4] =	dma.local [hbm:s3], $0xF7A  }
0x26: {  	[smem:$0x3F97] =	sst s1;
	(tag) =	ssettag s2;
	_ =	strace s9  }
0x27: {  	s1 =	sld [smem:$0x3FA7]  }
0x28: {  	s2 =	sld [smem:$0x3FA8]  }
0x29: {  	s4 =	sld [smem:$0x3FAA]  }
0x2a: {  	p0 =	seq.s32 s5, $0x0;
	s5 =	sld [smem:$0x3FAB]  }
0x2b: {  	s6 =	sld [smem:$0x3FAC]  }
0x2c: {  	s7 =	sld [smem:$0x3FAD]  }
0x2d: {  	s3 =	simm.s32 $0x108;
	s8 =	sld [smem:$0x3FAE]  }
0x2e: {  	s3 =	simm.s32 @!p0 $0x1082;
	s9 =	sld [smem:$0x3FAF]  }
0x2f: {  	lr =	sadd.s32 s0, s3;
	s0 =	sld [smem:$0x3FA6]  }
0x30: {  	s3 =	sld [smem:$0x3FA9]  }
0x31: {  	[smem:$0x3FB2] =	sst s10  }
0x32: {  	s10 =	sld [smem:$0x3FB0];
	_ =	sdelay $0x3  }
0x33: {  	p0 =	seq.s32 s10, $0x1;
	s10 =	sld [smem:$0x3FB2];
	_ =	sdelay $0x3  }
0x34: {  	[smem:$0x3FB2] =	sst s10  }
0x35: {  	s10 =	sld [smem:$0x3FB1];
	_ =	sdelay $0x3  }
0x36: {  	p1 =	seq.s32 s10, $0x1;
	s10 =	sld [smem:$0x3FB2];
	_ =	sdelay $0x3  }
0x37: {  	[smem:$0x3FB2] =	sst s10  }
0x38: {  	s10 =	sld [smem:$0x3FB3]  }
0x39: {  	_ = 	snop;
	(pc) =	sbr.ind lr, $3  }
0x3a: {  	_ = 	snop  }
0x3b: {  	_ = 	snop  }
0x3c: {  	p2 =	seq.s32 s10, $0x1;
	s10 =	sld [smem:$0x3FB2]  }
0x3d: {  	_ =	shalt  }
0x3e: {  	_ =	shalt  }
0x3f: {  	_ =	shalt  }
0x40: {  	_ =	shalt  }
0x41: {  	_ =	shalt  }
0x42: {  	_ =	shalt  }
0x43: {  	_ =	shalt  }
0x44: {  	_ =	shalt  }
0x45: {  	_ =	shalt  }
0x46: {  	_ =	shalt  }
0x47: {  	_ =	shalt  }
0x48: {  	_ =	shalt  }
0x49: {  	_ =	shalt  }
0x4a: {  	_ =	shalt  }
0x4b: {  	_ =	shalt  }
0x4c: {  	_ =	shalt  }
0x4d: {  	_ =	shalt  }
0x4e: {  	_ =	shalt  }
0x4f: {  	_ =	shalt  }
0x50: {  	_ =	shalt  }
0x51: {  	_ =	shalt  }
0x52: {  	_ =	shalt  }
0x53: {  	_ =	shalt  }
0x54: {  	_ =	shalt  }
0x55: {  	_ =	shalt  }
0x56: {  	_ =	shalt  }
0x57: {  	_ =	shalt  }
0x58: {  	_ =	shalt  }
0x59: {  	_ =	shalt  }
0x5a: {  	_ =	shalt  }
0x5b: {  	_ =	shalt  }
0x5c: {  	_ =	shalt  }
0x5d: {  	_ =	shalt  }
0x5e: {  	_ =	shalt  }
0x5f: {  	_ =	shalt  }
0x60: {  	_ =	shalt  }
0x61: {  	_ =	shalt  }
0x62: {  	_ =	shalt  }
0x63: {  	_ =	shalt  }
0x64: {  	_ =	shalt  }
0x65: {  	_ =	shalt  }
0x66: {  	_ =	shalt  }
0x67: {  	_ =	shalt  }
0x68: {  	_ =	shalt  }
0x69: {  	_ =	shalt  }
0x6a: {  	_ =	shalt  }
0x6b: {  	_ =	shalt  }
0x6c: {  	_ =	shalt  }
0x6d: {  	_ =	shalt  }
0x6e: {  	_ =	shalt  }
0x6f: {  	_ =	shalt  }
0x70: {  	_ =	shalt  }
0x71: {  	_ =	shalt  }
0x72: {  	_ =	shalt  }
0x73: {  	_ =	shalt  }
0x74: {  	_ =	shalt  }
0x75: {  	_ =	shalt  }
0x76: {  	_ =	shalt  }
0x77: {  	_ =	shalt  }
0x78: {  	_ =	shalt  }
0x79: {  	_ =	shalt  }
0x7a: {  	_ =	shalt  }
0x7b: {  	_ =	shalt  }
0x7c: {  	_ =	shalt  }
0x7d: {  	_ =	shalt  }
0x7e: {  	_ =	shalt  }
0x7f: {  	_ =	shalt  }
0x80: {  	_ =	shalt  }
0x81: {  	_ =	shalt  }
0x82: {  	_ =	shalt  }
0x83: {  	_ =	shalt  }
0x84: {  	_ =	shalt  }
0x85: {  	_ =	shalt  }
0x86: {  	_ =	shalt  }
0x87: {  	_ =	shalt  }
.Lfunc_end0:
.L_simem_size_0:
called_computation_lowered:
.L_overlay_start_0:
0x88: {  	s2 =	sld [smem:$0x3FD9]  }
0x89: {  	s3 =	sld [smem:$0x3FFE];
	_ =	sdelay $0x1  }
0x8a: {  	s1 =	srdreg.scid  }
0x8b: {  	s0 =	sand.u32 $0x1, s1  }
0x8c: {  	s17 =	sshll.u32 s0, $0xA;
	s2 =	sadd.s32 s3, s2  }
0x8d: {  	s2 =	sadd.s32 s2, s17  }
0x8e: {  	[smem:$0x3FBE] =	sst s2  }
0x8f: {  	_ = 	snop  }
0x90: {  	s2 =	sld [smem:$0x3FD0];
	(tm) =	ssettm $0x1  }
0x91: {  	s18 =	sld [smem:$0x3FFB];
	_ =	sdelay $0x3  }
0x92: {  	_ =	strace s18  }
0x93: {  	s3 =	sld [smem:$0x3FFC];
	_ =	sdelay $0x3  }
0x94: {  	_ =	strace s3  }
0x95: {  	s3 =	sld [smem:$0x3FFD];
	_ =	sdelay $0x3  }
0x96: {  	_ =	strace s3  }
0x97: {  	_ =	strace $0x8FFFFFFF  }
0x98: {  	s19 =	sld [smem:$0x3FDB];
	_ =	sdelay $0x1  }
0x99: {  	s4 =	simm.s32 $_scs_section_size  }
0x9a: {  	s5 =	simm.s32 $_size__tile_overlayer_lowered;
	s6 =	simm.s32 $_tile_overlayer_lowered  }
0x9b: {  	s22 =	simm.s32 $0x1BFF;
	s21 =	sshll.u32 s6, $0x1;
	s3 =	sadd.s32 s4, s19  }
0x9c: {  	s7 =	simm.s32 $0x0;
	s20 =	sshll.u32 s5, $0x1;
	s5 =	sadd.s32 s21, s3  }
0x9d: {  	[timem:s7], [sflag:s22] =	dma.local [hbm:s5], s20  }
0x9e: {  	_ =	swait.ge [sflag:s22], s20  }
0x9f: {  	s4 =	ssub.s32 $0x0, s20;
	[sflag:s22] =	ssyncset.done $0x0  }
0xa0: {  	[sflag:s22] =	ssyncadd.s32 s4;
	_ =	sdelay $0x1  }
0xa1: {  	s23 =	simm.s32 $0x1B8B  }
0xa2: {  	_ =	swait.ge [sflag:s23], $0x1  }
0xa3: {  	[sflag:s23] =	ssyncset.done $0x0  }
0xa4: {  	s25 =	simm.s32 $0x1B8E;
	s24 =	sld [smem:$0x3FFE];
	[sflag:s23] =	ssyncadd.s32 $0xFFFFFFFF  }
0xa5: {  	s26 =	simm.s32 $execute0_lowered;
	[smem:$0x3FD2] =	sst s25  }
0xa6: {  	s5 =	sshll.u32 s26, $0x1;
	_ =	strace $0x80000046;
	[dreg:$0x1] =	wrdreg $0xFFFFFFFF  }
0xa7: {  	s28 =	simm.s32 $_size_execute0_lowered;
	s3 =	sadd.s32 s3, s5;
	[dreg:$0x0] =	wrdreg $0x0  }
0xa8: {  	s5 =	sshll.u32 s28, $0x1;
	[dreg:$0x2] =	wrdreg s3  }
0xa9: {  	[dreg:$0x3] =	wrdreg s5  }
0xaa: {  	[dreg:$0x4] =	wrdreg $0xC0  }
0xab: {  	_ =	task [dreg:s7], $0x5FFFF  }
0xac: {  	[dreg:$0x1] =	wrdreg $0xFFFFFFFF  }
0xad: {  	[dreg:$0x0] =	wrdreg $0x60  }
0xae: {  	[dreg:$0x2] =	wrdreg s24  }
0xaf: {  	[dreg:$0x3] =	wrdreg s2  }
0xb0: {  	[dreg:$0x4] =	wrdreg $0x9  }
0xb1: {  	_ =	task.clear_ibuf [dreg:s7], $0x5FFFF;
	_ =	strace $0x90000046  }
0xb2: {  	s29 =	simm.s32 $0x9;
	_ =	strace $0x80000048  }
0xb3: {  	_ =	swait.ge [sflag:s29], $0x1  }
0xb4: {  	[sflag:s29] =	ssyncadd.s32 $0xFFFFFFFF  }
0xb5: {  	_ =	strace $0x90000048  }
0xb6: {  	_ =	sfence  }
0xb7: {  	s30 =	sld [smem:$0x0];
	_ =	sdelay $0x2  }
0xb8: {  	s31 =	sshll.u32 s1, $0xD;
	s1 =	sshrl.u32 s1, $0x2  }
0xb9: {  	s3 =	sand.u32 $0x4000, s31;
	s1 =	sadd.s32 s1, s30  }
0xba: {  	s0 =	sor.u32 s3, s0;
	s1 =	sshll.u32 s1, $0x11  }
0xbb: {  	s0 =	sor.u32 s1, s0  }
0xbc: {  	s0 =	sadd.s32 $0x8F2B, s0  }
0xbd: {  	[sflag:s0] =	ssyncadd.remote.s32 $0x1  }
0xbe: {  	_ =	sfence.sel $0xFFFF  }
0xbf: {  	[dreg:$0x0] =	wrdreg $0xFFFFFFFF;
	(pc) =	sbr.abs _section_cstart, $3  }
0xc0: {  	[dreg:$0x1] =	wrdreg $0xFFFFFFFF  }
0xc1: {  	_ =	task.clear_ibuf [dreg:s7], $0x2FFFF;
	_ =	strace $0x9FFFFFFF  }
0xc2: {  	(tm) =	ssettm $0x7FFFFFFF  }
0xc3: {  	_ =	shalt  }
tec
execute0_lowered:
.L_overlay_start_1:
0x0: {  	(tag) =	ssettag $0x1  }
0x1: {  	s6 =	rddreg [dreg:$0x0]  }
0x2: {  	s2 =	rddreg [dreg:$0x1]  }
0x3: {  	s3 =	srdreg.scid;
	s1 =	stileid.u32  }
0x4: {  	s0 =	rddreg [dreg:$0x2];
	s13 =	simm.s32 $0x5800;
	s14 =	simm.s32 $0x7F80  }
0x5: {  	s15 =	simm.s32 $0xA700;
	s16 =	simm.s32 $0xD380;
	s17 =	simm.s32 $0xA780  }
0x6: {  	s18 =	simm.s32 $0x80;
	s19 =	simm.s32 $0x400;
	s20 =	simm.s32 $0x0  }
0x7: {  	s5 =	sand.u32 $0x1, s3;
	s4 =	sshll.u32 s1, $0x1;
	s3 =	simm.s32 $0x0  }
0x8: {  	s30 =	sshrl.u32 s1, $0x2;
	s7 =	sor.u32 s5, s4;
	[smem:$0x7FF] =	sst s3  }
0x9: {  	s8 =	smul.u32 $0x13C00, s30;
	s4 =	sadd.s32 $0x41C00, s6;
	s31 =	ssub.s32 $0x2, s5  }
0xa: {  	vm13 =	vcmask $0x3B38;
	s5 =	sadd.s32 $0x42200, s6;
	s9 =	sshll.u32 s7, $0x7;
	s7 =	smul.u32 $0x580, s7  }
0xb: {  	v0 =	vimm.f32 $0.0e+00;
	vm0 =	vcmask $0x704;
	vm14 =	vcmask $0x3F3C;
	_ =	strace $0x80000047;
	s10 =	sshrl.u32 s31, $0x1;
	s9 =	sand.u32 $0x380, s9  }
0xc: {  	vm1 =	vcmask $0xB08;
	vm2 =	vcmask $0xF0C;
	vm3 =	vcmask $0x1310;
	s10 =	ssub.s32 s31, s10;
	s8 =	sor.u32 s8, s9;
	s11 =	sadd.s32 s7, s6  }
0xd: {  	vm4 =	vcmask $0x1714;
	vm5 =	vcmask $0x1B18;
	vm6 =	vcmask $0x1F1C;
	s10 =	smax.u32 s10, $0x1;
	s8 =	sshrl.u32 s8, $0x3;
	s7 =	sadd.s32 $0xF400, s11  }
0xe: {  	vm7 =	vcmask $0x2320;
	vm8 =	vcmask $0x2724;
	vm9 =	vcmask $0x2B28;
	s12 =	sadd.s32 s8, s6;
	s6 =	sadd.s32 $0x4400, s11;
	s8 =	sadd.s32 $0x42800, s11  }
0xf: {  	vm10 =	vcmask $0x2F2C;
	vm11 =	vcmask $0x3330;
	vm12 =	vcmask $0x3734;
	s11 =	simm.s32 $0x1;
	s9 =	sadd.s32 $0x4D800, s12;
	s12 =	simm.s32 $0x2C00  }
.LBB2_1:
0x10: {  	[tilespmem:s3], [sflag:$0x1] =	stream.linear.gather [hbm4b:s6+s3], $0x2880, $0x38;
	[tilespmem:$0xFB00] =	vst v63  }
0x11: {  	_ =	swait.ge [sflag:s11], $0x2880  }
0x12: {  	[sflag:s11] =	ssyncset.done $0x0  }
0x13: {  	[sflag:s11] =	ssyncadd.s32 $0xFFFFD780  }
0x14: {  	[tilespmem:s12], [sflag:$0x1] =	stream.linear.gather [hbm4b:s7+s3], $0x2880, $0x38;
	[tilespmem:$0xFB00] =	vst v63  }
0x15: {  	_ =	swait.ge [sflag:s11], $0x2880  }
0x16: {  	[sflag:s11] =	ssyncset.done $0x0  }
0x17: {  	[sflag:s11] =	ssyncadd.s32 $0xFFFFD780  }
0x18: {  	[tilespmem:s13], [sflag:$0x1] =	stream.linear.gather [hbm4b:s4+s3], $0x2780, $0x38;
	[tilespmem:$0xFB00] =	vst v63  }
0x19: {  	_ =	swait.ge [sflag:s11], $0x2780  }
0x1a: {  	[sflag:s11] =	ssyncset.done $0x0  }
0x1b: {  	[sflag:s11] =	ssyncadd.s32 $0xFFFFD880  }
0x1c: {  	[tilespmem:s14], [sflag:$0x1] =	stream.linear.gather [hbm4b:s5+s3], $0x2780, $0x38;
	[tilespmem:$0xFB00] =	vst v63  }
0x1d: {  	_ =	swait.ge [sflag:s11], $0x2780  }
0x1e: {  	[sflag:s11] =	ssyncset.done $0x0  }
0x1f: {  	[sflag:s11] =	ssyncadd.s32 $0xFFFFD880  }
0x20: {  	[tilespmem:s15], [sflag:$0x1] =	stream.linear.gather [hbm4b:s2+s3], $0x80, $0x38;
	[tilespmem:$0xFB00] =	vst v63  }
0x21: {  	_ =	swait.ge [sflag:s11], $0x80  }
0x22: {  	[sflag:s11] =	ssyncset.done $0x0  }
0x23: {  	s21 =	simm.s32 $0x40;
	s22 =	simm.s32 $0x0;
	[sflag:s11] =	ssyncadd.s32 $0xFFFFFF80  }
.LBB2_2:
0x24: {  	p0 =	sne.s32 s21, $0x9DC0;
	[tilespmem:s22+$0xD380] =	vst v0;
	s22 =	smov.u32 s21;
	s21 =	sadd.s32 $0x40, s21  }
.Ltmp0:
0x25: {  	(pc) =	sbr.rel @p0 .LBB2_2-.Ltmp0, $2  }
0x26: {  	_ =	sdelay $0x2  }
0x27: {  	s22 =	sshra.s32 s22, $0x2  }
0x28: {  	[tilespmem:s22+$0xD380] =	vst v0;
	s21 =	simm.s32 $0x0  }
0x29: {  	s22 =	simm.s32 $0xA780;
	s23 =	simm.s32 $0x2C00;
	s24 =	simm.s32 $0x0;
	v1 =	vld [tilespmem:$0xA700]  }
.LBB2_4:
0x2a: {  	v2 =	vmov s21  }
0x2b: {  	v3 =	vmov s23;
	_ =	sdelay $0x2  }
0x2c: {  	s25 =	simm.s32 $0x0  }
0x2d: {  	v5 =	vld.idx.msk [tilespmem:v2+s25+$0x0 ss:$0x1], $0xffff  }
0x2e: {  	v4 =	vld.idx.msk [tilespmem:v3+s25+$0x0 ss:$0x1], $0xffff;
	_ =	sdelay $0x6  }
0x2f: {  	v5 =	vld.idx.msk [tilespmem:v5+s13+$0x0], $0xffff  }
0x30: {  	v6 =	vld.idx.msk [tilespmem:v4+s14+$0x0], $0xffff;
	_ =	sdelay $0x4  }
0x31: {  	v5 =	vadd.f32 v6, v5;
	_ =	sdelay $0x1  }
0x32: {  	v6 =	vmul.f32 $2.000000030e-01, v5;
	_ =	sdelay $0x1  }
0x33: {  	v5 =	vmax.f32 v5, v6  }
0x34: {  	v5 =	vsub.f32 v5, v1;
	_ =	sdelay $0x1  }
0x35: {  	v5 =	vmul.f32 $1.442695020e+00, v5;
	_ =	sdelay $0x1  }
0x36: {  	(erf) = vpow2.f32 v5;
	_ =	sdelay $0x4  }
0x37: {  	v5 =	vmov s22;
	_ =	sdelay $0x3  }
0x38: {  	v6 =	vpop (erf)  }
0x39: {  	[tilespmem:v5+s25+$0x0 ss:$0x1] =	vst.idx.msk $0xffff, v6  }
0x3a: {  	[tilespmem:v4+s16+$0x0] =	vst.idx.add.f32.msk $0x1, v6  }
0x3b: {  	[tilespmem:v4+s16+$0x0] =	vst.idx.add.f32.msk vm0, v6  }
0x3c: {  	[tilespmem:v4+s16+$0x0] =	vst.idx.add.f32.msk vm1, v6  }
0x3d: {  	[tilespmem:v4+s16+$0x0] =	vst.idx.add.f32.msk vm2, v6  }
0x3e: {  	[tilespmem:v4+s16+$0x0] =	vst.idx.add.f32.msk vm3, v6  }
0x3f: {  	[tilespmem:v4+s16+$0x0] =	vst.idx.add.f32.msk vm4, v6  }
0x40: {  	[tilespmem:v4+s16+$0x0] =	vst.idx.add.f32.msk vm5, v6  }
0x41: {  	[tilespmem:v4+s16+$0x0] =	vst.idx.add.f32.msk vm6, v6  }
0x42: {  	[tilespmem:v4+s16+$0x0] =	vst.idx.add.f32.msk vm7, v6  }
0x43: {  	[tilespmem:v4+s16+$0x0] =	vst.idx.add.f32.msk vm8, v6  }
0x44: {  	[tilespmem:v4+s16+$0x0] =	vst.idx.add.f32.msk vm9, v6  }
0x45: {  	[tilespmem:v4+s16+$0x0] =	vst.idx.add.f32.msk vm10, v6  }
0x46: {  	[tilespmem:v4+s16+$0x0] =	vst.idx.add.f32.msk vm11, v6  }
0x47: {  	s25 =	simm.s32 $0x40;
	[tilespmem:v4+s16+$0x0] =	vst.idx.add.f32.msk vm12, v6  }
.LBB2_5:
0x48: {  	p0 =	sne.s32 s25, $0x1C0;
	[tilespmem:v4+s16+$0x0] =	vst.idx.add.f32.msk vm13, v6;
	s26 =	smov.u32 s25;
	s25 =	sadd.s32 $0x40, s25  }
0x49: {  	s26 =	sshra.s32 s26, $0x2;
	[tilespmem:v4+s16+$0x0] =	vst.idx.add.f32.msk vm14, v6  }
0x4a: {  	v6 =	vld.idx.msk [tilespmem:v2+s26+$0x0 ss:$0x1], $0xffff  }
0x4b: {  	v4 =	vld.idx.msk [tilespmem:v3+s26+$0x0 ss:$0x1], $0xffff;
	_ =	sdelay $0x6  }
0x4c: {  	v6 =	vld.idx.msk [tilespmem:v6+s13+$0x0], $0xffff  }
0x4d: {  	v7 =	vld.idx.msk [tilespmem:v4+s14+$0x0], $0xffff;
	_ =	sdelay $0x5  }
0x4e: {  	v6 =	vadd.f32 v7, v6;
	_ =	sdelay $0x1  }
0x4f: {  	v7 =	vmul.f32 $2.000000030e-01, v6;
	_ =	sdelay $0x1  }
0x50: {  	v6 =	vmax.f32 v6, v7  }
0x51: {  	v6 =	vsub.f32 v6, v1;
	_ =	sdelay $0x1  }
0x52: {  	v6 =	vmul.f32 $1.442695020e+00, v6;
	_ =	sdelay $0x1  }
0x53: {  	(erf) = vpow2.f32 v6;
	_ =	sdelay $0x8  }
0x54: {  	v6 =	vpop (erf)  }
0x55: {  	[tilespmem:v5+s26+$0x0 ss:$0x1] =	vst.idx.msk $0xffff, v6  }
0x56: {  	[tilespmem:v4+s16+$0x0] =	vst.idx.add.f32.msk $0x1, v6  }
0x57: {  	[tilespmem:v4+s16+$0x0] =	vst.idx.add.f32.msk vm0, v6  }
0x58: {  	[tilespmem:v4+s16+$0x0] =	vst.idx.add.f32.msk vm1, v6  }
0x59: {  	[tilespmem:v4+s16+$0x0] =	vst.idx.add.f32.msk vm2, v6  }
0x5a: {  	[tilespmem:v4+s16+$0x0] =	vst.idx.add.f32.msk vm3, v6  }
0x5b: {  	[tilespmem:v4+s16+$0x0] =	vst.idx.add.f32.msk vm4, v6  }
0x5c: {  	[tilespmem:v4+s16+$0x0] =	vst.idx.add.f32.msk vm5, v6  }
0x5d: {  	[tilespmem:v4+s16+$0x0] =	vst.idx.add.f32.msk vm6, v6  }
0x5e: {  	[tilespmem:v4+s16+$0x0] =	vst.idx.add.f32.msk vm7, v6  }
.Ltmp1:
0x5f: {  	[tilespmem:v4+s16+$0x0] =	vst.idx.add.f32.msk vm8, v6;
	(pc) =	sbr.rel @p0 .LBB2_5-.Ltmp1, $4  }
0x60: {  	[tilespmem:v4+s16+$0x0] =	vst.idx.add.f32.msk vm9, v6  }
0x61: {  	[tilespmem:v4+s16+$0x0] =	vst.idx.add.f32.msk vm10, v6  }
0x62: {  	[tilespmem:v4+s16+$0x0] =	vst.idx.add.f32.msk vm11, v6  }
0x63: {  	[tilespmem:v4+s16+$0x0] =	vst.idx.add.f32.msk vm12, v6  }
0x64: {  	s24 =	sadd.s32 $0x1, s24  }
0x65: {  	p0 =	sne.s32 s24, $0x51  }
.Ltmp2:
0x66: {  	_ = 	snop;
	(pc) =	sbr.rel @p0 .LBB2_4-.Ltmp2, $3  }
0x67: {  	_ =	sdelay $0x1  }
0x68: {  	[tilespmem:v4+s16+$0x0] =	vst.idx.add.f32.msk vm13, v6  }
0x69: {  	s22 =	sadd.s32 $0x80, s22;
	s23 =	sadd.s32 $0x80, s23;
	s21 =	sadd.s32 $0x80, s21;
	[tilespmem:v4+s16+$0x0] =	vst.idx.add.f32.msk vm14, v6  }
0x6a: {  	[hbm4b:s8+s3] =	stream.linear.scatter [tilespmem:s17], [sflag:$0x1], $0x2880, $0x38;
	[tilespmem:$0xFB00] =	vst v63  }
0x6b: {  	s20 =	sadd.s32 $0x1, s20;
	_ =	swait.ge [sflag:s11], $0x2880  }
0x6c: {  	p0 =	sne.s32 s20, s10;
	[sflag:s11] =	ssyncset.done $0x0  }
.Ltmp3:
0x6d: {  	[sflag:s11] =	ssyncadd.s32 $0xFFFFD780;
	(pc) =	sbr.rel @p0 .LBB2_1-.Ltmp3, $4  }
0x6e: {  	[hbm4b:s9+s18] =	stream.strided.scatter [tilespmem:s16], [sflag:$0x1], $0x2780, s19, s18, $0x38;
	[tilespmem:$0xFB00] =	vst v63  }
0x6f: {  	_ =	swait.ge [sflag:s11], $0x2780  }
0x70: {  	[sflag:s11] =	ssyncset.done $0x0  }
0x71: {  	[sflag:s11] =	ssyncadd.s32 $0xFFFFD880  }
0x72: {  	_ =	sfence.sel $0x180000  }
0x73: {  	[bflag:$0x0] =	sbarrier.arrive $0xFFFF  }
0x74: {  	p0 =	sne.s32 s1, $0x0;
	_ =	strace $0x90000047  }
0x75: {  	s0 =	sadd.s32 @!p0 $0x100000, s0;
	[bflag:$0x2] =	sbarrier.arrive $0xFFFF  }
0x76: {  	[sflag:s0] =	ssyncadd.tile.s32 @!p0 $0x1;
	_ =	shalt  }
.Lfunc_end2:
_tile_overlayer_lowered:
.L_overlay_start_2:
0x77: {  	(tag) =	ssettag $0x2  }
0x78: {  	s0 =	rddreg [dreg:$0x0];
	s2 =	stileid.u32  }
0x79: {  	s1 =	rddreg [dreg:$0x1];
	p0 =	sne.s32 s2, $0x0  }
0x7a: {  	s3 =	rddreg [dreg:$0x2];
	[bflag:$0x3] =	sbarrier.arrive $0xFFFF;
	s2 =	simm.s32 @!p0 $0x1C01  }
0x7b: {  	[timem:s3], [sflag:s2] =	dma.local @!p0 [hbm:s0], s1  }
0x7c: {  	s0 =	simm.s32 @!p0 $0x1  }
0x7d: {  	_ =	swait.ge @!p0 [sflag:s0], s1  }
0x7e: {  	s1 =	ssub.s32 @!p0 $0x0, s1;
	[sflag:s0] =	ssyncset.done @!p0 $0x0  }
0x7f: {  	[sflag:s0] =	ssyncadd.s32 @!p0 s1  }
0x80: {  	[bflag:$0x3] =	sbarrier.arrive $0xFFFF  }
0x81: {  	_ =	shalt  }

// kernel: kernel.13.cloned.1.call-start
scs
__scs_entry_jumppad:
0x0: {  	(pc) =	sbr.rel $0x88, $3  }
0x1: {  	(tag) =	ssettag $0x0;
	lr =	simm.s32 $0x1  }
0x2: {  	[smem:$0x3F97] =	sst lr;
	_ =	strace $0xD0000000  }
0x3: {  	_ = 	snop  }
0x4: {  	_ = 	snop  }
0x5: {  	_ = 	snop  }
0x6: {  	_ = 	snop  }
0x7: {  	_ = 	snop  }
__scs_overlays_trampoline_lowered:
0x8: {  	[smem:$0x3FA6] =	sst s0  }
0x9: {  	[smem:$0x3FA7] =	sst s1  }
0xa: {  	[smem:$0x3FA8] =	sst s2  }
0xb: {  	[smem:$0x3FA9] =	sst s3  }
0xc: {  	[smem:$0x3FAA] =	sst s4  }
0xd: {  	[smem:$0x3FAB] =	sst s5  }
0xe: {  	[smem:$0x3FAC] =	sst s6  }
0xf: {  	[smem:$0x3FAD] =	sst s7  }
0x10: {  	[smem:$0x3FAE] =	sst s8  }
0x11: {  	[smem:$0x3FAF] =	sst s9;
	s0 =	simm.s32 @!p0 $0x0  }
0x12: {  	s1 =	sld [smem:$0x3F95];
	s0 =	simm.s32 @p0 $0x1  }
0x13: {  	[smem:$0x3FB0] =	sst s0;
	s0 =	simm.s32 @!p1 $0x0  }
0x14: {  	s2 =	sld [smem:$0x3F94];
	s0 =	simm.s32 @p1 $0x1  }
0x15: {  	[smem:$0x3FB1] =	sst s0;
	s0 =	simm.s32 @!p2 $0x0  }
0x16: {  	s3 =	sld [smem:$0x3FDB];
	s0 =	simm.s32 @p2 $0x1  }
0x17: {  	s4 =	simm.s32 $0x1BF5;
	[smem:$0x3FB3] =	sst s0  }
0x18: {  	s0 =	sld [smem:$0x3F96];
	_ =	swait.ge [sflag:s4], $0x0  }
0x19: {  	s7 =	sld [smem:$0x3F97]  }
0x1a: {  	s8 =	sadd.s32 $0xFFFFE003, lr  }
0x1b: {  	s9 =	sadd.s32 $0xFFFFFEF7, lr;
	s5 =	simm.s32 $0xFFFFFFFF;
	p2 =	slt.u32 s8, $0xFFFFF086  }
0x1c: {  	p1 =	slt.u32 s9, $0xF7A;
	s5 =	simm.s32 @!p2 $0x0  }
0x1d: {  	s5 =	simm.s32 @p1 $0x1;
	p0 =	seq.s32 s7, s2  }
0x1e: {  	s7 =	smul.u32 @!p0 $0xF7A, s2;
	p2 =	seq.s32 @!p0 s5, $0x0  }
0x1f: {  	s9 =	smul.u32 $0xF7A, s1;
	s8 =	simm.s32 @!p0 $0x1BF5;
	p2 =	por !p2, p0  }
0x20: {  	[sflag:s8] =	ssyncset.s32 @!p0 $0xFFFFF086;
	s6 =	sadd.s32 @!p0 s3, s7;
	s7 =	simm.s32 @!p0 $0x108  }
0x21: {  	s3 =	sadd.s32 s3, s9;
	s6 =	sadd.s32 @!p0 $0x88, s6;
	s7 =	simm.s32 @p2 $0x1082  }
0x22: {  	[simem:s7], [sflag:s8] =	dma.local @!p0 [hbm:s6], $0xF7A  }
0x23: {  	s9 =	sor.u32 $0xD0000000, s2;
	s6 =	simm.s32 $0x108;
	_ =	swait.ge @!p0 [sflag:s8], $0x0  }
0x24: {  	s3 =	sadd.s32 $0x88, s3;
	s6 =	simm.s32 @!p1 $0x1082;
	[sflag:s4] =	ssyncset.s32 $0xFFFFF086  }
0x25: {  	[simem:s6], [sflag:s4] =	dma.local [hbm:s3], $0xF7A  }
0x26: {  	[smem:$0x3F97] =	sst s1;
	(tag) =	ssettag s2;
	_ =	strace s9  }
0x27: {  	s1 =	sld [smem:$0x3FA7]  }
0x28: {  	s2 =	sld [smem:$0x3FA8]  }
0x29: {  	s4 =	sld [smem:$0x3FAA]  }
0x2a: {  	p0 =	seq.s32 s5, $0x0;
	s5 =	sld [smem:$0x3FAB]  }
0x2b: {  	s6 =	sld [smem:$0x3FAC]  }
0x2c: {  	s7 =	sld [smem:$0x3FAD]  }
0x2d: {  	s3 =	simm.s32 $0x108;
	s8 =	sld [smem:$0x3FAE]  }
0x2e: {  	s3 =	simm.s32 @!p0 $0x1082;
	s9 =	sld [smem:$0x3FAF]  }
0x2f: {  	lr =	sadd.s32 s0, s3;
	s0 =	sld [smem:$0x3FA6]  }
0x30: {  	s3 =	sld [smem:$0x3FA9]  }
0x31: {  	[smem:$0x3FB2] =	sst s10  }
0x32: {  	s10 =	sld [smem:$0x3FB0];
	_ =	sdelay $0x3  }
0x33: {  	p0 =	seq.s32 s10, $0x1;
	s10 =	sld [smem:$0x3FB2];
	_ =	sdelay $0x3  }
0x34: {  	[smem:$0x3FB2] =	sst s10  }
0x35: {  	s10 =	sld [smem:$0x3FB1];
	_ =	sdelay $0x3  }
0x36: {  	p1 =	seq.s32 s10, $0x1;
	s10 =	sld [smem:$0x3FB2];
	_ =	sdelay $0x3  }
0x37: {  	[smem:$0x3FB2] =	sst s10  }
0x38: {  	s10 =	sld [smem:$0x3FB3]  }
0x39: {  	_ = 	snop;
	(pc) =	sbr.ind lr, $3  }
0x3a: {  	_ = 	snop  }
0x3b: {  	_ = 	snop  }
0x3c: {  	p2 =	seq.s32 s10, $0x1;
	s10 =	sld [smem:$0x3FB2]  }
0x3d: {  	_ =	shalt  }
0x3e: {  	_ =	shalt  }
0x3f: {  	_ =	shalt  }
0x40: {  	_ =	shalt  }
0x41: {  	_ =	shalt  }
0x42: {  	_ =	shalt  }
0x43: {  	_ =	shalt  }
0x44: {  	_ =	shalt  }
0x45: {  	_ =	shalt  }
0x46: {  	_ =	shalt  }
0x47: {  	_ =	shalt  }
0x48: {  	_ =	shalt  }
0x49: {  	_ =	shalt  }
0x4a: {  	_ =	shalt  }
0x4b: {  	_ =	shalt  }
0x4c: {  	_ =	shalt  }
0x4d: {  	_ =	shalt  }
0x4e: {  	_ =	shalt  }
0x4f: {  	_ =	shalt  }
0x50: {  	_ =	shalt  }
0x51: {  	_ =	shalt  }
0x52: {  	_ =	shalt  }
0x53: {  	_ =	shalt  }
0x54: {  	_ =	shalt  }
0x55: {  	_ =	shalt  }
0x56: {  	_ =	shalt  }
0x57: {  	_ =	shalt  }
0x58: {  	_ =	shalt  }
0x59: {  	_ =	shalt  }
0x5a: {  	_ =	shalt  }
0x5b: {  	_ =	shalt  }
0x5c: {  	_ =	shalt  }
0x5d: {  	_ =	shalt  }
0x5e: {  	_ =	shalt  }
0x5f: {  	_ =	shalt  }
0x60: {  	_ =	shalt  }
0x61: {  	_ =	shalt  }
0x62: {  	_ =	shalt  }
0x63: {  	_ =	shalt  }
0x64: {  	_ =	shalt  }
0x65: {  	_ =	shalt  }
0x66: {  	_ =	shalt  }
0x67: {  	_ =	shalt  }
0x68: {  	_ =	shalt  }
0x69: {  	_ =	shalt  }
0x6a: {  	_ =	shalt  }
0x6b: {  	_ =	shalt  }
0x6c: {  	_ =	shalt  }
0x6d: {  	_ =	shalt  }
0x6e: {  	_ =	shalt  }
0x6f: {  	_ =	shalt  }
0x70: {  	_ =	shalt  }
0x71: {  	_ =	shalt  }
0x72: {  	_ =	shalt  }
0x73: {  	_ =	shalt  }
0x74: {  	_ =	shalt  }
0x75: {  	_ =	shalt  }
0x76: {  	_ =	shalt  }
0x77: {  	_ =	shalt  }
0x78: {  	_ =	shalt  }
0x79: {  	_ =	shalt  }
0x7a: {  	_ =	shalt  }
0x7b: {  	_ =	shalt  }
0x7c: {  	_ =	shalt  }
0x7d: {  	_ =	shalt  }
0x7e: {  	_ =	shalt  }
0x7f: {  	_ =	shalt  }
0x80: {  	_ =	shalt  }
0x81: {  	_ =	shalt  }
0x82: {  	_ =	shalt  }
0x83: {  	_ =	shalt  }
0x84: {  	_ =	shalt  }
0x85: {  	_ =	shalt  }
0x86: {  	_ =	shalt  }
0x87: {  	_ =	shalt  }
.Lfunc_end0:
.L_simem_size_0:
called_computation.1_lowered:
.L_overlay_start_0:
0x88: {  	s2 =	sld [smem:$0x3FD9]  }
0x89: {  	s3 =	sld [smem:$0x3FFE];
	_ =	sdelay $0x1  }
0x8a: {  	s1 =	srdreg.scid  }
0x8b: {  	s0 =	sand.u32 $0x1, s1  }
0x8c: {  	s16 =	sshll.u32 s0, $0xA;
	s2 =	sadd.s32 s3, s2  }
0x8d: {  	s2 =	sadd.s32 s2, s16  }
0x8e: {  	[smem:$0x3FBE] =	sst s2  }
0x8f: {  	_ = 	snop  }
0x90: {  	(tm) =	ssettm $0x1  }
0x91: {  	s17 =	sld [smem:$0x3FFB];
	_ =	sdelay $0x3  }
0x92: {  	_ =	strace s17  }
0x93: {  	s2 =	sld [smem:$0x3FFC];
	_ =	sdelay $0x3  }
0x94: {  	_ =	strace s2  }
0x95: {  	s2 =	sld [smem:$0x3FFD];
	_ =	sdelay $0x3  }
0x96: {  	_ =	strace s2  }
0x97: {  	_ =	strace $0x8FFFFFFF  }
0x98: {  	s18 =	sld [smem:$0x3FDB];
	_ =	sdelay $0x1  }
0x99: {  	s19 =	simm.s32 $_scs_section_size  }
0x9a: {  	s4 =	simm.s32 $_size__tile_overlayer_lowered;
	s5 =	simm.s32 $_tile_overlayer_lowered  }
0x9b: {  	s22 =	simm.s32 $0x1BFF;
	s21 =	sshll.u32 s5, $0x1;
	s2 =	sadd.s32 s19, s18  }
0x9c: {  	s6 =	simm.s32 $0x0;
	s20 =	sshll.u32 s4, $0x1;
	s4 =	sadd.s32 s21, s2  }
0x9d: {  	[timem:s6], [sflag:s22] =	dma.local [hbm:s4], s20  }
0x9e: {  	_ =	swait.ge [sflag:s22], s20  }
0x9f: {  	s3 =	ssub.s32 $0x0, s20;
	[sflag:s22] =	ssyncset.done $0x0  }
0xa0: {  	[sflag:s22] =	ssyncadd.s32 s3;
	_ =	sdelay $0x1  }
0xa1: {  	s23 =	simm.s32 $0x1B8B  }
0xa2: {  	_ =	swait.ge [sflag:s23], $0x1  }
0xa3: {  	[sflag:s23] =	ssyncset.done $0x0  }
0xa4: {  	s25 =	simm.s32 $0x1B8E;
	s24 =	sld [smem:$0x3FFE];
	[sflag:s23] =	ssyncadd.s32 $0xFFFFFFFF  }
0xa5: {  	s26 =	simm.s32 $execute0_lowered;
	[smem:$0x3FD2] =	sst s25  }
0xa6: {  	s4 =	sshll.u32 s26, $0x1;
	_ =	strace $0x80000049;
	[dreg:$0x1] =	wrdreg $0xFFFFFFFF  }
0xa7: {  	s28 =	simm.s32 $_size_execute0_lowered;
	s2 =	sadd.s32 s2, s4;
	[dreg:$0x0] =	wrdreg $0x0  }
0xa8: {  	s4 =	sshll.u32 s28, $0x1;
	[dreg:$0x2] =	wrdreg s2  }
0xa9: {  	[dreg:$0x3] =	wrdreg s4  }
0xaa: {  	[dreg:$0x4] =	wrdreg $0xC0  }
0xab: {  	_ =	task [dreg:s6], $0x5FFFF  }
0xac: {  	[dreg:$0x1] =	wrdreg $0xFFFFFFFF  }
0xad: {  	[dreg:$0x0] =	wrdreg $0x60  }
0xae: {  	[dreg:$0x2] =	wrdreg s24  }
0xaf: {  	[dreg:$0x3] =	wrdreg $0xC4000  }
0xb0: {  	[dreg:$0x4] =	wrdreg $0x9  }
0xb1: {  	_ =	task.clear_ibuf [dreg:s6], $0x5FFFF;
	_ =	strace $0x90000049  }
0xb2: {  	s29 =	simm.s32 $0x9;
	_ =	strace $0x8000004B  }
0xb3: {  	_ =	swait.ge [sflag:s29], $0x1  }
0xb4: {  	[sflag:s29] =	ssyncadd.s32 $0xFFFFFFFF  }
0xb5: {  	_ =	strace $0x9000004B  }
0xb6: {  	_ =	sfence  }
0xb7: {  	s30 =	sld [smem:$0x0];
	_ =	sdelay $0x2  }
0xb8: {  	s31 =	sshll.u32 s1, $0xD;
	s1 =	sshrl.u32 s1, $0x2  }
0xb9: {  	s3 =	sand.u32 $0x4000, s31;
	s1 =	sadd.s32 s1, s30  }
0xba: {  	s0 =	sor.u32 s3, s0;
	s1 =	sshll.u32 s1, $0x11  }
0xbb: {  	s0 =	sor.u32 s1, s0  }
0xbc: {  	s0 =	sadd.s32 $0x8F2B, s0  }
0xbd: {  	[sflag:s0] =	ssyncadd.remote.s32 $0x1  }
0xbe: {  	_ =	sfence.sel $0xFFFF  }
0xbf: {  	[dreg:$0x0] =	wrdreg $0xFFFFFFFF;
	(pc) =	sbr.abs _section_cstart, $3  }
0xc0: {  	[dreg:$0x1] =	wrdreg $0xFFFFFFFF  }
0xc1: {  	_ =	task.clear_ibuf [dreg:s6], $0x2FFFF;
	_ =	strace $0x9FFFFFFF  }
0xc2: {  	(tm) =	ssettm $0x7FFFFFFF  }
0xc3: {  	_ =	shalt  }
tec
execute0_lowered:
.L_overlay_start_1:
0x0: {  	(tag) =	ssettag $0x1  }
0x1: {  	s0 =	srdreg.scid;
	s14 =	stileid.u32  }
0x2: {  	s1 =	rddreg [dreg:$0x0];
	s15 =	smul.u32 $0x278, s14  }
0x3: {  	s2 =	rddreg [dreg:$0x1];
	s28 =	simm.s32 $0x1;
	s23 =	smul.u32 $0x4F000, s14  }
0x4: {  	s0 =	sand.u32 $0x1, s0;
	s3 =	sshll.u32 s14, $0x1;
	s20 =	smul.u32 $0x2780, s14  }
0x5: {  	s29 =	simm.s32 $0x0;
	s4 =	sor.u32 s0, s3;
	s6 =	smul.u32 $0x27800, s0  }
0x6: {  	s3 =	simm.s32 $0x0;
	s0 =	ssub.s32 $0x2, s0;
	s5 =	smul.u32 $0x580, s4  }
0x7: {  	[smem:$0x7FF] =	sst s3;
	s4 =	sadd.s32 $0x1A400, s1;
	s24 =	sshrl.u32 s0, $0x1  }
0x8: {  	s10 =	sadd.s32 $0x200, s15;
	s26 =	sadd.s32 $0x80, s15;
	s16 =	sadd.s32 $0x100, s15  }
0x9: {  	s18 =	sadd.s32 $0x180, s15;
	_ =	strace $0x8000004A;
	s0 =	ssub.s32 s0, s24  }
0xa: {  	s25 =	sshll.u32 s10, $0x7;
	s24 =	sshll.u32 s10, $0x4;
	s30 =	sshll.u32 s26, $0x7  }
0xb: {  	s17 =	sshll.u32 s16, $0x7;
	s31 =	sshll.u32 s18, $0x7;
	s22 =	sshll.u32 s16, $0x4  }
0xc: {  	s9 =	sadd.s32 s5, s1;
	s1 =	sadd.s32 s6, s1;
	s5 =	sshrl.u32 s23, $0x2  }
0xd: {  	s6 =	sadd.s32 s25, s2;
	s10 =	smax.u32 s0, $0x1;
	s14 =	sadd.s32 s30, s2  }
0xe: {  	s0 =	sshll.u32 s26, $0x4;
	s15 =	sadd.s32 s17, s2;
	s16 =	sadd.s32 s31, s2  }
0xf: {  	s23 =	sshll.u32 s18, $0x4;
	s17 =	simm.s32 $0x8400;
	s18 =	simm.s32 $0x2  }
0x10: {  	s25 =	simm.s32 $0x5800;
	s26 =	simm.s32 $0x80;
	s5 =	sadd.s32 s5, s2  }
0x11: {  	s7 =	sadd.s32 $0x4400, s9;
	s8 =	sadd.s32 $0xF400, s9;
	s9 =	sadd.s32 $0x42800, s9  }
0x12: {  	s1 =	sadd.s32 $0x57600, s1;
	s11 =	sadd.s32 $0x4000, s5;
	s12 =	sadd.s32 $0x8000, s5  }
0x13: {  	s13 =	sadd.s32 $0xC000, s5;
	s20 =	sadd.s32 s20, s1;
	s21 =	sadd.s32 s0, s1  }
0x14: {  	v0 =	vimm.f32 $0.0e+00;
	s22 =	sadd.s32 s22, s1;
	s23 =	sadd.s32 s23, s1;
	s24 =	sadd.s32 s24, s1  }
.LBB2_1:
0x15: {  	s0 =	simm.s32 $0x0;
	s1 =	simm.s32 $0x200  }
.LBB2_2:
0x16: {  	p0 =	sne.s32 s1, $0xFE00;
	[tilespmem:s0+$0x8470] =	vst v0  }
0x17: {  	[tilespmem:s0+$0x8400] =	vst v0  }
0x18: {  	[tilespmem:s0+$0x8410] =	vst v0  }
.Ltmp0:
0x19: {  	[tilespmem:s0+$0x8420] =	vst v0;
	(pc) =	sbr.rel @p0 .LBB2_2-.Ltmp0, $4  }
0x1a: {  	[tilespmem:s0+$0x8430] =	vst v0  }
0x1b: {  	[tilespmem:s0+$0x8440] =	vst v0  }
0x1c: {  	[tilespmem:s0+$0x8450] =	vst v0  }
0x1d: {  	[tilespmem:s0+$0x8460] =	vst v0;
	s0 =	sshra.s32 s1, $0x2;
	s1 =	sadd.s32 $0x200, s1  }
0x1e: {  	[tilespmem:s0+$0x8470] =	vst v0  }
0x1f: {  	[tilespmem:s0+$0x8400] =	vst v0  }
0x20: {  	[tilespmem:s0+$0x8410] =	vst v0  }
0x21: {  	[tilespmem:s0+$0x8420] =	vst v0  }
0x22: {  	[tilespmem:s0+$0x8430] =	vst v0  }
0x23: {  	[tilespmem:s0+$0x8440] =	vst v0  }
0x24: {  	[tilespmem:s0+$0x8450] =	vst v0  }
0x25: {  	[tilespmem:s0+$0x8460] =	vst v0  }
0x26: {  	[spmem:s5] =	stream.linear.scatter [tilespmem:s17], [sflag:$0x2], $0x4000, $0x38;
	v63 =	vld [tilespmem:$0x0]  }
0x27: {  	_ =	swait.ge [sflag:s18], $0x4000  }
0x28: {  	[sflag:s18] =	ssyncset.done $0x0  }
0x29: {  	[sflag:s18] =	ssyncadd.s32 $0xFFFFC000  }
0x2a: {  	[spmem:s11] =	stream.linear.scatter [tilespmem:s17], [sflag:$0x2], $0x4000, $0x38;
	v63 =	vld [tilespmem:$0x0]  }
0x2b: {  	_ =	swait.ge [sflag:s18], $0x4000  }
0x2c: {  	[sflag:s18] =	ssyncset.done $0x0  }
0x2d: {  	[sflag:s18] =	ssyncadd.s32 $0xFFFFC000  }
0x2e: {  	[spmem:s12] =	stream.linear.scatter [tilespmem:s17], [sflag:$0x2], $0x4000, $0x38;
	v63 =	vld [tilespmem:$0x0]  }
0x2f: {  	_ =	swait.ge [sflag:s18], $0x4000  }
0x30: {  	[sflag:s18] =	ssyncset.done $0x0  }
0x31: {  	[sflag:s18] =	ssyncadd.s32 $0xFFFFC000  }
0x32: {  	[spmem:s13] =	stream.linear.scatter [tilespmem:s17], [sflag:$0x2], $0x4000, $0x38;
	v63 =	vld [tilespmem:$0x0]  }
0x33: {  	_ =	swait.ge [sflag:s18], $0x4000  }
0x34: {  	[sflag:s18] =	ssyncset.done $0x0  }
0x35: {  	[sflag:s18] =	ssyncadd.s32 $0xFFFFC000  }
0x36: {  	[spmem:s6] =	stream.linear.scatter [tilespmem:s17], [sflag:$0x2], $0x3C00, $0x38;
	v63 =	vld [tilespmem:$0x0]  }
0x37: {  	_ =	swait.ge [sflag:s18], $0x3C00  }
0x38: {  	[sflag:s18] =	ssyncset.done $0x0  }
0x39: {  	[sflag:s18] =	ssyncadd.s32 $0xFFFFC400  }
0x3a: {  	_ =	sdelay $0x7ff  }
0x3b: {  	_ =	sdelay $0x7ff  }
0x3c: {  	_ =	sdelay $0x7ff  }
0x3d: {  	_ =	sdelay $0x484  }
0x3e: {  	s30 =	simm.s32 $0x0;
	[bflag:$0x0] =	sbarrier.arrive $0xFFFF  }
0x3f: {  	[tilespmem:s30], [sflag:$0x2] =	stream.linear.gather [hbm4b:s7+s30], $0x2880, $0x38;
	v63 =	vld [tilespmem:$0x0]  }
0x40: {  	_ =	swait.ge [sflag:s18], $0x2880  }
0x41: {  	[sflag:s18] =	ssyncset.done $0x0  }
0x42: {  	s31 =	simm.s32 $0x2C00;
	[sflag:s18] =	ssyncadd.s32 $0xFFFFD780  }
0x43: {  	[tilespmem:s31], [sflag:$0x2] =	stream.linear.gather [hbm4b:s8+s30], $0x2880, $0x38;
	v63 =	vld [tilespmem:$0x0]  }
0x44: {  	_ =	swait.ge [sflag:s18], $0x2880  }
0x45: {  	[sflag:s18] =	ssyncset.done $0x0  }
0x46: {  	[sflag:s18] =	ssyncadd.s32 $0xFFFFD780  }
0x47: {  	[tilespmem:s25], [sflag:$0x2] =	stream.linear.gather [hbm4b:s9+s30], $0x2880, $0x38;
	v63 =	vld [tilespmem:$0x0]  }
0x48: {  	_ =	swait.ge [sflag:s18], $0x2880  }
0x49: {  	[sflag:s18] =	ssyncset.done $0x0  }
0x4a: {  	[sflag:s18] =	ssyncadd.s32 $0xFFFFD780  }
.LBB2_4:
0x4b: {  	s31 =	sshll.u32 s30, $0x7  }
0x4c: {  	s0 =	sadd.s32 $0x5800, s31  }
0x4d: {  	v1 =	vmov s0  }
0x4e: {  	[tilespmem:s17], [sflag:$0x1] =	stream.indirect.gather [hbm4b:s4+s26], $0x80, s31, s26, $0xb8;
	v63 =	vld [tilespmem:$0x0]  }
0x4f: {  	_ =	swait.ge [sflag:s28], $0x4000  }
0x50: {  	s19 =	simm.s32 $0x0;
	[sflag:s28] =	ssyncset.done $0x0  }
0x51: {  	s1 =	simm.s32 $0x0;
	s0 =	sand.u32 $0x3FFFFFF0, s19;
	[sflag:s28] =	ssyncadd.s32 $0xFFFFC000  }
0x52: {  	s1 =	sand.u32 $0x3FFFF800, s1;
	v2 =	vld.idx.msk [tilespmem:v1+s0+$0x0 ss:$0x1], $0xffff  }
0x53: {  	v8 =	vld [tilespmem:s1+$0x84C0]  }
0x54: {  	v4 =	vld [tilespmem:s1+$0x8420]  }
0x55: {  	v5 =	vld [tilespmem:s1+$0x8430]  }
0x56: {  	v11 =	vld [tilespmem:s1+$0x8460]  }
0x57: {  	v12 =	vld [tilespmem:s1+$0x8470];
	v3 =	vbroadcast v2, $0x0  }
0x58: {  	v13 =	vld [tilespmem:s1+$0x8480]  }
0x59: {  	v14 =	vld [tilespmem:s1+$0x8490];
	v4 =	vmul.f32 v4, v3  }
0x5a: {  	v15 =	vld [tilespmem:s1+$0x84A0];
	v5 =	vmul.f32 v5, v3  }
0x5b: {  	v10 =	vld [tilespmem:s1+$0x84B0];
	v60 =	vbroadcast v2, $0x1;
	v59 =	vmul.f32 v11, v3;
	[tilespmem:s1+$0x8420] =	vst v4  }
0x5c: {  	v9 =	vld [tilespmem:s1+$0x84D0];
	v12 =	vmul.f32 v12, v3;
	[tilespmem:s1+$0x8430] =	vst v5  }
0x5d: {  	v7 =	vld [tilespmem:s1+$0x8970];
	v13 =	vmul.f32 v13, v60;
	[tilespmem:s1+$0x8460] =	vst v59  }
0x5e: {  	v62 =	vld [tilespmem:s1+$0x84F0];
	v14 =	vmul.f32 v14, v60;
	[tilespmem:s1+$0x8470] =	vst v12  }
0x5f: {  	v20 =	vld [tilespmem:s1+$0x8500];
	v15 =	vmul.f32 v15, v60;
	[tilespmem:s1+$0x8480] =	vst v13  }
0x60: {  	v21 =	vld [tilespmem:s1+$0x8510];
	v10 =	vmul.f32 v10, v60;
	[tilespmem:s1+$0x8490] =	vst v14  }
0x61: {  	v61 =	vld [tilespmem:s1+$0x84E0];
	v8 =	vmul.f32 v8, v60;
	[tilespmem:s1+$0x84A0] =	vst v15  }
0x62: {  	v22 =	vld [tilespmem:s1+$0x8520];
	v16 =	vbroadcast v2, $0x2;
	v9 =	vmul.f32 v9, v60;
	[tilespmem:s1+$0x84B0] =	vst v10  }
0x63: {  	v23 =	vld [tilespmem:s1+$0x8530];
	v11 =	vmul.f32 v62, v60;
	[tilespmem:s1+$0x84C0] =	vst v8  }
0x64: {  	v24 =	vld [tilespmem:s1+$0x8540];
	v6 =	vbroadcast v2, $0xA;
	v26 =	vmul.f32 v20, v16;
	[tilespmem:s1+$0x84D0] =	vst v9  }
0x65: {  	v25 =	vld [tilespmem:s1+$0x8550];
	v28 =	vmul.f32 v21, v16;
	[tilespmem:s1+$0x84F0] =	vst v11  }
0x66: {  	v27 =	vld [tilespmem:s1+$0x8560];
	v4 =	vmul.f32 v7, v6;
	[tilespmem:s1+$0x8500] =	vst v26  }
0x67: {  	v29 =	vld [tilespmem:s1+$0x8570];
	v12 =	vmul.f32 v61, v60;
	[tilespmem:s1+$0x8510] =	vst v28  }
0x68: {  	v30 =	vld [tilespmem:s1+$0x8580];
	v10 =	vmul.f32 v22, v16;
	[tilespmem:s1+$0x8970] =	vst v4  }
0x69: {  	v31 =	vld [tilespmem:s1+$0x8590];
	v8 =	vmul.f32 v23, v16;
	[tilespmem:s1+$0x84E0] =	vst v12  }
0x6a: {  	v32 =	vld [tilespmem:s1+$0x85A0];
	v9 =	vmul.f32 v24, v16;
	[tilespmem:s1+$0x8520] =	vst v10  }
0x6b: {  	v33 =	vld [tilespmem:s1+$0x85B0];
	v35 =	vbroadcast v2, $0x3;
	v11 =	vmul.f32 v27, v16;
	[tilespmem:s1+$0x8530] =	vst v8  }
0x6c: {  	v34 =	vld [tilespmem:s1+$0x85C0];
	v13 =	vmul.f32 v29, v16;
	[tilespmem:s1+$0x8540] =	vst v9  }
0x6d: {  	v36 =	vld [tilespmem:s1+$0x85D0];
	v14 =	vmul.f32 v30, v35;
	[tilespmem:s1+$0x8560] =	vst v11  }
0x6e: {  	v37 =	vld [tilespmem:s1+$0x85E0];
	v12 =	vmul.f32 v25, v16;
	[tilespmem:s1+$0x8570] =	vst v13  }
0x6f: {  	v38 =	vld [tilespmem:s1+$0x85F0];
	v10 =	vmul.f32 v31, v35;
	[tilespmem:s1+$0x8580] =	vst v14  }
0x70: {  	v39 =	vld [tilespmem:s1+$0x8600];
	v8 =	vmul.f32 v32, v35;
	[tilespmem:s1+$0x8550] =	vst v12  }
0x71: {  	v40 =	vld [tilespmem:s1+$0x8610];
	v9 =	vmul.f32 v33, v35;
	[tilespmem:s1+$0x8590] =	vst v10  }
0x72: {  	v41 =	vld [tilespmem:s1+$0x8620];
	v11 =	vmul.f32 v36, v35;
	[tilespmem:s1+$0x85A0] =	vst v8  }
0x73: {  	v42 =	vld [tilespmem:s1+$0x8630];
	v13 =	vmul.f32 v37, v35;
	[tilespmem:s1+$0x85B0] =	vst v9  }
0x74: {  	v43 =	vld [tilespmem:s1+$0x8640];
	v44 =	vbroadcast v2, $0x4;
	v14 =	vmul.f32 v38, v35;
	[tilespmem:s1+$0x85D0] =	vst v11  }
0x75: {  	v45 =	vld [tilespmem:s1+$0x8650];
	v12 =	vmul.f32 v34, v35;
	[tilespmem:s1+$0x85E0] =	vst v13  }
0x76: {  	v46 =	vld [tilespmem:s1+$0x8660];
	v10 =	vmul.f32 v39, v44;
	[tilespmem:s1+$0x85F0] =	vst v14  }
0x77: {  	v47 =	vld [tilespmem:s1+$0x8670];
	v8 =	vmul.f32 v40, v44;
	[tilespmem:s1+$0x85C0] =	vst v12  }
0x78: {  	v48 =	vld [tilespmem:s1+$0x8680];
	v9 =	vmul.f32 v41, v44;
	[tilespmem:s1+$0x8600] =	vst v10  }
0x79: {  	v49 =	vld [tilespmem:s1+$0x8690];
	v11 =	vmul.f32 v43, v44;
	[tilespmem:s1+$0x8610] =	vst v8  }
0x7a: {  	v50 =	vld [tilespmem:s1+$0x86A0];
	v13 =	vmul.f32 v45, v44;
	[tilespmem:s1+$0x8620] =	vst v9  }
0x7b: {  	v51 =	vld [tilespmem:s1+$0x86B0];
	v14 =	vmul.f32 v46, v44;
	[tilespmem:s1+$0x8640] =	vst v11  }
0x7c: {  	v52 =	vld [tilespmem:s1+$0x86C0];
	v53 =	vbroadcast v2, $0x5;
	v12 =	vmul.f32 v42, v44;
	[tilespmem:s1+$0x8650] =	vst v13  }
0x7d: {  	v54 =	vld [tilespmem:s1+$0x86D0];
	v10 =	vmul.f32 v47, v44;
	[tilespmem:s1+$0x8660] =	vst v14  }
0x7e: {  	v55 =	vld [tilespmem:s1+$0x86E0];
	v8 =	vmul.f32 v48, v53;
	[tilespmem:s1+$0x8630] =	vst v12  }
0x7f: {  	v56 =	vld [tilespmem:s1+$0x86F0];
	v9 =	vmul.f32 v49, v53;
	[tilespmem:s1+$0x8670] =	vst v10  }
0x80: {  	v57 =	vld [tilespmem:s1+$0x8700];
	v11 =	vmul.f32 v51, v53;
	[tilespmem:s1+$0x8680] =	vst v8  }
0x81: {  	v58 =	vld [tilespmem:s1+$0x8710];
	v13 =	vmul.f32 v52, v53;
	[tilespmem:s1+$0x8690] =	vst v9  }
0x82: {  	v59 =	vld [tilespmem:s1+$0x8720];
	v14 =	vmul.f32 v54, v53;
	[tilespmem:s1+$0x86B0] =	vst v11  }
0x83: {  	v60 =	vld [tilespmem:s1+$0x8730];
	v12 =	vmul.f32 v50, v53;
	[tilespmem:s1+$0x86C0] =	vst v13  }
0x84: {  	v62 =	vbroadcast v2, $0x6;
	v61 =	vld [tilespmem:s1+$0x8740];
	v10 =	vmul.f32 v55, v53;
	[tilespmem:s1+$0x86D0] =	vst v14  }
0x85: {  	v20 =	vld [tilespmem:s1+$0x8750];
	v8 =	vmul.f32 v56, v53;
	[tilespmem:s1+$0x86A0] =	vst v12  }
0x86: {  	v21 =	vld [tilespmem:s1+$0x8760];
	v9 =	vmul.f32 v57, v62;
	[tilespmem:s1+$0x86E0] =	vst v10  }
0x87: {  	v5 =	vld [tilespmem:s1+$0x8980];
	v11 =	vmul.f32 v59, v62;
	[tilespmem:s1+$0x86F0] =	vst v8  }
0x88: {  	v22 =	vld [tilespmem:s1+$0x8770];
	v13 =	vmul.f32 v60, v62;
	[tilespmem:s1+$0x8700] =	vst v9  }
0x89: {  	v24 =	vld [tilespmem:s1+$0x8790];
	v14 =	vmul.f32 v61, v62;
	[tilespmem:s1+$0x8720] =	vst v11  }
0x8a: {  	v25 =	vld [tilespmem:s1+$0x87A0];
	v12 =	vmul.f32 v58, v62;
	[tilespmem:s1+$0x8730] =	vst v13  }
0x8b: {  	v26 =	vld [tilespmem:s1+$0x87B0];
	v10 =	vmul.f32 v20, v62;
	[tilespmem:s1+$0x8740] =	vst v14  }
0x8c: {  	v28 =	vbroadcast v2, $0x7;
	v54 =	vld [tilespmem:s1+$0x8940];
	v8 =	vmul.f32 v21, v62;
	[tilespmem:s1+$0x8710] =	vst v12  }
0x8d: {  	v23 =	vld [tilespmem:s1+$0x8780];
	v9 =	vmul.f32 v22, v62;
	[tilespmem:s1+$0x8750] =	vst v10  }
0x8e: {  	v27 =	vld [tilespmem:s1+$0x87C0];
	v11 =	vmul.f32 v24, v28;
	[tilespmem:s1+$0x8760] =	vst v8  }
0x8f: {  	v29 =	vld [tilespmem:s1+$0x87D0];
	v13 =	vmul.f32 v25, v28;
	[tilespmem:s1+$0x8770] =	vst v9  }
0x90: {  	v30 =	vld [tilespmem:s1+$0x87E0];
	v14 =	vmul.f32 v26, v28;
	[tilespmem:s1+$0x8790] =	vst v11  }
0x91: {  	v32 =	vld [tilespmem:s1+$0x8800];
	v61 =	vmul.f32 v54, v6;
	[tilespmem:s1+$0x87A0] =	vst v13  }
0x92: {  	v33 =	vld [tilespmem:s1+$0x8810];
	v12 =	vmul.f32 v23, v28;
	[tilespmem:s1+$0x87B0] =	vst v14  }
0x93: {  	v34 =	vld [tilespmem:s1+$0x8820];
	v10 =	vmul.f32 v27, v28;
	[tilespmem:s1+$0x8940] =	vst v61  }
0x94: {  	v37 =	vbroadcast v2, $0x8;
	v50 =	vld [tilespmem:s1+$0x8900];
	v8 =	vmul.f32 v29, v28;
	[tilespmem:s1+$0x8780] =	vst v12  }
0x95: {  	v55 =	vld [tilespmem:s1+$0x8950];
	v9 =	vmul.f32 v30, v28;
	[tilespmem:s1+$0x87C0] =	vst v10  }
0x96: {  	v31 =	vld [tilespmem:s1+$0x87F0];
	v11 =	vmul.f32 v32, v37;
	[tilespmem:s1+$0x87D0] =	vst v8  }
0x97: {  	v35 =	vld [tilespmem:s1+$0x8830];
	v13 =	vmul.f32 v33, v37;
	[tilespmem:s1+$0x87E0] =	vst v9  }
0x98: {  	v36 =	vld [tilespmem:s1+$0x8840];
	v14 =	vmul.f32 v34, v37;
	[tilespmem:s1+$0x8800] =	vst v11  }
0x99: {  	v38 =	vld [tilespmem:s1+$0x8850];
	v56 =	vmul.f32 v50, v6;
	[tilespmem:s1+$0x8810] =	vst v13  }
0x9a: {  	v40 =	vld [tilespmem:s1+$0x8870];
	v20 =	vmul.f32 v55, v6;
	[tilespmem:s1+$0x8820] =	vst v14  }
0x9b: {  	v41 =	vld [tilespmem:s1+$0x8880];
	v12 =	vmul.f32 v31, v28;
	[tilespmem:s1+$0x8900] =	vst v56  }
0x9c: {  	v42 =	vld [tilespmem:s1+$0x8890];
	v10 =	vmul.f32 v35, v37;
	[tilespmem:s1+$0x8950] =	vst v20  }
0x9d: {  	v7 =	vld [tilespmem:s1+$0x8990];
	v8 =	vmul.f32 v36, v37;
	[tilespmem:s1+$0x87F0] =	vst v12  }
0x9e: {  	v4 =	vld [tilespmem:s1+$0x8BD0];
	v46 =	vbroadcast v2, $0x9;
	v9 =	vmul.f32 v38, v37;
	[tilespmem:s1+$0x8830] =	vst v10  }
0x9f: {  	v58 =	vld [tilespmem:s1+$0x8400];
	v11 =	vmul.f32 v40, v37;
	[tilespmem:s1+$0x8840] =	vst v8  }
0xa0: {  	v26 =	vld [tilespmem:s1+$0x89D0];
	v23 =	vbroadcast v2, $0xB;
	v13 =	vmul.f32 v41, v46;
	[tilespmem:s1+$0x8850] =	vst v9  }
0xa1: {  	v39 =	vld [tilespmem:s1+$0x8860];
	v14 =	vmul.f32 v42, v46;
	[tilespmem:s1+$0x8870] =	vst v11  }
0xa2: {  	v43 =	vld [tilespmem:s1+$0x88A0];
	v5 =	vmul.f32 v5, v23;
	[tilespmem:s1+$0x8880] =	vst v13  }
0xa3: {  	v44 =	vld [tilespmem:s1+$0x88B0];
	v7 =	vmul.f32 v7, v23;
	[tilespmem:s1+$0x8890] =	vst v14  }
0xa4: {  	v45 =	vld [tilespmem:s1+$0x88C0];
	v24 =	vmul.f32 v3, v58;
	[tilespmem:s1+$0x8980] =	vst v5  }
0xa5: {  	v48 =	vld [tilespmem:s1+$0x88E0];
	v31 =	vmul.f32 v26, v23;
	[tilespmem:s1+$0x8990] =	vst v7  }
0xa6: {  	v49 =	vld [tilespmem:s1+$0x88F0];
	v12 =	vmul.f32 v39, v37;
	[tilespmem:s1+$0x8400] =	vst v24  }
0xa7: {  	v29 =	vld [tilespmem:s1+$0x8A00];
	v10 =	vmul.f32 v43, v46;
	[tilespmem:s1+$0x89D0] =	vst v31  }
0xa8: {  	v27 =	vld [tilespmem:s1+$0x89E0];
	v8 =	vmul.f32 v44, v46;
	[tilespmem:s1+$0x8860] =	vst v12  }
0xa9: {  	v32 =	vld [tilespmem:s1+$0x8A30];
	v9 =	vmul.f32 v45, v46;
	[tilespmem:s1+$0x88A0] =	vst v10  }
0xaa: {  	v47 =	vld [tilespmem:s1+$0x88D0];
	v34 =	vbroadcast v2, $0xC;
	v11 =	vmul.f32 v48, v46;
	[tilespmem:s1+$0x88B0] =	vst v8  }
0xab: {  	v51 =	vld [tilespmem:s1+$0x8910];
	v13 =	vmul.f32 v49, v46;
	[tilespmem:s1+$0x88C0] =	vst v9  }
0xac: {  	v52 =	vld [tilespmem:s1+$0x8920];
	v16 =	vmul.f32 v29, v34;
	[tilespmem:s1+$0x88E0] =	vst v11  }
0xad: {  	v53 =	vld [tilespmem:s1+$0x8930];
	v39 =	vmul.f32 v27, v23;
	[tilespmem:s1+$0x88F0] =	vst v13  }
0xae: {  	v57 =	vld [tilespmem:s1+$0x8960];
	v61 =	vmul.f32 v32, v34;
	[tilespmem:s1+$0x8A00] =	vst v16  }
0xaf: {  	v12 =	vmul.f32 v47, v46;
	[tilespmem:s1+$0x89E0] =	vst v39  }
0xb0: {  	v59 =	vld [tilespmem:s1+$0x8410];
	v10 =	vmul.f32 v51, v6;
	[tilespmem:s1+$0x8A30] =	vst v61  }
0xb1: {  	v28 =	vld [tilespmem:s1+$0x89F0];
	v8 =	vmul.f32 v52, v6;
	[tilespmem:s1+$0x88D0] =	vst v12  }
0xb2: {  	v60 =	vld [tilespmem:s1+$0x8440];
	v5 =	vbroadcast v2, $0xF;
	v9 =	vmul.f32 v53, v6;
	[tilespmem:s1+$0x8910] =	vst v10  }
0xb3: {  	v21 =	vld [tilespmem:s1+$0x89A0];
	v6 =	vmul.f32 v57, v6;
	[tilespmem:s1+$0x8920] =	vst v8  }
0xb4: {  	v22 =	vld [tilespmem:s1+$0x89B0];
	v4 =	vmul.f32 v4, v5;
	[tilespmem:s1+$0x8930] =	vst v9  }
0xb5: {  	v25 =	vld [tilespmem:s1+$0x89C0];
	v13 =	vmul.f32 v59, v3;
	[tilespmem:s1+$0x8960] =	vst v6  }
0xb6: {  	v62 =	vld [tilespmem:s1+$0x8450];
	v7 =	vmul.f32 v28, v23;
	[tilespmem:s1+$0x8BD0] =	vst v4  }
0xb7: {  	v30 =	vld [tilespmem:s1+$0x8A10];
	v4 =	vmul.f32 v60, v3;
	[tilespmem:s1+$0x8410] =	vst v13  }
0xb8: {  	v33 =	vld [tilespmem:s1+$0x8A40];
	v8 =	vmul.f32 v21, v23;
	[tilespmem:s1+$0x89F0] =	vst v7  }
0xb9: {  	v40 =	vld [tilespmem:s1+$0x8AA0];
	v9 =	vmul.f32 v22, v23;
	[tilespmem:s1+$0x8440] =	vst v4  }
0xba: {  	v37 =	vld [tilespmem:s1+$0x8A70];
	v6 =	vmul.f32 v25, v23;
	[tilespmem:s1+$0x89A0] =	vst v8  }
0xbb: {  	v45 =	vld [tilespmem:s1+$0x8AE0];
	v3 =	vmul.f32 v62, v3;
	[tilespmem:s1+$0x89B0] =	vst v9  }
0xbc: {  	v43 =	vbroadcast v2, $0xD;
	v48 =	vld [tilespmem:s1+$0x8B20];
	v10 =	vmul.f32 v30, v34;
	[tilespmem:s1+$0x89C0] =	vst v6  }
0xbd: {  	v13 =	vmul.f32 v33, v34;
	[tilespmem:s1+$0x8450] =	vst v3;
	v3 =	vld [tilespmem:s1+$0x8A90]  }
0xbe: {  	v49 =	vld [tilespmem:s1+$0x8B30];
	v12 =	vmul.f32 v40, v43;
	[tilespmem:s1+$0x8A10] =	vst v10  }
0xbf: {  	v35 =	vld [tilespmem:s1+$0x8A50];
	v2 =	vbroadcast v2, $0xE;
	v16 =	vmul.f32 v37, v34;
	[tilespmem:s1+$0x8A40] =	vst v13  }
0xc0: {  	v36 =	vld [tilespmem:s1+$0x8A60];
	v50 =	vmul.f32 v45, v43;
	[tilespmem:s1+$0x8AA0] =	vst v12  }
0xc1: {  	v38 =	vld [tilespmem:s1+$0x8A80];
	v11 =	vmul.f32 v48, v2;
	[tilespmem:s1+$0x8A70] =	vst v16  }
0xc2: {  	v41 =	vld [tilespmem:s1+$0x8AB0];
	[tilespmem:s1+$0x8AE0] =	vst v50;
	v3 =	vmul.f32 v3, v43  }
0xc3: {  	v47 =	vld [tilespmem:s1+$0x8B10];
	v7 =	vmul.f32 v49, v2;
	[tilespmem:s1+$0x8B20] =	vst v11  }
0xc4: {  	v9 =	vmul.f32 v35, v34;
	[tilespmem:s1+$0x8A90] =	vst v3;
	v3 =	vld [tilespmem:s1+$0x8B00]  }
0xc5: {  	v56 =	vld [tilespmem:s1+$0x8BA0];
	v6 =	vmul.f32 v36, v34;
	[tilespmem:s1+$0x8B30] =	vst v7  }
0xc6: {  	v44 =	vld [tilespmem:s1+$0x8AD0];
	v10 =	vmul.f32 v38, v43;
	[tilespmem:s1+$0x8A50] =	vst v9  }
0xc7: {  	v46 =	vld [tilespmem:s1+$0x8AF0];
	v13 =	vmul.f32 v41, v43;
	[tilespmem:s1+$0x8A60] =	vst v6  }
0xc8: {  	v42 =	vld [tilespmem:s1+$0x8AC0];
	v12 =	vmul.f32 v47, v2;
	[tilespmem:s1+$0x8A80] =	vst v10  }
0xc9: {  	v54 =	vld [tilespmem:s1+$0x8B80];
	[tilespmem:s1+$0x8AB0] =	vst v13;
	v3 =	vmul.f32 v3, v2  }
0xca: {  	v60 =	vld [tilespmem:s1+$0x8BF0];
	v7 =	vmul.f32 v56, v5;
	[tilespmem:s1+$0x8B10] =	vst v12  }
0xcb: {  	v6 =	vmul.f32 v44, v43;
	[tilespmem:s1+$0x8B00] =	vst v3;
	v3 =	vld [tilespmem:s1+$0x8B70]  }
0xcc: {  	v51 =	vld [tilespmem:s1+$0x8B40];
	v10 =	vmul.f32 v46, v43;
	[tilespmem:s1+$0x8BA0] =	vst v7  }
0xcd: {  	v55 =	vld [tilespmem:s1+$0x8B90];
	v9 =	vmul.f32 v42, v43;
	[tilespmem:s1+$0x8AD0] =	vst v6  }
0xce: {  	v53 =	vld [tilespmem:s1+$0x8B60];
	v12 =	vmul.f32 v54, v5;
	[tilespmem:s1+$0x8AF0] =	vst v10  }
0xcf: {  	v57 =	vld [tilespmem:s1+$0x8BB0];
	v62 =	vmul.f32 v60, v5;
	[tilespmem:s1+$0x8AC0] =	vst v9  }
0xd0: {  	v52 =	vld [tilespmem:s1+$0x8B50];
	[tilespmem:s1+$0x8B80] =	vst v12;
	v3 =	vmul.f32 v3, v2  }
0xd1: {  	v58 =	vld [tilespmem:s1+$0x8BC0];
	v6 =	vmul.f32 v51, v2;
	[tilespmem:s1+$0x8BF0] =	vst v62  }
0xd2: {  	v59 =	vld [tilespmem:s1+$0x8BE0];
	[tilespmem:s1+$0x8B70] =	vst v3;
	v3 =	vmul.f32 v55, v5  }
0xd3: {  	v10 =	vmul.f32 v53, v2;
	[tilespmem:s1+$0x8B40] =	vst v6  }
0xd4: {  	v4 =	vld [tilespmem:s1+$0x8A20];
	[tilespmem:s1+$0x8B90] =	vst v3;
	v3 =	vmul.f32 v57, v5  }
0xd5: {  	[tilespmem:s1+$0x8B60] =	vst v10;
	v2 =	vmul.f32 v52, v2  }
0xd6: {  	[tilespmem:s1+$0x8BB0] =	vst v3;
	v3 =	vmul.f32 v58, v5  }
0xd7: {  	[tilespmem:s1+$0x8B50] =	vst v2;
	v5 =	vmul.f32 v59, v5  }
0xd8: {  	[tilespmem:s1+$0x8BC0] =	vst v3  }
0xd9: {  	s0 =	simm.s32 $0x1;
	v3 =	vmul.f32 v4, v34;
	[tilespmem:s1+$0x8BE0] =	vst v5  }
.LBB2_5:
0xda: {  	s19 =	sshll.u32 s0, $0x4  }
0xdb: {  	p0 =	sne.s32 s0, $0x7;
	[tilespmem:s1+$0x8A20] =	vst v3;
	s1 =	smov.u32 s0;
	s0 =	sadd.s32 $0x1, s0  }
0xdc: {  	s19 =	sand.u32 $0x3FFFFFF0, s19  }
0xdd: {  	v2 =	vld.idx.msk [tilespmem:v1+s19+$0x0 ss:$0x1], $0xffff  }
0xde: {  	s1 =	sshll.u32 s1, $0xB  }
0xdf: {  	s1 =	sand.u32 $0x3FFFF800, s1  }
0xe0: {  	v9 =	vld [tilespmem:s1+$0x84C0]  }
0xe1: {  	v10 =	vld [tilespmem:s1+$0x84D0]  }
0xe2: {  	v11 =	vld [tilespmem:s1+$0x84B0]  }
0xe3: {  	v3 =	vbroadcast v2, $0x0;
	v8 =	vbroadcast v2, $0x4;
	v4 =	vld [tilespmem:s1+$0x8420]  }
0xe4: {  	v6 =	vld [tilespmem:s1+$0x8430]  }
0xe5: {  	v7 =	vld [tilespmem:s1+$0x8970]  }
0xe6: {  	v12 =	vld [tilespmem:s1+$0x8460]  }
0xe7: {  	v13 =	vld [tilespmem:s1+$0x8470]  }
0xe8: {  	v5 =	vbroadcast v2, $0xA;
	v4 =	vmul.f32 v4, v3;
	v14 =	vld [tilespmem:s1+$0x8480]  }
0xe9: {  	v6 =	vmul.f32 v6, v3;
	v15 =	vld [tilespmem:s1+$0x8490]  }
0xea: {  	[tilespmem:s1+$0x8420] =	vst v4;
	v16 =	vld [tilespmem:s1+$0x84A0];
	v4 =	vmul.f32 v7, v5  }
0xeb: {  	[tilespmem:s1+$0x8430] =	vst v6;
	v7 =	vmul.f32 v12, v3;
	v12 =	vbroadcast v2, $0x1;
	v6 =	vld [tilespmem:s1+$0x8980]  }
0xec: {  	v13 =	vmul.f32 v13, v3;
	[tilespmem:s1+$0x8970] =	vst v4;
	v4 =	vld [tilespmem:s1+$0x8BD0]  }
0xed: {  	[tilespmem:s1+$0x8460] =	vst v7;
	v14 =	vmul.f32 v14, v12;
	v7 =	vld [tilespmem:s1+$0x8990]  }
0xee: {  	[tilespmem:s1+$0x8470] =	vst v13;
	v13 =	vmul.f32 v15, v12;
	v15 =	vld [tilespmem:s1+$0x84E0]  }
0xef: {  	[tilespmem:s1+$0x8480] =	vst v14;
	v14 =	vmul.f32 v16, v12;
	v16 =	vld [tilespmem:s1+$0x84F0]  }
0xf0: {  	v11 =	vmul.f32 v11, v12;
	[tilespmem:s1+$0x8490] =	vst v13;
	v13 =	vld [tilespmem:s1+$0x8500]  }
0xf1: {  	v9 =	vmul.f32 v9, v12;
	[tilespmem:s1+$0x84A0] =	vst v14;
	v14 =	vld [tilespmem:s1+$0x8510]  }
0xf2: {  	v10 =	vmul.f32 v10, v12;
	[tilespmem:s1+$0x84B0] =	vst v11;
	v11 =	vld [tilespmem:s1+$0x8520]  }
0xf3: {  	[tilespmem:s1+$0x84C0] =	vst v9;
	v9 =	vmul.f32 v15, v12;
	v15 =	vbroadcast v2, $0x2;
	v17 =	vld [tilespmem:s1+$0x8530]  }
0xf4: {  	[tilespmem:s1+$0x84D0] =	vst v10;
	v10 =	vmul.f32 v16, v12;
	v12 =	vld [tilespmem:s1+$0x8540]  }
0xf5: {  	[tilespmem:s1+$0x84E0] =	vst v9;
	v9 =	vmul.f32 v13, v15;
	v13 =	vld [tilespmem:s1+$0x8550]  }
0xf6: {  	[tilespmem:s1+$0x84F0] =	vst v10;
	v10 =	vmul.f32 v14, v15;
	v14 =	vld [tilespmem:s1+$0x8560]  }
0xf7: {  	[tilespmem:s1+$0x8500] =	vst v9;
	v9 =	vmul.f32 v11, v15;
	v11 =	vld [tilespmem:s1+$0x8570]  }
0xf8: {  	[tilespmem:s1+$0x8510] =	vst v10;
	v10 =	vmul.f32 v17, v15;
	v16 =	vld [tilespmem:s1+$0x8580]  }
0xf9: {  	[tilespmem:s1+$0x8520] =	vst v9;
	v9 =	vmul.f32 v12, v15;
	v12 =	vld [tilespmem:s1+$0x8590]  }
0xfa: {  	[tilespmem:s1+$0x8530] =	vst v10;
	v10 =	vmul.f32 v13, v15;
	v13 =	vld [tilespmem:s1+$0x85A0]  }
0xfb: {  	[tilespmem:s1+$0x8540] =	vst v9;
	v9 =	vmul.f32 v14, v15;
	v14 =	vbroadcast v2, $0x3;
	v17 =	vld [tilespmem:s1+$0x85B0]  }
0xfc: {  	[tilespmem:s1+$0x8550] =	vst v10;
	v10 =	vmul.f32 v11, v15;
	v11 =	vld [tilespmem:s1+$0x85C0]  }
0xfd: {  	[tilespmem:s1+$0x8560] =	vst v9;
	v9 =	vmul.f32 v16, v14;
	v15 =	vld [tilespmem:s1+$0x85D0]  }
0xfe: {  	[tilespmem:s1+$0x8570] =	vst v10;
	v10 =	vmul.f32 v12, v14;
	v12 =	vld [tilespmem:s1+$0x85E0]  }
0xff: {  	[tilespmem:s1+$0x8580] =	vst v9;
	v9 =	vmul.f32 v13, v14;
	v13 =	vld [tilespmem:s1+$0x85F0]  }
0x100: {  	[tilespmem:s1+$0x8590] =	vst v10;
	v10 =	vmul.f32 v17, v14;
	v16 =	vld [tilespmem:s1+$0x8600]  }
0x101: {  	[tilespmem:s1+$0x85A0] =	vst v9;
	v9 =	vmul.f32 v11, v14;
	v11 =	vld [tilespmem:s1+$0x8610]  }
0x102: {  	[tilespmem:s1+$0x85B0] =	vst v10;
	v10 =	vmul.f32 v15, v14;
	v15 =	vld [tilespmem:s1+$0x8620]  }
0x103: {  	[tilespmem:s1+$0x85C0] =	vst v9;
	v9 =	vmul.f32 v12, v14;
	v12 =	vld [tilespmem:s1+$0x8630]  }
0x104: {  	[tilespmem:s1+$0x85D0] =	vst v10;
	v10 =	vmul.f32 v13, v14;
	v13 =	vld [tilespmem:s1+$0x8640]  }
0x105: {  	[tilespmem:s1+$0x85E0] =	vst v9;
	v9 =	vmul.f32 v16, v8;
	v14 =	vld [tilespmem:s1+$0x8650]  }
0x106: {  	[tilespmem:s1+$0x85F0] =	vst v10;
	v10 =	vmul.f32 v11, v8;
	v11 =	vld [tilespmem:s1+$0x8660]  }
0x107: {  	[tilespmem:s1+$0x8600] =	vst v9;
	v9 =	vmul.f32 v15, v8;
	v15 =	vld [tilespmem:s1+$0x8670]  }
0x108: {  	[tilespmem:s1+$0x8610] =	vst v10;
	v10 =	vmul.f32 v12, v8;
	v12 =	vld [tilespmem:s1+$0x8680]  }
0x109: {  	[tilespmem:s1+$0x8620] =	vst v9;
	v9 =	vmul.f32 v13, v8;
	v13 =	vld [tilespmem:s1+$0x8690]  }
0x10a: {  	[tilespmem:s1+$0x8630] =	vst v10;
	v10 =	vmul.f32 v14, v8;
	v14 =	vld [tilespmem:s1+$0x86A0]  }
0x10b: {  	[tilespmem:s1+$0x8640] =	vst v9;
	v9 =	vmul.f32 v11, v8;
	v11 =	vbroadcast v2, $0x5;
	v16 =	vld [tilespmem:s1+$0x86B0]  }
0x10c: {  	[tilespmem:s1+$0x8650] =	vst v10;
	v8 =	vmul.f32 v15, v8;
	v10 =	vld [tilespmem:s1+$0x86C0]  }
0x10d: {  	[tilespmem:s1+$0x8660] =	vst v9;
	v9 =	vmul.f32 v12, v11;
	v12 =	vld [tilespmem:s1+$0x86D0]  }
0x10e: {  	[tilespmem:s1+$0x8670] =	vst v8;
	v8 =	vmul.f32 v13, v11;
	v13 =	vld [tilespmem:s1+$0x86E0]  }
0x10f: {  	[tilespmem:s1+$0x8680] =	vst v9;
	v9 =	vmul.f32 v14, v11;
	v14 =	vld [tilespmem:s1+$0x86F0]  }
0x110: {  	[tilespmem:s1+$0x8690] =	vst v8;
	v8 =	vmul.f32 v16, v11;
	v15 =	vld [tilespmem:s1+$0x8700]  }
0x111: {  	[tilespmem:s1+$0x86A0] =	vst v9;
	v9 =	vmul.f32 v10, v11;
	v10 =	vld [tilespmem:s1+$0x8710]  }
0x112: {  	[tilespmem:s1+$0x86B0] =	vst v8;
	v8 =	vmul.f32 v12, v11;
	v12 =	vld [tilespmem:s1+$0x8720]  }
0x113: {  	[tilespmem:s1+$0x86C0] =	vst v9;
	v9 =	vmul.f32 v13, v11;
	v13 =	vbroadcast v2, $0x6;
	v16 =	vld [tilespmem:s1+$0x8730]  }
0x114: {  	[tilespmem:s1+$0x86D0] =	vst v8;
	v8 =	vmul.f32 v14, v11;
	v11 =	vld [tilespmem:s1+$0x8740]  }
0x115: {  	[tilespmem:s1+$0x86E0] =	vst v9;
	v9 =	vmul.f32 v15, v13;
	v14 =	vld [tilespmem:s1+$0x8750]  }
0x116: {  	[tilespmem:s1+$0x86F0] =	vst v8;
	v8 =	vmul.f32 v10, v13;
	v10 =	vld [tilespmem:s1+$0x8760]  }
0x117: {  	[tilespmem:s1+$0x8700] =	vst v9;
	v9 =	vmul.f32 v12, v13;
	v12 =	vld [tilespmem:s1+$0x8770]  }
0x118: {  	[tilespmem:s1+$0x8710] =	vst v8;
	v8 =	vmul.f32 v16, v13;
	v15 =	vld [tilespmem:s1+$0x8780]  }
0x119: {  	[tilespmem:s1+$0x8720] =	vst v9;
	v9 =	vmul.f32 v11, v13;
	v11 =	vld [tilespmem:s1+$0x8790]  }
0x11a: {  	[tilespmem:s1+$0x8730] =	vst v8;
	v8 =	vmul.f32 v14, v13;
	v14 =	vld [tilespmem:s1+$0x87A0]  }
0x11b: {  	[tilespmem:s1+$0x8740] =	vst v9;
	v9 =	vmul.f32 v10, v13;
	v10 =	vbroadcast v2, $0x7;
	v16 =	vld [tilespmem:s1+$0x87B0]  }
0x11c: {  	[tilespmem:s1+$0x8750] =	vst v8;
	v8 =	vmul.f32 v12, v13;
	v12 =	vld [tilespmem:s1+$0x87C0]  }
0x11d: {  	[tilespmem:s1+$0x8760] =	vst v9;
	v9 =	vmul.f32 v15, v10;
	v13 =	vld [tilespmem:s1+$0x87D0]  }
0x11e: {  	[tilespmem:s1+$0x8770] =	vst v8;
	v8 =	vmul.f32 v11, v10;
	v11 =	vld [tilespmem:s1+$0x87E0]  }
0x11f: {  	[tilespmem:s1+$0x8780] =	vst v9;
	v9 =	vmul.f32 v14, v10;
	v14 =	vld [tilespmem:s1+$0x87F0]  }
0x120: {  	[tilespmem:s1+$0x8790] =	vst v8;
	v8 =	vmul.f32 v16, v10;
	v15 =	vld [tilespmem:s1+$0x8800]  }
0x121: {  	[tilespmem:s1+$0x87A0] =	vst v9;
	v9 =	vmul.f32 v12, v10;
	v12 =	vld [tilespmem:s1+$0x8810]  }
0x122: {  	[tilespmem:s1+$0x87B0] =	vst v8;
	v8 =	vmul.f32 v13, v10;
	v13 =	vld [tilespmem:s1+$0x8820]  }
0x123: {  	[tilespmem:s1+$0x87C0] =	vst v9;
	v9 =	vmul.f32 v11, v10;
	v11 =	vbroadcast v2, $0x8;
	v16 =	vld [tilespmem:s1+$0x8830]  }
0x124: {  	[tilespmem:s1+$0x87D0] =	vst v8;
	v8 =	vmul.f32 v14, v10;
	v10 =	vld [tilespmem:s1+$0x8840]  }
0x125: {  	[tilespmem:s1+$0x87E0] =	vst v9;
	v9 =	vmul.f32 v15, v11;
	v14 =	vld [tilespmem:s1+$0x8850]  }
0x126: {  	[tilespmem:s1+$0x87F0] =	vst v8;
	v8 =	vmul.f32 v12, v11;
	v12 =	vld [tilespmem:s1+$0x8860]  }
0x127: {  	[tilespmem:s1+$0x8800] =	vst v9;
	v9 =	vmul.f32 v13, v11;
	v13 =	vld [tilespmem:s1+$0x8870]  }
0x128: {  	[tilespmem:s1+$0x8810] =	vst v8;
	v8 =	vmul.f32 v16, v11;
	v15 =	vld [tilespmem:s1+$0x8880]  }
0x129: {  	[tilespmem:s1+$0x8820] =	vst v9;
	v9 =	vmul.f32 v10, v11;
	v10 =	vld [tilespmem:s1+$0x8890]  }
0x12a: {  	[tilespmem:s1+$0x8830] =	vst v8;
	v8 =	vmul.f32 v14, v11;
	v14 =	vld [tilespmem:s1+$0x88A0]  }
0x12b: {  	[tilespmem:s1+$0x8840] =	vst v9;
	v9 =	vmul.f32 v12, v11;
	v12 =	vbroadcast v2, $0x9;
	v16 =	vld [tilespmem:s1+$0x88B0]  }
0x12c: {  	[tilespmem:s1+$0x8850] =	vst v8;
	v8 =	vmul.f32 v13, v11;
	v11 =	vld [tilespmem:s1+$0x88C0]  }
0x12d: {  	[tilespmem:s1+$0x8860] =	vst v9;
	v9 =	vmul.f32 v15, v12;
	v13 =	vld [tilespmem:s1+$0x88D0]  }
0x12e: {  	[tilespmem:s1+$0x8870] =	vst v8;
	v8 =	vmul.f32 v10, v12;
	v10 =	vld [tilespmem:s1+$0x88E0]  }
0x12f: {  	[tilespmem:s1+$0x8880] =	vst v9;
	v9 =	vmul.f32 v14, v12;
	v14 =	vld [tilespmem:s1+$0x88F0]  }
0x130: {  	[tilespmem:s1+$0x8890] =	vst v8;
	v8 =	vmul.f32 v16, v12;
	v15 =	vld [tilespmem:s1+$0x8900]  }
0x131: {  	[tilespmem:s1+$0x88A0] =	vst v9;
	v9 =	vmul.f32 v11, v12;
	v11 =	vld [tilespmem:s1+$0x8910]  }
0x132: {  	[tilespmem:s1+$0x88B0] =	vst v8;
	v8 =	vmul.f32 v13, v12;
	v13 =	vld [tilespmem:s1+$0x8920]  }
0x133: {  	[tilespmem:s1+$0x88C0] =	vst v9;
	v9 =	vmul.f32 v10, v12;
	v10 =	vld [tilespmem:s1+$0x8930]  }
0x134: {  	[tilespmem:s1+$0x88D0] =	vst v8;
	v8 =	vmul.f32 v14, v12;
	v12 =	vld [tilespmem:s1+$0x8940]  }
0x135: {  	[tilespmem:s1+$0x88E0] =	vst v9;
	v9 =	vmul.f32 v15, v5;
	v14 =	vld [tilespmem:s1+$0x8950]  }
0x136: {  	[tilespmem:s1+$0x88F0] =	vst v8;
	v8 =	vmul.f32 v11, v5;
	v11 =	vld [tilespmem:s1+$0x8960]  }
0x137: {  	v15 =	vld [tilespmem:s1+$0x8400];
	[tilespmem:s1+$0x8900] =	vst v9;
	v9 =	vmul.f32 v13, v5  }
0x138: {  	v13 =	vld [tilespmem:s1+$0x8410];
	[tilespmem:s1+$0x8910] =	vst v8;
	v8 =	vmul.f32 v10, v5  }
0x139: {  	v10 =	vld [tilespmem:s1+$0x8440];
	[tilespmem:s1+$0x8920] =	vst v9;
	v9 =	vmul.f32 v12, v5  }
0x13a: {  	v12 =	vld [tilespmem:s1+$0x8450];
	[tilespmem:s1+$0x8930] =	vst v8;
	v8 =	vmul.f32 v14, v5  }
0x13b: {  	[tilespmem:s1+$0x8940] =	vst v9;
	v9 =	vmul.f32 v11, v5;
	v11 =	vbroadcast v2, $0xB;
	v14 =	vld [tilespmem:s1+$0x89A0]  }
0x13c: {  	v5 =	vbroadcast v2, $0xF;
	v15 =	vmul.f32 v3, v15;
	[tilespmem:s1+$0x8950] =	vst v8;
	v8 =	vld [tilespmem:s1+$0x89B0]  }
0x13d: {  	v13 =	vmul.f32 v13, v3;
	[tilespmem:s1+$0x8960] =	vst v9;
	v6 =	vmul.f32 v6, v11;
	v9 =	vld [tilespmem:s1+$0x89C0]  }
0x13e: {  	v7 =	vmul.f32 v7, v11;
	[tilespmem:s1+$0x8400] =	vst v15;
	v10 =	vmul.f32 v10, v3;
	v15 =	vld [tilespmem:s1+$0x89D0]  }
0x13f: {  	v4 =	vmul.f32 v4, v5;
	v12 =	vmul.f32 v12, v3;
	[tilespmem:s1+$0x8980] =	vst v6;
	v3 =	vld [tilespmem:s1+$0x89E0]  }
0x140: {  	[tilespmem:s1+$0x8990] =	vst v7;
	v6 =	vmul.f32 v14, v11;
	v7 =	vld [tilespmem:s1+$0x89F0]  }
0x141: {  	v8 =	vmul.f32 v8, v11;
	v14 =	vld [tilespmem:s1+$0x8A00];
	[tilespmem:s1+$0x8BD0] =	vst v4  }
0x142: {  	[tilespmem:s1+$0x8410] =	vst v13;
	v4 =	vmul.f32 v9, v11;
	v9 =	vld [tilespmem:s1+$0x8A10]  }
0x143: {  	[tilespmem:s1+$0x8440] =	vst v10;
	v10 =	vmul.f32 v15, v11;
	v13 =	vld [tilespmem:s1+$0x8A20]  }
0x144: {  	v15 =	vbroadcast v2, $0xC;
	[tilespmem:s1+$0x89A0] =	vst v6;
	v6 =	vmul.f32 v3, v11;
	v16 =	vld [tilespmem:s1+$0x8A30]  }
0x145: {  	[tilespmem:s1+$0x89D0] =	vst v10;
	v7 =	vmul.f32 v7, v11;
	v10 =	vld [tilespmem:s1+$0x8A40]  }
0x146: {  	[tilespmem:s1+$0x89B0] =	vst v8;
	v3 =	vmul.f32 v14, v15;
	v8 =	vld [tilespmem:s1+$0x8A50]  }
0x147: {  	[tilespmem:s1+$0x89C0] =	vst v4;
	v4 =	vmul.f32 v9, v15;
	v9 =	vld [tilespmem:s1+$0x8A60]  }
0x148: {  	[tilespmem:s1+$0x8A00] =	vst v3;
	v3 =	vmul.f32 v13, v15;
	v11 =	vld [tilespmem:s1+$0x8A70]  }
0x149: {  	[tilespmem:s1+$0x8A10] =	vst v4;
	v4 =	vld [tilespmem:s1+$0x8A80]  }
0x14a: {  	[tilespmem:s1+$0x8450] =	vst v12;
	v10 =	vmul.f32 v10, v15;
	v12 =	vld [tilespmem:s1+$0x8A90]  }
0x14b: {  	[tilespmem:s1+$0x89E0] =	vst v6;
	v6 =	vmul.f32 v8, v15;
	v8 =	vld [tilespmem:s1+$0x8AA0]  }
0x14c: {  	[tilespmem:s1+$0x8A40] =	vst v10;
	v9 =	vmul.f32 v9, v15;
	v10 =	vbroadcast v2, $0xD;
	v13 =	vld [tilespmem:s1+$0x8AB0]  }
0x14d: {  	[tilespmem:s1+$0x8A50] =	vst v6;
	v6 =	vmul.f32 v11, v15;
	v11 =	vld [tilespmem:s1+$0x8AC0]  }
0x14e: {  	[tilespmem:s1+$0x8A60] =	vst v9;
	v4 =	vmul.f32 v4, v10;
	v9 =	vld [tilespmem:s1+$0x8AD0]  }
0x14f: {  	[tilespmem:s1+$0x8A70] =	vst v6;
	v6 =	vmul.f32 v12, v10;
	v12 =	vld [tilespmem:s1+$0x8AE0]  }
0x150: {  	[tilespmem:s1+$0x8A80] =	vst v4;
	v4 =	vmul.f32 v8, v10;
	v8 =	vld [tilespmem:s1+$0x8AF0]  }
0x151: {  	[tilespmem:s1+$0x8A90] =	vst v6;
	v6 =	vmul.f32 v13, v10;
	v13 =	vld [tilespmem:s1+$0x8B00]  }
0x152: {  	[tilespmem:s1+$0x8AA0] =	vst v4;
	v4 =	vmul.f32 v11, v10;
	v11 =	vld [tilespmem:s1+$0x8B10]  }
0x153: {  	[tilespmem:s1+$0x8AB0] =	vst v6;
	v6 =	vmul.f32 v9, v10;
	v9 =	vld [tilespmem:s1+$0x8B20]  }
0x154: {  	v2 =	vbroadcast v2, $0xE;
	[tilespmem:s1+$0x89F0] =	vst v7;
	v7 =	vmul.f32 v12, v10;
	v12 =	vld [tilespmem:s1+$0x8B30]  }
0x155: {  	[tilespmem:s1+$0x8AD0] =	vst v6;
	v6 =	vmul.f32 v8, v10;
	v8 =	vld [tilespmem:s1+$0x8B40]  }
0x156: {  	[tilespmem:s1+$0x8AE0] =	vst v7;
	v7 =	vmul.f32 v13, v2;
	v10 =	vld [tilespmem:s1+$0x8B50]  }
0x157: {  	[tilespmem:s1+$0x8AF0] =	vst v6;
	v6 =	vmul.f32 v11, v2;
	v11 =	vld [tilespmem:s1+$0x8B60]  }
0x158: {  	[tilespmem:s1+$0x8B00] =	vst v7;
	v7 =	vmul.f32 v9, v2;
	v9 =	vld [tilespmem:s1+$0x8B70]  }
0x159: {  	[tilespmem:s1+$0x8B10] =	vst v6;
	v6 =	vmul.f32 v12, v2;
	v12 =	vld [tilespmem:s1+$0x8B80]  }
0x15a: {  	[tilespmem:s1+$0x8B20] =	vst v7;
	v7 =	vmul.f32 v8, v2;
	v8 =	vld [tilespmem:s1+$0x8B90]  }
0x15b: {  	[tilespmem:s1+$0x8B30] =	vst v6;
	v6 =	vmul.f32 v10, v2;
	v10 =	vld [tilespmem:s1+$0x8BA0]  }
0x15c: {  	[tilespmem:s1+$0x8B40] =	vst v7;
	v7 =	vmul.f32 v11, v2;
	v11 =	vld [tilespmem:s1+$0x8BB0]  }
0x15d: {  	[tilespmem:s1+$0x8AC0] =	vst v4;
	v2 =	vmul.f32 v9, v2;
	v4 =	vld [tilespmem:s1+$0x8BC0]  }
0x15e: {  	[tilespmem:s1+$0x8B60] =	vst v7;
	v7 =	vmul.f32 v12, v5;
	v9 =	vld [tilespmem:s1+$0x8BE0]  }
0x15f: {  	[tilespmem:s1+$0x8B70] =	vst v2;
	v2 =	vmul.f32 v8, v5;
	v8 =	vld [tilespmem:s1+$0x8BF0]  }
0x160: {  	[tilespmem:s1+$0x8B80] =	vst v7;
	v7 =	vmul.f32 v10, v5  }
0x161: {  	[tilespmem:s1+$0x8B90] =	vst v2;
	v2 =	vmul.f32 v11, v5  }
0x162: {  	v10 =	vmul.f32 v16, v15;
	[tilespmem:s1+$0x8BA0] =	vst v7  }
0x163: {  	[tilespmem:s1+$0x8BB0] =	vst v2;
	v2 =	vmul.f32 v4, v5  }
.Ltmp1:
0x164: {  	[tilespmem:s1+$0x8A30] =	vst v10;
	v4 =	vmul.f32 v8, v5;
	(pc) =	sbr.rel @p0 .LBB2_5-.Ltmp1, $4  }
0x165: {  	[tilespmem:s1+$0x8BC0] =	vst v2  }
0x166: {  	v2 =	vmul.f32 v9, v5;
	[tilespmem:s1+$0x8BF0] =	vst v4  }
0x167: {  	[tilespmem:s1+$0x8B50] =	vst v6  }
0x168: {  	[tilespmem:s1+$0x8BE0] =	vst v2  }
0x169: {  	s30 =	sadd.s32 $0x1, s30  }
0x16a: {  	p0 =	sne.s32 s30, $0x51  }
.Ltmp2:
0x16b: {  	[tilespmem:s1+$0x8A20] =	vst v3;
	s0 =	sadd.s32 $0x2C00, s31;
	(pc) =	sbr.rel @p0 .LBB2_4-.Ltmp2, $4  }
0x16c: {  	[spmem:s2] =	stream.indirect.scatter.add.f32 [tilespmem:s17], [sflag:$0x2], $0x80, s0, s26, $0xb8;
	v63 =	vld [tilespmem:$0x0]  }
0x16d: {  	_ =	swait.ge [sflag:s18], $0x4000  }
0x16e: {  	[sflag:s18] =	ssyncset.done $0x0  }
0x16f: {  	[sflag:s18] =	ssyncadd.s32 $0xFFFFC000  }
0x170: {  	[bflag:$0x0] =	sbarrier.arrive $0xFFFF  }
0x171: {  	_ =	sdelay $0x7ff  }
0x172: {  	_ =	sdelay $0x7ff  }
0x173: {  	_ =	sdelay $0x7ff  }
0x174: {  	_ =	sdelay $0x484  }
0x175: {  	[tilespmem:s17], [sflag:$0x2] =	stream.linear.gather [spmem:s5], $0x4000, $0x38;
	v63 =	vld [tilespmem:$0x0]  }
0x176: {  	_ =	swait.ge [sflag:s18], $0x4000  }
0x177: {  	[sflag:s18] =	ssyncset.done $0x0  }
0x178: {  	[sflag:s18] =	ssyncadd.s32 $0xFFFFC000  }
0x179: {  	[hbm4b:s20+s3] =	stream.linear.scatter [tilespmem:s17], [sflag:$0x2], $0x4000, $0x38;
	v63 =	vld [tilespmem:$0x0]  }
0x17a: {  	_ =	swait.ge [sflag:s18], $0x4000  }
0x17b: {  	[sflag:s18] =	ssyncset.done $0x0  }
0x17c: {  	[sflag:s18] =	ssyncadd.s32 $0xFFFFC000  }
0x17d: {  	[tilespmem:s17], [sflag:$0x2] =	stream.linear.gather [spmem:s14], $0x4000, $0x38;
	v63 =	vld [tilespmem:$0x0]  }
0x17e: {  	_ =	swait.ge [sflag:s18], $0x4000  }
0x17f: {  	[sflag:s18] =	ssyncset.done $0x0  }
0x180: {  	[sflag:s18] =	ssyncadd.s32 $0xFFFFC000  }
0x181: {  	[hbm4b:s21+s3] =	stream.linear.scatter [tilespmem:s17], [sflag:$0x2], $0x4000, $0x38;
	v63 =	vld [tilespmem:$0x0]  }
0x182: {  	_ =	swait.ge [sflag:s18], $0x4000  }
0x183: {  	[sflag:s18] =	ssyncset.done $0x0  }
0x184: {  	[sflag:s18] =	ssyncadd.s32 $0xFFFFC000  }
0x185: {  	[tilespmem:s17], [sflag:$0x2] =	stream.linear.gather [spmem:s15], $0x4000, $0x38;
	v63 =	vld [tilespmem:$0x0]  }
0x186: {  	_ =	swait.ge [sflag:s18], $0x4000  }
0x187: {  	[sflag:s18] =	ssyncset.done $0x0  }
0x188: {  	[sflag:s18] =	ssyncadd.s32 $0xFFFFC000  }
0x189: {  	[hbm4b:s22+s3] =	stream.linear.scatter [tilespmem:s17], [sflag:$0x2], $0x4000, $0x38;
	v63 =	vld [tilespmem:$0x0]  }
0x18a: {  	_ =	swait.ge [sflag:s18], $0x4000  }
0x18b: {  	[sflag:s18] =	ssyncset.done $0x0  }
0x18c: {  	[sflag:s18] =	ssyncadd.s32 $0xFFFFC000  }
0x18d: {  	[tilespmem:s17], [sflag:$0x2] =	stream.linear.gather [spmem:s16], $0x4000, $0x38;
	v63 =	vld [tilespmem:$0x0]  }
0x18e: {  	_ =	swait.ge [sflag:s18], $0x4000  }
0x18f: {  	[sflag:s18] =	ssyncset.done $0x0  }
0x190: {  	[sflag:s18] =	ssyncadd.s32 $0xFFFFC000  }
0x191: {  	[hbm4b:s23+s3] =	stream.linear.scatter [tilespmem:s17], [sflag:$0x2], $0x4000, $0x38;
	v63 =	vld [tilespmem:$0x0]  }
0x192: {  	_ =	swait.ge [sflag:s18], $0x4000  }
0x193: {  	[sflag:s18] =	ssyncset.done $0x0  }
0x194: {  	[sflag:s18] =	ssyncadd.s32 $0xFFFFC000  }
0x195: {  	[tilespmem:s17], [sflag:$0x2] =	stream.linear.gather [spmem:s6], $0x3C00, $0x38;
	v63 =	vld [tilespmem:$0x0]  }
0x196: {  	s29 =	sadd.s32 $0x1, s29;
	_ =	swait.ge [sflag:s18], $0x3C00  }
0x197: {  	p0 =	sne.s32 s29, s10;
	[sflag:s18] =	ssyncset.done $0x0  }
.Ltmp3:
0x198: {  	[sflag:s18] =	ssyncadd.s32 $0xFFFFC400;
	(pc) =	sbr.rel @p0 .LBB2_1-.Ltmp3, $4  }
0x199: {  	[hbm4b:s24+s3] =	stream.linear.scatter [tilespmem:s17], [sflag:$0x2], $0x3C00, $0x38;
	v63 =	vld [tilespmem:$0x0]  }
0x19a: {  	_ =	swait.ge [sflag:s18], $0x3C00  }
0x19b: {  	[sflag:s18] =	ssyncset.done $0x0  }
0x19c: {  	[sflag:s18] =	ssyncadd.s32 $0xFFFFC400  }
0x19d: {  	_ =	sfence.sel $0x180000  }
0x19e: {  	[bflag:$0x0] =	sbarrier.arrive $0xFFFF  }
0x19f: {  	_ =	strace $0x9000004A  }
0x1a0: {  	s0 =	stileid.u32;
	[bflag:$0x2] =	sbarrier.arrive $0xFFFF  }
0x1a1: {  	p0 =	sne.s32 s0, $0x0;
	s0 =	rddreg [dreg:$0x2]  }
0x1a2: {  	s0 =	sadd.s32 @!p0 $0x100000, s0  }
0x1a3: {  	[sflag:s0] =	ssyncadd.tile.s32 @!p0 $0x1;
	_ =	shalt  }
.Lfunc_end2:
_tile_overlayer_lowered:
.L_overlay_start_2:
0x1a4: {  	(tag) =	ssettag $0x2  }
0x1a5: {  	s0 =	rddreg [dreg:$0x0];
	s2 =	stileid.u32  }
0x1a6: {  	s1 =	rddreg [dreg:$0x1];
	p0 =	sne.s32 s2, $0x0  }
0x1a7: {  	s3 =	rddreg [dreg:$0x2];
	[bflag:$0x3] =	sbarrier.arrive $0xFFFF;
	s2 =	simm.s32 @!p0 $0x1C02  }
0x1a8: {  	[timem:s3], [sflag:s2] =	dma.local @!p0 [hbm:s0], s1  }
0x1a9: {  	s0 =	simm.s32 @!p0 $0x2  }
0x1aa: {  	_ =	swait.ge @!p0 [sflag:s0], s1  }
0x1ab: {  	s1 =	ssub.s32 @!p0 $0x0, s1;
	[sflag:s0] =	ssyncset.done @!p0 $0x0  }
0x1ac: {  	[sflag:s0] =	ssyncadd.s32 @!p0 s1  }
0x1ad: {  	[bflag:$0x3] =	sbarrier.arrive $0xFFFF  }
0x1ae: {  	_ =	shalt  }

// kernel: kernel.16.cloned.1.call-start
scs
__scs_entry_jumppad:
0x0: {  	(pc) =	sbr.rel $0x88, $3  }
0x1: {  	(tag) =	ssettag $0x0;
	lr =	simm.s32 $0x1  }
0x2: {  	[smem:$0x3F97] =	sst lr;
	_ =	strace $0xD0000000  }
0x3: {  	_ = 	snop  }
0x4: {  	_ = 	snop  }
0x5: {  	_ = 	snop  }
0x6: {  	_ = 	snop  }
0x7: {  	_ = 	snop  }
__scs_overlays_trampoline_lowered:
0x8: {  	[smem:$0x3FA6] =	sst s0  }
0x9: {  	[smem:$0x3FA7] =	sst s1  }
0xa: {  	[smem:$0x3FA8] =	sst s2  }
0xb: {  	[smem:$0x3FA9] =	sst s3  }
0xc: {  	[smem:$0x3FAA] =	sst s4  }
0xd: {  	[smem:$0x3FAB] =	sst s5  }
0xe: {  	[smem:$0x3FAC] =	sst s6  }
0xf: {  	[smem:$0x3FAD] =	sst s7  }
0x10: {  	[smem:$0x3FAE] =	sst s8  }
0x11: {  	[smem:$0x3FAF] =	sst s9;
	s0 =	simm.s32 @!p0 $0x0  }
0x12: {  	s1 =	sld [smem:$0x3F95];
	s0 =	simm.s32 @p0 $0x1  }
0x13: {  	[smem:$0x3FB0] =	sst s0;
	s0 =	simm.s32 @!p1 $0x0  }
0x14: {  	s2 =	sld [smem:$0x3F94];
	s0 =	simm.s32 @p1 $0x1  }
0x15: {  	[smem:$0x3FB1] =	sst s0;
	s0 =	simm.s32 @!p2 $0x0  }
0x16: {  	s3 =	sld [smem:$0x3FDB];
	s0 =	simm.s32 @p2 $0x1  }
0x17: {  	s4 =	simm.s32 $0x1BF5;
	[smem:$0x3FB3] =	sst s0  }
0x18: {  	s0 =	sld [smem:$0x3F96];
	_ =	swait.ge [sflag:s4], $0x0  }
0x19: {  	s7 =	sld [smem:$0x3F97]  }
0x1a: {  	s8 =	sadd.s32 $0xFFFFE003, lr  }
0x1b: {  	s9 =	sadd.s32 $0xFFFFFEF7, lr;
	s5 =	simm.s32 $0xFFFFFFFF;
	p2 =	slt.u32 s8, $0xFFFFF086  }
0x1c: {  	p1 =	slt.u32 s9, $0xF7A;
	s5 =	simm.s32 @!p2 $0x0  }
0x1d: {  	s5 =	simm.s32 @p1 $0x1;
	p0 =	seq.s32 s7, s2  }
0x1e: {  	s7 =	smul.u32 @!p0 $0xF7A, s2;
	p2 =	seq.s32 @!p0 s5, $0x0  }
0x1f: {  	s9 =	smul.u32 $0xF7A, s1;
	s8 =	simm.s32 @!p0 $0x1BF5;
	p2 =	por !p2, p0  }
0x20: {  	[sflag:s8] =	ssyncset.s32 @!p0 $0xFFFFF086;
	s6 =	sadd.s32 @!p0 s3, s7;
	s7 =	simm.s32 @!p0 $0x108  }
0x21: {  	s3 =	sadd.s32 s3, s9;
	s6 =	sadd.s32 @!p0 $0x88, s6;
	s7 =	simm.s32 @p2 $0x1082  }
0x22: {  	[simem:s7], [sflag:s8] =	dma.local @!p0 [hbm:s6], $0xF7A  }
0x23: {  	s9 =	sor.u32 $0xD0000000, s2;
	s6 =	simm.s32 $0x108;
	_ =	swait.ge @!p0 [sflag:s8], $0x0  }
0x24: {  	s3 =	sadd.s32 $0x88, s3;
	s6 =	simm.s32 @!p1 $0x1082;
	[sflag:s4] =	ssyncset.s32 $0xFFFFF086  }
0x25: {  	[simem:s6], [sflag:s4] =	dma.local [hbm:s3], $0xF7A  }
0x26: {  	[smem:$0x3F97] =	sst s1;
	(tag) =	ssettag s2;
	_ =	strace s9  }
0x27: {  	s1 =	sld [smem:$0x3FA7]  }
0x28: {  	s2 =	sld [smem:$0x3FA8]  }
0x29: {  	s4 =	sld [smem:$0x3FAA]  }
0x2a: {  	p0 =	seq.s32 s5, $0x0;
	s5 =	sld [smem:$0x3FAB]  }
0x2b: {  	s6 =	sld [smem:$0x3FAC]  }
0x2c: {  	s7 =	sld [smem:$0x3FAD]  }
0x2d: {  	s3 =	simm.s32 $0x108;
	s8 =	sld [smem:$0x3FAE]  }
0x2e: {  	s3 =	simm.s32 @!p0 $0x1082;
	s9 =	sld [smem:$0x3FAF]  }
0x2f: {  	lr =	sadd.s32 s0, s3;
	s0 =	sld [smem:$0x3FA6]  }
0x30: {  	s3 =	sld [smem:$0x3FA9]  }
0x31: {  	[smem:$0x3FB2] =	sst s10  }
0x32: {  	s10 =	sld [smem:$0x3FB0];
	_ =	sdelay $0x3  }
0x33: {  	p0 =	seq.s32 s10, $0x1;
	s10 =	sld [smem:$0x3FB2];
	_ =	sdelay $0x3  }
0x34: {  	[smem:$0x3FB2] =	sst s10  }
0x35: {  	s10 =	sld [smem:$0x3FB1];
	_ =	sdelay $0x3  }
0x36: {  	p1 =	seq.s32 s10, $0x1;
	s10 =	sld [smem:$0x3FB2];
	_ =	sdelay $0x3  }
0x37: {  	[smem:$0x3FB2] =	sst s10  }
0x38: {  	s10 =	sld [smem:$0x3FB3]  }
0x39: {  	_ = 	snop;
	(pc) =	sbr.ind lr, $3  }
0x3a: {  	_ = 	snop  }
0x3b: {  	_ = 	snop  }
0x3c: {  	p2 =	seq.s32 s10, $0x1;
	s10 =	sld [smem:$0x3FB2]  }
0x3d: {  	_ =	shalt  }
0x3e: {  	_ =	shalt  }
0x3f: {  	_ =	shalt  }
0x40: {  	_ =	shalt  }
0x41: {  	_ =	shalt  }
0x42: {  	_ =	shalt  }
0x43: {  	_ =	shalt  }
0x44: {  	_ =	shalt  }
0x45: {  	_ =	shalt  }
0x46: {  	_ =	shalt  }
0x47: {  	_ =	shalt  }
0x48: {  	_ =	shalt  }
0x49: {  	_ =	shalt  }
0x4a: {  	_ =	shalt  }
0x4b: {  	_ =	shalt  }
0x4c: {  	_ =	shalt  }
0x4d: {  	_ =	shalt  }
0x4e: {  	_ =	shalt  }
0x4f: {  	_ =	shalt  }
0x50: {  	_ =	shalt  }
0x51: {  	_ =	shalt  }
0x52: {  	_ =	shalt  }
0x53: {  	_ =	shalt  }
0x54: {  	_ =	shalt  }
0x55: {  	_ =	shalt  }
0x56: {  	_ =	shalt  }
0x57: {  	_ =	shalt  }
0x58: {  	_ =	shalt  }
0x59: {  	_ =	shalt  }
0x5a: {  	_ =	shalt  }
0x5b: {  	_ =	shalt  }
0x5c: {  	_ =	shalt  }
0x5d: {  	_ =	shalt  }
0x5e: {  	_ =	shalt  }
0x5f: {  	_ =	shalt  }
0x60: {  	_ =	shalt  }
0x61: {  	_ =	shalt  }
0x62: {  	_ =	shalt  }
0x63: {  	_ =	shalt  }
0x64: {  	_ =	shalt  }
0x65: {  	_ =	shalt  }
0x66: {  	_ =	shalt  }
0x67: {  	_ =	shalt  }
0x68: {  	_ =	shalt  }
0x69: {  	_ =	shalt  }
0x6a: {  	_ =	shalt  }
0x6b: {  	_ =	shalt  }
0x6c: {  	_ =	shalt  }
0x6d: {  	_ =	shalt  }
0x6e: {  	_ =	shalt  }
0x6f: {  	_ =	shalt  }
0x70: {  	_ =	shalt  }
0x71: {  	_ =	shalt  }
0x72: {  	_ =	shalt  }
0x73: {  	_ =	shalt  }
0x74: {  	_ =	shalt  }
0x75: {  	_ =	shalt  }
0x76: {  	_ =	shalt  }
0x77: {  	_ =	shalt  }
0x78: {  	_ =	shalt  }
0x79: {  	_ =	shalt  }
0x7a: {  	_ =	shalt  }
0x7b: {  	_ =	shalt  }
0x7c: {  	_ =	shalt  }
0x7d: {  	_ =	shalt  }
0x7e: {  	_ =	shalt  }
0x7f: {  	_ =	shalt  }
0x80: {  	_ =	shalt  }
0x81: {  	_ =	shalt  }
0x82: {  	_ =	shalt  }
0x83: {  	_ =	shalt  }
0x84: {  	_ =	shalt  }
0x85: {  	_ =	shalt  }
0x86: {  	_ =	shalt  }
0x87: {  	_ =	shalt  }
.Lfunc_end0:
.L_simem_size_0:
called_computation.2_lowered:
.L_overlay_start_0:
0x88: {  	s2 =	sld [smem:$0x3FD9]  }
0x89: {  	s3 =	sld [smem:$0x3FFE];
	_ =	sdelay $0x1  }
0x8a: {  	s1 =	srdreg.scid  }
0x8b: {  	s0 =	sand.u32 $0x1, s1  }
0x8c: {  	s17 =	sshll.u32 s0, $0xA;
	s2 =	sadd.s32 s3, s2  }
0x8d: {  	s2 =	sadd.s32 s2, s17  }
0x8e: {  	[smem:$0x3FBE] =	sst s2  }
0x8f: {  	_ = 	snop  }
0x90: {  	s2 =	sld [smem:$0x3FD0];
	(tm) =	ssettm $0x1  }
0x91: {  	s18 =	sld [smem:$0x3FFB];
	_ =	sdelay $0x3  }
0x92: {  	_ =	strace s18  }
0x93: {  	s3 =	sld [smem:$0x3FFC];
	_ =	sdelay $0x3  }
0x94: {  	_ =	strace s3  }
0x95: {  	s3 =	sld [smem:$0x3FFD];
	_ =	sdelay $0x3  }
0x96: {  	_ =	strace s3  }
0x97: {  	_ =	strace $0x8FFFFFFF  }
0x98: {  	s19 =	sld [smem:$0x3FDB];
	_ =	sdelay $0x1  }
0x99: {  	s4 =	simm.s32 $_scs_section_size  }
0x9a: {  	s5 =	simm.s32 $_size__tile_overlayer_lowered;
	s6 =	simm.s32 $_tile_overlayer_lowered  }
0x9b: {  	s22 =	simm.s32 $0x1BFF;
	s21 =	sshll.u32 s6, $0x1;
	s3 =	sadd.s32 s4, s19  }
0x9c: {  	s7 =	simm.s32 $0x0;
	s20 =	sshll.u32 s5, $0x1;
	s5 =	sadd.s32 s21, s3  }
0x9d: {  	[timem:s7], [sflag:s22] =	dma.local [hbm:s5], s20  }
0x9e: {  	_ =	swait.ge [sflag:s22], s20  }
0x9f: {  	s4 =	ssub.s32 $0x0, s20;
	[sflag:s22] =	ssyncset.done $0x0  }
0xa0: {  	[sflag:s22] =	ssyncadd.s32 s4;
	_ =	sdelay $0x1  }
0xa1: {  	s23 =	simm.s32 $0x1B8B  }
0xa2: {  	_ =	swait.ge [sflag:s23], $0x1  }
0xa3: {  	[sflag:s23] =	ssyncset.done $0x0  }
0xa4: {  	s25 =	simm.s32 $0x1B8E;
	s24 =	sld [smem:$0x3FFE];
	[sflag:s23] =	ssyncadd.s32 $0xFFFFFFFF  }
0xa5: {  	s26 =	simm.s32 $execute0_lowered;
	[smem:$0x3FD2] =	sst s25  }
0xa6: {  	s5 =	sshll.u32 s26, $0x1;
	_ =	strace $0x8000004C;
	[dreg:$0x1] =	wrdreg $0xFFFFFFFF  }
0xa7: {  	s28 =	simm.s32 $_size_execute0_lowered;
	s3 =	sadd.s32 s3, s5;
	[dreg:$0x0] =	wrdreg $0x0  }
0xa8: {  	s5 =	sshll.u32 s28, $0x1;
	[dreg:$0x2] =	wrdreg s3  }
0xa9: {  	[dreg:$0x3] =	wrdreg s5  }
0xaa: {  	[dreg:$0x4] =	wrdreg $0xC0  }
0xab: {  	_ =	task [dreg:s7], $0x5FFFF  }
0xac: {  	[dreg:$0x1] =	wrdreg $0xFFFFFFFF  }
0xad: {  	[dreg:$0x0] =	wrdreg $0x60  }
0xae: {  	[dreg:$0x2] =	wrdreg s24  }
0xaf: {  	[dreg:$0x3] =	wrdreg s2  }
0xb0: {  	[dreg:$0x4] =	wrdreg $0x9  }
0xb1: {  	_ =	task.clear_ibuf [dreg:s7], $0x5FFFF;
	_ =	strace $0x9000004C  }
0xb2: {  	s29 =	simm.s32 $0x9;
	_ =	strace $0x8000004E  }
0xb3: {  	_ =	swait.ge [sflag:s29], $0x1  }
0xb4: {  	[sflag:s29] =	ssyncadd.s32 $0xFFFFFFFF  }
0xb5: {  	_ =	strace $0x9000004E  }
0xb6: {  	_ =	sfence  }
0xb7: {  	s30 =	sld [smem:$0x0];
	_ =	sdelay $0x2  }
0xb8: {  	s31 =	sshll.u32 s1, $0xD;
	s1 =	sshrl.u32 s1, $0x2  }
0xb9: {  	s3 =	sand.u32 $0x4000, s31;
	s1 =	sadd.s32 s1, s30  }
0xba: {  	s0 =	sor.u32 s3, s0;
	s1 =	sshll.u32 s1, $0x11  }
0xbb: {  	s0 =	sor.u32 s1, s0  }
0xbc: {  	s0 =	sadd.s32 $0x8F2B, s0  }
0xbd: {  	[sflag:s0] =	ssyncadd.remote.s32 $0x1  }
0xbe: {  	_ =	sfence.sel $0xFFFF  }
0xbf: {  	[dreg:$0x0] =	wrdreg $0xFFFFFFFF;
	(pc) =	sbr.abs _section_cstart, $3  }
0xc0: {  	[dreg:$0x1] =	wrdreg $0xFFFFFFFF  }
0xc1: {  	_ =	task.clear_ibuf [dreg:s7], $0x2FFFF;
	_ =	strace $0x9FFFFFFF  }
0xc2: {  	(tm) =	ssettm $0x7FFFFFFF  }
0xc3: {  	_ =	shalt  }
tec
execute0_lowered:
.L_overlay_start_1:
0x0: {  	(tag) =	ssettag $0x1  }
0x1: {  	s6 =	rddreg [dreg:$0x0]  }
0x2: {  	s2 =	rddreg [dreg:$0x1]  }
0x3: {  	s3 =	srdreg.scid;
	s1 =	stileid.u32  }
0x4: {  	s0 =	rddreg [dreg:$0x2];
	s13 =	simm.s32 $0x5800;
	s14 =	simm.s32 $0x7F80  }
0x5: {  	s15 =	simm.s32 $0xA700;
	s16 =	simm.s32 $0xD380;
	s17 =	simm.s32 $0xA780  }
0x6: {  	s18 =	simm.s32 $0x80;
	s19 =	simm.s32 $0x400;
	s20 =	simm.s32 $0x0  }
0x7: {  	s5 =	sand.u32 $0x1, s3;
	s4 =	sshll.u32 s1, $0x1;
	s3 =	simm.s32 $0x0  }
0x8: {  	s30 =	sshrl.u32 s1, $0x2;
	s7 =	sor.u32 s5, s4;
	[smem:$0x7FF] =	sst s3  }
0x9: {  	s8 =	smul.u32 $0x13C00, s30;
	s4 =	sadd.s32 $0x1A400, s6;
	s31 =	ssub.s32 $0x2, s5  }
0xa: {  	vm13 =	vcmask $0x3B38;
	s5 =	sadd.s32 $0x1AA00, s6;
	s9 =	sshll.u32 s7, $0x7;
	s7 =	smul.u32 $0x580, s7  }
0xb: {  	v0 =	vimm.f32 $0.0e+00;
	vm0 =	vcmask $0x704;
	vm14 =	vcmask $0x3F3C;
	_ =	strace $0x8000004D;
	s10 =	sshrl.u32 s31, $0x1;
	s9 =	sand.u32 $0x380, s9  }
0xc: {  	vm1 =	vcmask $0xB08;
	vm2 =	vcmask $0xF0C;
	vm3 =	vcmask $0x1310;
	s10 =	ssub.s32 s31, s10;
	s8 =	sor.u32 s8, s9;
	s11 =	sadd.s32 s7, s6  }
0xd: {  	vm4 =	vcmask $0x1714;
	vm5 =	vcmask $0x1B18;
	vm6 =	vcmask $0x1F1C;
	s10 =	smax.u32 s10, $0x1;
	s8 =	sshrl.u32 s8, $0x3;
	s7 =	sadd.s32 $0xF400, s11  }
0xe: {  	vm7 =	vcmask $0x2320;
	vm8 =	vcmask $0x2724;
	vm9 =	vcmask $0x2B28;
	s12 =	sadd.s32 s8, s6;
	s6 =	sadd.s32 $0x4400, s11;
	s8 =	sadd.s32 $0x24E00, s11  }
0xf: {  	vm10 =	vcmask $0x2F2C;
	vm11 =	vcmask $0x3330;
	vm12 =	vcmask $0x3734;
	s11 =	simm.s32 $0x1;
	s9 =	sadd.s32 $0x1B000, s12;
	s12 =	simm.s32 $0x2C00  }
.LBB2_1:
0x10: {  	[tilespmem:s3], [sflag:$0x1] =	stream.linear.gather [hbm4b:s6+s3], $0x2880, $0x38;
	[tilespmem:$0xFB00] =	vst v63  }
0x11: {  	_ =	swait.ge [sflag:s11], $0x2880  }
0x12: {  	[sflag:s11] =	ssyncset.done $0x0  }
0x13: {  	[sflag:s11] =	ssyncadd.s32 $0xFFFFD780  }
0x14: {  	[tilespmem:s12], [sflag:$0x1] =	stream.linear.gather [hbm4b:s7+s3], $0x2880, $0x38;
	[tilespmem:$0xFB00] =	vst v63  }
0x15: {  	_ =	swait.ge [sflag:s11], $0x2880  }
0x16: {  	[sflag:s11] =	ssyncset.done $0x0  }
0x17: {  	[sflag:s11] =	ssyncadd.s32 $0xFFFFD780  }
0x18: {  	[tilespmem:s13], [sflag:$0x1] =	stream.linear.gather [hbm4b:s4+s3], $0x2780, $0x38;
	[tilespmem:$0xFB00] =	vst v63  }
0x19: {  	_ =	swait.ge [sflag:s11], $0x2780  }
0x1a: {  	[sflag:s11] =	ssyncset.done $0x0  }
0x1b: {  	[sflag:s11] =	ssyncadd.s32 $0xFFFFD880  }
0x1c: {  	[tilespmem:s14], [sflag:$0x1] =	stream.linear.gather [hbm4b:s5+s3], $0x2780, $0x38;
	[tilespmem:$0xFB00] =	vst v63  }
0x1d: {  	_ =	swait.ge [sflag:s11], $0x2780  }
0x1e: {  	[sflag:s11] =	ssyncset.done $0x0  }
0x1f: {  	[sflag:s11] =	ssyncadd.s32 $0xFFFFD880  }
0x20: {  	[tilespmem:s15], [sflag:$0x1] =	stream.linear.gather [hbm4b:s2+s3], $0x80, $0x38;
	[tilespmem:$0xFB00] =	vst v63  }
0x21: {  	_ =	swait.ge [sflag:s11], $0x80  }
0x22: {  	[sflag:s11] =	ssyncset.done $0x0  }
0x23: {  	s21 =	simm.s32 $0x40;
	s22 =	simm.s32 $0x0;
	[sflag:s11] =	ssyncadd.s32 $0xFFFFFF80  }
.LBB2_2:
0x24: {  	p0 =	sne.s32 s21, $0x9DC0;
	[tilespmem:s22+$0xD380] =	vst v0;
	s22 =	smov.u32 s21;
	s21 =	sadd.s32 $0x40, s21  }
.Ltmp0:
0x25: {  	(pc) =	sbr.rel @p0 .LBB2_2-.Ltmp0, $2  }
0x26: {  	_ =	sdelay $0x2  }
0x27: {  	s22 =	sshra.s32 s22, $0x2  }
0x28: {  	[tilespmem:s22+$0xD380] =	vst v0;
	s21 =	simm.s32 $0x0  }
0x29: {  	s22 =	simm.s32 $0xA780;
	s23 =	simm.s32 $0x2C00;
	s24 =	simm.s32 $0x0;
	v1 =	vld [tilespmem:$0xA700]  }
.LBB2_4:
0x2a: {  	v2 =	vmov s21  }
0x2b: {  	v3 =	vmov s23;
	_ =	sdelay $0x2  }
0x2c: {  	s25 =	simm.s32 $0x0  }
0x2d: {  	v5 =	vld.idx.msk [tilespmem:v2+s25+$0x0 ss:$0x1], $0xffff  }
0x2e: {  	v4 =	vld.idx.msk [tilespmem:v3+s25+$0x0 ss:$0x1], $0xffff;
	_ =	sdelay $0x6  }
0x2f: {  	v5 =	vld.idx.msk [tilespmem:v5+s13+$0x0], $0xffff  }
0x30: {  	v6 =	vld.idx.msk [tilespmem:v4+s14+$0x0], $0xffff;
	_ =	sdelay $0x4  }
0x31: {  	v5 =	vadd.f32 v6, v5;
	_ =	sdelay $0x1  }
0x32: {  	v6 =	vmul.f32 $2.000000030e-01, v5;
	_ =	sdelay $0x1  }
0x33: {  	v5 =	vmax.f32 v5, v6  }
0x34: {  	v5 =	vsub.f32 v5, v1;
	_ =	sdelay $0x1  }
0x35: {  	v5 =	vmul.f32 $1.442695020e+00, v5;
	_ =	sdelay $0x1  }
0x36: {  	(erf) = vpow2.f32 v5;
	_ =	sdelay $0x4  }
0x37: {  	v5 =	vmov s22;
	_ =	sdelay $0x3  }
0x38: {  	v6 =	vpop (erf)  }
0x39: {  	[tilespmem:v5+s25+$0x0 ss:$0x1] =	vst.idx.msk $0xffff, v6  }
0x3a: {  	[tilespmem:v4+s16+$0x0] =	vst.idx.add.f32.msk $0x1, v6  }
0x3b: {  	[tilespmem:v4+s16+$0x0] =	vst.idx.add.f32.msk vm0, v6  }
0x3c: {  	[tilespmem:v4+s16+$0x0] =	vst.idx.add.f32.msk vm1, v6  }
0x3d: {  	[tilespmem:v4+s16+$0x0] =	vst.idx.add.f32.msk vm2, v6  }
0x3e: {  	[tilespmem:v4+s16+$0x0] =	vst.idx.add.f32.msk vm3, v6  }
0x3f: {  	[tilespmem:v4+s16+$0x0] =	vst.idx.add.f32.msk vm4, v6  }
0x40: {  	[tilespmem:v4+s16+$0x0] =	vst.idx.add.f32.msk vm5, v6  }
0x41: {  	[tilespmem:v4+s16+$0x0] =	vst.idx.add.f32.msk vm6, v6  }
0x42: {  	[tilespmem:v4+s16+$0x0] =	vst.idx.add.f32.msk vm7, v6  }
0x43: {  	[tilespmem:v4+s16+$0x0] =	vst.idx.add.f32.msk vm8, v6  }
0x44: {  	[tilespmem:v4+s16+$0x0] =	vst.idx.add.f32.msk vm9, v6  }
0x45: {  	[tilespmem:v4+s16+$0x0] =	vst.idx.add.f32.msk vm10, v6  }
0x46: {  	[tilespmem:v4+s16+$0x0] =	vst.idx.add.f32.msk vm11, v6  }
0x47: {  	s25 =	simm.s32 $0x40;
	[tilespmem:v4+s16+$0x0] =	vst.idx.add.f32.msk vm12, v6  }
.LBB2_5:
0x48: {  	p0 =	sne.s32 s25, $0x1C0;
	[tilespmem:v4+s16+$0x0] =	vst.idx.add.f32.msk vm13, v6;
	s26 =	smov.u32 s25;
	s25 =	sadd.s32 $0x40, s25  }
0x49: {  	s26 =	sshra.s32 s26, $0x2;
	[tilespmem:v4+s16+$0x0] =	vst.idx.add.f32.msk vm14, v6  }
0x4a: {  	v6 =	vld.idx.msk [tilespmem:v2+s26+$0x0 ss:$0x1], $0xffff  }
0x4b: {  	v4 =	vld.idx.msk [tilespmem:v3+s26+$0x0 ss:$0x1], $0xffff;
	_ =	sdelay $0x6  }
0x4c: {  	v6 =	vld.idx.msk [tilespmem:v6+s13+$0x0], $0xffff  }
0x4d: {  	v7 =	vld.idx.msk [tilespmem:v4+s14+$0x0], $0xffff;
	_ =	sdelay $0x5  }
0x4e: {  	v6 =	vadd.f32 v7, v6;
	_ =	sdelay $0x1  }
0x4f: {  	v7 =	vmul.f32 $2.000000030e-01, v6;
	_ =	sdelay $0x1  }
0x50: {  	v6 =	vmax.f32 v6, v7  }
0x51: {  	v6 =	vsub.f32 v6, v1;
	_ =	sdelay $0x1  }
0x52: {  	v6 =	vmul.f32 $1.442695020e+00, v6;
	_ =	sdelay $0x1  }
0x53: {  	(erf) = vpow2.f32 v6;
	_ =	sdelay $0x8  }
0x54: {  	v6 =	vpop (erf)  }
0x55: {  	[tilespmem:v5+s26+$0x0 ss:$0x1] =	vst.idx.msk $0xffff, v6  }
0x56: {  	[tilespmem:v4+s16+$0x0] =	vst.idx.add.f32.msk $0x1, v6  }
0x57: {  	[tilespmem:v4+s16+$0x0] =	vst.idx.add.f32.msk vm0, v6  }
0x58: {  	[tilespmem:v4+s16+$0x0] =	vst.idx.add.f32.msk vm1, v6  }
0x59: {  	[tilespmem:v4+s16+$0x0] =	vst.idx.add.f32.msk vm2, v6  }
0x5a: {  	[tilespmem:v4+s16+$0x0] =	vst.idx.add.f32.msk vm3, v6  }
0x5b: {  	[tilespmem:v4+s16+$0x0] =	vst.idx.add.f32.msk vm4, v6  }
0x5c: {  	[tilespmem:v4+s16+$0x0] =	vst.idx.add.f32.msk vm5, v6  }
0x5d: {  	[tilespmem:v4+s16+$0x0] =	vst.idx.add.f32.msk vm6, v6  }
0x5e: {  	[tilespmem:v4+s16+$0x0] =	vst.idx.add.f32.msk vm7, v6  }
.Ltmp1:
0x5f: {  	[tilespmem:v4+s16+$0x0] =	vst.idx.add.f32.msk vm8, v6;
	(pc) =	sbr.rel @p0 .LBB2_5-.Ltmp1, $4  }
0x60: {  	[tilespmem:v4+s16+$0x0] =	vst.idx.add.f32.msk vm9, v6  }
0x61: {  	[tilespmem:v4+s16+$0x0] =	vst.idx.add.f32.msk vm10, v6  }
0x62: {  	[tilespmem:v4+s16+$0x0] =	vst.idx.add.f32.msk vm11, v6  }
0x63: {  	[tilespmem:v4+s16+$0x0] =	vst.idx.add.f32.msk vm12, v6  }
0x64: {  	s24 =	sadd.s32 $0x1, s24  }
0x65: {  	p0 =	sne.s32 s24, $0x51  }
.Ltmp2:
0x66: {  	_ = 	snop;
	(pc) =	sbr.rel @p0 .LBB2_4-.Ltmp2, $3  }
0x67: {  	_ =	sdelay $0x1  }
0x68: {  	[tilespmem:v4+s16+$0x0] =	vst.idx.add.f32.msk vm13, v6  }
0x69: {  	s22 =	sadd.s32 $0x80, s22;
	s23 =	sadd.s32 $0x80, s23;
	s21 =	sadd.s32 $0x80, s21;
	[tilespmem:v4+s16+$0x0] =	vst.idx.add.f32.msk vm14, v6  }
0x6a: {  	[hbm4b:s8+s3] =	stream.linear.scatter [tilespmem:s17], [sflag:$0x1], $0x2880, $0x38;
	[tilespmem:$0xFB00] =	vst v63  }
0x6b: {  	s20 =	sadd.s32 $0x1, s20;
	_ =	swait.ge [sflag:s11], $0x2880  }
0x6c: {  	p0 =	sne.s32 s20, s10;
	[sflag:s11] =	ssyncset.done $0x0  }
.Ltmp3:
0x6d: {  	[sflag:s11] =	ssyncadd.s32 $0xFFFFD780;
	(pc) =	sbr.rel @p0 .LBB2_1-.Ltmp3, $4  }
0x6e: {  	[hbm4b:s9+s18] =	stream.strided.scatter [tilespmem:s16], [sflag:$0x1], $0x2780, s19, s18, $0x38;
	[tilespmem:$0xFB00] =	vst v63  }
0x6f: {  	_ =	swait.ge [sflag:s11], $0x2780  }
0x70: {  	[sflag:s11] =	ssyncset.done $0x0  }
0x71: {  	[sflag:s11] =	ssyncadd.s32 $0xFFFFD880  }
0x72: {  	_ =	sfence.sel $0x180000  }
0x73: {  	[bflag:$0x0] =	sbarrier.arrive $0xFFFF  }
0x74: {  	p0 =	sne.s32 s1, $0x0;
	_ =	strace $0x9000004D  }
0x75: {  	s0 =	sadd.s32 @!p0 $0x100000, s0;
	[bflag:$0x2] =	sbarrier.arrive $0xFFFF  }
0x76: {  	[sflag:s0] =	ssyncadd.tile.s32 @!p0 $0x1;
	_ =	shalt  }
.Lfunc_end2:
_tile_overlayer_lowered:
.L_overlay_start_2:
0x77: {  	(tag) =	ssettag $0x2  }
0x78: {  	s0 =	rddreg [dreg:$0x0];
	s2 =	stileid.u32  }
0x79: {  	s1 =	rddreg [dreg:$0x1];
	p0 =	sne.s32 s2, $0x0  }
0x7a: {  	s3 =	rddreg [dreg:$0x2];
	[bflag:$0x3] =	sbarrier.arrive $0xFFFF;
	s2 =	simm.s32 @!p0 $0x1C01  }
0x7b: {  	[timem:s3], [sflag:s2] =	dma.local @!p0 [hbm:s0], s1  }
0x7c: {  	s0 =	simm.s32 @!p0 $0x1  }
0x7d: {  	_ =	swait.ge @!p0 [sflag:s0], s1  }
0x7e: {  	s1 =	ssub.s32 @!p0 $0x0, s1;
	[sflag:s0] =	ssyncset.done @!p0 $0x0  }
0x7f: {  	[sflag:s0] =	ssyncadd.s32 @!p0 s1  }
0x80: {  	[bflag:$0x3] =	sbarrier.arrive $0xFFFF  }
0x81: {  	_ =	shalt  }

// kernel: kernel.19.cloned.1.call-start
scs
__scs_entry_jumppad:
0x0: {  	(pc) =	sbr.rel $0x88, $3  }
0x1: {  	(tag) =	ssettag $0x0;
	lr =	simm.s32 $0x1  }
0x2: {  	[smem:$0x3F97] =	sst lr;
	_ =	strace $0xD0000000  }
0x3: {  	_ = 	snop  }
0x4: {  	_ = 	snop  }
0x5: {  	_ = 	snop  }
0x6: {  	_ = 	snop  }
0x7: {  	_ = 	snop  }
__scs_overlays_trampoline_lowered:
0x8: {  	[smem:$0x3FA6] =	sst s0  }
0x9: {  	[smem:$0x3FA7] =	sst s1  }
0xa: {  	[smem:$0x3FA8] =	sst s2  }
0xb: {  	[smem:$0x3FA9] =	sst s3  }
0xc: {  	[smem:$0x3FAA] =	sst s4  }
0xd: {  	[smem:$0x3FAB] =	sst s5  }
0xe: {  	[smem:$0x3FAC] =	sst s6  }
0xf: {  	[smem:$0x3FAD] =	sst s7  }
0x10: {  	[smem:$0x3FAE] =	sst s8  }
0x11: {  	[smem:$0x3FAF] =	sst s9;
	s0 =	simm.s32 @!p0 $0x0  }
0x12: {  	s1 =	sld [smem:$0x3F95];
	s0 =	simm.s32 @p0 $0x1  }
0x13: {  	[smem:$0x3FB0] =	sst s0;
	s0 =	simm.s32 @!p1 $0x0  }
0x14: {  	s2 =	sld [smem:$0x3F94];
	s0 =	simm.s32 @p1 $0x1  }
0x15: {  	[smem:$0x3FB1] =	sst s0;
	s0 =	simm.s32 @!p2 $0x0  }
0x16: {  	s3 =	sld [smem:$0x3FDB];
	s0 =	simm.s32 @p2 $0x1  }
0x17: {  	s4 =	simm.s32 $0x1BF5;
	[smem:$0x3FB3] =	sst s0  }
0x18: {  	s0 =	sld [smem:$0x3F96];
	_ =	swait.ge [sflag:s4], $0x0  }
0x19: {  	s7 =	sld [smem:$0x3F97]  }
0x1a: {  	s8 =	sadd.s32 $0xFFFFE003, lr  }
0x1b: {  	s9 =	sadd.s32 $0xFFFFFEF7, lr;
	s5 =	simm.s32 $0xFFFFFFFF;
	p2 =	slt.u32 s8, $0xFFFFF086  }
0x1c: {  	p1 =	slt.u32 s9, $0xF7A;
	s5 =	simm.s32 @!p2 $0x0  }
0x1d: {  	s5 =	simm.s32 @p1 $0x1;
	p0 =	seq.s32 s7, s2  }
0x1e: {  	s7 =	smul.u32 @!p0 $0xF7A, s2;
	p2 =	seq.s32 @!p0 s5, $0x0  }
0x1f: {  	s9 =	smul.u32 $0xF7A, s1;
	s8 =	simm.s32 @!p0 $0x1BF5;
	p2 =	por !p2, p0  }
0x20: {  	[sflag:s8] =	ssyncset.s32 @!p0 $0xFFFFF086;
	s6 =	sadd.s32 @!p0 s3, s7;
	s7 =	simm.s32 @!p0 $0x108  }
0x21: {  	s3 =	sadd.s32 s3, s9;
	s6 =	sadd.s32 @!p0 $0x88, s6;
	s7 =	simm.s32 @p2 $0x1082  }
0x22: {  	[simem:s7], [sflag:s8] =	dma.local @!p0 [hbm:s6], $0xF7A  }
0x23: {  	s9 =	sor.u32 $0xD0000000, s2;
	s6 =	simm.s32 $0x108;
	_ =	swait.ge @!p0 [sflag:s8], $0x0  }
0x24: {  	s3 =	sadd.s32 $0x88, s3;
	s6 =	simm.s32 @!p1 $0x1082;
	[sflag:s4] =	ssyncset.s32 $0xFFFFF086  }
0x25: {  	[simem:s6], [sflag:s4] =	dma.local [hbm:s3], $0xF7A  }
0x26: {  	[smem:$0x3F97] =	sst s1;
	(tag) =	ssettag s2;
	_ =	strace s9  }
0x27: {  	s1 =	sld [smem:$0x3FA7]  }
0x28: {  	s2 =	sld [smem:$0x3FA8]  }
0x29: {  	s4 =	sld [smem:$0x3FAA]  }
0x2a: {  	p0 =	seq.s32 s5, $0x0;
	s5 =	sld [smem:$0x3FAB]  }
0x2b: {  	s6 =	sld [smem:$0x3FAC]  }
0x2c: {  	s7 =	sld [smem:$0x3FAD]  }
0x2d: {  	s3 =	simm.s32 $0x108;
	s8 =	sld [smem:$0x3FAE]  }
0x2e: {  	s3 =	simm.s32 @!p0 $0x1082;
	s9 =	sld [smem:$0x3FAF]  }
0x2f: {  	lr =	sadd.s32 s0, s3;
	s0 =	sld [smem:$0x3FA6]  }
0x30: {  	s3 =	sld [smem:$0x3FA9]  }
0x31: {  	[smem:$0x3FB2] =	sst s10  }
0x32: {  	s10 =	sld [smem:$0x3FB0];
	_ =	sdelay $0x3  }
0x33: {  	p0 =	seq.s32 s10, $0x1;
	s10 =	sld [smem:$0x3FB2];
	_ =	sdelay $0x3  }
0x34: {  	[smem:$0x3FB2] =	sst s10  }
0x35: {  	s10 =	sld [smem:$0x3FB1];
	_ =	sdelay $0x3  }
0x36: {  	p1 =	seq.s32 s10, $0x1;
	s10 =	sld [smem:$0x3FB2];
	_ =	sdelay $0x3  }
0x37: {  	[smem:$0x3FB2] =	sst s10  }
0x38: {  	s10 =	sld [smem:$0x3FB3]  }
0x39: {  	_ = 	snop;
	(pc) =	sbr.ind lr, $3  }
0x3a: {  	_ = 	snop  }
0x3b: {  	_ = 	snop  }
0x3c: {  	p2 =	seq.s32 s10, $0x1;
	s10 =	sld [smem:$0x3FB2]  }
0x3d: {  	_ =	shalt  }
0x3e: {  	_ =	shalt  }
0x3f: {  	_ =	shalt  }
0x40: {  	_ =	shalt  }
0x41: {  	_ =	shalt  }
0x42: {  	_ =	shalt  }
0x43: {  	_ =	shalt  }
0x44: {  	_ =	shalt  }
0x45: {  	_ =	shalt  }
0x46: {  	_ =	shalt  }
0x47: {  	_ =	shalt  }
0x48: {  	_ =	shalt  }
0x49: {  	_ =	shalt  }
0x4a: {  	_ =	shalt  }
0x4b: {  	_ =	shalt  }
0x4c: {  	_ =	shalt  }
0x4d: {  	_ =	shalt  }
0x4e: {  	_ =	shalt  }
0x4f: {  	_ =	shalt  }
0x50: {  	_ =	shalt  }
0x51: {  	_ =	shalt  }
0x52: {  	_ =	shalt  }
0x53: {  	_ =	shalt  }
0x54: {  	_ =	shalt  }
0x55: {  	_ =	shalt  }
0x56: {  	_ =	shalt  }
0x57: {  	_ =	shalt  }
0x58: {  	_ =	shalt  }
0x59: {  	_ =	shalt  }
0x5a: {  	_ =	shalt  }
0x5b: {  	_ =	shalt  }
0x5c: {  	_ =	shalt  }
0x5d: {  	_ =	shalt  }
0x5e: {  	_ =	shalt  }
0x5f: {  	_ =	shalt  }
0x60: {  	_ =	shalt  }
0x61: {  	_ =	shalt  }
0x62: {  	_ =	shalt  }
0x63: {  	_ =	shalt  }
0x64: {  	_ =	shalt  }
0x65: {  	_ =	shalt  }
0x66: {  	_ =	shalt  }
0x67: {  	_ =	shalt  }
0x68: {  	_ =	shalt  }
0x69: {  	_ =	shalt  }
0x6a: {  	_ =	shalt  }
0x6b: {  	_ =	shalt  }
0x6c: {  	_ =	shalt  }
0x6d: {  	_ =	shalt  }
0x6e: {  	_ =	shalt  }
0x6f: {  	_ =	shalt  }
0x70: {  	_ =	shalt  }
0x71: {  	_ =	shalt  }
0x72: {  	_ =	shalt  }
0x73: {  	_ =	shalt  }
0x74: {  	_ =	shalt  }
0x75: {  	_ =	shalt  }
0x76: {  	_ =	shalt  }
0x77: {  	_ =	shalt  }
0x78: {  	_ =	shalt  }
0x79: {  	_ =	shalt  }
0x7a: {  	_ =	shalt  }
0x7b: {  	_ =	shalt  }
0x7c: {  	_ =	shalt  }
0x7d: {  	_ =	shalt  }
0x7e: {  	_ =	shalt  }
0x7f: {  	_ =	shalt  }
0x80: {  	_ =	shalt  }
0x81: {  	_ =	shalt  }
0x82: {  	_ =	shalt  }
0x83: {  	_ =	shalt  }
0x84: {  	_ =	shalt  }
0x85: {  	_ =	shalt  }
0x86: {  	_ =	shalt  }
0x87: {  	_ =	shalt  }
.Lfunc_end0:
.L_simem_size_0:
called_computation.3_lowered:
.L_overlay_start_0:
0x88: {  	s2 =	sld [smem:$0x3FD9]  }
0x89: {  	s3 =	sld [smem:$0x3FFE];
	_ =	sdelay $0x1  }
0x8a: {  	s1 =	srdreg.scid  }
0x8b: {  	s0 =	sand.u32 $0x1, s1  }
0x8c: {  	s16 =	sshll.u32 s0, $0xA;
	s2 =	sadd.s32 s3, s2  }
0x8d: {  	s2 =	sadd.s32 s2, s16  }
0x8e: {  	[smem:$0x3FBE] =	sst s2  }
0x8f: {  	_ = 	snop  }
0x90: {  	(tm) =	ssettm $0x1  }
0x91: {  	s17 =	sld [smem:$0x3FFB];
	_ =	sdelay $0x3  }
0x92: {  	_ =	strace s17  }
0x93: {  	s2 =	sld [smem:$0x3FFC];
	_ =	sdelay $0x3  }
0x94: {  	_ =	strace s2  }
0x95: {  	s2 =	sld [smem:$0x3FFD];
	_ =	sdelay $0x3  }
0x96: {  	_ =	strace s2  }
0x97: {  	_ =	strace $0x8FFFFFFF  }
0x98: {  	s18 =	sld [smem:$0x3FDB];
	_ =	sdelay $0x1  }
0x99: {  	s19 =	simm.s32 $_scs_section_size  }
0x9a: {  	s4 =	simm.s32 $_size__tile_overlayer_lowered;
	s5 =	simm.s32 $_tile_overlayer_lowered  }
0x9b: {  	s22 =	simm.s32 $0x1BFF;
	s21 =	sshll.u32 s5, $0x1;
	s2 =	sadd.s32 s19, s18  }
0x9c: {  	s6 =	simm.s32 $0x0;
	s20 =	sshll.u32 s4, $0x1;
	s4 =	sadd.s32 s21, s2  }
0x9d: {  	[timem:s6], [sflag:s22] =	dma.local [hbm:s4], s20  }
0x9e: {  	_ =	swait.ge [sflag:s22], s20  }
0x9f: {  	s3 =	ssub.s32 $0x0, s20;
	[sflag:s22] =	ssyncset.done $0x0  }
0xa0: {  	[sflag:s22] =	ssyncadd.s32 s3;
	_ =	sdelay $0x1  }
0xa1: {  	s23 =	simm.s32 $0x1B8B  }
0xa2: {  	_ =	swait.ge [sflag:s23], $0x1  }
0xa3: {  	[sflag:s23] =	ssyncset.done $0x0  }
0xa4: {  	s25 =	simm.s32 $0x1B8E;
	s24 =	sld [smem:$0x3FFE];
	[sflag:s23] =	ssyncadd.s32 $0xFFFFFFFF  }
0xa5: {  	s26 =	simm.s32 $execute0_lowered;
	[smem:$0x3FD2] =	sst s25  }
0xa6: {  	s4 =	sshll.u32 s26, $0x1;
	_ =	strace $0x8000004F;
	[dreg:$0x1] =	wrdreg $0xFFFFFFFF  }
0xa7: {  	s28 =	simm.s32 $_size_execute0_lowered;
	s2 =	sadd.s32 s2, s4;
	[dreg:$0x0] =	wrdreg $0x0  }
0xa8: {  	s4 =	sshll.u32 s28, $0x1;
	[dreg:$0x2] =	wrdreg s2  }
0xa9: {  	[dreg:$0x3] =	wrdreg s4  }
0xaa: {  	[dreg:$0x4] =	wrdreg $0xC0  }
0xab: {  	_ =	task [dreg:s6], $0x5FFFF  }
0xac: {  	[dreg:$0x1] =	wrdreg $0xFFFFFFFF  }
0xad: {  	[dreg:$0x0] =	wrdreg $0x60  }
0xae: {  	[dreg:$0x2] =	wrdreg s24  }
0xaf: {  	[dreg:$0x3] =	wrdreg $0x9  }
0xb0: {  	_ =	task.clear_ibuf [dreg:s6], $0x4FFFF;
	_ =	strace $0x9000004F  }
0xb1: {  	s29 =	simm.s32 $0x9;
	_ =	strace $0x80000051  }
0xb2: {  	_ =	swait.ge [sflag:s29], $0x1  }
0xb3: {  	[sflag:s29] =	ssyncadd.s32 $0xFFFFFFFF  }
0xb4: {  	_ =	strace $0x90000051  }
0xb5: {  	_ =	sfence  }
0xb6: {  	s30 =	sld [smem:$0x0];
	_ =	sdelay $0x2  }
0xb7: {  	s31 =	sshll.u32 s1, $0xD;
	s1 =	sshrl.u32 s1, $0x2  }
0xb8: {  	s3 =	sand.u32 $0x4000, s31;
	s1 =	sadd.s32 s1, s30  }
0xb9: {  	s0 =	sor.u32 s3, s0;
	s1 =	sshll.u32 s1, $0x11  }
0xba: {  	s0 =	sor.u32 s1, s0  }
0xbb: {  	s0 =	sadd.s32 $0x8F2B, s0  }
0xbc: {  	[sflag:s0] =	ssyncadd.remote.s32 $0x1  }
0xbd: {  	_ =	sfence.sel $0xFFFF  }
0xbe: {  	[dreg:$0x0] =	wrdreg $0xFFFFFFFF;
	(pc) =	sbr.abs _section_cstart, $3  }
0xbf: {  	[dreg:$0x1] =	wrdreg $0xFFFFFFFF  }
0xc0: {  	_ =	task.clear_ibuf [dreg:s6], $0x2FFFF;
	_ =	strace $0x9FFFFFFF  }
0xc1: {  	(tm) =	ssettm $0x7FFFFFFF  }
tec
execute0_lowered:
.L_overlay_start_1:
0x0: {  	(tag) =	ssettag $0x1  }
0x1: {  	s1 =	srdreg.scid  }
0x2: {  	s0 =	stileid.u32;
	s4 =	rddreg [dreg:$0x0]  }
0x3: {  	s10 =	simm.s32 $0x2C00;
	s11 =	simm.s32 $0x5800;
	s12 =	simm.s32 $0x7F80  }
0x4: {  	s13 =	simm.s32 $0xAB80;
	s14 =	simm.s32 $0x80;
	s15 =	simm.s32 $0x400  }
0x5: {  	s16 =	simm.s32 $0x0;
	s3 =	sand.u32 $0x1, s1;
	s2 =	sshll.u32 s0, $0x1  }
0x6: {  	s1 =	rddreg [dreg:$0x1];
	s7 =	sshrl.u32 s0, $0x2;
	s5 =	sor.u32 s3, s2  }
0x7: {  	s2 =	simm.s32 $0x0;
	s7 =	smul.u32 $0x13C00, s7;
	s31 =	ssub.s32 $0x2, s3  }
0x8: {  	v0 =	vimm.f32 $0.0e+00;
	s3 =	sadd.s32 $0x1A400, s4;
	s6 =	smul.u32 $0x580, s5;
	s5 =	sshll.u32 s5, $0x7  }
0x9: {  	vm0 =	vcmask $0x704;
	vm1 =	vcmask $0xB08;
	vm14 =	vcmask $0x3F3C;
	[smem:$0x7FF] =	sst s2;
	s8 =	sshrl.u32 s31, $0x1;
	s5 =	sand.u32 $0x380, s5  }
0xa: {  	vm2 =	vcmask $0xF0C;
	vm3 =	vcmask $0x1310;
	vm4 =	vcmask $0x1714;
	_ =	strace $0x80000050;
	s8 =	ssub.s32 s31, s8;
	s5 =	sor.u32 s7, s5  }
0xb: {  	vm5 =	vcmask $0x1B18;
	vm6 =	vcmask $0x1F1C;
	vm7 =	vcmask $0x2320;
	s6 =	sadd.s32 s6, s4;
	s8 =	smax.u32 s8, $0x1;
	s5 =	sshrl.u32 s5, $0x3  }
0xc: {  	vm8 =	vcmask $0x2724;
	vm9 =	vcmask $0x2B28;
	vm10 =	vcmask $0x2F2C;
	s9 =	sadd.s32 s5, s4;
	s4 =	sadd.s32 $0x4400, s6;
	s5 =	sadd.s32 $0xF400, s6  }
0xd: {  	vm11 =	vcmask $0x3330;
	vm12 =	vcmask $0x3734;
	vm13 =	vcmask $0x3B38;
	s6 =	sadd.s32 $0x24E00, s6;
	s7 =	sadd.s32 $0x1AA00, s9;
	s9 =	simm.s32 $0x1  }
.LBB2_1:
0xe: {  	[tilespmem:s2], [sflag:$0x1] =	stream.linear.gather [hbm4b:s4+s2], $0x2880, $0x38;
	[tilespmem:$0xD300] =	vst v63  }
0xf: {  	_ =	swait.ge [sflag:s9], $0x2880  }
0x10: {  	[sflag:s9] =	ssyncset.done $0x0  }
0x11: {  	[sflag:s9] =	ssyncadd.s32 $0xFFFFD780  }
0x12: {  	[tilespmem:s10], [sflag:$0x1] =	stream.linear.gather [hbm4b:s5+s2], $0x2880, $0x38;
	[tilespmem:$0xD300] =	vst v63  }
0x13: {  	_ =	swait.ge [sflag:s9], $0x2880  }
0x14: {  	[sflag:s9] =	ssyncset.done $0x0  }
0x15: {  	[sflag:s9] =	ssyncadd.s32 $0xFFFFD780  }
0x16: {  	[tilespmem:s11], [sflag:$0x1] =	stream.linear.gather [hbm4b:s3+s2], $0x2780, $0x38;
	[tilespmem:$0xD300] =	vst v63  }
0x17: {  	_ =	swait.ge [sflag:s9], $0x2780  }
0x18: {  	[sflag:s9] =	ssyncset.done $0x0  }
0x19: {  	[sflag:s9] =	ssyncadd.s32 $0xFFFFD880  }
0x1a: {  	[tilespmem:s12], [sflag:$0x1] =	stream.linear.gather [hbm4b:s6+s2], $0x2880, $0x38;
	[tilespmem:$0xD300] =	vst v63  }
0x1b: {  	_ =	swait.ge [sflag:s9], $0x2880  }
0x1c: {  	[sflag:s9] =	ssyncset.done $0x0  }
0x1d: {  	s17 =	simm.s32 $0x0;
	[sflag:s9] =	ssyncadd.s32 $0xFFFFD780  }
.LBB2_2:
0x1e: {  	p0 =	sne.s32 s17, $0x9DC0  }
.Ltmp0:
0x1f: {  	_ = 	snop;
	(pc) =	sbr.rel @p0 .LBB2_2-.Ltmp0, $3  }
0x20: {  	_ =	sdelay $0x1  }
0x21: {  	s18 =	sshra.s32 s17, $0x2  }
0x22: {  	s17 =	sadd.s32 $0x40, s17;
	[tilespmem:s18+$0xAB80] =	vst v0  }
0x23: {  	s17 =	simm.s32 $0x0  }
0x24: {  	s18 =	simm.s32 $0x7F80;
	s19 =	simm.s32 $0x2C00;
	s20 =	simm.s32 $0x0  }
.LBB2_4:
0x25: {  	v1 =	vmov s19;
	_ =	sdelay $0x3  }
0x26: {  	s21 =	simm.s32 $0x0  }
0x27: {  	v5 =	vld.idx.msk [tilespmem:v1+s21+$0x0 ss:$0x1], $0xffff  }
0x28: {  	v3 =	vmov s18  }
0x29: {  	v2 =	vmov s17;
	_ =	sdelay $0x3  }
0x2a: {  	v6 =	vld.idx.msk [tilespmem:v3+s21+$0x0 ss:$0x1], $0xffff  }
0x2b: {  	v4 =	vld.idx.msk [tilespmem:v2+s21+$0x0 ss:$0x1], $0xffff  }
0x2c: {  	v5 =	vld.idx.msk [tilespmem:v5+s11+$0x0], $0xffff;
	_ =	sdelay $0x4  }
0x2d: {  	v5 =	vmul.f32 v5, v6;
	_ =	sdelay $0x1  }
0x2e: {  	[tilespmem:v4+s13+$0x0] =	vst.idx.add.f32.msk $0x1, v5  }
0x2f: {  	[tilespmem:v4+s13+$0x0] =	vst.idx.add.f32.msk vm0, v5  }
0x30: {  	[tilespmem:v4+s13+$0x0] =	vst.idx.add.f32.msk vm1, v5  }
0x31: {  	[tilespmem:v4+s13+$0x0] =	vst.idx.add.f32.msk vm2, v5  }
0x32: {  	[tilespmem:v4+s13+$0x0] =	vst.idx.add.f32.msk vm3, v5  }
0x33: {  	[tilespmem:v4+s13+$0x0] =	vst.idx.add.f32.msk vm4, v5  }
0x34: {  	[tilespmem:v4+s13+$0x0] =	vst.idx.add.f32.msk vm5, v5  }
0x35: {  	[tilespmem:v4+s13+$0x0] =	vst.idx.add.f32.msk vm6, v5  }
0x36: {  	[tilespmem:v4+s13+$0x0] =	vst.idx.add.f32.msk vm7, v5  }
0x37: {  	[tilespmem:v4+s13+$0x0] =	vst.idx.add.f32.msk vm8, v5  }
0x38: {  	[tilespmem:v4+s13+$0x0] =	vst.idx.add.f32.msk vm9, v5  }
0x39: {  	[tilespmem:v4+s13+$0x0] =	vst.idx.add.f32.msk vm10, v5  }
0x3a: {  	[tilespmem:v4+s13+$0x0] =	vst.idx.add.f32.msk vm11, v5  }
0x3b: {  	[tilespmem:v4+s13+$0x0] =	vst.idx.add.f32.msk vm12, v5  }
0x3c: {  	s22 =	simm.s32 $0x80;
	s21 =	simm.s32 $0x40;
	[tilespmem:v4+s13+$0x0] =	vst.idx.add.f32.msk vm13, v5  }
.LBB2_5:
0x3d: {  	p0 =	sne.s32 s22, $0x1C0  }
0x3e: {  	s23 =	sshra.s32 s21, $0x2;
	[tilespmem:v4+s13+$0x0] =	vst.idx.add.f32.msk vm14, v5;
	s21 =	smov.u32 s22;
	s22 =	sadd.s32 $0x40, s22  }
0x3f: {  	v5 =	vld.idx.msk [tilespmem:v1+s23+$0x0 ss:$0x1], $0xffff;
	_ =	sdelay $0x5  }
0x40: {  	v6 =	vld.idx.msk [tilespmem:v3+s23+$0x0 ss:$0x1], $0xffff  }
0x41: {  	v4 =	vld.idx.msk [tilespmem:v2+s23+$0x0 ss:$0x1], $0xffff  }
0x42: {  	v5 =	vld.idx.msk [tilespmem:v5+s11+$0x0], $0xffff;
	_ =	sdelay $0x5  }
0x43: {  	v5 =	vmul.f32 v5, v6;
	_ =	sdelay $0x1  }
0x44: {  	[tilespmem:v4+s13+$0x0] =	vst.idx.add.f32.msk $0x1, v5  }
0x45: {  	[tilespmem:v4+s13+$0x0] =	vst.idx.add.f32.msk vm0, v5  }
0x46: {  	[tilespmem:v4+s13+$0x0] =	vst.idx.add.f32.msk vm1, v5  }
0x47: {  	[tilespmem:v4+s13+$0x0] =	vst.idx.add.f32.msk vm2, v5  }
0x48: {  	[tilespmem:v4+s13+$0x0] =	vst.idx.add.f32.msk vm3, v5  }
0x49: {  	[tilespmem:v4+s13+$0x0] =	vst.idx.add.f32.msk vm4, v5  }
0x4a: {  	[tilespmem:v4+s13+$0x0] =	vst.idx.add.f32.msk vm5, v5  }
0x4b: {  	[tilespmem:v4+s13+$0x0] =	vst.idx.add.f32.msk vm6, v5  }
0x4c: {  	[tilespmem:v4+s13+$0x0] =	vst.idx.add.f32.msk vm7, v5  }
0x4d: {  	[tilespmem:v4+s13+$0x0] =	vst.idx.add.f32.msk vm8, v5  }
.Ltmp1:
0x4e: {  	[tilespmem:v4+s13+$0x0] =	vst.idx.add.f32.msk vm9, v5;
	(pc) =	sbr.rel @p0 .LBB2_5-.Ltmp1, $4  }
0x4f: {  	[tilespmem:v4+s13+$0x0] =	vst.idx.add.f32.msk vm10, v5  }
0x50: {  	[tilespmem:v4+s13+$0x0] =	vst.idx.add.f32.msk vm11, v5  }
0x51: {  	[tilespmem:v4+s13+$0x0] =	vst.idx.add.f32.msk vm12, v5  }
0x52: {  	[tilespmem:v4+s13+$0x0] =	vst.idx.add.f32.msk vm13, v5  }
0x53: {  	_ =	sdelay $0x4  }
0x54: {  	s21 =	sshra.s32 s21, $0x2;
	[tilespmem:v4+s13+$0x0] =	vst.idx.add.f32.msk vm14, v5  }
0x55: {  	v1 =	vld.idx.msk [tilespmem:v1+s21+$0x0 ss:$0x1], $0xffff;
	_ =	sdelay $0x5  }
0x56: {  	v3 =	vld.idx.msk [tilespmem:v3+s21+$0x0 ss:$0x1], $0xffff  }
0x57: {  	v2 =	vld.idx.msk [tilespmem:v2+s21+$0x0 ss:$0x1], $0xffff  }
0x58: {  	v1 =	vld.idx.msk [tilespmem:v1+s11+$0x0], $0xffff;
	_ =	sdelay $0x4  }
0x59: {  	v1 =	vmul.f32 v1, v3;
	_ =	sdelay $0x1  }
0x5a: {  	[tilespmem:v2+s13+$0x0] =	vst.idx.add.f32.msk $0x1, v1  }
0x5b: {  	[tilespmem:v2+s13+$0x0] =	vst.idx.add.f32.msk vm0, v1  }
0x5c: {  	[tilespmem:v2+s13+$0x0] =	vst.idx.add.f32.msk vm1, v1  }
0x5d: {  	[tilespmem:v2+s13+$0x0] =	vst.idx.add.f32.msk vm2, v1  }
0x5e: {  	[tilespmem:v2+s13+$0x0] =	vst.idx.add.f32.msk vm3, v1  }
0x5f: {  	[tilespmem:v2+s13+$0x0] =	vst.idx.add.f32.msk vm4, v1  }
0x60: {  	[tilespmem:v2+s13+$0x0] =	vst.idx.add.f32.msk vm5, v1  }
0x61: {  	[tilespmem:v2+s13+$0x0] =	vst.idx.add.f32.msk vm6, v1  }
0x62: {  	[tilespmem:v2+s13+$0x0] =	vst.idx.add.f32.msk vm7, v1  }
0x63: {  	s20 =	sadd.s32 $0x1, s20;
	[tilespmem:v2+s13+$0x0] =	vst.idx.add.f32.msk vm8, v1  }
0x64: {  	p0 =	sne.s32 s20, $0x51;
	[tilespmem:v2+s13+$0x0] =	vst.idx.add.f32.msk vm9, v1  }
.Ltmp2:
0x65: {  	[tilespmem:v2+s13+$0x0] =	vst.idx.add.f32.msk vm10, v1;
	(pc) =	sbr.rel @p0 .LBB2_4-.Ltmp2, $4  }
0x66: {  	[tilespmem:v2+s13+$0x0] =	vst.idx.add.f32.msk vm11, v1  }
0x67: {  	[tilespmem:v2+s13+$0x0] =	vst.idx.add.f32.msk vm12, v1  }
0x68: {  	[tilespmem:v2+s13+$0x0] =	vst.idx.add.f32.msk vm13, v1  }
0x69: {  	s18 =	sadd.s32 $0x80, s18;
	s19 =	sadd.s32 $0x80, s19;
	s17 =	sadd.s32 $0x80, s17;
	[tilespmem:v2+s13+$0x0] =	vst.idx.add.f32.msk vm14, v1  }
0x6a: {  	s16 =	sadd.s32 $0x1, s16  }
0x6b: {  	p0 =	sne.s32 s16, s8  }
.Ltmp3:
0x6c: {  	_ = 	snop;
	(pc) =	sbr.rel @p0 .LBB2_1-.Ltmp3, $4  }
0x6d: {  	[hbm4b:s7+s14] =	stream.strided.scatter [tilespmem:s13], [sflag:$0x1], $0x2780, s15, s14, $0x38;
	[tilespmem:$0xD300] =	vst v63  }
0x6e: {  	_ =	swait.ge [sflag:s9], $0x2780  }
0x6f: {  	[sflag:s9] =	ssyncset.done $0x0  }
0x70: {  	[sflag:s9] =	ssyncadd.s32 $0xFFFFD880  }
0x71: {  	_ =	sfence.sel $0x180000  }
0x72: {  	[bflag:$0x0] =	sbarrier.arrive $0xFFFF  }
0x73: {  	p0 =	sne.s32 s0, $0x0;
	_ =	strace $0x90000050  }
0x74: {  	s0 =	sadd.s32 @!p0 $0x100000, s1;
	[bflag:$0x2] =	sbarrier.arrive $0xFFFF  }
0x75: {  	[sflag:s0] =	ssyncadd.tile.s32 @!p0 $0x1;
	_ =	shalt  }
.Lfunc_end2:
_tile_overlayer_lowered:
.L_overlay_start_2:
0x76: {  	(tag) =	ssettag $0x2  }
0x77: {  	s0 =	rddreg [dreg:$0x0];
	s2 =	stileid.u32  }
0x78: {  	s1 =	rddreg [dreg:$0x1];
	p0 =	sne.s32 s2, $0x0  }
0x79: {  	s3 =	rddreg [dreg:$0x2];
	[bflag:$0x3] =	sbarrier.arrive $0xFFFF;
	s2 =	simm.s32 @!p0 $0x1C01  }
0x7a: {  	[timem:s3], [sflag:s2] =	dma.local @!p0 [hbm:s0], s1  }
0x7b: {  	s0 =	simm.s32 @!p0 $0x1  }
0x7c: {  	_ =	swait.ge @!p0 [sflag:s0], s1  }
0x7d: {  	s1 =	ssub.s32 @!p0 $0x0, s1;
	[sflag:s0] =	ssyncset.done @!p0 $0x0  }
0x7e: {  	[sflag:s0] =	ssyncadd.s32 @!p0 s1  }
0x7f: {  	[bflag:$0x3] =	sbarrier.arrive $0xFFFF  }
0x80: {  	_ =	shalt  }

</sc_bundles>
